<compile_context>
chip_gen: v7x
topology: tpu7x:2x2x1
jax: 0.10.2.dev20260603
libtpu: 0.0.44.dev20260713+nightly
codegen_flags: <defaults>
</compile_context>

<pallas_src>
import functools

import jax
import jax.numpy as jnp
from jax import lax
from jax.experimental import pallas as pl
from jax.experimental.pallas import tpu as pltpu
from jax.experimental.pallas import tpu_sc as plsc

_NC = 2
_NS = 16
_NW = _NC * _NS
_CH = 128


def _sc_mesh():
    return plsc.VectorSubcoreMesh(core_axis_name="c", subcore_axis_name="s")


def _sc_gather(table, idx3, d):
    nch = idx3.shape[1]
    rows_total = _NW * nch * _CH

    @functools.partial(
        pl.kernel,
        out_type=jax.ShapeDtypeStruct((rows_total, d), jnp.float32),
        mesh=_sc_mesh(),
        scratch_types=[
            pltpu.VMEM((nch, _CH), jnp.int32),
            pltpu.VMEM((_CH, d), jnp.float32),
            pltpu.SemaphoreType.DMA,
        ],
    )
    def k(table_hbm, idx_hbm, out_hbm, idx_v, rows_v, sem):
        w = lax.axis_index("s") * _NC + lax.axis_index("c")
        pltpu.sync_copy(idx_hbm.at[w], idx_v)

        def body(j, carry):
            pltpu.async_copy(table_hbm.at[idx_v.at[j]], rows_v, sem).wait()
            pltpu.sync_copy(rows_v, out_hbm.at[pl.ds((w * nch + j) * _CH, _CH)])
            return carry

        lax.fori_loop(0, nch, body, 0)

    return k(table, idx3)


def _sc_scatter(m, idx3, zs, n_rows):
    nch = idx3.shape[1]
    tw = 9
    ts = -(-(tw * n_rows) // 128) * 128

    @functools.partial(
        pl.kernel,
        out_type=jax.ShapeDtypeStruct((_NW * ts,), jnp.float32),
        mesh=_sc_mesh(),
        compiler_params=pltpu.CompilerParams(needs_layout_passes=False),
        scratch_types=[
            pltpu.VMEM((nch, _CH), jnp.int32),
            pltpu.VMEM((_CH, 16), jnp.float32),
            pltpu.VMEM((ts,), jnp.float32),
            pltpu.SemaphoreType.DMA,
        ],
    )
    def k(m_hbm, idx_hbm, zs_hbm, out_hbm, idx_v, row_v, tab_v, sem):
        c = lax.axis_index("c")
        s = lax.axis_index("s")
        w = s * _NC + c
        lanes = lax.iota(jnp.int32, 16)
        colmask = lanes < tw

        pltpu.sync_copy(zs_hbm, tab_v)
        pltpu.sync_copy(idx_hbm.at[w], idx_v)

        def body(j, carry):
            pltpu.sync_copy(m_hbm.at[pl.ds((w * nch + j) * _CH, _CH)], row_v)
            jv = jnp.full((16,), j, jnp.int32)
            for t in range(_CH):
                vals = row_v[t, :]
                dstv = plsc.load_gather(idx_v,
                                        [jv, jnp.full((16,), t, jnp.int32)])
                tidx = lanes * n_rows + dstv
                plsc.addupdate_scatter(tab_v, [tidx], vals, mask=colmask)
            return carry

        lax.fori_loop(0, nch, body, 0)
        pltpu.sync_copy(tab_v, out_hbm.at[pl.ds(w * ts, ts)])

    return k(m, idx3, zs)


def _tc_msg(ea_pad, g_all, w1, b1, w2m, b2r, n_real, be=2048):
    epad, dg = g_all.shape
    k2 = w2m.shape[0]
    hid = w1.shape[1]
    out_c = b2r.shape[1]
    grid = epad // be

    def body(ea_ref, g_ref, w1_ref, b1_ref, w2m_ref, b2r_ref, o_ref):
        hmid = jnp.maximum(
            jnp.dot(ea_ref[...], w1_ref[...], preferred_element_type=jnp.float32)
            + b1_ref[...], 0.0)
        g = g_ref[...][:, :k2]
        u = jnp.dot(g, w2m_ref[...], preferred_element_type=jnp.float32)
        bt = jnp.dot(g, b2r_ref[...], preferred_element_type=jnp.float32)
        parts = [
            jnp.sum(hmid * u[:, o * hid:(o + 1) * hid], axis=1, keepdims=True)
            for o in range(out_c)
        ]
        msg = jnp.concatenate(parts, axis=1) + bt
        i = pl.program_id(0)
        rows = i * be + lax.broadcasted_iota(jnp.int32, (be, 1), 0)
        valid = (rows < n_real).astype(jnp.float32)
        o_ref[...] = jnp.concatenate(
            [msg * valid, valid, jnp.zeros((be, 15 - out_c), jnp.float32)], axis=1)

    return pl.pallas_call(
        body,
        grid=(grid,),
        in_specs=[
            pl.BlockSpec((be, ea_pad.shape[1]), lambda i: (i, 0)),
            pl.BlockSpec((be, dg), lambda i: (i, 0)),
            pl.BlockSpec(w1.shape, lambda i: (0, 0)),
            pl.BlockSpec(b1.shape, lambda i: (0, 0)),
            pl.BlockSpec(w2m.shape, lambda i: (0, 0)),
            pl.BlockSpec(b2r.shape, lambda i: (0, 0)),
        ],
        out_specs=pl.BlockSpec((be, 16), lambda i: (i, 0)),
        out_shape=jax.ShapeDtypeStruct((epad, 16), jnp.float32),
    )(ea_pad, g_all, w1, b1, w2m, b2r)


def _tc_combine(p_all, h_in, root, bias, bn_g, bn_b, out_w):
    n = h_in.shape[0]

    def body(p_ref, x_ref, r_ref, b_ref, g_ref, bb_ref, o_ref):
        psum = jnp.sum(p_ref[...], axis=0)
        ssum = psum[:8, :n]
        cnt = psum[8:9, :n]
        agg = ssum / jnp.maximum(cnt, 1.0)
        root_t = lax.dot_general(r_ref[...], x_ref[...],
                                 (((0,), (1,)), ((), ())),
                                 preferred_element_type=jnp.float32)
        h = agg + root_t + b_ref[...]
        mu = jnp.mean(h, axis=1, keepdims=True)
        var = jnp.mean((h - mu) ** 2, axis=1, keepdims=True)
        h = g_ref[...] * (h - mu) / jnp.sqrt(var + 1e-5) + bb_ref[...]
        h = jnp.maximum(h, 0.0)
        eye = (lax.broadcasted_iota(jnp.int32, (8, out_w), 0)
               == lax.broadcasted_iota(jnp.int32, (8, out_w), 1)
               ).astype(jnp.float32)
        o_ref[...] = lax.dot_general(h, eye, (((0,), (0,)), ((), ())),
                                     preferred_element_type=jnp.float32)

    return pl.pallas_call(
        body,
        out_shape=jax.ShapeDtypeStruct((n, out_w), jnp.float32),
    )(p_all, h_in, root, bias, bn_g, bn_b)


def _tc_final(p_all, h0p, root, bias, bn_g, bn_b, batch2d, mw1, mb1, mw2, mb2,
              n_graphs):
    n = h0p.shape[0]

    def body(p_ref, h0_ref, r_ref, b_ref, g_ref, bb_ref, bt_ref,
             w1_ref, b1_ref, w2_ref, b2_ref, o_ref):
        psum = jnp.sum(p_ref[...], axis=0)
        ssum = psum[:8, :n]
        cnt = psum[8:9, :n]
        agg = ssum / jnp.maximum(cnt, 1.0)
        h0 = h0_ref[...][:, :8]
        root_t = lax.dot_general(r_ref[...], h0, (((0,), (1,)), ((), ())),
                                 preferred_element_type=jnp.float32)
        h = agg + root_t + b_ref[...]
        mu = jnp.mean(h, axis=1, keepdims=True)
        var = jnp.mean((h - mu) ** 2, axis=1, keepdims=True)
        h = g_ref[...] * (h - mu) / jnp.sqrt(var + 1e-5) + bb_ref[...]
        h = jnp.maximum(h, 0.0)
        gid = lax.broadcasted_iota(jnp.int32, (n_graphs, n), 0)
        oh = (gid == bt_ref[...]).astype(jnp.float32)
        sums_t = lax.dot_general(h, oh, (((1,), (1,)), ((), ())),
                                 preferred_element_type=jnp.float32)
        ones = jnp.ones((1, n), jnp.float32)
        cnts_t = lax.dot_general(ones, oh, (((1,), (1,)), ((), ())),
                                 preferred_element_type=jnp.float32)
        pooled_t = sums_t / jnp.maximum(cnts_t, 1.0)
        hid_t = jnp.maximum(
            lax.dot_general(w1_ref[...], pooled_t, (((0,), (0,)), ((), ())),
                            preferred_element_type=jnp.float32)
            + b1_ref[...], 0.0)
        out_t = lax.dot_general(w2_ref[...], hid_t, (((0,), (0,)), ((), ())),
                                preferred_element_type=jnp.float32) \
            + b2_ref[...]
        eye_g = (lax.broadcasted_iota(jnp.int32, (n_graphs, n_graphs), 0)
                 == lax.broadcasted_iota(jnp.int32, (n_graphs, n_graphs), 1)
                 ).astype(jnp.float32)
        o_ref[...] = lax.dot_general(eye_g, out_t, (((1,), (1,)), ((), ())),
                                     preferred_element_type=jnp.float32)

    return pl.pallas_call(
        body,
        out_shape=jax.ShapeDtypeStruct((n_graphs, mw2.shape[1]), jnp.float32),
    )(p_all, h0p, root, bias, bn_g, bn_b, batch2d, mw1, mb1, mw2, mb2)


def kernel(x, edge_index, edge_attr, batch, params):
    n, d_in = x.shape
    e = edge_index.shape[1]
    nch = -(-e // (_NW * _CH))
    epad = _NW * nch * _CH
    pad = epad - e

    src = jnp.concatenate([edge_index[0], jnp.zeros((pad,), jnp.int32)])
    dst = jnp.concatenate([edge_index[1], jnp.zeros((pad,), jnp.int32)])
    src3 = src.reshape(_NW, nch, _CH)
    dst3 = dst.reshape(_NW, nch, _CH)
    ea_pad = jnp.concatenate(
        [edge_attr, jnp.zeros((pad, edge_attr.shape[1]), jnp.float32)], axis=0)

    p = params
    hid = p['l0_e_w1'].shape[1]
    out_c = p['l0_root'].shape[1]
    w2m0 = p['l0_e_w2'].reshape(hid, d_in, out_c).transpose(1, 2, 0) \
        .reshape(d_in, out_c * hid)
    b2r0 = p['l0_e_b2'].reshape(d_in, out_c)
    w2m1 = p['l1_e_w2'].reshape(hid, out_c, out_c).transpose(1, 2, 0) \
        .reshape(out_c, out_c * hid)
    b2r1 = p['l1_e_b2'].reshape(out_c, out_c)
    row = lambda v: v.reshape(1, -1)
    col = lambda v: v.reshape(-1, 1)

    npad = -(-n // 16) * 16
    ts = -(-(9 * npad) // 128) * 128
    zs = jnp.zeros((ts,), jnp.float32)
    unpack = lambda v: v.reshape(_NW, ts)[:, :9 * npad].reshape(_NW, 9, npad)

    g0 = _sc_gather(x, src3, d_in)
    m0 = _tc_msg(ea_pad, g0, p['l0_e_w1'], row(p['l0_e_b1']), w2m0, b2r0, e)
    p0 = unpack(_sc_scatter(m0, dst3, zs, npad))
    h0p = _tc_combine(p0, x, p['l0_root'], col(p['l0_bias']),
                      col(p['l0_bn_g']), col(p['l0_bn_b']), 128)
    g1 = _sc_gather(h0p, src3, 128)
    m1 = _tc_msg(ea_pad, g1, p['l1_e_w1'], row(p['l1_e_b1']), w2m1, b2r1, e)
    p1 = unpack(_sc_scatter(m1, dst3, zs, npad))
    return _tc_final(p1, h0p, p['l1_root'], col(p['l1_bias']),
                     col(p['l1_bn_g']), col(p['l1_bn_b']),
                     batch.reshape(1, -1), p['mlp_w1'], col(p['mlp_b1']),
                     p['mlp_w2'], col(p['mlp_b2']), 64)

# --- scband reference (transcript-rebuilt; emitter-appended) ---
"""Pipeline reference for scband-nnconv-net-64089501991007 (READ-ONLY COPY).

The authoritative reference and input builder live on the scoring server;
editing this copy changes nothing except your own understanding.
"""

import jax, jax.numpy as jnp
import numpy as np

N = 10000
E = 160000
D_IN = 128
D_EDGE = 16
OUT = 8
HID = 32
GRAPHS = 64
MLP_H = 16
OUT_F = 10


def _init(key, shape, fan_in):
    return jax.random.normal(key, shape, jnp.float32) * (1.0 / np.sqrt(fan_in))


def setup_inputs(seed: int = 0):
    key = jax.random.key(seed)
    ks = jax.random.split(key, 24)
    x = jax.random.normal(ks[0], (N, D_IN), jnp.float32)
    edge_index = jax.random.randint(ks[1], (2, E), 0, N, jnp.int32)
    edge_attr = jax.random.normal(ks[2], (E, D_EDGE), jnp.float32)
    batch = jnp.sort(jax.random.randint(ks[3], (N,), 0, GRAPHS, jnp.int32))
    params = {
        'l0_e_w1': _init(ks[4], (D_EDGE, HID), D_EDGE), 'l0_e_b1': jnp.zeros((HID,), jnp.float32),
        'l0_e_w2': _init(ks[5], (HID, D_IN * OUT), HID), 'l0_e_b2': jnp.zeros((D_IN * OUT,), jnp.float32),
        'l0_root': _init(ks[6], (D_IN, OUT), D_IN), 'l0_bias': jnp.zeros((OUT,), jnp.float32),
        'l0_bn_g': jnp.ones((OUT,), jnp.float32), 'l0_bn_b': jnp.zeros((OUT,), jnp.float32),
        'l1_e_w1': _init(ks[7], (D_EDGE, HID), D_EDGE), 'l1_e_b1': jnp.zeros((HID,), jnp.float32),
        'l1_e_w2': _init(ks[8], (HID, OUT * OUT), HID), 'l1_e_b2': jnp.zeros((OUT * OUT,), jnp.float32),
        'l1_root': _init(ks[9], (OUT, OUT), OUT), 'l1_bias': jnp.zeros((OUT,), jnp.float32),
        'l1_bn_g': jnp.ones((OUT,), jnp.float32), 'l1_bn_b': jnp.zeros((OUT,), jnp.float32),
        'mlp_w1': _init(ks[10], (OUT, MLP_H), OUT), 'mlp_b1': jnp.zeros((MLP_H,), jnp.float32),
        'mlp_w2': _init(ks[11], (MLP_H, OUT_F), MLP_H), 'mlp_b2': jnp.zeros((OUT_F,), jnp.float32),
    }
    return {'x': x, 'edge_index': edge_index, 'edge_attr': edge_attr, 'batch': batch, 'params': params}


def _nnconv(h, edge_index, edge_attr, p, pre, in_ch, out_ch):
    # edge MLP -> dynamic per-edge weight matrix [E, in_ch, out_ch]
    hmid = jnp.maximum(edge_attr @ p[pre + '_e_w1'] + p[pre + '_e_b1'], 0.0)
    w = (hmid @ p[pre + '_e_w2'] + p[pre + '_e_b2']).reshape(E, in_ch, out_ch)
    src = edge_index[0]
    dst = edge_index[1]
    msg = jnp.einsum('ei,eio->eo', h[src], w)
    s = jax.ops.segment_sum(msg, dst, num_segments=N)
    cnt = jax.ops.segment_sum(jnp.ones((E,), jnp.float32), dst, num_segments=N)
    agg = s / jnp.maximum(cnt, 1.0)[:, None]
    return agg + h @ p[pre + '_root'] + p[pre + '_bias']


def _bn(h, g, b):
    mu = jnp.mean(h, axis=0)
    var = jnp.var(h, axis=0)
    return g * (h - mu) / jnp.sqrt(var + 1e-5) + b


def _forward(x, edge_attr, params, edge_index, batch):
    h = _nnconv(x, edge_index, edge_attr, params, 'l0', D_IN, OUT)
    h = jnp.maximum(_bn(h, params['l0_bn_g'], params['l0_bn_b']), 0.0)
    h = _nnconv(h, edge_index, edge_attr, params, 'l1', OUT, OUT)
    h = jnp.maximum(_bn(h, params['l1_bn_g'], params['l1_bn_b']), 0.0)
    sums = jax.ops.segment_sum(h, batch, num_segments=GRAPHS)
    cnts = jax.ops.segment_sum(jnp.ones((N,), jnp.float32), batch, num_segments=GRAPHS)
    pooled = sums / jnp.maximum(cnts, 1.0)[:, None]
    hid = jnp.maximum(pooled @ params['mlp_w1'] + params['mlp_b1'], 0.0)
    return hid @ params['mlp_w2'] + params['mlp_b2']


def reference(x, edge_index, edge_attr, batch, params):
    return _forward(x, edge_attr, params, edge_index, batch)

if __name__ == "__main__":
    import jax
    _d = setup_inputs()
    print(jax.jit(kernel)(*tuple(_d.values())))

</pallas_src>

<mosaic_0001>
#map = affine_map<(d0, d1) -> (0, 0)>
#map1 = affine_map<(d0, d1) -> (0, 0, 0)>
module attributes {stable_mosaic.version = 14 : i64} {
  func.func @k(%arg0: i32, %arg1: i32, %arg2: memref<10000x128xf32, #tpu.memory_space<hbm>>, %arg3: memref<32x40x128xi32, #tpu.memory_space<hbm>>, %arg4: memref<163840x128xf32, #tpu.memory_space<hbm>>, %arg5: memref<40x128xi32, #tpu.memory_space<vmem>>, %arg6: memref<128x128xf32, #tpu.memory_space<vmem>>, %arg7: memref<!tpu.dma_semaphore, #tpu.memory_space<semaphore_mem>>) attributes {dimension_semantics = [#tpu.dimension_semantics<core_parallel>, #tpu.dimension_semantics<subcore_parallel>], iteration_bounds = array<i64: 2, 16>, scalar_prefetch = 0 : i64, scratch_operands = 3 : i64, tpu.core_type = #tpu.core_type<sc_vector_subcore>, window_params = [{transform_indices = #map}, {transform_indices = #map1}, {transform_indices = #map}]} {
    %mul3A = arith.constant 2 : i32
    %mul3A_0 = arith.muli %arg1, %mul3A : i32
    %add3A = arith.addi %mul3A_0, %arg0 : i32
    "tpu.region"() ({
      %run_scoped3A = tpu.sem_alloc : memref<!tpu.dma_semaphore, #tpu.memory_space<semaphore_mem>>
      %dma_start3A = arith.constant 0 : i32
      %dma_start3A_6 = arith.constant 0 : i32
      %dma_start3A_7 = tpu.memref_slice %arg3[%add3A, %dma_start3A, %dma_start3A_6] : memref<32x40x128xi32, #tpu.memory_space<hbm>> -> memref<1x40x128xi32, #tpu.memory_space<hbm>>
      %dma_start3A_8 = tpu.memref_squeeze %dma_start3A_7 : memref<1x40x128xi32, #tpu.memory_space<hbm>> -> memref<40x128xi32, #tpu.memory_space<hbm>>
      %dma_start3A_9 = arith.constant 0 : i32
      %dma_start3A_10 = arith.constant 0 : i32
      %dma_start3A_11 = tpu.memref_slice %arg3[%add3A, %dma_start3A_9, %dma_start3A_10] : memref<32x40x128xi32, #tpu.memory_space<hbm>> -> memref<1x40x128xi32, #tpu.memory_space<hbm>>
      %dma_start3A_12 = tpu.memref_squeeze %dma_start3A_11 : memref<1x40x128xi32, #tpu.memory_space<hbm>> -> memref<40x128xi32, #tpu.memory_space<hbm>>
      tpu.enqueue_dma source(%dma_start3A_12 : memref<40x128xi32, #tpu.memory_space<hbm>>) target(%arg5 : memref<40x128xi32, #tpu.memory_space<vmem>>) target_semaphore(%run_scoped3A : memref<!tpu.dma_semaphore, #tpu.memory_space<semaphore_mem>>)
      %dma_wait3A = arith.constant 0 : i32
      %dma_wait3A_13 = arith.constant 0 : i32
      %dma_wait3A_14 = tpu.memref_slice %arg3[%add3A, %dma_wait3A, %dma_wait3A_13] : memref<32x40x128xi32, #tpu.memory_space<hbm>> -> memref<1x40x128xi32, #tpu.memory_space<hbm>>
      %dma_wait3A_15 = tpu.memref_squeeze %dma_wait3A_14 : memref<1x40x128xi32, #tpu.memory_space<hbm>> -> memref<40x128xi32, #tpu.memory_space<hbm>>
      %dma_wait3A_16 = arith.constant 0 : i32
      %dma_wait3A_17 = arith.constant 0 : i32
      %dma_wait3A_18 = tpu.memref_slice %arg3[%add3A, %dma_wait3A_16, %dma_wait3A_17] : memref<32x40x128xi32, #tpu.memory_space<hbm>> -> memref<1x40x128xi32, #tpu.memory_space<hbm>>
      %dma_wait3A_19 = tpu.memref_squeeze %dma_wait3A_18 : memref<1x40x128xi32, #tpu.memory_space<hbm>> -> memref<40x128xi32, #tpu.memory_space<hbm>>
      tpu.wait_dma2 semaphore(%run_scoped3A : memref<!tpu.dma_semaphore, #tpu.memory_space<semaphore_mem>>) src(%dma_wait3A_19 : memref<40x128xi32, #tpu.memory_space<hbm>>) dst(%arg5 : memref<40x128xi32, #tpu.memory_space<vmem>>)
      tpu.yield
    }) : () -> ()
    %scan3A = arith.constant 0 : i32
    %scan3A_1 = arith.constant 0 : i32
    %scan3A_2 = arith.constant 40 : i32
    %scan3A_3 = arith.addi %scan3A_1, %scan3A_2 : i32
    %scan3A_4 = arith.constant 1 : i32
    scf.for %scan3A_6 = %scan3A_1 to %scan3A_3 step %scan3A_4  : i32 {
      %dma_start3A = arith.constant 0 : i32
      %dma_start3A_7 = tpu.memref_slice %arg5[%scan3A_6, %dma_start3A] : memref<40x128xi32, #tpu.memory_space<vmem>> -> memref<1x128xi32, #tpu.memory_space<vmem>>
      %dma_start3A_8 = tpu.memref_squeeze %dma_start3A_7 : memref<1x128xi32, #tpu.memory_space<vmem>> -> memref<128xi32, #tpu.memory_space<vmem>>
      %dma_start3A_9 = arith.constant 0 : i32
      %dma_start3A_10 = arith.constant 0 : i32
      %dma_start3A_11 = tpu.memref_slice %arg2[%dma_start3A_9, %dma_start3A_10] : memref<10000x128xf32, #tpu.memory_space<hbm>> -> memref<10000x128xf32, #tpu.memory_space<hbm>>
      tpu.enqueue_indirect_dma source(%dma_start3A_11 : memref<10000x128xf32, #tpu.memory_space<hbm>>) target(%arg6 : memref<128x128xf32, #tpu.memory_space<vmem>>) offsets(%dma_start3A_8 : memref<128xi32, #tpu.memory_space<vmem>>) semaphore(%arg7 : memref<!tpu.dma_semaphore, #tpu.memory_space<semaphore_mem>>)
      %dma_wait3A = arith.constant 0 : i32
      %dma_wait3A_12 = tpu.memref_slice %arg5[%scan3A_6, %dma_wait3A] : memref<40x128xi32, #tpu.memory_space<vmem>> -> memref<1x128xi32, #tpu.memory_space<vmem>>
      %dma_wait3A_13 = tpu.memref_squeeze %dma_wait3A_12 : memref<1x128xi32, #tpu.memory_space<vmem>> -> memref<128xi32, #tpu.memory_space<vmem>>
      %dma_wait3A_14 = arith.constant 0 : i32
      %dma_wait3A_15 = arith.constant 0 : i32
      %dma_wait3A_16 = tpu.memref_slice %arg2[%dma_wait3A_14, %dma_wait3A_15] : memref<10000x128xf32, #tpu.memory_space<hbm>> -> memref<10000x128xf32, #tpu.memory_space<hbm>>
      tpu.wait_indirect_dma semaphore(%arg7 : memref<!tpu.dma_semaphore, #tpu.memory_space<semaphore_mem>>) src(%dma_wait3A_16 : memref<10000x128xf32, #tpu.memory_space<hbm>>) dst(%arg6 : memref<128x128xf32, #tpu.memory_space<vmem>>)
      %mul3A_17 = arith.constant 40 : i32
      %mul3A_18 = arith.muli %add3A, %mul3A_17 : i32
      %add3A_19 = arith.addi %mul3A_18, %scan3A_6 : i32
      %mul3A_20 = arith.constant 128 : i32
      %mul3A_21 = arith.muli %add3A_19, %mul3A_20 : i32
      "tpu.region"() ({
        %run_scoped3A = tpu.sem_alloc : memref<!tpu.dma_semaphore, #tpu.memory_space<semaphore_mem>>
        %dma_start3A_22 = arith.constant 0 : i32
        %dma_start3A_23 = tpu.memref_slice %arg4[%mul3A_21, %dma_start3A_22] : memref<163840x128xf32, #tpu.memory_space<hbm>> -> memref<128x128xf32, #tpu.memory_space<hbm>>
        %dma_start3A_24 = arith.constant 0 : i32
        %dma_start3A_25 = tpu.memref_slice %arg4[%mul3A_21, %dma_start3A_24] : memref<163840x128xf32, #tpu.memory_space<hbm>> -> memref<128x128xf32, #tpu.memory_space<hbm>>
        tpu.enqueue_dma source(%arg6 : memref<128x128xf32, #tpu.memory_space<vmem>>) target(%dma_start3A_25 : memref<128x128xf32, #tpu.memory_space<hbm>>) target_semaphore(%run_scoped3A : memref<!tpu.dma_semaphore, #tpu.memory_space<semaphore_mem>>)
        %dma_wait3A_26 = arith.constant 0 : i32
        %dma_wait3A_27 = tpu.memref_slice %arg4[%mul3A_21, %dma_wait3A_26] : memref<163840x128xf32, #tpu.memory_space<hbm>> -> memref<128x128xf32, #tpu.memory_space<hbm>>
        %dma_wait3A_28 = arith.constant 0 : i32
        %dma_wait3A_29 = tpu.memref_slice %arg4[%mul3A_21, %dma_wait3A_28] : memref<163840x128xf32, #tpu.memory_space<hbm>> -> memref<128x128xf32, #tpu.memory_space<hbm>>
        tpu.wait_dma2 semaphore(%run_scoped3A : memref<!tpu.dma_semaphore, #tpu.memory_space<semaphore_mem>>) src(%arg6 : memref<128x128xf32, #tpu.memory_space<vmem>>) dst(%dma_wait3A_29 : memref<128x128xf32, #tpu.memory_space<hbm>>)
        tpu.yield
      }) : () -> ()
    }
    %scan3A_5 = arith.constant 40 : i32
    return
  }
}

#map = affine_map<(d0, d1) -> (0, 0)>
#map1 = affine_map<(d0, d1) -> (0, 0, 0)>
#map2 = affine_map<(d0, d1) -> (0)>
module attributes {stable_mosaic.version = 14 : i64} {
  func.func @k(%arg0: i32, %arg1: i32, %arg2: memref<163840x16xf32, #tpu.memory_space<hbm>>, %arg3: memref<32x40x128xi32, #tpu.memory_space<hbm>>, %arg4: memref<90112xf32, #tpu.memory_space<hbm>>, %arg5: memref<2883584xf32, #tpu.memory_space<hbm>>, %arg6: memref<40x128xi32, #tpu.memory_space<vmem>>, %arg7: memref<128x16xf32, #tpu.memory_space<vmem>>, %arg8: memref<90112xf32, #tpu.memory_space<vmem>>, %arg9: memref<!tpu.dma_semaphore, #tpu.memory_space<semaphore_mem>>) attributes {dimension_semantics = [#tpu.dimension_semantics<core_parallel>, #tpu.dimension_semantics<subcore_parallel>], iteration_bounds = array<i64: 2, 16>, scalar_prefetch = 0 : i64, scratch_operands = 4 : i64, tpu.core_type = #tpu.core_type<sc_vector_subcore>, window_params = [{transform_indices = #map}, {transform_indices = #map1}, {transform_indices = #map2}, {transform_indices = #map2}]} {
    %mul3A = arith.constant 2 : i32
    %mul3A_0 = arith.muli %arg1, %mul3A : i32
    %add3A = arith.addi %mul3A_0, %arg0 : i32
    %iota3A = tpu.iota {dimensions = array<i32: 0>} : vector<16xi32>
    %lt3A = arith.constant 9 : i32
    %lt3A_1 = vector.broadcast %lt3A : i32 to vector<16xi32>
    %lt3A_2 = arith.cmpi slt, %iota3A, %lt3A_1 : vector<16xi32>
    "tpu.region"() ({
      %run_scoped3A = tpu.sem_alloc : memref<!tpu.dma_semaphore, #tpu.memory_space<semaphore_mem>>
      tpu.enqueue_dma source(%arg4 : memref<90112xf32, #tpu.memory_space<hbm>>) target(%arg8 : memref<90112xf32, #tpu.memory_space<vmem>>) target_semaphore(%run_scoped3A : memref<!tpu.dma_semaphore, #tpu.memory_space<semaphore_mem>>)
      tpu.wait_dma2 semaphore(%run_scoped3A : memref<!tpu.dma_semaphore, #tpu.memory_space<semaphore_mem>>) src(%arg4 : memref<90112xf32, #tpu.memory_space<hbm>>) dst(%arg8 : memref<90112xf32, #tpu.memory_space<vmem>>)
      tpu.yield
    }) : () -> ()
    "tpu.region"() ({
      %run_scoped3A = tpu.sem_alloc : memref<!tpu.dma_semaphore, #tpu.memory_space<semaphore_mem>>
      %dma_start3A = arith.constant 0 : i32
      %dma_start3A_10 = arith.constant 0 : i32
      %dma_start3A_11 = tpu.memref_slice %arg3[%add3A, %dma_start3A, %dma_start3A_10] : memref<32x40x128xi32, #tpu.memory_space<hbm>> -> memref<1x40x128xi32, #tpu.memory_space<hbm>>
      %dma_start3A_12 = tpu.memref_squeeze %dma_start3A_11 : memref<1x40x128xi32, #tpu.memory_space<hbm>> -> memref<40x128xi32, #tpu.memory_space<hbm>>
      %dma_start3A_13 = arith.constant 0 : i32
      %dma_start3A_14 = arith.constant 0 : i32
      %dma_start3A_15 = tpu.memref_slice %arg3[%add3A, %dma_start3A_13, %dma_start3A_14] : memref<32x40x128xi32, #tpu.memory_space<hbm>> -> memref<1x40x128xi32, #tpu.memory_space<hbm>>
      %dma_start3A_16 = tpu.memref_squeeze %dma_start3A_15 : memref<1x40x128xi32, #tpu.memory_space<hbm>> -> memref<40x128xi32, #tpu.memory_space<hbm>>
      tpu.enqueue_dma source(%dma_start3A_16 : memref<40x128xi32, #tpu.memory_space<hbm>>) target(%arg6 : memref<40x128xi32, #tpu.memory_space<vmem>>) target_semaphore(%run_scoped3A : memref<!tpu.dma_semaphore, #tpu.memory_space<semaphore_mem>>)
      %dma_wait3A = arith.constant 0 : i32
      %dma_wait3A_17 = arith.constant 0 : i32
      %dma_wait3A_18 = tpu.memref_slice %arg3[%add3A, %dma_wait3A, %dma_wait3A_17] : memref<32x40x128xi32, #tpu.memory_space<hbm>> -> memref<1x40x128xi32, #tpu.memory_space<hbm>>
      %dma_wait3A_19 = tpu.memref_squeeze %dma_wait3A_18 : memref<1x40x128xi32, #tpu.memory_space<hbm>> -> memref<40x128xi32, #tpu.memory_space<hbm>>
      %dma_wait3A_20 = arith.constant 0 : i32
      %dma_wait3A_21 = arith.constant 0 : i32
      %dma_wait3A_22 = tpu.memref_slice %arg3[%add3A, %dma_wait3A_20, %dma_wait3A_21] : memref<32x40x128xi32, #tpu.memory_space<hbm>> -> memref<1x40x128xi32, #tpu.memory_space<hbm>>
      %dma_wait3A_23 = tpu.memref_squeeze %dma_wait3A_22 : memref<1x40x128xi32, #tpu.memory_space<hbm>> -> memref<40x128xi32, #tpu.memory_space<hbm>>
      tpu.wait_dma2 semaphore(%run_scoped3A : memref<!tpu.dma_semaphore, #tpu.memory_space<semaphore_mem>>) src(%dma_wait3A_23 : memref<40x128xi32, #tpu.memory_space<hbm>>) dst(%arg6 : memref<40x128xi32, #tpu.memory_space<vmem>>)
      tpu.yield
    }) : () -> ()
    %scan3A = arith.constant 0 : i32
    %scan3A_3 = arith.constant 0 : i32
    %scan3A_4 = arith.constant 40 : i32
    %scan3A_5 = arith.addi %scan3A_3, %scan3A_4 : i32
    %scan3A_6 = arith.constant 1 : i32
    scf.for %scan3A_10 = %scan3A_3 to %scan3A_5 step %scan3A_6  : i32 {
      %mul3A_11 = arith.constant 40 : i32
      %mul3A_12 = arith.muli %add3A, %mul3A_11 : i32
      %add3A_13 = arith.addi %mul3A_12, %scan3A_10 : i32
      %mul3A_14 = arith.constant 128 : i32
      %mul3A_15 = arith.muli %add3A_13, %mul3A_14 : i32
      "tpu.region"() ({
        %run_scoped3A = tpu.sem_alloc : memref<!tpu.dma_semaphore, #tpu.memory_space<semaphore_mem>>
        %dma_start3A = arith.constant 0 : i32
        %dma_start3A_1422 = tpu.memref_slice %arg2[%mul3A_15, %dma_start3A] : memref<163840x16xf32, #tpu.memory_space<hbm>> -> memref<128x16xf32, #tpu.memory_space<hbm>>
        %dma_start3A_1423 = arith.constant 0 : i32
        %dma_start3A_1424 = tpu.memref_slice %arg2[%mul3A_15, %dma_start3A_1423] : memref<163840x16xf32, #tpu.memory_space<hbm>> -> memref<128x16xf32, #tpu.memory_space<hbm>>
        tpu.enqueue_dma source(%dma_start3A_1424 : memref<128x16xf32, #tpu.memory_space<hbm>>) target(%arg7 : memref<128x16xf32, #tpu.memory_space<vmem>>) target_semaphore(%run_scoped3A : memref<!tpu.dma_semaphore, #tpu.memory_space<semaphore_mem>>)
        %dma_wait3A = arith.constant 0 : i32
        %dma_wait3A_1425 = tpu.memref_slice %arg2[%mul3A_15, %dma_wait3A] : memref<163840x16xf32, #tpu.memory_space<hbm>> -> memref<128x16xf32, #tpu.memory_space<hbm>>
        %dma_wait3A_1426 = arith.constant 0 : i32
        %dma_wait3A_1427 = tpu.memref_slice %arg2[%mul3A_15, %dma_wait3A_1426] : memref<163840x16xf32, #tpu.memory_space<hbm>> -> memref<128x16xf32, #tpu.memory_space<hbm>>
        tpu.wait_dma2 semaphore(%run_scoped3A : memref<!tpu.dma_semaphore, #tpu.memory_space<semaphore_mem>>) src(%dma_wait3A_1427 : memref<128x16xf32, #tpu.memory_space<hbm>>) dst(%arg7 : memref<128x16xf32, #tpu.memory_space<vmem>>)
        tpu.yield
      }) : () -> ()
      %broadcast_in_dim3A = vector.broadcast %scan3A_10 : i32 to vector<16xi32>
      %get3A = arith.constant 0 : i32
      %get3A_16 = arith.index_cast %get3A : i32 to index
      %get3A_17 = arith.constant 0 : index
      %get3A_18 = tpu.vector_load %arg7[%get3A_16, %get3A_17] {strides = array<i32>} : memref<128x16xf32, #tpu.memory_space<vmem>>, vector<16xf32>,
      %broadcast_in_dim3A_19 = arith.constant 0 : i32
      %broadcast_in_dim3A_20 = vector.broadcast %broadcast_in_dim3A_19 : i32 to vector<16xi32>
      %gather3A = tpu.vector_load_idx %arg6[%broadcast_in_dim3A, %broadcast_in_dim3A_20] : memref<40x128xi32, #tpu.memory_space<vmem>>[vector<16xi32>, vector<16xi32>], vector<16xi32>,
      %mul3A_21 = arith.constant 10000 : i32
      %mul3A_22 = vector.broadcast %mul3A_21 : i32 to vector<16xi32>
      %mul3A_23 = arith.muli %iota3A, %mul3A_22 : vector<16xi32>
      %add3A_24 = arith.addi %mul3A_23, %gather3A : vector<16xi32>
      tpu.vector_store_idx %arg8[%add3A_24], %get3A_18 masked %lt3A_2 {add = true} : memref<90112xf32, #tpu.memory_space<vmem>>[vector<16xi32>], vector<16xf32>, vector<16xi1>
      %get3A_25 = arith.constant 1 : i32
      %get3A_26 = arith.index_cast %get3A_25 : i32 to index
      %get3A_27 = arith.constant 0 : index
      %get3A_28 = tpu.vector_load %arg7[%get3A_26, %get3A_27] {strides = array<i32>} : memref<128x16xf32, #tpu.memory_space<vmem>>, vector<16xf32>,
      %broadcast_in_dim3A_29 = arith.constant 1 : i32
      %broadcast_in_dim3A_30 = vector.broadcast %broadcast_in_dim3A_29 : i32 to vector<16xi32>
      %gather3A_31 = tpu.vector_load_idx %arg6[%broadcast_in_dim3A, %broadcast_in_dim3A_30] : memref<40x128xi32, #tpu.memory_space<vmem>>[vector<16xi32>, vector<16xi32>], vector<16xi32>,
      %mul3A_32 = arith.constant 10000 : i32
      %mul3A_33 = vector.broadcast %mul3A_32 : i32 to vector<16xi32>
      %mul3A_34 = arith.muli %iota3A, %mul3A_33 : vector<16xi32>
      %add3A_35 = arith.addi %mul3A_34, %gather3A_31 : vector<16xi32>
      tpu.vector_store_idx %arg8[%add3A_35], %get3A_28 masked %lt3A_2 {add = true} : memref<90112xf32, #tpu.memory_space<vmem>>[vector<16xi32>], vector<16xf32>, vector<16xi1>
      %get3A_36 = arith.constant 2 : i32
      %get3A_37 = arith.index_cast %get3A_36 : i32 to index
      %get3A_38 = arith.constant 0 : index
      %get3A_39 = tpu.vector_load %arg7[%get3A_37, %get3A_38] {strides = array<i32>} : memref<128x16xf32, #tpu.memory_space<vmem>>, vector<16xf32>,
      %broadcast_in_dim3A_40 = arith.constant 2 : i32
      %broadcast_in_dim3A_41 = vector.broadcast %broadcast_in_dim3A_40 : i32 to vector<16xi32>
      %gather3A_42 = tpu.vector_load_idx %arg6[%broadcast_in_dim3A, %broadcast_in_dim3A_41] : memref<40x128xi32, #tpu.memory_space<vmem>>[vector<16xi32>, vector<16xi32>], vector<16xi32>,
      %mul3A_43 = arith.constant 10000 : i32
      %mul3A_44 = vector.broadcast %mul3A_43 : i32 to vector<16xi32>
      %mul3A_45 = arith.muli %iota3A, %mul3A_44 : vector<16xi32>
      %add3A_46 = arith.addi %mul3A_45, %gather3A_42 : vector<16xi32>
      tpu.vector_store_idx %arg8[%add3A_46], %get3A_39 masked %lt3A_2 {add = true} : memref<90112xf32, #tpu.memory_space<vmem>>[vector<16xi32>], vector<16xf32>, vector<16xi1>
      %get3A_47 = arith.constant 3 : i32
      %get3A_48 = arith.index_cast %get3A_47 : i32 to index
      %get3A_49 = arith.constant 0 : index
      %get3A_50 = tpu.vector_load %arg7[%get3A_48, %get3A_49] {strides = array<i32>} : memref<128x16xf32, #tpu.memory_space<vmem>>, vector<16xf32>,
      %broadcast_in_dim3A_51 = arith.constant 3 : i32
      %broadcast_in_dim3A_52 = vector.broadcast %broadcast_in_dim3A_51 : i32 to vector<16xi32>
      %gather3A_53 = tpu.vector_load_idx %arg6[%broadcast_in_dim3A, %broadcast_in_dim3A_52] : memref<40x128xi32, #tpu.memory_space<vmem>>[vector<16xi32>, vector<16xi32>], vector<16xi32>,
      %mul3A_54 = arith.constant 10000 : i32
      %mul3A_55 = vector.broadcast %mul3A_54 : i32 to vector<16xi32>
      %mul3A_56 = arith.muli %iota3A, %mul3A_55 : vector<16xi32>
      %add3A_57 = arith.addi %mul3A_56, %gather3A_53 : vector<16xi32>
      tpu.vector_store_idx %arg8[%add3A_57], %get3A_50 masked %lt3A_2 {add = true} : memref<90112xf32, #tpu.memory_space<vmem>>[vector<16xi32>], vector<16xf32>, vector<16xi1>
      %get3A_58 = arith.constant 4 : i32
      %get3A_59 = arith.index_cast %get3A_58 : i32 to index
      %get3A_60 = arith.constant 0 : index
      %get3A_61 = tpu.vector_load %arg7[%get3A_59, %get3A_60] {strides = array<i32>} : memref<128x16xf32, #tpu.memory_space<vmem>>, vector<16xf32>,
      %broadcast_in_dim3A_62 = arith.constant 4 : i32
      %broadcast_in_dim3A_63 = vector.broadcast %broadcast_in_dim3A_62 : i32 to vector<16xi32>
      %gather3A_64 = tpu.vector_load_idx %arg6[%broadcast_in_dim3A, %broadcast_in_dim3A_63] : memref<40x128xi32, #tpu.memory_space<vmem>>[vector<16xi32>, vector<16xi32>], vector<16xi32>,
      %mul3A_65 = arith.constant 10000 : i32
      %mul3A_66 = vector.broadcast %mul3A_65 : i32 to vector<16xi32>
      %mul3A_67 = arith.muli %iota3A, %mul3A_66 : vector<16xi32>
      %add3A_68 = arith.addi %mul3A_67, %gather3A_64 : vector<16xi32>
      tpu.vector_store_idx %arg8[%add3A_68], %get3A_61 masked %lt3A_2 {add = true} : memref<90112xf32, #tpu.memory_space<vmem>>[vector<16xi32>], vector<16xf32>, vector<16xi1>
      %get3A_69 = arith.constant 5 : i32
      %get3A_70 = arith.index_cast %get3A_69 : i32 to index
      %get3A_71 = arith.constant 0 : index
      %get3A_72 = tpu.vector_load %arg7[%get3A_70, %get3A_71] {strides = array<i32>} : memref<128x16xf32, #tpu.memory_space<vmem>>, vector<16xf32>,
      %broadcast_in_dim3A_73 = arith.constant 5 : i32
      %broadcast_in_dim3A_74 = vector.broadcast %broadcast_in_dim3A_73 : i32 to vector<16xi32>
      %gather3A_75 = tpu.vector_load_idx %arg6[%broadcast_in_dim3A, %broadcast_in_dim3A_74] : memref<40x128xi32, #tpu.memory_space<vmem>>[vector<16xi32>, vector<16xi32>], vector<16xi32>,
      %mul3A_76 = arith.constant 10000 : i32
      %mul3A_77 = vector.broadcast %mul3A_76 : i32 to vector<16xi32>
      %mul3A_78 = arith.muli %iota3A, %mul3A_77 : vector<16xi32>
      %add3A_79 = arith.addi %mul3A_78, %gather3A_75 : vector<16xi32>
      tpu.vector_store_idx %arg8[%add3A_79], %get3A_72 masked %lt3A_2 {add = true} : memref<90112xf32, #tpu.memory_space<vmem>>[vector<16xi32>], vector<16xf32>, vector<16xi1>
      %get3A_80 = arith.constant 6 : i32
      %get3A_81 = arith.index_cast %get3A_80 : i32 to index
      %get3A_82 = arith.constant 0 : index
      %get3A_83 = tpu.vector_load %arg7[%get3A_81, %get3A_82] {strides = array<i32>} : memref<128x16xf32, #tpu.memory_space<vmem>>, vector<16xf32>,
      %broadcast_in_dim3A_84 = arith.constant 6 : i32
      %broadcast_in_dim3A_85 = vector.broadcast %broadcast_in_dim3A_84 : i32 to vector<16xi32>
      %gather3A_86 = tpu.vector_load_idx %arg6[%broadcast_in_dim3A, %broadcast_in_dim3A_85] : memref<40x128xi32, #tpu.memory_space<vmem>>[vector<16xi32>, vector<16xi32>], vector<16xi32>,
      %mul3A_87 = arith.constant 10000 : i32
      %mul3A_88 = vector.broadcast %mul3A_87 : i32 to vector<16xi32>
      %mul3A_89 = arith.muli %iota3A, %mul3A_88 : vector<16xi32>
      %add3A_90 = arith.addi %mul3A_89, %gather3A_86 : vector<16xi32>
      tpu.vector_store_idx %arg8[%add3A_90], %get3A_83 masked %lt3A_2 {add = true} : memref<90112xf32, #tpu.memory_space<vmem>>[vector<16xi32>], vector<16xf32>, vector<16xi1>
      %get3A_91 = arith.constant 7 : i32
      %get3A_92 = arith.index_cast %get3A_91 : i32 to index
      %get3A_93 = arith.constant 0 : index
      %get3A_94 = tpu.vector_load %arg7[%get3A_92, %get3A_93] {strides = array<i32>} : memref<128x16xf32, #tpu.memory_space<vmem>>, vector<16xf32>,
      %broadcast_in_dim3A_95 = arith.constant 7 : i32
      %broadcast_in_dim3A_96 = vector.broadcast %broadcast_in_dim3A_95 : i32 to vector<16xi32>
      %gather3A_97 = tpu.vector_load_idx %arg6[%broadcast_in_dim3A, %broadcast_in_dim3A_96] : memref<40x128xi32, #tpu.memory_space<vmem>>[vector<16xi32>, vector<16xi32>], vector<16xi32>,
      %mul3A_98 = arith.constant 10000 : i32
      %mul3A_99 = vector.broadcast %mul3A_98 : i32 to vector<16xi32>
      %mul3A_100 = arith.muli %iota3A, %mul3A_99 : vector<16xi32>
      %add3A_101 = arith.addi %mul3A_100, %gather3A_97 : vector<16xi32>
      tpu.vector_store_idx %arg8[%add3A_101], %get3A_94 masked %lt3A_2 {add = true} : memref<90112xf32, #tpu.memory_space<vmem>>[vector<16xi32>], vector<16xf32>, vector<16xi1>
      %get3A_102 = arith.constant 8 : i32
      %get3A_103 = arith.index_cast %get3A_102 : i32 to index
      %get3A_104 = arith.constant 0 : index
      %get3A_105 = tpu.vector_load %arg7[%get3A_103, %get3A_104] {strides = array<i32>} : memref<128x16xf32, #tpu.memory_space<vmem>>, vector<16xf32>,
      %broadcast_in_dim3A_106 = arith.constant 8 : i32
      %broadcast_in_dim3A_107 = vector.broadcast %broadcast_in_dim3A_106 : i32 to vector<16xi32>
      %gather3A_108 = tpu.vector_load_idx %arg6[%broadcast_in_dim3A, %broadcast_in_dim3A_107] : memref<40x128xi32, #tpu.memory_space<vmem>>[vector<16xi32>, vector<16xi32>], vector<16xi32>,
      %mul3A_109 = arith.constant 10000 : i32
      %mul3A_110 = vector.broadcast %mul3A_109 : i32 to vector<16xi32>
      %mul3A_111 = arith.muli %iota3A, %mul3A_110 : vector<16xi32>
      %add3A_112 = arith.addi %mul3A_111, %gather3A_108 : vector<16xi32>
      tpu.vector_store_idx %arg8[%add3A_112], %get3A_105 masked %lt3A_2 {add = true} : memref<90112xf32, #tpu.memory_space<vmem>>[vector<16xi32>], vector<16xf32>, vector<16xi1>
      %get3A_113 = arith.constant 9 : i32
      %get3A_114 = arith.index_cast %get3A_113 : i32 to index
      %get3A_115 = arith.constant 0 : index
      %get3A_116 = tpu.vector_load %arg7[%get3A_114, %get3A_115] {strides = array<i32>} : memref<128x16xf32, #tpu.memory_space<vmem>>, vector<16xf32>,
      %broadcast_in_dim3A_117 = arith.constant 9 : i32
      %broadcast_in_dim3A_118 = vector.broadcast %broadcast_in_dim3A_117 : i32 to vector<16xi32>
      %gather3A_119 = tpu.vector_load_idx %arg6[%broadcast_in_dim3A, %broadcast_in_dim3A_118] : memref<40x128xi32, #tpu.memory_space<vmem>>[vector<16xi32>, vector<16xi32>], vector<16xi32>,
      %mul3A_120 = arith.constant 10000 : i32
      %mul3A_121 = vector.broadcast %mul3A_120 : i32 to vector<16xi32>
      %mul3A_122 = arith.muli %iota3A, %mul3A_121 : vector<16xi32>
      %add3A_123 = arith.addi %mul3A_122, %gather3A_119 : vector<16xi32>
      tpu.vector_store_idx %arg8[%add3A_123], %get3A_116 masked %lt3A_2 {add = true} : memref<90112xf32, #tpu.memory_space<vmem>>[vector<16xi32>], vector<16xf32>, vector<16xi1>
      %get3A_124 = arith.constant 10 : i32
      %get3A_125 = arith.index_cast %get3A_124 : i32 to index
      %get3A_126 = arith.constant 0 : index
      %get3A_127 = tpu.vector_load %arg7[%get3A_125, %get3A_126] {strides = array<i32>} : memref<128x16xf32, #tpu.memory_space<vmem>>, vector<16xf32>,
      %broadcast_in_dim3A_128 = arith.constant 10 : i32
      %broadcast_in_dim3A_129 = vector.broadcast %broadcast_in_dim3A_128 : i32 to vector<16xi32>
      %gather3A_130 = tpu.vector_load_idx %arg6[%broadcast_in_dim3A, %broadcast_in_dim3A_129] : memref<40x128xi32, #tpu.memory_space<vmem>>[vector<16xi32>, vector<16xi32>], vector<16xi32>,
      %mul3A_131 = arith.constant 10000 : i32
      %mul3A_132 = vector.broadcast %mul3A_131 : i32 to vector<16xi32>
      %mul3A_133 = arith.muli %iota3A, %mul3A_132 : vector<16xi32>
      %add3A_134 = arith.addi %mul3A_133, %gather3A_130 : vector<16xi32>
      tpu.vector_store_idx %arg8[%add3A_134], %get3A_127 masked %lt3A_2 {add = true} : memref<90112xf32, #tpu.memory_space<vmem>>[vector<16xi32>], vector<16xf32>, vector<16xi1>
      %get3A_135 = arith.constant 11 : i32
      %get3A_136 = arith.index_cast %get3A_135 : i32 to index
      %get3A_137 = arith.constant 0 : index
      %get3A_138 = tpu.vector_load %arg7[%get3A_136, %get3A_137] {strides = array<i32>} : memref<128x16xf32, #tpu.memory_space<vmem>>, vector<16xf32>,
      %broadcast_in_dim3A_139 = arith.constant 11 : i32
      %broadcast_in_dim3A_140 = vector.broadcast %broadcast_in_dim3A_139 : i32 to vector<16xi32>
      %gather3A_141 = tpu.vector_load_idx %arg6[%broadcast_in_dim3A, %broadcast_in_dim3A_140] : memref<40x128xi32, #tpu.memory_space<vmem>>[vector<16xi32>, vector<16xi32>], vector<16xi32>,
      %mul3A_142 = arith.constant 10000 : i32
      %mul3A_143 = vector.broadcast %mul3A_142 : i32 to vector<16xi32>
      %mul3A_144 = arith.muli %iota3A, %mul3A_143 : vector<16xi32>
      %add3A_145 = arith.addi %mul3A_144, %gather3A_141 : vector<16xi32>
      tpu.vector_store_idx %arg8[%add3A_145], %get3A_138 masked %lt3A_2 {add = true} : memref<90112xf32, #tpu.memory_space<vmem>>[vector<16xi32>], vector<16xf32>, vector<16xi1>
      %get3A_146 = arith.constant 12 : i32
      %get3A_147 = arith.index_cast %get3A_146 : i32 to index
      %get3A_148 = arith.constant 0 : index
      %get3A_149 = tpu.vector_load %arg7[%get3A_147, %get3A_148] {strides = array<i32>} : memref<128x16xf32, #tpu.memory_space<vmem>>, vector<16xf32>,
      %broadcast_in_dim3A_150 = arith.constant 12 : i32
      %broadcast_in_dim3A_151 = vector.broadcast %broadcast_in_dim3A_150 : i32 to vector<16xi32>
      %gather3A_152 = tpu.vector_load_idx %arg6[%broadcast_in_dim3A, %broadcast_in_dim3A_151] : memref<40x128xi32, #tpu.memory_space<vmem>>[vector<16xi32>, vector<16xi32>], vector<16xi32>,
      %mul3A_153 = arith.constant 10000 : i32
      %mul3A_154 = vector.broadcast %mul3A_153 : i32 to vector<16xi32>
      %mul3A_155 = arith.muli %iota3A, %mul3A_154 : vector<16xi32>
      %add3A_156 = arith.addi %mul3A_155, %gather3A_152 : vector<16xi32>
      tpu.vector_store_idx %arg8[%add3A_156], %get3A_149 masked %lt3A_2 {add = true} : memref<90112xf32, #tpu.memory_space<vmem>>[vector<16xi32>], vector<16xf32>, vector<16xi1>
      %get3A_157 = arith.constant 13 : i32
      %get3A_158 = arith.index_cast %get3A_157 : i32 to index
      %get3A_159 = arith.constant 0 : index
      %get3A_160 = tpu.vector_load %arg7[%get3A_158, %get3A_159] {strides = array<i32>} : memref<128x16xf32, #tpu.memory_space<vmem>>, vector<16xf32>,
      %broadcast_in_dim3A_161 = arith.constant 13 : i32
      %broadcast_in_dim3A_162 = vector.broadcast %broadcast_in_dim3A_161 : i32 to vector<16xi32>
      %gather3A_163 = tpu.vector_load_idx %arg6[%broadcast_in_dim3A, %broadcast_in_dim3A_162] : memref<40x128xi32, #tpu.memory_space<vmem>>[vector<16xi32>, vector<16xi32>], vector<16xi32>,
      %mul3A_164 = arith.constant 10000 : i32
      %mul3A_165 = vector.broadcast %mul3A_164 : i32 to vector<16xi32>
      %mul3A_166 = arith.muli %iota3A, %mul3A_165 : vector<16xi32>
      %add3A_167 = arith.addi %mul3A_166, %gather3A_163 : vector<16xi32>
      tpu.vector_store_idx %arg8[%add3A_167], %get3A_160 masked %lt3A_2 {add = true} : memref<90112xf32, #tpu.memory_space<vmem>>[vector<16xi32>], vector<16xf32>, vector<16xi1>
      %get3A_168 = arith.constant 14 : i32
      %get3A_169 = arith.index_cast %get3A_168 : i32 to index
      %get3A_170 = arith.constant 0 : index
      %get3A_171 = tpu.vector_load %arg7[%get3A_169, %get3A_170] {strides = array<i32>} : memref<128x16xf32, #tpu.memory_space<vmem>>, vector<16xf32>,
      %broadcast_in_dim3A_172 = arith.constant 14 : i32
      %broadcast_in_dim3A_173 = vector.broadcast %broadcast_in_dim3A_172 : i32 to vector<16xi32>
      %gather3A_174 = tpu.vector_load_idx %arg6[%broadcast_in_dim3A, %broadcast_in_dim3A_173] : memref<40x128xi32, #tpu.memory_space<vmem>>[vector<16xi32>, vector<16xi32>], vector<16xi32>,
      %mul3A_175 = arith.constant 10000 : i32
      %mul3A_176 = vector.broadcast %mul3A_175 : i32 to vector<16xi32>
      %mul3A_177 = arith.muli %iota3A, %mul3A_176 : vector<16xi32>
      %add3A_178 = arith.addi %mul3A_177, %gather3A_174 : vector<16xi32>
      tpu.vector_store_idx %arg8[%add3A_178], %get3A_171 masked %lt3A_2 {add = true} : memref<90112xf32, #tpu.memory_space<vmem>>[vector<16xi32>], vector<16xf32>, vector<16xi1>
      %get3A_179 = arith.constant 15 : i32
      %get3A_180 = arith.index_cast %get3A_179 : i32 to index
      %get3A_181 = arith.constant 0 : index
      %get3A_182 = tpu.vector_load %arg7[%get3A_180, %get3A_181] {strides = array<i32>} : memref<128x16xf32, #tpu.memory_space<vmem>>, vector<16xf32>,
      %broadcast_in_dim3A_183 = arith.constant 15 : i32
      %broadcast_in_dim3A_184 = vector.broadcast %broadcast_in_dim3A_183 : i32 to vector<16xi32>
      %gather3A_185 = tpu.vector_load_idx %arg6[%broadcast_in_dim3A, %broadcast_in_dim3A_184] : memref<40x128xi32, #tpu.memory_space<vmem>>[vector<16xi32>, vector<16xi32>], vector<16xi32>,
      %mul3A_186 = arith.constant 10000 : i32
      %mul3A_187 = vector.broadcast %mul3A_186 : i32 to vector<16xi32>
      %mul3A_188 = arith.muli %iota3A, %mul3A_187 : vector<16xi32>
      %add3A_189 = arith.addi %mul3A_188, %gather3A_185 : vector<16xi32>
      tpu.vector_store_idx %arg8[%add3A_189], %get3A_182 masked %lt3A_2 {add = true} : memref<90112xf32, #tpu.memory_space<vmem>>[vector<16xi32>], vector<16xf32>, vector<16xi1>
      %get3A_190 = arith.constant 16 : i32
      %get3A_191 = arith.index_cast %get3A_190 : i32 to index
      %get3A_192 = arith.constant 0 : index
      %get3A_193 = tpu.vector_load %arg7[%get3A_191, %get3A_192] {strides = array<i32>} : memref<128x16xf32, #tpu.memory_space<vmem>>, vector<16xf32>,
      %broadcast_in_dim3A_194 = arith.constant 16 : i32
      %broadcast_in_dim3A_195 = vector.broadcast %broadcast_in_dim3A_194 : i32 to vector<16xi32>
      %gather3A_196 = tpu.vector_load_idx %arg6[%broadcast_in_dim3A, %broadcast_in_dim3A_195] : memref<40x128xi32, #tpu.memory_space<vmem>>[vector<16xi32>, vector<16xi32>], vector<16xi32>,
      %mul3A_197 = arith.constant 10000 : i32
      %mul3A_198 = vector.broadcast %mul3A_197 : i32 to vector<16xi32>
      %mul3A_199 = arith.muli %iota3A, %mul3A_198 : vector<16xi32>
      %add3A_200 = arith.addi %mul3A_199, %gather3A_196 : vector<16xi32>
      tpu.vector_store_idx %arg8[%add3A_200], %get3A_193 masked %lt3A_2 {add = true} : memref<90112xf32, #tpu.memory_space<vmem>>[vector<16xi32>], vector<16xf32>, vector<16xi1>
      %get3A_201 = arith.constant 17 : i32
      %get3A_202 = arith.index_cast %get3A_201 : i32 to index
      %get3A_203 = arith.constant 0 : index
      %get3A_204 = tpu.vector_load %arg7[%get3A_202, %get3A_203] {strides = array<i32>} : memref<128x16xf32, #tpu.memory_space<vmem>>, vector<16xf32>,
      %broadcast_in_dim3A_205 = arith.constant 17 : i32
      %broadcast_in_dim3A_206 = vector.broadcast %broadcast_in_dim3A_205 : i32 to vector<16xi32>
      %gather3A_207 = tpu.vector_load_idx %arg6[%broadcast_in_dim3A, %broadcast_in_dim3A_206] : memref<40x128xi32, #tpu.memory_space<vmem>>[vector<16xi32>, vector<16xi32>], vector<16xi32>,
      %mul3A_208 = arith.constant 10000 : i32
      %mul3A_209 = vector.broadcast %mul3A_208 : i32 to vector<16xi32>
      %mul3A_210 = arith.muli %iota3A, %mul3A_209 : vector<16xi32>
      %add3A_211 = arith.addi %mul3A_210, %gather3A_207 : vector<16xi32>
      tpu.vector_store_idx %arg8[%add3A_211], %get3A_204 masked %lt3A_2 {add = true} : memref<90112xf32, #tpu.memory_space<vmem>>[vector<16xi32>], vector<16xf32>, vector<16xi1>
      %get3A_212 = arith.constant 18 : i32
      %get3A_213 = arith.index_cast %get3A_212 : i32 to index
      %get3A_214 = arith.constant 0 : index
      %get3A_215 = tpu.vector_load %arg7[%get3A_213, %get3A_214] {strides = array<i32>} : memref<128x16xf32, #tpu.memory_space<vmem>>, vector<16xf32>,
      %broadcast_in_dim3A_216 = arith.constant 18 : i32
      %broadcast_in_dim3A_217 = vector.broadcast %broadcast_in_dim3A_216 : i32 to vector<16xi32>
      %gather3A_218 = tpu.vector_load_idx %arg6[%broadcast_in_dim3A, %broadcast_in_dim3A_217] : memref<40x128xi32, #tpu.memory_space<vmem>>[vector<16xi32>, vector<16xi32>], vector<16xi32>,
      %mul3A_219 = arith.constant 10000 : i32
      %mul3A_220 = vector.broadcast %mul3A_219 : i32 to vector<16xi32>
      %mul3A_221 = arith.muli %iota3A, %mul3A_220 : vector<16xi32>
      %add3A_222 = arith.addi %mul3A_221, %gather3A_218 : vector<16xi32>
      tpu.vector_store_idx %arg8[%add3A_222], %get3A_215 masked %lt3A_2 {add = true} : memref<90112xf32, #tpu.memory_space<vmem>>[vector<16xi32>], vector<16xf32>, vector<16xi1>
      %get3A_223 = arith.constant 19 : i32
      %get3A_224 = arith.index_cast %get3A_223 : i32 to index
      %get3A_225 = arith.constant 0 : index
      %get3A_226 = tpu.vector_load %arg7[%get3A_224, %get3A_225] {strides = array<i32>} : memref<128x16xf32, #tpu.memory_space<vmem>>, vector<16xf32>,
      %broadcast_in_dim3A_227 = arith.constant 19 : i32
      %broadcast_in_dim3A_228 = vector.broadcast %broadcast_in_dim3A_227 : i32 to vector<16xi32>
      %gather3A_229 = tpu.vector_load_idx %arg6[%broadcast_in_dim3A, %broadcast_in_dim3A_228] : memref<40x128xi32, #tpu.memory_space<vmem>>[vector<16xi32>, vector<16xi32>], vector<16xi32>,
      %mul3A_230 = arith.constant 10000 : i32
      %mul3A_231 = vector.broadcast %mul3A_230 : i32 to vector<16xi32>
      %mul3A_232 = arith.muli %iota3A, %mul3A_231 : vector<16xi32>
      %add3A_233 = arith.addi %mul3A_232, %gather3A_229 : vector<16xi32>
      tpu.vector_store_idx %arg8[%add3A_233], %get3A_226 masked %lt3A_2 {add = true} : memref<90112xf32, #tpu.memory_space<vmem>>[vector<16xi32>], vector<16xf32>, vector<16xi1>
      %get3A_234 = arith.constant 20 : i32
      %get3A_235 = arith.index_cast %get3A_234 : i32 to index
      %get3A_236 = arith.constant 0 : index
      %get3A_237 = tpu.vector_load %arg7[%get3A_235, %get3A_236] {strides = array<i32>} : memref<128x16xf32, #tpu.memory_space<vmem>>, vector<16xf32>,
      %broadcast_in_dim3A_238 = arith.constant 20 : i32
      %broadcast_in_dim3A_239 = vector.broadcast %broadcast_in_dim3A_238 : i32 to vector<16xi32>
      %gather3A_240 = tpu.vector_load_idx %arg6[%broadcast_in_dim3A, %broadcast_in_dim3A_239] : memref<40x128xi32, #tpu.memory_space<vmem>>[vector<16xi32>, vector<16xi32>], vector<16xi32>,
      %mul3A_241 = arith.constant 10000 : i32
      %mul3A_242 = vector.broadcast %mul3A_241 : i32 to vector<16xi32>
      %mul3A_243 = arith.muli %iota3A, %mul3A_242 : vector<16xi32>
      %add3A_244 = arith.addi %mul3A_243, %gather3A_240 : vector<16xi32>
      tpu.vector_store_idx %arg8[%add3A_244], %get3A_237 masked %lt3A_2 {add = true} : memref<90112xf32, #tpu.memory_space<vmem>>[vector<16xi32>], vector<16xf32>, vector<16xi1>
      %get3A_245 = arith.constant 21 : i32
      %get3A_246 = arith.index_cast %get3A_245 : i32 to index
      %get3A_247 = arith.constant 0 : index
      %get3A_248 = tpu.vector_load %arg7[%get3A_246, %get3A_247] {strides = array<i32>} : memref<128x16xf32, #tpu.memory_space<vmem>>, vector<16xf32>,
      %broadcast_in_dim3A_249 = arith.constant 21 : i32
      %broadcast_in_dim3A_250 = vector.broadcast %broadcast_in_dim3A_249 : i32 to vector<16xi32>
      %gather3A_251 = tpu.vector_load_idx %arg6[%broadcast_in_dim3A, %broadcast_in_dim3A_250] : memref<40x128xi32, #tpu.memory_space<vmem>>[vector<16xi32>, vector<16xi32>], vector<16xi32>,
      %mul3A_252 = arith.constant 10000 : i32
      %mul3A_253 = vector.broadcast %mul3A_252 : i32 to vector<16xi32>
      %mul3A_254 = arith.muli %iota3A, %mul3A_253 : vector<16xi32>
      %add3A_255 = arith.addi %mul3A_254, %gather3A_251 : vector<16xi32>
      tpu.vector_store_idx %arg8[%add3A_255], %get3A_248 masked %lt3A_2 {add = true} : memref<90112xf32, #tpu.memory_space<vmem>>[vector<16xi32>], vector<16xf32>, vector<16xi1>
      %get3A_256 = arith.constant 22 : i32
      %get3A_257 = arith.index_cast %get3A_256 : i32 to index
      %get3A_258 = arith.constant 0 : index
      %get3A_259 = tpu.vector_load %arg7[%get3A_257, %get3A_258] {strides = array<i32>} : memref<128x16xf32, #tpu.memory_space<vmem>>, vector<16xf32>,
      %broadcast_in_dim3A_260 = arith.constant 22 : i32
      %broadcast_in_dim3A_261 = vector.broadcast %broadcast_in_dim3A_260 : i32 to vector<16xi32>
      %gather3A_262 = tpu.vector_load_idx %arg6[%broadcast_in_dim3A, %broadcast_in_dim3A_261] : memref<40x128xi32, #tpu.memory_space<vmem>>[vector<16xi32>, vector<16xi32>], vector<16xi32>,
      %mul3A_263 = arith.constant 10000 : i32
      %mul3A_264 = vector.broadcast %mul3A_263 : i32 to vector<16xi32>
      %mul3A_265 = arith.muli %iota3A, %mul3A_264 : vector<16xi32>
      %add3A_266 = arith.addi %mul3A_265, %gather3A_262 : vector<16xi32>
      tpu.vector_store_idx %arg8[%add3A_266], %get3A_259 masked %lt3A_2 {add = true} : memref<90112xf32, #tpu.memory_space<vmem>>[vector<16xi32>], vector<16xf32>, vector<16xi1>
      %get3A_267 = arith.constant 23 : i32
      %get3A_268 = arith.index_cast %get3A_267 : i32 to index
      %get3A_269 = arith.constant 0 : index
      %get3A_270 = tpu.vector_load %arg7[%get3A_268, %get3A_269] {strides = array<i32>} : memref<128x16xf32, #tpu.memory_space<vmem>>, vector<16xf32>,
      %broadcast_in_dim3A_271 = arith.constant 23 : i32
      %broadcast_in_dim3A_272 = vector.broadcast %broadcast_in_dim3A_271 : i32 to vector<16xi32>
      %gather3A_273 = tpu.vector_load_idx %arg6[%broadcast_in_dim3A, %broadcast_in_dim3A_272] : memref<40x128xi32, #tpu.memory_space<vmem>>[vector<16xi32>, vector<16xi32>], vector<16xi32>,
      %mul3A_274 = arith.constant 10000 : i32
      %mul3A_275 = vector.broadcast %mul3A_274 : i32 to vector<16xi32>
      %mul3A_276 = arith.muli %iota3A, %mul3A_275 : vector<16xi32>
      %add3A_277 = arith.addi %mul3A_276, %gather3A_273 : vector<16xi32>
      tpu.vector_store_idx %arg8[%add3A_277], %get3A_270 masked %lt3A_2 {add = true} : memref<90112xf32, #tpu.memory_space<vmem>>[vector<16xi32>], vector<16xf32>, vector<16xi1>
      %get3A_278 = arith.constant 24 : i32
      %get3A_279 = arith.index_cast %get3A_278 : i32 to index
      %get3A_280 = arith.constant 0 : index
      %get3A_281 = tpu.vector_load %arg7[%get3A_279, %get3A_280] {strides = array<i32>} : memref<128x16xf32, #tpu.memory_space<vmem>>, vector<16xf32>,
      %broadcast_in_dim3A_282 = arith.constant 24 : i32
      %broadcast_in_dim3A_283 = vector.broadcast %broadcast_in_dim3A_282 : i32 to vector<16xi32>
      %gather3A_284 = tpu.vector_load_idx %arg6[%broadcast_in_dim3A, %broadcast_in_dim3A_283] : memref<40x128xi32, #tpu.memory_space<vmem>>[vector<16xi32>, vector<16xi32>], vector<16xi32>,
      %mul3A_285 = arith.constant 10000 : i32
      %mul3A_286 = vector.broadcast %mul3A_285 : i32 to vector<16xi32>
      %mul3A_287 = arith.muli %iota3A, %mul3A_286 : vector<16xi32>
      %add3A_288 = arith.addi %mul3A_287, %gather3A_284 : vector<16xi32>
      tpu.vector_store_idx %arg8[%add3A_288], %get3A_281 masked %lt3A_2 {add = true} : memref<90112xf32, #tpu.memory_space<vmem>>[vector<16xi32>], vector<16xf32>, vector<16xi1>
      %get3A_289 = arith.constant 25 : i32
      %get3A_290 = arith.index_cast %get3A_289 : i32 to index
      %get3A_291 = arith.constant 0 : index
      %get3A_292 = tpu.vector_load %arg7[%get3A_290, %get3A_291] {strides = array<i32>} : memref<128x16xf32, #tpu.memory_space<vmem>>, vector<16xf32>,
      %broadcast_in_dim3A_293 = arith.constant 25 : i32
      %broadcast_in_dim3A_294 = vector.broadcast %broadcast_in_dim3A_293 : i32 to vector<16xi32>
      %gather3A_295 = tpu.vector_load_idx %arg6[%broadcast_in_dim3A, %broadcast_in_dim3A_294] : memref<40x128xi32, #tpu.memory_space<vmem>>[vector<16xi32>, vector<16xi32>], vector<16xi32>,
      %mul3A_296 = arith.constant 10000 : i32
      %mul3A_297 = vector.broadcast %mul3A_296 : i32 to vector<16xi32>
      %mul3A_298 = arith.muli %iota3A, %mul3A_297 : vector<16xi32>
      %add3A_299 = arith.addi %mul3A_298, %gather3A_295 : vector<16xi32>
      tpu.vector_store_idx %arg8[%add3A_299], %get3A_292 masked %lt3A_2 {add = true} : memref<90112xf32, #tpu.memory_space<vmem>>[vector<16xi32>], vector<16xf32>, vector<16xi1>
      %get3A_300 = arith.constant 26 : i32
      %get3A_301 = arith.index_cast %get3A_300 : i32 to index
      %get3A_302 = arith.constant 0 : index
      %get3A_303 = tpu.vector_load %arg7[%get3A_301, %get3A_302] {strides = array<i32>} : memref<128x16xf32, #tpu.memory_space<vmem>>, vector<16xf32>,
      %broadcast_in_dim3A_304 = arith.constant 26 : i32
      %broadcast_in_dim3A_305 = vector.broadcast %broadcast_in_dim3A_304 : i32 to vector<16xi32>
      %gather3A_306 = tpu.vector_load_idx %arg6[%broadcast_in_dim3A, %broadcast_in_dim3A_305] : memref<40x128xi32, #tpu.memory_space<vmem>>[vector<16xi32>, vector<16xi32>], vector<16xi32>,
      %mul3A_307 = arith.constant 10000 : i32
      %mul3A_308 = vector.broadcast %mul3A_307 : i32 to vector<16xi32>
      %mul3A_309 = arith.muli %iota3A, %mul3A_308 : vector<16xi32>
      %add3A_310 = arith.addi %mul3A_309, %gather3A_306 : vector<16xi32>
      tpu.vector_store_idx %arg8[%add3A_310], %get3A_303 masked %lt3A_2 {add = true} : memref<90112xf32, #tpu.memory_space<vmem>>[vector<16xi32>], vector<16xf32>, vector<16xi1>
      %get3A_311 = arith.constant 27 : i32
      %get3A_312 = arith.index_cast %get3A_311 : i32 to index
      %get3A_313 = arith.constant 0 : index
      %get3A_314 = tpu.vector_load %arg7[%get3A_312, %get3A_313] {strides = array<i32>} : memref<128x16xf32, #tpu.memory_space<vmem>>, vector<16xf32>,
      %broadcast_in_dim3A_315 = arith.constant 27 : i32
      %broadcast_in_dim3A_316 = vector.broadcast %broadcast_in_dim3A_315 : i32 to vector<16xi32>
      %gather3A_317 = tpu.vector_load_idx %arg6[%broadcast_in_dim3A, %broadcast_in_dim3A_316] : memref<40x128xi32, #tpu.memory_space<vmem>>[vector<16xi32>, vector<16xi32>], vector<16xi32>,
      %mul3A_318 = arith.constant 10000 : i32
      %mul3A_319 = vector.broadcast %mul3A_318 : i32 to vector<16xi32>
      %mul3A_320 = arith.muli %iota3A, %mul3A_319 : vector<16xi32>
      %add3A_321 = arith.addi %mul3A_320, %gather3A_317 : vector<16xi32>
      tpu.vector_store_idx %arg8[%add3A_321], %get3A_314 masked %lt3A_2 {add = true} : memref<90112xf32, #tpu.memory_space<vmem>>[vector<16xi32>], vector<16xf32>, vector<16xi1>
      %get3A_322 = arith.constant 28 : i32
      %get3A_323 = arith.index_cast %get3A_322 : i32 to index
      %get3A_324 = arith.constant 0 : index
      %get3A_325 = tpu.vector_load %arg7[%get3A_323, %get3A_324] {strides = array<i32>} : memref<128x16xf32, #tpu.memory_space<vmem>>, vector<16xf32>,
      %broadcast_in_dim3A_326 = arith.constant 28 : i32
      %broadcast_in_dim3A_327 = vector.broadcast %broadcast_in_dim3A_326 : i32 to vector<16xi32>
      %gather3A_328 = tpu.vector_load_idx %arg6[%broadcast_in_dim3A, %broadcast_in_dim3A_327] : memref<40x128xi32, #tpu.memory_space<vmem>>[vector<16xi32>, vector<16xi32>], vector<16xi32>,
      %mul3A_329 = arith.constant 10000 : i32
      %mul3A_330 = vector.broadcast %mul3A_329 : i32 to vector<16xi32>
      %mul3A_331 = arith.muli %iota3A, %mul3A_330 : vector<16xi32>
      %add3A_332 = arith.addi %mul3A_331, %gather3A_328 : vector<16xi32>
      tpu.vector_store_idx %arg8[%add3A_332], %get3A_325 masked %lt3A_2 {add = true} : memref<90112xf32, #tpu.memory_space<vmem>>[vector<16xi32>], vector<16xf32>, vector<16xi1>
      %get3A_333 = arith.constant 29 : i32
      %get3A_334 = arith.index_cast %get3A_333 : i32 to index
      %get3A_335 = arith.constant 0 : index
      %get3A_336 = tpu.vector_load %arg7[%get3A_334, %get3A_335] {strides = array<i32>} : memref<128x16xf32, #tpu.memory_space<vmem>>, vector<16xf32>,
      %broadcast_in_dim3A_337 = arith.constant 29 : i32
      %broadcast_in_dim3A_338 = vector.broadcast %broadcast_in_dim3A_337 : i32 to vector<16xi32>
      %gather3A_339 = tpu.vector_load_idx %arg6[%broadcast_in_dim3A, %broadcast_in_dim3A_338] : memref<40x128xi32, #tpu.memory_space<vmem>>[vector<16xi32>, vector<16xi32>], vector<16xi32>,
      %mul3A_340 = arith.constant 10000 : i32
      %mul3A_341 = vector.broadcast %mul3A_340 : i32 to vector<16xi32>
      %mul3A_342 = arith.muli %iota3A, %mul3A_341 : vector<16xi32>
      %add3A_343 = arith.addi %mul3A_342, %gather3A_339 : vector<16xi32>
      tpu.vector_store_idx %arg8[%add3A_343], %get3A_336 masked %lt3A_2 {add = true} : memref<90112xf32, #tpu.memory_space<vmem>>[vector<16xi32>], vector<16xf32>, vector<16xi1>
      %get3A_344 = arith.constant 30 : i32
      %get3A_345 = arith.index_cast %get3A_344 : i32 to index
      %get3A_346 = arith.constant 0 : index
      %get3A_347 = tpu.vector_load %arg7[%get3A_345, %get3A_346] {strides = array<i32>} : memref<128x16xf32, #tpu.memory_space<vmem>>, vector<16xf32>,
      %broadcast_in_dim3A_348 = arith.constant 30 : i32
      %broadcast_in_dim3A_349 = vector.broadcast %broadcast_in_dim3A_348 : i32 to vector<16xi32>
      %gather3A_350 = tpu.vector_load_idx %arg6[%broadcast_in_dim3A, %broadcast_in_dim3A_349] : memref<40x128xi32, #tpu.memory_space<vmem>>[vector<16xi32>, vector<16xi32>], vector<16xi32>,
      %mul3A_351 = arith.constant 10000 : i32
      %mul3A_352 = vector.broadcast %mul3A_351 : i32 to vector<16xi32>
      %mul3A_353 = arith.muli %iota3A, %mul3A_352 : vector<16xi32>
      %add3A_354 = arith.addi %mul3A_353, %gather3A_350 : vector<16xi32>
      tpu.vector_store_idx %arg8[%add3A_354], %get3A_347 masked %lt3A_2 {add = true} : memref<90112xf32, #tpu.memory_space<vmem>>[vector<16xi32>], vector<16xf32>, vector<16xi1>
      %get3A_355 = arith.constant 31 : i32
      %get3A_356 = arith.index_cast %get3A_355 : i32 to index
      %get3A_357 = arith.constant 0 : index
      %get3A_358 = tpu.vector_load %arg7[%get3A_356, %get3A_357] {strides = array<i32>} : memref<128x16xf32, #tpu.memory_space<vmem>>, vector<16xf32>,
      %broadcast_in_dim3A_359 = arith.constant 31 : i32
      %broadcast_in_dim3A_360 = vector.broadcast %broadcast_in_dim3A_359 : i32 to vector<16xi32>
      %gather3A_361 = tpu.vector_load_idx %arg6[%broadcast_in_dim3A, %broadcast_in_dim3A_360] : memref<40x128xi32, #tpu.memory_space<vmem>>[vector<16xi32>, vector<16xi32>], vector<16xi32>,
      %mul3A_362 = arith.constant 10000 : i32
      %mul3A_363 = vector.broadcast %mul3A_362 : i32 to vector<16xi32>
      %mul3A_364 = arith.muli %iota3A, %mul3A_363 : vector<16xi32>
      %add3A_365 = arith.addi %mul3A_364, %gather3A_361 : vector<16xi32>
      tpu.vector_store_idx %arg8[%add3A_365], %get3A_358 masked %lt3A_2 {add = true} : memref<90112xf32, #tpu.memory_space<vmem>>[vector<16xi32>], vector<16xf32>, vector<16xi1>
      %get3A_366 = arith.constant 32 : i32
      %get3A_367 = arith.index_cast %get3A_366 : i32 to index
      %get3A_368 = arith.constant 0 : index
      %get3A_369 = tpu.vector_load %arg7[%get3A_367, %get3A_368] {strides = array<i32>} : memref<128x16xf32, #tpu.memory_space<vmem>>, vector<16xf32>,
      %broadcast_in_dim3A_370 = arith.constant 32 : i32
      %broadcast_in_dim3A_371 = vector.broadcast %broadcast_in_dim3A_370 : i32 to vector<16xi32>
      %gather3A_372 = tpu.vector_load_idx %arg6[%broadcast_in_dim3A, %broadcast_in_dim3A_371] : memref<40x128xi32, #tpu.memory_space<vmem>>[vector<16xi32>, vector<16xi32>], vector<16xi32>,
      %mul3A_373 = arith.constant 10000 : i32
      %mul3A_374 = vector.broadcast %mul3A_373 : i32 to vector<16xi32>
      %mul3A_375 = arith.muli %iota3A, %mul3A_374 : vector<16xi32>
      %add3A_376 = arith.addi %mul3A_375, %gather3A_372 : vector<16xi32>
      tpu.vector_store_idx %arg8[%add3A_376], %get3A_369 masked %lt3A_2 {add = true} : memref<90112xf32, #tpu.memory_space<vmem>>[vector<16xi32>], vector<16xf32>, vector<16xi1>
      %get3A_377 = arith.constant 33 : i32
      %get3A_378 = arith.index_cast %get3A_377 : i32 to index
      %get3A_379 = arith.constant 0 : index
      %get3A_380 = tpu.vector_load %arg7[%get3A_378, %get3A_379] {strides = array<i32>} : memref<128x16xf32, #tpu.memory_space<vmem>>, vector<16xf32>,
      %broadcast_in_dim3A_381 = arith.constant 33 : i32
      %broadcast_in_dim3A_382 = vector.broadcast %broadcast_in_dim3A_381 : i32 to vector<16xi32>
      %gather3A_383 = tpu.vector_load_idx %arg6[%broadcast_in_dim3A, %broadcast_in_dim3A_382] : memref<40x128xi32, #tpu.memory_space<vmem>>[vector<16xi32>, vector<16xi32>], vector<16xi32>,
      %mul3A_384 = arith.constant 10000 : i32
      %mul3A_385 = vector.broadcast %mul3A_384 : i32 to vector<16xi32>
      %mul3A_386 = arith.muli %iota3A, %mul3A_385 : vector<16xi32>
      %add3A_387 = arith.addi %mul3A_386, %gather3A_383 : vector<16xi32>
      tpu.vector_store_idx %arg8[%add3A_387], %get3A_380 masked %lt3A_2 {add = true} : memref<90112xf32, #tpu.memory_space<vmem>>[vector<16xi32>], vector<16xf32>, vector<16xi1>
      %get3A_388 = arith.constant 34 : i32
      %get3A_389 = arith.index_cast %get3A_388 : i32 to index
      %get3A_390 = arith.constant 0 : index
      %get3A_391 = tpu.vector_load %arg7[%get3A_389, %get3A_390] {strides = array<i32>} : memref<128x16xf32, #tpu.memory_space<vmem>>, vector<16xf32>,
      %broadcast_in_dim3A_392 = arith.constant 34 : i32
      %broadcast_in_dim3A_393 = vector.broadcast %broadcast_in_dim3A_392 : i32 to vector<16xi32>
      %gather3A_394 = tpu.vector_load_idx %arg6[%broadcast_in_dim3A, %broadcast_in_dim3A_393] : memref<40x128xi32, #tpu.memory_space<vmem>>[vector<16xi32>, vector<16xi32>], vector<16xi32>,
      %mul3A_395 = arith.constant 10000 : i32
      %mul3A_396 = vector.broadcast %mul3A_395 : i32 to vector<16xi32>
      %mul3A_397 = arith.muli %iota3A, %mul3A_396 : vector<16xi32>
      %add3A_398 = arith.addi %mul3A_397, %gather3A_394 : vector<16xi32>
      tpu.vector_store_idx %arg8[%add3A_398], %get3A_391 masked %lt3A_2 {add = true} : memref<90112xf32, #tpu.memory_space<vmem>>[vector<16xi32>], vector<16xf32>, vector<16xi1>
      %get3A_399 = arith.constant 35 : i32
      %get3A_400 = arith.index_cast %get3A_399 : i32 to index
      %get3A_401 = arith.constant 0 : index
      %get3A_402 = tpu.vector_load %arg7[%get3A_400, %get3A_401] {strides = array<i32>} : memref<128x16xf32, #tpu.memory_space<vmem>>, vector<16xf32>,
      %broadcast_in_dim3A_403 = arith.constant 35 : i32
      %broadcast_in_dim3A_404 = vector.broadcast %broadcast_in_dim3A_403 : i32 to vector<16xi32>
      %gather3A_405 = tpu.vector_load_idx %arg6[%broadcast_in_dim3A, %broadcast_in_dim3A_404] : memref<40x128xi32, #tpu.memory_space<vmem>>[vector<16xi32>, vector<16xi32>], vector<16xi32>,
      %mul3A_406 = arith.constant 10000 : i32
      %mul3A_407 = vector.broadcast %mul3A_406 : i32 to vector<16xi32>
      %mul3A_408 = arith.muli %iota3A, %mul3A_407 : vector<16xi32>
      %add3A_409 = arith.addi %mul3A_408, %gather3A_405 : vector<16xi32>
      tpu.vector_store_idx %arg8[%add3A_409], %get3A_402 masked %lt3A_2 {add = true} : memref<90112xf32, #tpu.memory_space<vmem>>[vector<16xi32>], vector<16xf32>, vector<16xi1>
      %get3A_410 = arith.constant 36 : i32
      %get3A_411 = arith.index_cast %get3A_410 : i32 to index
      %get3A_412 = arith.constant 0 : index
      %get3A_413 = tpu.vector_load %arg7[%get3A_411, %get3A_412] {strides = array<i32>} : memref<128x16xf32, #tpu.memory_space<vmem>>, vector<16xf32>,
      %broadcast_in_dim3A_414 = arith.constant 36 : i32
      %broadcast_in_dim3A_415 = vector.broadcast %broadcast_in_dim3A_414 : i32 to vector<16xi32>
      %gather3A_416 = tpu.vector_load_idx %arg6[%broadcast_in_dim3A, %broadcast_in_dim3A_415] : memref<40x128xi32, #tpu.memory_space<vmem>>[vector<16xi32>, vector<16xi32>], vector<16xi32>,
      %mul3A_417 = arith.constant 10000 : i32
      %mul3A_418 = vector.broadcast %mul3A_417 : i32 to vector<16xi32>
      %mul3A_419 = arith.muli %iota3A, %mul3A_418 : vector<16xi32>
      %add3A_420 = arith.addi %mul3A_419, %gather3A_416 : vector<16xi32>
      tpu.vector_store_idx %arg8[%add3A_420], %get3A_413 masked %lt3A_2 {add = true} : memref<90112xf32, #tpu.memory_space<vmem>>[vector<16xi32>], vector<16xf32>, vector<16xi1>
      %get3A_421 = arith.constant 37 : i32
      %get3A_422 = arith.index_cast %get3A_421 : i32 to index
      %get3A_423 = arith.constant 0 : index
      %get3A_424 = tpu.vector_load %arg7[%get3A_422, %get3A_423] {strides = array<i32>} : memref<128x16xf32, #tpu.memory_space<vmem>>, vector<16xf32>,
      %broadcast_in_dim3A_425 = arith.constant 37 : i32
      %broadcast_in_dim3A_426 = vector.broadcast %broadcast_in_dim3A_425 : i32 to vector<16xi32>
      %gather3A_427 = tpu.vector_load_idx %arg6[%broadcast_in_dim3A, %broadcast_in_dim3A_426] : memref<40x128xi32, #tpu.memory_space<vmem>>[vector<16xi32>, vector<16xi32>], vector<16xi32>,
      %mul3A_428 = arith.constant 10000 : i32
      %mul3A_429 = vector.broadcast %mul3A_428 : i32 to vector<16xi32>
      %mul3A_430 = arith.muli %iota3A, %mul3A_429 : vector<16xi32>
      %add3A_431 = arith.addi %mul3A_430, %gather3A_427 : vector<16xi32>
      tpu.vector_store_idx %arg8[%add3A_431], %get3A_424 masked %lt3A_2 {add = true} : memref<90112xf32, #tpu.memory_space<vmem>>[vector<16xi32>], vector<16xf32>, vector<16xi1>
      %get3A_432 = arith.constant 38 : i32
      %get3A_433 = arith.index_cast %get3A_432 : i32 to index
      %get3A_434 = arith.constant 0 : index
      %get3A_435 = tpu.vector_load %arg7[%get3A_433, %get3A_434] {strides = array<i32>} : memref<128x16xf32, #tpu.memory_space<vmem>>, vector<16xf32>,
      %broadcast_in_dim3A_436 = arith.constant 38 : i32
      %broadcast_in_dim3A_437 = vector.broadcast %broadcast_in_dim3A_436 : i32 to vector<16xi32>
      %gather3A_438 = tpu.vector_load_idx %arg6[%broadcast_in_dim3A, %broadcast_in_dim3A_437] : memref<40x128xi32, #tpu.memory_space<vmem>>[vector<16xi32>, vector<16xi32>], vector<16xi32>,
      %mul3A_439 = arith.constant 10000 : i32
      %mul3A_440 = vector.broadcast %mul3A_439 : i32 to vector<16xi32>
      %mul3A_441 = arith.muli %iota3A, %mul3A_440 : vector<16xi32>
      %add3A_442 = arith.addi %mul3A_441, %gather3A_438 : vector<16xi32>
      tpu.vector_store_idx %arg8[%add3A_442], %get3A_435 masked %lt3A_2 {add = true} : memref<90112xf32, #tpu.memory_space<vmem>>[vector<16xi32>], vector<16xf32>, vector<16xi1>
      %get3A_443 = arith.constant 39 : i32
      %get3A_444 = arith.index_cast %get3A_443 : i32 to index
      %get3A_445 = arith.constant 0 : index
      %get3A_446 = tpu.vector_load %arg7[%get3A_444, %get3A_445] {strides = array<i32>} : memref<128x16xf32, #tpu.memory_space<vmem>>, vector<16xf32>,
      %broadcast_in_dim3A_447 = arith.constant 39 : i32
      %broadcast_in_dim3A_448 = vector.broadcast %broadcast_in_dim3A_447 : i32 to vector<16xi32>
      %gather3A_449 = tpu.vector_load_idx %arg6[%broadcast_in_dim3A, %broadcast_in_dim3A_448] : memref<40x128xi32, #tpu.memory_space<vmem>>[vector<16xi32>, vector<16xi32>], vector<16xi32>,
      %mul3A_450 = arith.constant 10000 : i32
      %mul3A_451 = vector.broadcast %mul3A_450 : i32 to vector<16xi32>
      %mul3A_452 = arith.muli %iota3A, %mul3A_451 : vector<16xi32>
      %add3A_453 = arith.addi %mul3A_452, %gather3A_449 : vector<16xi32>
      tpu.vector_store_idx %arg8[%add3A_453], %get3A_446 masked %lt3A_2 {add = true} : memref<90112xf32, #tpu.memory_space<vmem>>[vector<16xi32>], vector<16xf32>, vector<16xi1>
      %get3A_454 = arith.constant 40 : i32
      %get3A_455 = arith.index_cast %get3A_454 : i32 to index
      %get3A_456 = arith.constant 0 : index
      %get3A_457 = tpu.vector_load %arg7[%get3A_455, %get3A_456] {strides = array<i32>} : memref<128x16xf32, #tpu.memory_space<vmem>>, vector<16xf32>,
      %broadcast_in_dim3A_458 = arith.constant 40 : i32
      %broadcast_in_dim3A_459 = vector.broadcast %broadcast_in_dim3A_458 : i32 to vector<16xi32>
      %gather3A_460 = tpu.vector_load_idx %arg6[%broadcast_in_dim3A, %broadcast_in_dim3A_459] : memref<40x128xi32, #tpu.memory_space<vmem>>[vector<16xi32>, vector<16xi32>], vector<16xi32>,
      %mul3A_461 = arith.constant 10000 : i32
      %mul3A_462 = vector.broadcast %mul3A_461 : i32 to vector<16xi32>
      %mul3A_463 = arith.muli %iota3A, %mul3A_462 : vector<16xi32>
      %add3A_464 = arith.addi %mul3A_463, %gather3A_460 : vector<16xi32>
      tpu.vector_store_idx %arg8[%add3A_464], %get3A_457 masked %lt3A_2 {add = true} : memref<90112xf32, #tpu.memory_space<vmem>>[vector<16xi32>], vector<16xf32>, vector<16xi1>
      %get3A_465 = arith.constant 41 : i32
      %get3A_466 = arith.index_cast %get3A_465 : i32 to index
      %get3A_467 = arith.constant 0 : index
      %get3A_468 = tpu.vector_load %arg7[%get3A_466, %get3A_467] {strides = array<i32>} : memref<128x16xf32, #tpu.memory_space<vmem>>, vector<16xf32>,
      %broadcast_in_dim3A_469 = arith.constant 41 : i32
      %broadcast_in_dim3A_470 = vector.broadcast %broadcast_in_dim3A_469 : i32 to vector<16xi32>
      %gather3A_471 = tpu.vector_load_idx %arg6[%broadcast_in_dim3A, %broadcast_in_dim3A_470] : memref<40x128xi32, #tpu.memory_space<vmem>>[vector<16xi32>, vector<16xi32>], vector<16xi32>,
      %mul3A_472 = arith.constant 10000 : i32
      %mul3A_473 = vector.broadcast %mul3A_472 : i32 to vector<16xi32>
      %mul3A_474 = arith.muli %iota3A, %mul3A_473 : vector<16xi32>
      %add3A_475 = arith.addi %mul3A_474, %gather3A_471 : vector<16xi32>
      tpu.vector_store_idx %arg8[%add3A_475], %get3A_468 masked %lt3A_2 {add = true} : memref<90112xf32, #tpu.memory_space<vmem>>[vector<16xi32>], vector<16xf32>, vector<16xi1>
      %get3A_476 = arith.constant 42 : i32
      %get3A_477 = arith.index_cast %get3A_476 : i32 to index
      %get3A_478 = arith.constant 0 : index
      %get3A_479 = tpu.vector_load %arg7[%get3A_477, %get3A_478] {strides = array<i32>} : memref<128x16xf32, #tpu.memory_space<vmem>>, vector<16xf32>,
      %broadcast_in_dim3A_480 = arith.constant 42 : i32
      %broadcast_in_dim3A_481 = vector.broadcast %broadcast_in_dim3A_480 : i32 to vector<16xi32>
      %gather3A_482 = tpu.vector_load_idx %arg6[%broadcast_in_dim3A, %broadcast_in_dim3A_481] : memref<40x128xi32, #tpu.memory_space<vmem>>[vector<16xi32>, vector<16xi32>], vector<16xi32>,
      %mul3A_483 = arith.constant 10000 : i32
      %mul3A_484 = vector.broadcast %mul3A_483 : i32 to vector<16xi32>
      %mul3A_485 = arith.muli %iota3A, %mul3A_484 : vector<16xi32>
      %add3A_486 = arith.addi %mul3A_485, %gather3A_482 : vector<16xi32>
      tpu.vector_store_idx %arg8[%add3A_486], %get3A_479 masked %lt3A_2 {add = true} : memref<90112xf32, #tpu.memory_space<vmem>>[vector<16xi32>], vector<16xf32>, vector<16xi1>
      %get3A_487 = arith.constant 43 : i32
      %get3A_488 = arith.index_cast %get3A_487 : i32 to index
      %get3A_489 = arith.constant 0 : index
      %get3A_490 = tpu.vector_load %arg7[%get3A_488, %get3A_489] {strides = array<i32>} : memref<128x16xf32, #tpu.memory_space<vmem>>, vector<16xf32>,
      %broadcast_in_dim3A_491 = arith.constant 43 : i32
      %broadcast_in_dim3A_492 = vector.broadcast %broadcast_in_dim3A_491 : i32 to vector<16xi32>
      %gather3A_493 = tpu.vector_load_idx %arg6[%broadcast_in_dim3A, %broadcast_in_dim3A_492] : memref<40x128xi32, #tpu.memory_space<vmem>>[vector<16xi32>, vector<16xi32>], vector<16xi32>,
      %mul3A_494 = arith.constant 10000 : i32
      %mul3A_495 = vector.broadcast %mul3A_494 : i32 to vector<16xi32>
      %mul3A_496 = arith.muli %iota3A, %mul3A_495 : vector<16xi32>
      %add3A_497 = arith.addi %mul3A_496, %gather3A_493 : vector<16xi32>
      tpu.vector_store_idx %arg8[%add3A_497], %get3A_490 masked %lt3A_2 {add = true} : memref<90112xf32, #tpu.memory_space<vmem>>[vector<16xi32>], vector<16xf32>, vector<16xi1>
      %get3A_498 = arith.constant 44 : i32
      %get3A_499 = arith.index_cast %get3A_498 : i32 to index
      %get3A_500 = arith.constant 0 : index
      %get3A_501 = tpu.vector_load %arg7[%get3A_499, %get3A_500] {strides = array<i32>} : memref<128x16xf32, #tpu.memory_space<vmem>>, vector<16xf32>,
      %broadcast_in_dim3A_502 = arith.constant 44 : i32
      %broadcast_in_dim3A_503 = vector.broadcast %broadcast_in_dim3A_502 : i32 to vector<16xi32>
      %gather3A_504 = tpu.vector_load_idx %arg6[%broadcast_in_dim3A, %broadcast_in_dim3A_503] : memref<40x128xi32, #tpu.memory_space<vmem>>[vector<16xi32>, vector<16xi32>], vector<16xi32>,
      %mul3A_505 = arith.constant 10000 : i32
      %mul3A_506 = vector.broadcast %mul3A_505 : i32 to vector<16xi32>
      %mul3A_507 = arith.muli %iota3A, %mul3A_506 : vector<16xi32>
      %add3A_508 = arith.addi %mul3A_507, %gather3A_504 : vector<16xi32>
      tpu.vector_store_idx %arg8[%add3A_508], %get3A_501 masked %lt3A_2 {add = true} : memref<90112xf32, #tpu.memory_space<vmem>>[vector<16xi32>], vector<16xf32>, vector<16xi1>
      %get3A_509 = arith.constant 45 : i32
      %get3A_510 = arith.index_cast %get3A_509 : i32 to index
      %get3A_511 = arith.constant 0 : index
      %get3A_512 = tpu.vector_load %arg7[%get3A_510, %get3A_511] {strides = array<i32>} : memref<128x16xf32, #tpu.memory_space<vmem>>, vector<16xf32>,
      %broadcast_in_dim3A_513 = arith.constant 45 : i32
      %broadcast_in_dim3A_514 = vector.broadcast %broadcast_in_dim3A_513 : i32 to vector<16xi32>
      %gather3A_515 = tpu.vector_load_idx %arg6[%broadcast_in_dim3A, %broadcast_in_dim3A_514] : memref<40x128xi32, #tpu.memory_space<vmem>>[vector<16xi32>, vector<16xi32>], vector<16xi32>,
      %mul3A_516 = arith.constant 10000 : i32
      %mul3A_517 = vector.broadcast %mul3A_516 : i32 to vector<16xi32>
      %mul3A_518 = arith.muli %iota3A, %mul3A_517 : vector<16xi32>
      %add3A_519 = arith.addi %mul3A_518, %gather3A_515 : vector<16xi32>
      tpu.vector_store_idx %arg8[%add3A_519], %get3A_512 masked %lt3A_2 {add = true} : memref<90112xf32, #tpu.memory_space<vmem>>[vector<16xi32>], vector<16xf32>, vector<16xi1>
      %get3A_520 = arith.constant 46 : i32
      %get3A_521 = arith.index_cast %get3A_520 : i32 to index
      %get3A_522 = arith.constant 0 : index
      %get3A_523 = tpu.vector_load %arg7[%get3A_521, %get3A_522] {strides = array<i32>} : memref<128x16xf32, #tpu.memory_space<vmem>>, vector<16xf32>,
      %broadcast_in_dim3A_524 = arith.constant 46 : i32
      %broadcast_in_dim3A_525 = vector.broadcast %broadcast_in_dim3A_524 : i32 to vector<16xi32>
      %gather3A_526 = tpu.vector_load_idx %arg6[%broadcast_in_dim3A, %broadcast_in_dim3A_525] : memref<40x128xi32, #tpu.memory_space<vmem>>[vector<16xi32>, vector<16xi32>], vector<16xi32>,
      %mul3A_527 = arith.constant 10000 : i32
      %mul3A_528 = vector.broadcast %mul3A_527 : i32 to vector<16xi32>
      %mul3A_529 = arith.muli %iota3A, %mul3A_528 : vector<16xi32>
      %add3A_530 = arith.addi %mul3A_529, %gather3A_526 : vector<16xi32>
      tpu.vector_store_idx %arg8[%add3A_530], %get3A_523 masked %lt3A_2 {add = true} : memref<90112xf32, #tpu.memory_space<vmem>>[vector<16xi32>], vector<16xf32>, vector<16xi1>
      %get3A_531 = arith.constant 47 : i32
      %get3A_532 = arith.index_cast %get3A_531 : i32 to index
      %get3A_533 = arith.constant 0 : index
      %get3A_534 = tpu.vector_load %arg7[%get3A_532, %get3A_533] {strides = array<i32>} : memref<128x16xf32, #tpu.memory_space<vmem>>, vector<16xf32>,
      %broadcast_in_dim3A_535 = arith.constant 47 : i32
      %broadcast_in_dim3A_536 = vector.broadcast %broadcast_in_dim3A_535 : i32 to vector<16xi32>
      %gather3A_537 = tpu.vector_load_idx %arg6[%broadcast_in_dim3A, %broadcast_in_dim3A_536] : memref<40x128xi32, #tpu.memory_space<vmem>>[vector<16xi32>, vector<16xi32>], vector<16xi32>,
      %mul3A_538 = arith.constant 10000 : i32
      %mul3A_539 = vector.broadcast %mul3A_538 : i32 to vector<16xi32>
      %mul3A_540 = arith.muli %iota3A, %mul3A_539 : vector<16xi32>
      %add3A_541 = arith.addi %mul3A_540, %gather3A_537 : vector<16xi32>
      tpu.vector_store_idx %arg8[%add3A_541], %get3A_534 masked %lt3A_2 {add = true} : memref<90112xf32, #tpu.memory_space<vmem>>[vector<16xi32>], vector<16xf32>, vector<16xi1>
      %get3A_542 = arith.constant 48 : i32
      %get3A_543 = arith.index_cast %get3A_542 : i32 to index
      %get3A_544 = arith.constant 0 : index
      %get3A_545 = tpu.vector_load %arg7[%get3A_543, %get3A_544] {strides = array<i32>} : memref<128x16xf32, #tpu.memory_space<vmem>>, vector<16xf32>,
      %broadcast_in_dim3A_546 = arith.constant 48 : i32
      %broadcast_in_dim3A_547 = vector.broadcast %broadcast_in_dim3A_546 : i32 to vector<16xi32>
      %gather3A_548 = tpu.vector_load_idx %arg6[%broadcast_in_dim3A, %broadcast_in_dim3A_547] : memref<40x128xi32, #tpu.memory_space<vmem>>[vector<16xi32>, vector<16xi32>], vector<16xi32>,
      %mul3A_549 = arith.constant 10000 : i32
      %mul3A_550 = vector.broadcast %mul3A_549 : i32 to vector<16xi32>
      %mul3A_551 = arith.muli %iota3A, %mul3A_550 : vector<16xi32>
      %add3A_552 = arith.addi %mul3A_551, %gather3A_548 : vector<16xi32>
      tpu.vector_store_idx %arg8[%add3A_552], %get3A_545 masked %lt3A_2 {add = true} : memref<90112xf32, #tpu.memory_space<vmem>>[vector<16xi32>], vector<16xf32>, vector<16xi1>
      %get3A_553 = arith.constant 49 : i32
      %get3A_554 = arith.index_cast %get3A_553 : i32 to index
      %get3A_555 = arith.constant 0 : index
      %get3A_556 = tpu.vector_load %arg7[%get3A_554, %get3A_555] {strides = array<i32>} : memref<128x16xf32, #tpu.memory_space<vmem>>, vector<16xf32>,
      %broadcast_in_dim3A_557 = arith.constant 49 : i32
      %broadcast_in_dim3A_558 = vector.broadcast %broadcast_in_dim3A_557 : i32 to vector<16xi32>
      %gather3A_559 = tpu.vector_load_idx %arg6[%broadcast_in_dim3A, %broadcast_in_dim3A_558] : memref<40x128xi32, #tpu.memory_space<vmem>>[vector<16xi32>, vector<16xi32>], vector<16xi32>,
      %mul3A_560 = arith.constant 10000 : i32
      %mul3A_561 = vector.broadcast %mul3A_560 : i32 to vector<16xi32>
      %mul3A_562 = arith.muli %iota3A, %mul3A_561 : vector<16xi32>
      %add3A_563 = arith.addi %mul3A_562, %gather3A_559 : vector<16xi32>
      tpu.vector_store_idx %arg8[%add3A_563], %get3A_556 masked %lt3A_2 {add = true} : memref<90112xf32, #tpu.memory_space<vmem>>[vector<16xi32>], vector<16xf32>, vector<16xi1>
      %get3A_564 = arith.constant 50 : i32
      %get3A_565 = arith.index_cast %get3A_564 : i32 to index
      %get3A_566 = arith.constant 0 : index
      %get3A_567 = tpu.vector_load %arg7[%get3A_565, %get3A_566] {strides = array<i32>} : memref<128x16xf32, #tpu.memory_space<vmem>>, vector<16xf32>,
      %broadcast_in_dim3A_568 = arith.constant 50 : i32
      %broadcast_in_dim3A_569 = vector.broadcast %broadcast_in_dim3A_568 : i32 to vector<16xi32>
      %gather3A_570 = tpu.vector_load_idx %arg6[%broadcast_in_dim3A, %broadcast_in_dim3A_569] : memref<40x128xi32, #tpu.memory_space<vmem>>[vector<16xi32>, vector<16xi32>], vector<16xi32>,
      %mul3A_571 = arith.constant 10000 : i32
      %mul3A_572 = vector.broadcast %mul3A_571 : i32 to vector<16xi32>
      %mul3A_573 = arith.muli %iota3A, %mul3A_572 : vector<16xi32>
      %add3A_574 = arith.addi %mul3A_573, %gather3A_570 : vector<16xi32>
      tpu.vector_store_idx %arg8[%add3A_574], %get3A_567 masked %lt3A_2 {add = true} : memref<90112xf32, #tpu.memory_space<vmem>>[vector<16xi32>], vector<16xf32>, vector<16xi1>
      %get3A_575 = arith.constant 51 : i32
      %get3A_576 = arith.index_cast %get3A_575 : i32 to index
      %get3A_577 = arith.constant 0 : index
      %get3A_578 = tpu.vector_load %arg7[%get3A_576, %get3A_577] {strides = array<i32>} : memref<128x16xf32, #tpu.memory_space<vmem>>, vector<16xf32>,
      %broadcast_in_dim3A_579 = arith.constant 51 : i32
      %broadcast_in_dim3A_580 = vector.broadcast %broadcast_in_dim3A_579 : i32 to vector<16xi32>
      %gather3A_581 = tpu.vector_load_idx %arg6[%broadcast_in_dim3A, %broadcast_in_dim3A_580] : memref<40x128xi32, #tpu.memory_space<vmem>>[vector<16xi32>, vector<16xi32>], vector<16xi32>,
      %mul3A_582 = arith.constant 10000 : i32
      %mul3A_583 = vector.broadcast %mul3A_582 : i32 to vector<16xi32>
      %mul3A_584 = arith.muli %iota3A, %mul3A_583 : vector<16xi32>
      %add3A_585 = arith.addi %mul3A_584, %gather3A_581 : vector<16xi32>
      tpu.vector_store_idx %arg8[%add3A_585], %get3A_578 masked %lt3A_2 {add = true} : memref<90112xf32, #tpu.memory_space<vmem>>[vector<16xi32>], vector<16xf32>, vector<16xi1>
      %get3A_586 = arith.constant 52 : i32
      %get3A_587 = arith.index_cast %get3A_586 : i32 to index
      %get3A_588 = arith.constant 0 : index
      %get3A_589 = tpu.vector_load %arg7[%get3A_587, %get3A_588] {strides = array<i32>} : memref<128x16xf32, #tpu.memory_space<vmem>>, vector<16xf32>,
      %broadcast_in_dim3A_590 = arith.constant 52 : i32
      %broadcast_in_dim3A_591 = vector.broadcast %broadcast_in_dim3A_590 : i32 to vector<16xi32>
      %gather3A_592 = tpu.vector_load_idx %arg6[%broadcast_in_dim3A, %broadcast_in_dim3A_591] : memref<40x128xi32, #tpu.memory_space<vmem>>[vector<16xi32>, vector<16xi32>], vector<16xi32>,
      %mul3A_593 = arith.constant 10000 : i32
      %mul3A_594 = vector.broadcast %mul3A_593 : i32 to vector<16xi32>
      %mul3A_595 = arith.muli %iota3A, %mul3A_594 : vector<16xi32>
      %add3A_596 = arith.addi %mul3A_595, %gather3A_592 : vector<16xi32>
      tpu.vector_store_idx %arg8[%add3A_596], %get3A_589 masked %lt3A_2 {add = true} : memref<90112xf32, #tpu.memory_space<vmem>>[vector<16xi32>], vector<16xf32>, vector<16xi1>
      %get3A_597 = arith.constant 53 : i32
      %get3A_598 = arith.index_cast %get3A_597 : i32 to index
      %get3A_599 = arith.constant 0 : index
      %get3A_600 = tpu.vector_load %arg7[%get3A_598, %get3A_599] {strides = array<i32>} : memref<128x16xf32, #tpu.memory_space<vmem>>, vector<16xf32>,
      %broadcast_in_dim3A_601 = arith.constant 53 : i32
      %broadcast_in_dim3A_602 = vector.broadcast %broadcast_in_dim3A_601 : i32 to vector<16xi32>
      %gather3A_603 = tpu.vector_load_idx %arg6[%broadcast_in_dim3A, %broadcast_in_dim3A_602] : memref<40x128xi32, #tpu.memory_space<vmem>>[vector<16xi32>, vector<16xi32>], vector<16xi32>,
      %mul3A_604 = arith.constant 10000 : i32
      %mul3A_605 = vector.broadcast %mul3A_604 : i32 to vector<16xi32>
      %mul3A_606 = arith.muli %iota3A, %mul3A_605 : vector<16xi32>
      %add3A_607 = arith.addi %mul3A_606, %gather3A_603 : vector<16xi32>
      tpu.vector_store_idx %arg8[%add3A_607], %get3A_600 masked %lt3A_2 {add = true} : memref<90112xf32, #tpu.memory_space<vmem>>[vector<16xi32>], vector<16xf32>, vector<16xi1>
      %get3A_608 = arith.constant 54 : i32
      %get3A_609 = arith.index_cast %get3A_608 : i32 to index
      %get3A_610 = arith.constant 0 : index
      %get3A_611 = tpu.vector_load %arg7[%get3A_609, %get3A_610] {strides = array<i32>} : memref<128x16xf32, #tpu.memory_space<vmem>>, vector<16xf32>,
      %broadcast_in_dim3A_612 = arith.constant 54 : i32
      %broadcast_in_dim3A_613 = vector.broadcast %broadcast_in_dim3A_612 : i32 to vector<16xi32>
      %gather3A_614 = tpu.vector_load_idx %arg6[%broadcast_in_dim3A, %broadcast_in_dim3A_613] : memref<40x128xi32, #tpu.memory_space<vmem>>[vector<16xi32>, vector<16xi32>], vector<16xi32>,
      %mul3A_615 = arith.constant 10000 : i32
      %mul3A_616 = vector.broadcast %mul3A_615 : i32 to vector<16xi32>
      %mul3A_617 = arith.muli %iota3A, %mul3A_616 : vector<16xi32>
      %add3A_618 = arith.addi %mul3A_617, %gather3A_614 : vector<16xi32>
      tpu.vector_store_idx %arg8[%add3A_618], %get3A_611 masked %lt3A_2 {add = true} : memref<90112xf32, #tpu.memory_space<vmem>>[vector<16xi32>], vector<16xf32>, vector<16xi1>
      %get3A_619 = arith.constant 55 : i32
      %get3A_620 = arith.index_cast %get3A_619 : i32 to index
      %get3A_621 = arith.constant 0 : index
      %get3A_622 = tpu.vector_load %arg7[%get3A_620, %get3A_621] {strides = array<i32>} : memref<128x16xf32, #tpu.memory_space<vmem>>, vector<16xf32>,
      %broadcast_in_dim3A_623 = arith.constant 55 : i32
      %broadcast_in_dim3A_624 = vector.broadcast %broadcast_in_dim3A_623 : i32 to vector<16xi32>
      %gather3A_625 = tpu.vector_load_idx %arg6[%broadcast_in_dim3A, %broadcast_in_dim3A_624] : memref<40x128xi32, #tpu.memory_space<vmem>>[vector<16xi32>, vector<16xi32>], vector<16xi32>,
      %mul3A_626 = arith.constant 10000 : i32
      %mul3A_627 = vector.broadcast %mul3A_626 : i32 to vector<16xi32>
      %mul3A_628 = arith.muli %iota3A, %mul3A_627 : vector<16xi32>
      %add3A_629 = arith.addi %mul3A_628, %gather3A_625 : vector<16xi32>
      tpu.vector_store_idx %arg8[%add3A_629], %get3A_622 masked %lt3A_2 {add = true} : memref<90112xf32, #tpu.memory_space<vmem>>[vector<16xi32>], vector<16xf32>, vector<16xi1>
      %get3A_630 = arith.constant 56 : i32
      %get3A_631 = arith.index_cast %get3A_630 : i32 to index
      %get3A_632 = arith.constant 0 : index
      %get3A_633 = tpu.vector_load %arg7[%get3A_631, %get3A_632] {strides = array<i32>} : memref<128x16xf32, #tpu.memory_space<vmem>>, vector<16xf32>,
      %broadcast_in_dim3A_634 = arith.constant 56 : i32
      %broadcast_in_dim3A_635 = vector.broadcast %broadcast_in_dim3A_634 : i32 to vector<16xi32>
      %gather3A_636 = tpu.vector_load_idx %arg6[%broadcast_in_dim3A, %broadcast_in_dim3A_635] : memref<40x128xi32, #tpu.memory_space<vmem>>[vector<16xi32>, vector<16xi32>], vector<16xi32>,
      %mul3A_637 = arith.constant 10000 : i32
      %mul3A_638 = vector.broadcast %mul3A_637 : i32 to vector<16xi32>
      %mul3A_639 = arith.muli %iota3A, %mul3A_638 : vector<16xi32>
      %add3A_640 = arith.addi %mul3A_639, %gather3A_636 : vector<16xi32>
      tpu.vector_store_idx %arg8[%add3A_640], %get3A_633 masked %lt3A_2 {add = true} : memref<90112xf32, #tpu.memory_space<vmem>>[vector<16xi32>], vector<16xf32>, vector<16xi1>
      %get3A_641 = arith.constant 57 : i32
      %get3A_642 = arith.index_cast %get3A_641 : i32 to index
      %get3A_643 = arith.constant 0 : index
      %get3A_644 = tpu.vector_load %arg7[%get3A_642, %get3A_643] {strides = array<i32>} : memref<128x16xf32, #tpu.memory_space<vmem>>, vector<16xf32>,
      %broadcast_in_dim3A_645 = arith.constant 57 : i32
      %broadcast_in_dim3A_646 = vector.broadcast %broadcast_in_dim3A_645 : i32 to vector<16xi32>
      %gather3A_647 = tpu.vector_load_idx %arg6[%broadcast_in_dim3A, %broadcast_in_dim3A_646] : memref<40x128xi32, #tpu.memory_space<vmem>>[vector<16xi32>, vector<16xi32>], vector<16xi32>,
      %mul3A_648 = arith.constant 10000 : i32
      %mul3A_649 = vector.broadcast %mul3A_648 : i32 to vector<16xi32>
      %mul3A_650 = arith.muli %iota3A, %mul3A_649 : vector<16xi32>
      %add3A_651 = arith.addi %mul3A_650, %gather3A_647 : vector<16xi32>
      tpu.vector_store_idx %arg8[%add3A_651], %get3A_644 masked %lt3A_2 {add = true} : memref<90112xf32, #tpu.memory_space<vmem>>[vector<16xi32>], vector<16xf32>, vector<16xi1>
      %get3A_652 = arith.constant 58 : i32
      %get3A_653 = arith.index_cast %get3A_652 : i32 to index
      %get3A_654 = arith.constant 0 : index
      %get3A_655 = tpu.vector_load %arg7[%get3A_653, %get3A_654] {strides = array<i32>} : memref<128x16xf32, #tpu.memory_space<vmem>>, vector<16xf32>,
      %broadcast_in_dim3A_656 = arith.constant 58 : i32
      %broadcast_in_dim3A_657 = vector.broadcast %broadcast_in_dim3A_656 : i32 to vector<16xi32>
      %gather3A_658 = tpu.vector_load_idx %arg6[%broadcast_in_dim3A, %broadcast_in_dim3A_657] : memref<40x128xi32, #tpu.memory_space<vmem>>[vector<16xi32>, vector<16xi32>], vector<16xi32>,
      %mul3A_659 = arith.constant 10000 : i32
      %mul3A_660 = vector.broadcast %mul3A_659 : i32 to vector<16xi32>
      %mul3A_661 = arith.muli %iota3A, %mul3A_660 : vector<16xi32>
      %add3A_662 = arith.addi %mul3A_661, %gather3A_658 : vector<16xi32>
      tpu.vector_store_idx %arg8[%add3A_662], %get3A_655 masked %lt3A_2 {add = true} : memref<90112xf32, #tpu.memory_space<vmem>>[vector<16xi32>], vector<16xf32>, vector<16xi1>
      %get3A_663 = arith.constant 59 : i32
      %get3A_664 = arith.index_cast %get3A_663 : i32 to index
      %get3A_665 = arith.constant 0 : index
      %get3A_666 = tpu.vector_load %arg7[%get3A_664, %get3A_665] {strides = array<i32>} : memref<128x16xf32, #tpu.memory_space<vmem>>, vector<16xf32>,
      %broadcast_in_dim3A_667 = arith.constant 59 : i32
      %broadcast_in_dim3A_668 = vector.broadcast %broadcast_in_dim3A_667 : i32 to vector<16xi32>
      %gather3A_669 = tpu.vector_load_idx %arg6[%broadcast_in_dim3A, %broadcast_in_dim3A_668] : memref<40x128xi32, #tpu.memory_space<vmem>>[vector<16xi32>, vector<16xi32>], vector<16xi32>,
      %mul3A_670 = arith.constant 10000 : i32
      %mul3A_671 = vector.broadcast %mul3A_670 : i32 to vector<16xi32>
      %mul3A_672 = arith.muli %iota3A, %mul3A_671 : vector<16xi32>
      %add3A_673 = arith.addi %mul3A_672, %gather3A_669 : vector<16xi32>
      tpu.vector_store_idx %arg8[%add3A_673], %get3A_666 masked %lt3A_2 {add = true} : memref<90112xf32, #tpu.memory_space<vmem>>[vector<16xi32>], vector<16xf32>, vector<16xi1>
      %get3A_674 = arith.constant 60 : i32
      %get3A_675 = arith.index_cast %get3A_674 : i32 to index
      %get3A_676 = arith.constant 0 : index
      %get3A_677 = tpu.vector_load %arg7[%get3A_675, %get3A_676] {strides = array<i32>} : memref<128x16xf32, #tpu.memory_space<vmem>>, vector<16xf32>,
      %broadcast_in_dim3A_678 = arith.constant 60 : i32
      %broadcast_in_dim3A_679 = vector.broadcast %broadcast_in_dim3A_678 : i32 to vector<16xi32>
      %gather3A_680 = tpu.vector_load_idx %arg6[%broadcast_in_dim3A, %broadcast_in_dim3A_679] : memref<40x128xi32, #tpu.memory_space<vmem>>[vector<16xi32>, vector<16xi32>], vector<16xi32>,
      %mul3A_681 = arith.constant 10000 : i32
      %mul3A_682 = vector.broadcast %mul3A_681 : i32 to vector<16xi32>
      %mul3A_683 = arith.muli %iota3A, %mul3A_682 : vector<16xi32>
      %add3A_684 = arith.addi %mul3A_683, %gather3A_680 : vector<16xi32>
      tpu.vector_store_idx %arg8[%add3A_684], %get3A_677 masked %lt3A_2 {add = true} : memref<90112xf32, #tpu.memory_space<vmem>>[vector<16xi32>], vector<16xf32>, vector<16xi1>
      %get3A_685 = arith.constant 61 : i32
      %get3A_686 = arith.index_cast %get3A_685 : i32 to index
      %get3A_687 = arith.constant 0 : index
      %get3A_688 = tpu.vector_load %arg7[%get3A_686, %get3A_687] {strides = array<i32>} : memref<128x16xf32, #tpu.memory_space<vmem>>, vector<16xf32>,
      %broadcast_in_dim3A_689 = arith.constant 61 : i32
      %broadcast_in_dim3A_690 = vector.broadcast %broadcast_in_dim3A_689 : i32 to vector<16xi32>
      %gather3A_691 = tpu.vector_load_idx %arg6[%broadcast_in_dim3A, %broadcast_in_dim3A_690] : memref<40x128xi32, #tpu.memory_space<vmem>>[vector<16xi32>, vector<16xi32>], vector<16xi32>,
      %mul3A_692 = arith.constant 10000 : i32
      %mul3A_693 = vector.broadcast %mul3A_692 : i32 to vector<16xi32>
      %mul3A_694 = arith.muli %iota3A, %mul3A_693 : vector<16xi32>
      %add3A_695 = arith.addi %mul3A_694, %gather3A_691 : vector<16xi32>
      tpu.vector_store_idx %arg8[%add3A_695], %get3A_688 masked %lt3A_2 {add = true} : memref<90112xf32, #tpu.memory_space<vmem>>[vector<16xi32>], vector<16xf32>, vector<16xi1>
      %get3A_696 = arith.constant 62 : i32
      %get3A_697 = arith.index_cast %get3A_696 : i32 to index
      %get3A_698 = arith.constant 0 : index
      %get3A_699 = tpu.vector_load %arg7[%get3A_697, %get3A_698] {strides = array<i32>} : memref<128x16xf32, #tpu.memory_space<vmem>>, vector<16xf32>,
      %broadcast_in_dim3A_700 = arith.constant 62 : i32
      %broadcast_in_dim3A_701 = vector.broadcast %broadcast_in_dim3A_700 : i32 to vector<16xi32>
      %gather3A_702 = tpu.vector_load_idx %arg6[%broadcast_in_dim3A, %broadcast_in_dim3A_701] : memref<40x128xi32, #tpu.memory_space<vmem>>[vector<16xi32>, vector<16xi32>], vector<16xi32>,
      %mul3A_703 = arith.constant 10000 : i32
      %mul3A_704 = vector.broadcast %mul3A_703 : i32 to vector<16xi32>
      %mul3A_705 = arith.muli %iota3A, %mul3A_704 : vector<16xi32>
      %add3A_706 = arith.addi %mul3A_705, %gather3A_702 : vector<16xi32>
      tpu.vector_store_idx %arg8[%add3A_706], %get3A_699 masked %lt3A_2 {add = true} : memref<90112xf32, #tpu.memory_space<vmem>>[vector<16xi32>], vector<16xf32>, vector<16xi1>
      %get3A_707 = arith.constant 63 : i32
      %get3A_708 = arith.index_cast %get3A_707 : i32 to index
      %get3A_709 = arith.constant 0 : index
      %get3A_710 = tpu.vector_load %arg7[%get3A_708, %get3A_709] {strides = array<i32>} : memref<128x16xf32, #tpu.memory_space<vmem>>, vector<16xf32>,
      %broadcast_in_dim3A_711 = arith.constant 63 : i32
      %broadcast_in_dim3A_712 = vector.broadcast %broadcast_in_dim3A_711 : i32 to vector<16xi32>
      %gather3A_713 = tpu.vector_load_idx %arg6[%broadcast_in_dim3A, %broadcast_in_dim3A_712] : memref<40x128xi32, #tpu.memory_space<vmem>>[vector<16xi32>, vector<16xi32>], vector<16xi32>,
      %mul3A_714 = arith.constant 10000 : i32
      %mul3A_715 = vector.broadcast %mul3A_714 : i32 to vector<16xi32>
      %mul3A_716 = arith.muli %iota3A, %mul3A_715 : vector<16xi32>
      %add3A_717 = arith.addi %mul3A_716, %gather3A_713 : vector<16xi32>
      tpu.vector_store_idx %arg8[%add3A_717], %get3A_710 masked %lt3A_2 {add = true} : memref<90112xf32, #tpu.memory_space<vmem>>[vector<16xi32>], vector<16xf32>, vector<16xi1>
      %get3A_718 = arith.constant 64 : i32
      %get3A_719 = arith.index_cast %get3A_718 : i32 to index
      %get3A_720 = arith.constant 0 : index
      %get3A_721 = tpu.vector_load %arg7[%get3A_719, %get3A_720] {strides = array<i32>} : memref<128x16xf32, #tpu.memory_space<vmem>>, vector<16xf32>,
      %broadcast_in_dim3A_722 = arith.constant 64 : i32
      %broadcast_in_dim3A_723 = vector.broadcast %broadcast_in_dim3A_722 : i32 to vector<16xi32>
      %gather3A_724 = tpu.vector_load_idx %arg6[%broadcast_in_dim3A, %broadcast_in_dim3A_723] : memref<40x128xi32, #tpu.memory_space<vmem>>[vector<16xi32>, vector<16xi32>], vector<16xi32>,
      %mul3A_725 = arith.constant 10000 : i32
      %mul3A_726 = vector.broadcast %mul3A_725 : i32 to vector<16xi32>
      %mul3A_727 = arith.muli %iota3A, %mul3A_726 : vector<16xi32>
      %add3A_728 = arith.addi %mul3A_727, %gather3A_724 : vector<16xi32>
      tpu.vector_store_idx %arg8[%add3A_728], %get3A_721 masked %lt3A_2 {add = true} : memref<90112xf32, #tpu.memory_space<vmem>>[vector<16xi32>], vector<16xf32>, vector<16xi1>
      %get3A_729 = arith.constant 65 : i32
      %get3A_730 = arith.index_cast %get3A_729 : i32 to index
      %get3A_731 = arith.constant 0 : index
      %get3A_732 = tpu.vector_load %arg7[%get3A_730, %get3A_731] {strides = array<i32>} : memref<128x16xf32, #tpu.memory_space<vmem>>, vector<16xf32>,
      %broadcast_in_dim3A_733 = arith.constant 65 : i32
      %broadcast_in_dim3A_734 = vector.broadcast %broadcast_in_dim3A_733 : i32 to vector<16xi32>
      %gather3A_735 = tpu.vector_load_idx %arg6[%broadcast_in_dim3A, %broadcast_in_dim3A_734] : memref<40x128xi32, #tpu.memory_space<vmem>>[vector<16xi32>, vector<16xi32>], vector<16xi32>,
      %mul3A_736 = arith.constant 10000 : i32
      %mul3A_737 = vector.broadcast %mul3A_736 : i32 to vector<16xi32>
      %mul3A_738 = arith.muli %iota3A, %mul3A_737 : vector<16xi32>
      %add3A_739 = arith.addi %mul3A_738, %gather3A_735 : vector<16xi32>
      tpu.vector_store_idx %arg8[%add3A_739], %get3A_732 masked %lt3A_2 {add = true} : memref<90112xf32, #tpu.memory_space<vmem>>[vector<16xi32>], vector<16xf32>, vector<16xi1>
      %get3A_740 = arith.constant 66 : i32
      %get3A_741 = arith.index_cast %get3A_740 : i32 to index
      %get3A_742 = arith.constant 0 : index
      %get3A_743 = tpu.vector_load %arg7[%get3A_741, %get3A_742] {strides = array<i32>} : memref<128x16xf32, #tpu.memory_space<vmem>>, vector<16xf32>,
      %broadcast_in_dim3A_744 = arith.constant 66 : i32
      %broadcast_in_dim3A_745 = vector.broadcast %broadcast_in_dim3A_744 : i32 to vector<16xi32>
      %gather3A_746 = tpu.vector_load_idx %arg6[%broadcast_in_dim3A, %broadcast_in_dim3A_745] : memref<40x128xi32, #tpu.memory_space<vmem>>[vector<16xi32>, vector<16xi32>], vector<16xi32>,
      %mul3A_747 = arith.constant 10000 : i32
      %mul3A_748 = vector.broadcast %mul3A_747 : i32 to vector<16xi32>
      %mul3A_749 = arith.muli %iota3A, %mul3A_748 : vector<16xi32>
      %add3A_750 = arith.addi %mul3A_749, %gather3A_746 : vector<16xi32>
      tpu.vector_store_idx %arg8[%add3A_750], %get3A_743 masked %lt3A_2 {add = true} : memref<90112xf32, #tpu.memory_space<vmem>>[vector<16xi32>], vector<16xf32>, vector<16xi1>
      %get3A_751 = arith.constant 67 : i32
      %get3A_752 = arith.index_cast %get3A_751 : i32 to index
      %get3A_753 = arith.constant 0 : index
      %get3A_754 = tpu.vector_load %arg7[%get3A_752, %get3A_753] {strides = array<i32>} : memref<128x16xf32, #tpu.memory_space<vmem>>, vector<16xf32>,
      %broadcast_in_dim3A_755 = arith.constant 67 : i32
      %broadcast_in_dim3A_756 = vector.broadcast %broadcast_in_dim3A_755 : i32 to vector<16xi32>
      %gather3A_757 = tpu.vector_load_idx %arg6[%broadcast_in_dim3A, %broadcast_in_dim3A_756] : memref<40x128xi32, #tpu.memory_space<vmem>>[vector<16xi32>, vector<16xi32>], vector<16xi32>,
      %mul3A_758 = arith.constant 10000 : i32
      %mul3A_759 = vector.broadcast %mul3A_758 : i32 to vector<16xi32>
      %mul3A_760 = arith.muli %iota3A, %mul3A_759 : vector<16xi32>
      %add3A_761 = arith.addi %mul3A_760, %gather3A_757 : vector<16xi32>
      tpu.vector_store_idx %arg8[%add3A_761], %get3A_754 masked %lt3A_2 {add = true} : memref<90112xf32, #tpu.memory_space<vmem>>[vector<16xi32>], vector<16xf32>, vector<16xi1>
      %get3A_762 = arith.constant 68 : i32
      %get3A_763 = arith.index_cast %get3A_762 : i32 to index
      %get3A_764 = arith.constant 0 : index
      %get3A_765 = tpu.vector_load %arg7[%get3A_763, %get3A_764] {strides = array<i32>} : memref<128x16xf32, #tpu.memory_space<vmem>>, vector<16xf32>,
      %broadcast_in_dim3A_766 = arith.constant 68 : i32
      %broadcast_in_dim3A_767 = vector.broadcast %broadcast_in_dim3A_766 : i32 to vector<16xi32>
      %gather3A_768 = tpu.vector_load_idx %arg6[%broadcast_in_dim3A, %broadcast_in_dim3A_767] : memref<40x128xi32, #tpu.memory_space<vmem>>[vector<16xi32>, vector<16xi32>], vector<16xi32>,
      %mul3A_769 = arith.constant 10000 : i32
      %mul3A_770 = vector.broadcast %mul3A_769 : i32 to vector<16xi32>
      %mul3A_771 = arith.muli %iota3A, %mul3A_770 : vector<16xi32>
      %add3A_772 = arith.addi %mul3A_771, %gather3A_768 : vector<16xi32>
      tpu.vector_store_idx %arg8[%add3A_772], %get3A_765 masked %lt3A_2 {add = true} : memref<90112xf32, #tpu.memory_space<vmem>>[vector<16xi32>], vector<16xf32>, vector<16xi1>
      %get3A_773 = arith.constant 69 : i32
      %get3A_774 = arith.index_cast %get3A_773 : i32 to index
      %get3A_775 = arith.constant 0 : index
      %get3A_776 = tpu.vector_load %arg7[%get3A_774, %get3A_775] {strides = array<i32>} : memref<128x16xf32, #tpu.memory_space<vmem>>, vector<16xf32>,
      %broadcast_in_dim3A_777 = arith.constant 69 : i32
      %broadcast_in_dim3A_778 = vector.broadcast %broadcast_in_dim3A_777 : i32 to vector<16xi32>
      %gather3A_779 = tpu.vector_load_idx %arg6[%broadcast_in_dim3A, %broadcast_in_dim3A_778] : memref<40x128xi32, #tpu.memory_space<vmem>>[vector<16xi32>, vector<16xi32>], vector<16xi32>,
      %mul3A_780 = arith.constant 10000 : i32
      %mul3A_781 = vector.broadcast %mul3A_780 : i32 to vector<16xi32>
      %mul3A_782 = arith.muli %iota3A, %mul3A_781 : vector<16xi32>
      %add3A_783 = arith.addi %mul3A_782, %gather3A_779 : vector<16xi32>
      tpu.vector_store_idx %arg8[%add3A_783], %get3A_776 masked %lt3A_2 {add = true} : memref<90112xf32, #tpu.memory_space<vmem>>[vector<16xi32>], vector<16xf32>, vector<16xi1>
      %get3A_784 = arith.constant 70 : i32
      %get3A_785 = arith.index_cast %get3A_784 : i32 to index
      %get3A_786 = arith.constant 0 : index
      %get3A_787 = tpu.vector_load %arg7[%get3A_785, %get3A_786] {strides = array<i32>} : memref<128x16xf32, #tpu.memory_space<vmem>>, vector<16xf32>,
      %broadcast_in_dim3A_788 = arith.constant 70 : i32
      %broadcast_in_dim3A_789 = vector.broadcast %broadcast_in_dim3A_788 : i32 to vector<16xi32>
      %gather3A_790 = tpu.vector_load_idx %arg6[%broadcast_in_dim3A, %broadcast_in_dim3A_789] : memref<40x128xi32, #tpu.memory_space<vmem>>[vector<16xi32>, vector<16xi32>], vector<16xi32>,
      %mul3A_791 = arith.constant 10000 : i32
      %mul3A_792 = vector.broadcast %mul3A_791 : i32 to vector<16xi32>
      %mul3A_793 = arith.muli %iota3A, %mul3A_792 : vector<16xi32>
      %add3A_794 = arith.addi %mul3A_793, %gather3A_790 : vector<16xi32>
      tpu.vector_store_idx %arg8[%add3A_794], %get3A_787 masked %lt3A_2 {add = true} : memref<90112xf32, #tpu.memory_space<vmem>>[vector<16xi32>], vector<16xf32>, vector<16xi1>
      %get3A_795 = arith.constant 71 : i32
      %get3A_796 = arith.index_cast %get3A_795 : i32 to index
      %get3A_797 = arith.constant 0 : index
      %get3A_798 = tpu.vector_load %arg7[%get3A_796, %get3A_797] {strides = array<i32>} : memref<128x16xf32, #tpu.memory_space<vmem>>, vector<16xf32>,
      %broadcast_in_dim3A_799 = arith.constant 71 : i32
      %broadcast_in_dim3A_800 = vector.broadcast %broadcast_in_dim3A_799 : i32 to vector<16xi32>
      %gather3A_801 = tpu.vector_load_idx %arg6[%broadcast_in_dim3A, %broadcast_in_dim3A_800] : memref<40x128xi32, #tpu.memory_space<vmem>>[vector<16xi32>, vector<16xi32>], vector<16xi32>,
      %mul3A_802 = arith.constant 10000 : i32
      %mul3A_803 = vector.broadcast %mul3A_802 : i32 to vector<16xi32>
      %mul3A_804 = arith.muli %iota3A, %mul3A_803 : vector<16xi32>
      %add3A_805 = arith.addi %mul3A_804, %gather3A_801 : vector<16xi32>
      tpu.vector_store_idx %arg8[%add3A_805], %get3A_798 masked %lt3A_2 {add = true} : memref<90112xf32, #tpu.memory_space<vmem>>[vector<16xi32>], vector<16xf32>, vector<16xi1>
      %get3A_806 = arith.constant 72 : i32
      %get3A_807 = arith.index_cast %get3A_806 : i32 to index
      %get3A_808 = arith.constant 0 : index
      %get3A_809 = tpu.vector_load %arg7[%get3A_807, %get3A_808] {strides = array<i32>} : memref<128x16xf32, #tpu.memory_space<vmem>>, vector<16xf32>,
      %broadcast_in_dim3A_810 = arith.constant 72 : i32
      %broadcast_in_dim3A_811 = vector.broadcast %broadcast_in_dim3A_810 : i32 to vector<16xi32>
      %gather3A_812 = tpu.vector_load_idx %arg6[%broadcast_in_dim3A, %broadcast_in_dim3A_811] : memref<40x128xi32, #tpu.memory_space<vmem>>[vector<16xi32>, vector<16xi32>], vector<16xi32>,
      %mul3A_813 = arith.constant 10000 : i32
      %mul3A_814 = vector.broadcast %mul3A_813 : i32 to vector<16xi32>
      %mul3A_815 = arith.muli %iota3A, %mul3A_814 : vector<16xi32>
      %add3A_816 = arith.addi %mul3A_815, %gather3A_812 : vector<16xi32>
      tpu.vector_store_idx %arg8[%add3A_816], %get3A_809 masked %lt3A_2 {add = true} : memref<90112xf32, #tpu.memory_space<vmem>>[vector<16xi32>], vector<16xf32>, vector<16xi1>
      %get3A_817 = arith.constant 73 : i32
      %get3A_818 = arith.index_cast %get3A_817 : i32 to index
      %get3A_819 = arith.constant 0 : index
      %get3A_820 = tpu.vector_load %arg7[%get3A_818, %get3A_819] {strides = array<i32>} : memref<128x16xf32, #tpu.memory_space<vmem>>, vector<16xf32>,
      %broadcast_in_dim3A_821 = arith.constant 73 : i32
      %broadcast_in_dim3A_822 = vector.broadcast %broadcast_in_dim3A_821 : i32 to vector<16xi32>
      %gather3A_823 = tpu.vector_load_idx %arg6[%broadcast_in_dim3A, %broadcast_in_dim3A_822] : memref<40x128xi32, #tpu.memory_space<vmem>>[vector<16xi32>, vector<16xi32>], vector<16xi32>,
      %mul3A_824 = arith.constant 10000 : i32
      %mul3A_825 = vector.broadcast %mul3A_824 : i32 to vector<16xi32>
      %mul3A_826 = arith.muli %iota3A, %mul3A_825 : vector<16xi32>
      %add3A_827 = arith.addi %mul3A_826, %gather3A_823 : vector<16xi32>
      tpu.vector_store_idx %arg8[%add3A_827], %get3A_820 masked %lt3A_2 {add = true} : memref<90112xf32, #tpu.memory_space<vmem>>[vector<16xi32>], vector<16xf32>, vector<16xi1>
      %get3A_828 = arith.constant 74 : i32
      %get3A_829 = arith.index_cast %get3A_828 : i32 to index
      %get3A_830 = arith.constant 0 : index
      %get3A_831 = tpu.vector_load %arg7[%get3A_829, %get3A_830] {strides = array<i32>} : memref<128x16xf32, #tpu.memory_space<vmem>>, vector<16xf32>,
      %broadcast_in_dim3A_832 = arith.constant 74 : i32
      %broadcast_in_dim3A_833 = vector.broadcast %broadcast_in_dim3A_832 : i32 to vector<16xi32>
      %gather3A_834 = tpu.vector_load_idx %arg6[%broadcast_in_dim3A, %broadcast_in_dim3A_833] : memref<40x128xi32, #tpu.memory_space<vmem>>[vector<16xi32>, vector<16xi32>], vector<16xi32>,
      %mul3A_835 = arith.constant 10000 : i32
      %mul3A_836 = vector.broadcast %mul3A_835 : i32 to vector<16xi32>
      %mul3A_837 = arith.muli %iota3A, %mul3A_836 : vector<16xi32>
      %add3A_838 = arith.addi %mul3A_837, %gather3A_834 : vector<16xi32>
      tpu.vector_store_idx %arg8[%add3A_838], %get3A_831 masked %lt3A_2 {add = true} : memref<90112xf32, #tpu.memory_space<vmem>>[vector<16xi32>], vector<16xf32>, vector<16xi1>
      %get3A_839 = arith.constant 75 : i32
      %get3A_840 = arith.index_cast %get3A_839 : i32 to index
      %get3A_841 = arith.constant 0 : index
      %get3A_842 = tpu.vector_load %arg7[%get3A_840, %get3A_841] {strides = array<i32>} : memref<128x16xf32, #tpu.memory_space<vmem>>, vector<16xf32>,
      %broadcast_in_dim3A_843 = arith.constant 75 : i32
      %broadcast_in_dim3A_844 = vector.broadcast %broadcast_in_dim3A_843 : i32 to vector<16xi32>
      %gather3A_845 = tpu.vector_load_idx %arg6[%broadcast_in_dim3A, %broadcast_in_dim3A_844] : memref<40x128xi32, #tpu.memory_space<vmem>>[vector<16xi32>, vector<16xi32>], vector<16xi32>,
      %mul3A_846 = arith.constant 10000 : i32
      %mul3A_847 = vector.broadcast %mul3A_846 : i32 to vector<16xi32>
      %mul3A_848 = arith.muli %iota3A, %mul3A_847 : vector<16xi32>
      %add3A_849 = arith.addi %mul3A_848, %gather3A_845 : vector<16xi32>
      tpu.vector_store_idx %arg8[%add3A_849], %get3A_842 masked %lt3A_2 {add = true} : memref<90112xf32, #tpu.memory_space<vmem>>[vector<16xi32>], vector<16xf32>, vector<16xi1>
      %get3A_850 = arith.constant 76 : i32
      %get3A_851 = arith.index_cast %get3A_850 : i32 to index
      %get3A_852 = arith.constant 0 : index
      %get3A_853 = tpu.vector_load %arg7[%get3A_851, %get3A_852] {strides = array<i32>} : memref<128x16xf32, #tpu.memory_space<vmem>>, vector<16xf32>,
      %broadcast_in_dim3A_854 = arith.constant 76 : i32
      %broadcast_in_dim3A_855 = vector.broadcast %broadcast_in_dim3A_854 : i32 to vector<16xi32>
      %gather3A_856 = tpu.vector_load_idx %arg6[%broadcast_in_dim3A, %broadcast_in_dim3A_855] : memref<40x128xi32, #tpu.memory_space<vmem>>[vector<16xi32>, vector<16xi32>], vector<16xi32>,
      %mul3A_857 = arith.constant 10000 : i32
      %mul3A_858 = vector.broadcast %mul3A_857 : i32 to vector<16xi32>
      %mul3A_859 = arith.muli %iota3A, %mul3A_858 : vector<16xi32>
      %add3A_860 = arith.addi %mul3A_859, %gather3A_856 : vector<16xi32>
      tpu.vector_store_idx %arg8[%add3A_860], %get3A_853 masked %lt3A_2 {add = true} : memref<90112xf32, #tpu.memory_space<vmem>>[vector<16xi32>], vector<16xf32>, vector<16xi1>
      %get3A_861 = arith.constant 77 : i32
      %get3A_862 = arith.index_cast %get3A_861 : i32 to index
      %get3A_863 = arith.constant 0 : index
      %get3A_864 = tpu.vector_load %arg7[%get3A_862, %get3A_863] {strides = array<i32>} : memref<128x16xf32, #tpu.memory_space<vmem>>, vector<16xf32>,
      %broadcast_in_dim3A_865 = arith.constant 77 : i32
      %broadcast_in_dim3A_866 = vector.broadcast %broadcast_in_dim3A_865 : i32 to vector<16xi32>
      %gather3A_867 = tpu.vector_load_idx %arg6[%broadcast_in_dim3A, %broadcast_in_dim3A_866] : memref<40x128xi32, #tpu.memory_space<vmem>>[vector<16xi32>, vector<16xi32>], vector<16xi32>,
      %mul3A_868 = arith.constant 10000 : i32
      %mul3A_869 = vector.broadcast %mul3A_868 : i32 to vector<16xi32>
      %mul3A_870 = arith.muli %iota3A, %mul3A_869 : vector<16xi32>
      %add3A_871 = arith.addi %mul3A_870, %gather3A_867 : vector<16xi32>
      tpu.vector_store_idx %arg8[%add3A_871], %get3A_864 masked %lt3A_2 {add = true} : memref<90112xf32, #tpu.memory_space<vmem>>[vector<16xi32>], vector<16xf32>, vector<16xi1>
      %get3A_872 = arith.constant 78 : i32
      %get3A_873 = arith.index_cast %get3A_872 : i32 to index
      %get3A_874 = arith.constant 0 : index
      %get3A_875 = tpu.vector_load %arg7[%get3A_873, %get3A_874] {strides = array<i32>} : memref<128x16xf32, #tpu.memory_space<vmem>>, vector<16xf32>,
      %broadcast_in_dim3A_876 = arith.constant 78 : i32
      %broadcast_in_dim3A_877 = vector.broadcast %broadcast_in_dim3A_876 : i32 to vector<16xi32>
      %gather3A_878 = tpu.vector_load_idx %arg6[%broadcast_in_dim3A, %broadcast_in_dim3A_877] : memref<40x128xi32, #tpu.memory_space<vmem>>[vector<16xi32>, vector<16xi32>], vector<16xi32>,
      %mul3A_879 = arith.constant 10000 : i32
      %mul3A_880 = vector.broadcast %mul3A_879 : i32 to vector<16xi32>
      %mul3A_881 = arith.muli %iota3A, %mul3A_880 : vector<16xi32>
      %add3A_882 = arith.addi %mul3A_881, %gather3A_878 : vector<16xi32>
      tpu.vector_store_idx %arg8[%add3A_882], %get3A_875 masked %lt3A_2 {add = true} : memref<90112xf32, #tpu.memory_space<vmem>>[vector<16xi32>], vector<16xf32>, vector<16xi1>
      %get3A_883 = arith.constant 79 : i32
      %get3A_884 = arith.index_cast %get3A_883 : i32 to index
      %get3A_885 = arith.constant 0 : index
      %get3A_886 = tpu.vector_load %arg7[%get3A_884, %get3A_885] {strides = array<i32>} : memref<128x16xf32, #tpu.memory_space<vmem>>, vector<16xf32>,
      %broadcast_in_dim3A_887 = arith.constant 79 : i32
      %broadcast_in_dim3A_888 = vector.broadcast %broadcast_in_dim3A_887 : i32 to vector<16xi32>
      %gather3A_889 = tpu.vector_load_idx %arg6[%broadcast_in_dim3A, %broadcast_in_dim3A_888] : memref<40x128xi32, #tpu.memory_space<vmem>>[vector<16xi32>, vector<16xi32>], vector<16xi32>,
      %mul3A_890 = arith.constant 10000 : i32
      %mul3A_891 = vector.broadcast %mul3A_890 : i32 to vector<16xi32>
      %mul3A_892 = arith.muli %iota3A, %mul3A_891 : vector<16xi32>
      %add3A_893 = arith.addi %mul3A_892, %gather3A_889 : vector<16xi32>
      tpu.vector_store_idx %arg8[%add3A_893], %get3A_886 masked %lt3A_2 {add = true} : memref<90112xf32, #tpu.memory_space<vmem>>[vector<16xi32>], vector<16xf32>, vector<16xi1>
      %get3A_894 = arith.constant 80 : i32
      %get3A_895 = arith.index_cast %get3A_894 : i32 to index
      %get3A_896 = arith.constant 0 : index
      %get3A_897 = tpu.vector_load %arg7[%get3A_895, %get3A_896] {strides = array<i32>} : memref<128x16xf32, #tpu.memory_space<vmem>>, vector<16xf32>,
      %broadcast_in_dim3A_898 = arith.constant 80 : i32
      %broadcast_in_dim3A_899 = vector.broadcast %broadcast_in_dim3A_898 : i32 to vector<16xi32>
      %gather3A_900 = tpu.vector_load_idx %arg6[%broadcast_in_dim3A, %broadcast_in_dim3A_899] : memref<40x128xi32, #tpu.memory_space<vmem>>[vector<16xi32>, vector<16xi32>], vector<16xi32>,
      %mul3A_901 = arith.constant 10000 : i32
      %mul3A_902 = vector.broadcast %mul3A_901 : i32 to vector<16xi32>
      %mul3A_903 = arith.muli %iota3A, %mul3A_902 : vector<16xi32>
      %add3A_904 = arith.addi %mul3A_903, %gather3A_900 : vector<16xi32>
      tpu.vector_store_idx %arg8[%add3A_904], %get3A_897 masked %lt3A_2 {add = true} : memref<90112xf32, #tpu.memory_space<vmem>>[vector<16xi32>], vector<16xf32>, vector<16xi1>
      %get3A_905 = arith.constant 81 : i32
      %get3A_906 = arith.index_cast %get3A_905 : i32 to index
      %get3A_907 = arith.constant 0 : index
      %get3A_908 = tpu.vector_load %arg7[%get3A_906, %get3A_907] {strides = array<i32>} : memref<128x16xf32, #tpu.memory_space<vmem>>, vector<16xf32>,
      %broadcast_in_dim3A_909 = arith.constant 81 : i32
      %broadcast_in_dim3A_910 = vector.broadcast %broadcast_in_dim3A_909 : i32 to vector<16xi32>
      %gather3A_911 = tpu.vector_load_idx %arg6[%broadcast_in_dim3A, %broadcast_in_dim3A_910] : memref<40x128xi32, #tpu.memory_space<vmem>>[vector<16xi32>, vector<16xi32>], vector<16xi32>,
      %mul3A_912 = arith.constant 10000 : i32
      %mul3A_913 = vector.broadcast %mul3A_912 : i32 to vector<16xi32>
      %mul3A_914 = arith.muli %iota3A, %mul3A_913 : vector<16xi32>
      %add3A_915 = arith.addi %mul3A_914, %gather3A_911 : vector<16xi32>
      tpu.vector_store_idx %arg8[%add3A_915], %get3A_908 masked %lt3A_2 {add = true} : memref<90112xf32, #tpu.memory_space<vmem>>[vector<16xi32>], vector<16xf32>, vector<16xi1>
      %get3A_916 = arith.constant 82 : i32
      %get3A_917 = arith.index_cast %get3A_916 : i32 to index
      %get3A_918 = arith.constant 0 : index
      %get3A_919 = tpu.vector_load %arg7[%get3A_917, %get3A_918] {strides = array<i32>} : memref<128x16xf32, #tpu.memory_space<vmem>>, vector<16xf32>,
      %broadcast_in_dim3A_920 = arith.constant 82 : i32
      %broadcast_in_dim3A_921 = vector.broadcast %broadcast_in_dim3A_920 : i32 to vector<16xi32>
      %gather3A_922 = tpu.vector_load_idx %arg6[%broadcast_in_dim3A, %broadcast_in_dim3A_921] : memref<40x128xi32, #tpu.memory_space<vmem>>[vector<16xi32>, vector<16xi32>], vector<16xi32>,
      %mul3A_923 = arith.constant 10000 : i32
      %mul3A_924 = vector.broadcast %mul3A_923 : i32 to vector<16xi32>
      %mul3A_925 = arith.muli %iota3A, %mul3A_924 : vector<16xi32>
      %add3A_926 = arith.addi %mul3A_925, %gather3A_922 : vector<16xi32>
      tpu.vector_store_idx %arg8[%add3A_926], %get3A_919 masked %lt3A_2 {add = true} : memref<90112xf32, #tpu.memory_space<vmem>>[vector<16xi32>], vector<16xf32>, vector<16xi1>
      %get3A_927 = arith.constant 83 : i32
      %get3A_928 = arith.index_cast %get3A_927 : i32 to index
      %get3A_929 = arith.constant 0 : index
      %get3A_930 = tpu.vector_load %arg7[%get3A_928, %get3A_929] {strides = array<i32>} : memref<128x16xf32, #tpu.memory_space<vmem>>, vector<16xf32>,
      %broadcast_in_dim3A_931 = arith.constant 83 : i32
      %broadcast_in_dim3A_932 = vector.broadcast %broadcast_in_dim3A_931 : i32 to vector<16xi32>
      %gather3A_933 = tpu.vector_load_idx %arg6[%broadcast_in_dim3A, %broadcast_in_dim3A_932] : memref<40x128xi32, #tpu.memory_space<vmem>>[vector<16xi32>, vector<16xi32>], vector<16xi32>,
      %mul3A_934 = arith.constant 10000 : i32
      %mul3A_935 = vector.broadcast %mul3A_934 : i32 to vector<16xi32>
      %mul3A_936 = arith.muli %iota3A, %mul3A_935 : vector<16xi32>
      %add3A_937 = arith.addi %mul3A_936, %gather3A_933 : vector<16xi32>
      tpu.vector_store_idx %arg8[%add3A_937], %get3A_930 masked %lt3A_2 {add = true} : memref<90112xf32, #tpu.memory_space<vmem>>[vector<16xi32>], vector<16xf32>, vector<16xi1>
      %get3A_938 = arith.constant 84 : i32
      %get3A_939 = arith.index_cast %get3A_938 : i32 to index
      %get3A_940 = arith.constant 0 : index
      %get3A_941 = tpu.vector_load %arg7[%get3A_939, %get3A_940] {strides = array<i32>} : memref<128x16xf32, #tpu.memory_space<vmem>>, vector<16xf32>,
      %broadcast_in_dim3A_942 = arith.constant 84 : i32
      %broadcast_in_dim3A_943 = vector.broadcast %broadcast_in_dim3A_942 : i32 to vector<16xi32>
      %gather3A_944 = tpu.vector_load_idx %arg6[%broadcast_in_dim3A, %broadcast_in_dim3A_943] : memref<40x128xi32, #tpu.memory_space<vmem>>[vector<16xi32>, vector<16xi32>], vector<16xi32>,
      %mul3A_945 = arith.constant 10000 : i32
      %mul3A_946 = vector.broadcast %mul3A_945 : i32 to vector<16xi32>
      %mul3A_947 = arith.muli %iota3A, %mul3A_946 : vector<16xi32>
      %add3A_948 = arith.addi %mul3A_947, %gather3A_944 : vector<16xi32>
      tpu.vector_store_idx %arg8[%add3A_948], %get3A_941 masked %lt3A_2 {add = true} : memref<90112xf32, #tpu.memory_space<vmem>>[vector<16xi32>], vector<16xf32>, vector<16xi1>
      %get3A_949 = arith.constant 85 : i32
      %get3A_950 = arith.index_cast %get3A_949 : i32 to index
      %get3A_951 = arith.constant 0 : index
      %get3A_952 = tpu.vector_load %arg7[%get3A_950, %get3A_951] {strides = array<i32>} : memref<128x16xf32, #tpu.memory_space<vmem>>, vector<16xf32>,
      %broadcast_in_dim3A_953 = arith.constant 85 : i32
      %broadcast_in_dim3A_954 = vector.broadcast %broadcast_in_dim3A_953 : i32 to vector<16xi32>
      %gather3A_955 = tpu.vector_load_idx %arg6[%broadcast_in_dim3A, %broadcast_in_dim3A_954] : memref<40x128xi32, #tpu.memory_space<vmem>>[vector<16xi32>, vector<16xi32>], vector<16xi32>,
      %mul3A_956 = arith.constant 10000 : i32
      %mul3A_957 = vector.broadcast %mul3A_956 : i32 to vector<16xi32>
      %mul3A_958 = arith.muli %iota3A, %mul3A_957 : vector<16xi32>
      %add3A_959 = arith.addi %mul3A_958, %gather3A_955 : vector<16xi32>
      tpu.vector_store_idx %arg8[%add3A_959], %get3A_952 masked %lt3A_2 {add = true} : memref<90112xf32, #tpu.memory_space<vmem>>[vector<16xi32>], vector<16xf32>, vector<16xi1>
      %get3A_960 = arith.constant 86 : i32
      %get3A_961 = arith.index_cast %get3A_960 : i32 to index
      %get3A_962 = arith.constant 0 : index
      %get3A_963 = tpu.vector_load %arg7[%get3A_961, %get3A_962] {strides = array<i32>} : memref<128x16xf32, #tpu.memory_space<vmem>>, vector<16xf32>,
      %broadcast_in_dim3A_964 = arith.constant 86 : i32
      %broadcast_in_dim3A_965 = vector.broadcast %broadcast_in_dim3A_964 : i32 to vector<16xi32>
      %gather3A_966 = tpu.vector_load_idx %arg6[%broadcast_in_dim3A, %broadcast_in_dim3A_965] : memref<40x128xi32, #tpu.memory_space<vmem>>[vector<16xi32>, vector<16xi32>], vector<16xi32>,
      %mul3A_967 = arith.constant 10000 : i32
      %mul3A_968 = vector.broadcast %mul3A_967 : i32 to vector<16xi32>
      %mul3A_969 = arith.muli %iota3A, %mul3A_968 : vector<16xi32>
      %add3A_970 = arith.addi %mul3A_969, %gather3A_966 : vector<16xi32>
      tpu.vector_store_idx %arg8[%add3A_970], %get3A_963 masked %lt3A_2 {add = true} : memref<90112xf32, #tpu.memory_space<vmem>>[vector<16xi32>], vector<16xf32>, vector<16xi1>
      %get3A_971 = arith.constant 87 : i32
      %get3A_972 = arith.index_cast %get3A_971 : i32 to index
      %get3A_973 = arith.constant 0 : index
      %get3A_974 = tpu.vector_load %arg7[%get3A_972, %get3A_973] {strides = array<i32>} : memref<128x16xf32, #tpu.memory_space<vmem>>, vector<16xf32>,
      %broadcast_in_dim3A_975 = arith.constant 87 : i32
      %broadcast_in_dim3A_976 = vector.broadcast %broadcast_in_dim3A_975 : i32 to vector<16xi32>
      %gather3A_977 = tpu.vector_load_idx %arg6[%broadcast_in_dim3A, %broadcast_in_dim3A_976] : memref<40x128xi32, #tpu.memory_space<vmem>>[vector<16xi32>, vector<16xi32>], vector<16xi32>,
      %mul3A_978 = arith.constant 10000 : i32
      %mul3A_979 = vector.broadcast %mul3A_978 : i32 to vector<16xi32>
      %mul3A_980 = arith.muli %iota3A, %mul3A_979 : vector<16xi32>
      %add3A_981 = arith.addi %mul3A_980, %gather3A_977 : vector<16xi32>
      tpu.vector_store_idx %arg8[%add3A_981], %get3A_974 masked %lt3A_2 {add = true} : memref<90112xf32, #tpu.memory_space<vmem>>[vector<16xi32>], vector<16xf32>, vector<16xi1>
      %get3A_982 = arith.constant 88 : i32
      %get3A_983 = arith.index_cast %get3A_982 : i32 to index
      %get3A_984 = arith.constant 0 : index
      %get3A_985 = tpu.vector_load %arg7[%get3A_983, %get3A_984] {strides = array<i32>} : memref<128x16xf32, #tpu.memory_space<vmem>>, vector<16xf32>,
      %broadcast_in_dim3A_986 = arith.constant 88 : i32
      %broadcast_in_dim3A_987 = vector.broadcast %broadcast_in_dim3A_986 : i32 to vector<16xi32>
      %gather3A_988 = tpu.vector_load_idx %arg6[%broadcast_in_dim3A, %broadcast_in_dim3A_987] : memref<40x128xi32, #tpu.memory_space<vmem>>[vector<16xi32>, vector<16xi32>], vector<16xi32>,
      %mul3A_989 = arith.constant 10000 : i32
      %mul3A_990 = vector.broadcast %mul3A_989 : i32 to vector<16xi32>
      %mul3A_991 = arith.muli %iota3A, %mul3A_990 : vector<16xi32>
      %add3A_992 = arith.addi %mul3A_991, %gather3A_988 : vector<16xi32>
      tpu.vector_store_idx %arg8[%add3A_992], %get3A_985 masked %lt3A_2 {add = true} : memref<90112xf32, #tpu.memory_space<vmem>>[vector<16xi32>], vector<16xf32>, vector<16xi1>
      %get3A_993 = arith.constant 89 : i32
      %get3A_994 = arith.index_cast %get3A_993 : i32 to index
      %get3A_995 = arith.constant 0 : index
      %get3A_996 = tpu.vector_load %arg7[%get3A_994, %get3A_995] {strides = array<i32>} : memref<128x16xf32, #tpu.memory_space<vmem>>, vector<16xf32>,
      %broadcast_in_dim3A_997 = arith.constant 89 : i32
      %broadcast_in_dim3A_998 = vector.broadcast %broadcast_in_dim3A_997 : i32 to vector<16xi32>
      %gather3A_999 = tpu.vector_load_idx %arg6[%broadcast_in_dim3A, %broadcast_in_dim3A_998] : memref<40x128xi32, #tpu.memory_space<vmem>>[vector<16xi32>, vector<16xi32>], vector<16xi32>,
      %mul3A_1000 = arith.constant 10000 : i32
      %mul3A_1001 = vector.broadcast %mul3A_1000 : i32 to vector<16xi32>
      %mul3A_1002 = arith.muli %iota3A, %mul3A_1001 : vector<16xi32>
      %add3A_1003 = arith.addi %mul3A_1002, %gather3A_999 : vector<16xi32>
      tpu.vector_store_idx %arg8[%add3A_1003], %get3A_996 masked %lt3A_2 {add = true} : memref<90112xf32, #tpu.memory_space<vmem>>[vector<16xi32>], vector<16xf32>, vector<16xi1>
      %get3A_1004 = arith.constant 90 : i32
      %get3A_1005 = arith.index_cast %get3A_1004 : i32 to index
      %get3A_1006 = arith.constant 0 : index
      %get3A_1007 = tpu.vector_load %arg7[%get3A_1005, %get3A_1006] {strides = array<i32>} : memref<128x16xf32, #tpu.memory_space<vmem>>, vector<16xf32>,
      %broadcast_in_dim3A_1008 = arith.constant 90 : i32
      %broadcast_in_dim3A_1009 = vector.broadcast %broadcast_in_dim3A_1008 : i32 to vector<16xi32>
      %gather3A_1010 = tpu.vector_load_idx %arg6[%broadcast_in_dim3A, %broadcast_in_dim3A_1009] : memref<40x128xi32, #tpu.memory_space<vmem>>[vector<16xi32>, vector<16xi32>], vector<16xi32>,
      %mul3A_1011 = arith.constant 10000 : i32
      %mul3A_1012 = vector.broadcast %mul3A_1011 : i32 to vector<16xi32>
      %mul3A_1013 = arith.muli %iota3A, %mul3A_1012 : vector<16xi32>
      %add3A_1014 = arith.addi %mul3A_1013, %gather3A_1010 : vector<16xi32>
      tpu.vector_store_idx %arg8[%add3A_1014], %get3A_1007 masked %lt3A_2 {add = true} : memref<90112xf32, #tpu.memory_space<vmem>>[vector<16xi32>], vector<16xf32>, vector<16xi1>
      %get3A_1015 = arith.constant 91 : i32
      %get3A_1016 = arith.index_cast %get3A_1015 : i32 to index
      %get3A_1017 = arith.constant 0 : index
      %get3A_1018 = tpu.vector_load %arg7[%get3A_1016, %get3A_1017] {strides = array<i32>} : memref<128x16xf32, #tpu.memory_space<vmem>>, vector<16xf32>,
      %broadcast_in_dim3A_1019 = arith.constant 91 : i32
      %broadcast_in_dim3A_1020 = vector.broadcast %broadcast_in_dim3A_1019 : i32 to vector<16xi32>
      %gather3A_1021 = tpu.vector_load_idx %arg6[%broadcast_in_dim3A, %broadcast_in_dim3A_1020] : memref<40x128xi32, #tpu.memory_space<vmem>>[vector<16xi32>, vector<16xi32>], vector<16xi32>,
      %mul3A_1022 = arith.constant 10000 : i32
      %mul3A_1023 = vector.broadcast %mul3A_1022 : i32 to vector<16xi32>
      %mul3A_1024 = arith.muli %iota3A, %mul3A_1023 : vector<16xi32>
      %add3A_1025 = arith.addi %mul3A_1024, %gather3A_1021 : vector<16xi32>
      tpu.vector_store_idx %arg8[%add3A_1025], %get3A_1018 masked %lt3A_2 {add = true} : memref<90112xf32, #tpu.memory_space<vmem>>[vector<16xi32>], vector<16xf32>, vector<16xi1>
      %get3A_1026 = arith.constant 92 : i32
      %get3A_1027 = arith.index_cast %get3A_1026 : i32 to index
      %get3A_1028 = arith.constant 0 : index
      %get3A_1029 = tpu.vector_load %arg7[%get3A_1027, %get3A_1028] {strides = array<i32>} : memref<128x16xf32, #tpu.memory_space<vmem>>, vector<16xf32>,
      %broadcast_in_dim3A_1030 = arith.constant 92 : i32
      %broadcast_in_dim3A_1031 = vector.broadcast %broadcast_in_dim3A_1030 : i32 to vector<16xi32>
      %gather3A_1032 = tpu.vector_load_idx %arg6[%broadcast_in_dim3A, %broadcast_in_dim3A_1031] : memref<40x128xi32, #tpu.memory_space<vmem>>[vector<16xi32>, vector<16xi32>], vector<16xi32>,
      %mul3A_1033 = arith.constant 10000 : i32
      %mul3A_1034 = vector.broadcast %mul3A_1033 : i32 to vector<16xi32>
      %mul3A_1035 = arith.muli %iota3A, %mul3A_1034 : vector<16xi32>
      %add3A_1036 = arith.addi %mul3A_1035, %gather3A_1032 : vector<16xi32>
      tpu.vector_store_idx %arg8[%add3A_1036], %get3A_1029 masked %lt3A_2 {add = true} : memref<90112xf32, #tpu.memory_space<vmem>>[vector<16xi32>], vector<16xf32>, vector<16xi1>
      %get3A_1037 = arith.constant 93 : i32
      %get3A_1038 = arith.index_cast %get3A_1037 : i32 to index
      %get3A_1039 = arith.constant 0 : index
      %get3A_1040 = tpu.vector_load %arg7[%get3A_1038, %get3A_1039] {strides = array<i32>} : memref<128x16xf32, #tpu.memory_space<vmem>>, vector<16xf32>,
      %broadcast_in_dim3A_1041 = arith.constant 93 : i32
      %broadcast_in_dim3A_1042 = vector.broadcast %broadcast_in_dim3A_1041 : i32 to vector<16xi32>
      %gather3A_1043 = tpu.vector_load_idx %arg6[%broadcast_in_dim3A, %broadcast_in_dim3A_1042] : memref<40x128xi32, #tpu.memory_space<vmem>>[vector<16xi32>, vector<16xi32>], vector<16xi32>,
      %mul3A_1044 = arith.constant 10000 : i32
      %mul3A_1045 = vector.broadcast %mul3A_1044 : i32 to vector<16xi32>
      %mul3A_1046 = arith.muli %iota3A, %mul3A_1045 : vector<16xi32>
      %add3A_1047 = arith.addi %mul3A_1046, %gather3A_1043 : vector<16xi32>
      tpu.vector_store_idx %arg8[%add3A_1047], %get3A_1040 masked %lt3A_2 {add = true} : memref<90112xf32, #tpu.memory_space<vmem>>[vector<16xi32>], vector<16xf32>, vector<16xi1>
      %get3A_1048 = arith.constant 94 : i32
      %get3A_1049 = arith.index_cast %get3A_1048 : i32 to index
      %get3A_1050 = arith.constant 0 : index
      %get3A_1051 = tpu.vector_load %arg7[%get3A_1049, %get3A_1050] {strides = array<i32>} : memref<128x16xf32, #tpu.memory_space<vmem>>, vector<16xf32>,
      %broadcast_in_dim3A_1052 = arith.constant 94 : i32
      %broadcast_in_dim3A_1053 = vector.broadcast %broadcast_in_dim3A_1052 : i32 to vector<16xi32>
      %gather3A_1054 = tpu.vector_load_idx %arg6[%broadcast_in_dim3A, %broadcast_in_dim3A_1053] : memref<40x128xi32, #tpu.memory_space<vmem>>[vector<16xi32>, vector<16xi32>], vector<16xi32>,
      %mul3A_1055 = arith.constant 10000 : i32
      %mul3A_1056 = vector.broadcast %mul3A_1055 : i32 to vector<16xi32>
      %mul3A_1057 = arith.muli %iota3A, %mul3A_1056 : vector<16xi32>
      %add3A_1058 = arith.addi %mul3A_1057, %gather3A_1054 : vector<16xi32>
      tpu.vector_store_idx %arg8[%add3A_1058], %get3A_1051 masked %lt3A_2 {add = true} : memref<90112xf32, #tpu.memory_space<vmem>>[vector<16xi32>], vector<16xf32>, vector<16xi1>
      %get3A_1059 = arith.constant 95 : i32
      %get3A_1060 = arith.index_cast %get3A_1059 : i32 to index
      %get3A_1061 = arith.constant 0 : index
      %get3A_1062 = tpu.vector_load %arg7[%get3A_1060, %get3A_1061] {strides = array<i32>} : memref<128x16xf32, #tpu.memory_space<vmem>>, vector<16xf32>,
      %broadcast_in_dim3A_1063 = arith.constant 95 : i32
      %broadcast_in_dim3A_1064 = vector.broadcast %broadcast_in_dim3A_1063 : i32 to vector<16xi32>
      %gather3A_1065 = tpu.vector_load_idx %arg6[%broadcast_in_dim3A, %broadcast_in_dim3A_1064] : memref<40x128xi32, #tpu.memory_space<vmem>>[vector<16xi32>, vector<16xi32>], vector<16xi32>,
      %mul3A_1066 = arith.constant 10000 : i32
      %mul3A_1067 = vector.broadcast %mul3A_1066 : i32 to vector<16xi32>
      %mul3A_1068 = arith.muli %iota3A, %mul3A_1067 : vector<16xi32>
      %add3A_1069 = arith.addi %mul3A_1068, %gather3A_1065 : vector<16xi32>
      tpu.vector_store_idx %arg8[%add3A_1069], %get3A_1062 masked %lt3A_2 {add = true} : memref<90112xf32, #tpu.memory_space<vmem>>[vector<16xi32>], vector<16xf32>, vector<16xi1>
      %get3A_1070 = arith.constant 96 : i32
      %get3A_1071 = arith.index_cast %get3A_1070 : i32 to index
      %get3A_1072 = arith.constant 0 : index
      %get3A_1073 = tpu.vector_load %arg7[%get3A_1071, %get3A_1072] {strides = array<i32>} : memref<128x16xf32, #tpu.memory_space<vmem>>, vector<16xf32>,
      %broadcast_in_dim3A_1074 = arith.constant 96 : i32
      %broadcast_in_dim3A_1075 = vector.broadcast %broadcast_in_dim3A_1074 : i32 to vector<16xi32>
      %gather3A_1076 = tpu.vector_load_idx %arg6[%broadcast_in_dim3A, %broadcast_in_dim3A_1075] : memref<40x128xi32, #tpu.memory_space<vmem>>[vector<16xi32>, vector<16xi32>], vector<16xi32>,
      %mul3A_1077 = arith.constant 10000 : i32
      %mul3A_1078 = vector.broadcast %mul3A_1077 : i32 to vector<16xi32>
      %mul3A_1079 = arith.muli %iota3A, %mul3A_1078 : vector<16xi32>
      %add3A_1080 = arith.addi %mul3A_1079, %gather3A_1076 : vector<16xi32>
      tpu.vector_store_idx %arg8[%add3A_1080], %get3A_1073 masked %lt3A_2 {add = true} : memref<90112xf32, #tpu.memory_space<vmem>>[vector<16xi32>], vector<16xf32>, vector<16xi1>
      %get3A_1081 = arith.constant 97 : i32
      %get3A_1082 = arith.index_cast %get3A_1081 : i32 to index
      %get3A_1083 = arith.constant 0 : index
      %get3A_1084 = tpu.vector_load %arg7[%get3A_1082, %get3A_1083] {strides = array<i32>} : memref<128x16xf32, #tpu.memory_space<vmem>>, vector<16xf32>,
      %broadcast_in_dim3A_1085 = arith.constant 97 : i32
      %broadcast_in_dim3A_1086 = vector.broadcast %broadcast_in_dim3A_1085 : i32 to vector<16xi32>
      %gather3A_1087 = tpu.vector_load_idx %arg6[%broadcast_in_dim3A, %broadcast_in_dim3A_1086] : memref<40x128xi32, #tpu.memory_space<vmem>>[vector<16xi32>, vector<16xi32>], vector<16xi32>,
      %mul3A_1088 = arith.constant 10000 : i32
      %mul3A_1089 = vector.broadcast %mul3A_1088 : i32 to vector<16xi32>
      %mul3A_1090 = arith.muli %iota3A, %mul3A_1089 : vector<16xi32>
      %add3A_1091 = arith.addi %mul3A_1090, %gather3A_1087 : vector<16xi32>
      tpu.vector_store_idx %arg8[%add3A_1091], %get3A_1084 masked %lt3A_2 {add = true} : memref<90112xf32, #tpu.memory_space<vmem>>[vector<16xi32>], vector<16xf32>, vector<16xi1>
      %get3A_1092 = arith.constant 98 : i32
      %get3A_1093 = arith.index_cast %get3A_1092 : i32 to index
      %get3A_1094 = arith.constant 0 : index
      %get3A_1095 = tpu.vector_load %arg7[%get3A_1093, %get3A_1094] {strides = array<i32>} : memref<128x16xf32, #tpu.memory_space<vmem>>, vector<16xf32>,
      %broadcast_in_dim3A_1096 = arith.constant 98 : i32
      %broadcast_in_dim3A_1097 = vector.broadcast %broadcast_in_dim3A_1096 : i32 to vector<16xi32>
      %gather3A_1098 = tpu.vector_load_idx %arg6[%broadcast_in_dim3A, %broadcast_in_dim3A_1097] : memref<40x128xi32, #tpu.memory_space<vmem>>[vector<16xi32>, vector<16xi32>], vector<16xi32>,
      %mul3A_1099 = arith.constant 10000 : i32
      %mul3A_1100 = vector.broadcast %mul3A_1099 : i32 to vector<16xi32>
      %mul3A_1101 = arith.muli %iota3A, %mul3A_1100 : vector<16xi32>
      %add3A_1102 = arith.addi %mul3A_1101, %gather3A_1098 : vector<16xi32>
      tpu.vector_store_idx %arg8[%add3A_1102], %get3A_1095 masked %lt3A_2 {add = true} : memref<90112xf32, #tpu.memory_space<vmem>>[vector<16xi32>], vector<16xf32>, vector<16xi1>
      %get3A_1103 = arith.constant 99 : i32
      %get3A_1104 = arith.index_cast %get3A_1103 : i32 to index
      %get3A_1105 = arith.constant 0 : index
      %get3A_1106 = tpu.vector_load %arg7[%get3A_1104, %get3A_1105] {strides = array<i32>} : memref<128x16xf32, #tpu.memory_space<vmem>>, vector<16xf32>,
      %broadcast_in_dim3A_1107 = arith.constant 99 : i32
      %broadcast_in_dim3A_1108 = vector.broadcast %broadcast_in_dim3A_1107 : i32 to vector<16xi32>
      %gather3A_1109 = tpu.vector_load_idx %arg6[%broadcast_in_dim3A, %broadcast_in_dim3A_1108] : memref<40x128xi32, #tpu.memory_space<vmem>>[vector<16xi32>, vector<16xi32>], vector<16xi32>,
      %mul3A_1110 = arith.constant 10000 : i32
      %mul3A_1111 = vector.broadcast %mul3A_1110 : i32 to vector<16xi32>
      %mul3A_1112 = arith.muli %iota3A, %mul3A_1111 : vector<16xi32>
      %add3A_1113 = arith.addi %mul3A_1112, %gather3A_1109 : vector<16xi32>
      tpu.vector_store_idx %arg8[%add3A_1113], %get3A_1106 masked %lt3A_2 {add = true} : memref<90112xf32, #tpu.memory_space<vmem>>[vector<16xi32>], vector<16xf32>, vector<16xi1>
      %get3A_1114 = arith.constant 100 : i32
      %get3A_1115 = arith.index_cast %get3A_1114 : i32 to index
      %get3A_1116 = arith.constant 0 : index
      %get3A_1117 = tpu.vector_load %arg7[%get3A_1115, %get3A_1116] {strides = array<i32>} : memref<128x16xf32, #tpu.memory_space<vmem>>, vector<16xf32>,
      %broadcast_in_dim3A_1118 = arith.constant 100 : i32
      %broadcast_in_dim3A_1119 = vector.broadcast %broadcast_in_dim3A_1118 : i32 to vector<16xi32>
      %gather3A_1120 = tpu.vector_load_idx %arg6[%broadcast_in_dim3A, %broadcast_in_dim3A_1119] : memref<40x128xi32, #tpu.memory_space<vmem>>[vector<16xi32>, vector<16xi32>], vector<16xi32>,
      %mul3A_1121 = arith.constant 10000 : i32
      %mul3A_1122 = vector.broadcast %mul3A_1121 : i32 to vector<16xi32>
      %mul3A_1123 = arith.muli %iota3A, %mul3A_1122 : vector<16xi32>
      %add3A_1124 = arith.addi %mul3A_1123, %gather3A_1120 : vector<16xi32>
      tpu.vector_store_idx %arg8[%add3A_1124], %get3A_1117 masked %lt3A_2 {add = true} : memref<90112xf32, #tpu.memory_space<vmem>>[vector<16xi32>], vector<16xf32>, vector<16xi1>
      %get3A_1125 = arith.constant 101 : i32
      %get3A_1126 = arith.index_cast %get3A_1125 : i32 to index
      %get3A_1127 = arith.constant 0 : index
      %get3A_1128 = tpu.vector_load %arg7[%get3A_1126, %get3A_1127] {strides = array<i32>} : memref<128x16xf32, #tpu.memory_space<vmem>>, vector<16xf32>,
      %broadcast_in_dim3A_1129 = arith.constant 101 : i32
      %broadcast_in_dim3A_1130 = vector.broadcast %broadcast_in_dim3A_1129 : i32 to vector<16xi32>
      %gather3A_1131 = tpu.vector_load_idx %arg6[%broadcast_in_dim3A, %broadcast_in_dim3A_1130] : memref<40x128xi32, #tpu.memory_space<vmem>>[vector<16xi32>, vector<16xi32>], vector<16xi32>,
      %mul3A_1132 = arith.constant 10000 : i32
      %mul3A_1133 = vector.broadcast %mul3A_1132 : i32 to vector<16xi32>
      %mul3A_1134 = arith.muli %iota3A, %mul3A_1133 : vector<16xi32>
      %add3A_1135 = arith.addi %mul3A_1134, %gather3A_1131 : vector<16xi32>
      tpu.vector_store_idx %arg8[%add3A_1135], %get3A_1128 masked %lt3A_2 {add = true} : memref<90112xf32, #tpu.memory_space<vmem>>[vector<16xi32>], vector<16xf32>, vector<16xi1>
      %get3A_1136 = arith.constant 102 : i32
      %get3A_1137 = arith.index_cast %get3A_1136 : i32 to index
      %get3A_1138 = arith.constant 0 : index
      %get3A_1139 = tpu.vector_load %arg7[%get3A_1137, %get3A_1138] {strides = array<i32>} : memref<128x16xf32, #tpu.memory_space<vmem>>, vector<16xf32>,
      %broadcast_in_dim3A_1140 = arith.constant 102 : i32
      %broadcast_in_dim3A_1141 = vector.broadcast %broadcast_in_dim3A_1140 : i32 to vector<16xi32>
      %gather3A_1142 = tpu.vector_load_idx %arg6[%broadcast_in_dim3A, %broadcast_in_dim3A_1141] : memref<40x128xi32, #tpu.memory_space<vmem>>[vector<16xi32>, vector<16xi32>], vector<16xi32>,
      %mul3A_1143 = arith.constant 10000 : i32
      %mul3A_1144 = vector.broadcast %mul3A_1143 : i32 to vector<16xi32>
      %mul3A_1145 = arith.muli %iota3A, %mul3A_1144 : vector<16xi32>
      %add3A_1146 = arith.addi %mul3A_1145, %gather3A_1142 : vector<16xi32>
      tpu.vector_store_idx %arg8[%add3A_1146], %get3A_1139 masked %lt3A_2 {add = true} : memref<90112xf32, #tpu.memory_space<vmem>>[vector<16xi32>], vector<16xf32>, vector<16xi1>
      %get3A_1147 = arith.constant 103 : i32
      %get3A_1148 = arith.index_cast %get3A_1147 : i32 to index
      %get3A_1149 = arith.constant 0 : index
      %get3A_1150 = tpu.vector_load %arg7[%get3A_1148, %get3A_1149] {strides = array<i32>} : memref<128x16xf32, #tpu.memory_space<vmem>>, vector<16xf32>,
      %broadcast_in_dim3A_1151 = arith.constant 103 : i32
      %broadcast_in_dim3A_1152 = vector.broadcast %broadcast_in_dim3A_1151 : i32 to vector<16xi32>
      %gather3A_1153 = tpu.vector_load_idx %arg6[%broadcast_in_dim3A, %broadcast_in_dim3A_1152] : memref<40x128xi32, #tpu.memory_space<vmem>>[vector<16xi32>, vector<16xi32>], vector<16xi32>,
      %mul3A_1154 = arith.constant 10000 : i32
      %mul3A_1155 = vector.broadcast %mul3A_1154 : i32 to vector<16xi32>
      %mul3A_1156 = arith.muli %iota3A, %mul3A_1155 : vector<16xi32>
      %add3A_1157 = arith.addi %mul3A_1156, %gather3A_1153 : vector<16xi32>
      tpu.vector_store_idx %arg8[%add3A_1157], %get3A_1150 masked %lt3A_2 {add = true} : memref<90112xf32, #tpu.memory_space<vmem>>[vector<16xi32>], vector<16xf32>, vector<16xi1>
      %get3A_1158 = arith.constant 104 : i32
      %get3A_1159 = arith.index_cast %get3A_1158 : i32 to index
      %get3A_1160 = arith.constant 0 : index
      %get3A_1161 = tpu.vector_load %arg7[%get3A_1159, %get3A_1160] {strides = array<i32>} : memref<128x16xf32, #tpu.memory_space<vmem>>, vector<16xf32>,
      %broadcast_in_dim3A_1162 = arith.constant 104 : i32
      %broadcast_in_dim3A_1163 = vector.broadcast %broadcast_in_dim3A_1162 : i32 to vector<16xi32>
      %gather3A_1164 = tpu.vector_load_idx %arg6[%broadcast_in_dim3A, %broadcast_in_dim3A_1163] : memref<40x128xi32, #tpu.memory_space<vmem>>[vector<16xi32>, vector<16xi32>], vector<16xi32>,
      %mul3A_1165 = arith.constant 10000 : i32
      %mul3A_1166 = vector.broadcast %mul3A_1165 : i32 to vector<16xi32>
      %mul3A_1167 = arith.muli %iota3A, %mul3A_1166 : vector<16xi32>
      %add3A_1168 = arith.addi %mul3A_1167, %gather3A_1164 : vector<16xi32>
      tpu.vector_store_idx %arg8[%add3A_1168], %get3A_1161 masked %lt3A_2 {add = true} : memref<90112xf32, #tpu.memory_space<vmem>>[vector<16xi32>], vector<16xf32>, vector<16xi1>
      %get3A_1169 = arith.constant 105 : i32
      %get3A_1170 = arith.index_cast %get3A_1169 : i32 to index
      %get3A_1171 = arith.constant 0 : index
      %get3A_1172 = tpu.vector_load %arg7[%get3A_1170, %get3A_1171] {strides = array<i32>} : memref<128x16xf32, #tpu.memory_space<vmem>>, vector<16xf32>,
      %broadcast_in_dim3A_1173 = arith.constant 105 : i32
      %broadcast_in_dim3A_1174 = vector.broadcast %broadcast_in_dim3A_1173 : i32 to vector<16xi32>
      %gather3A_1175 = tpu.vector_load_idx %arg6[%broadcast_in_dim3A, %broadcast_in_dim3A_1174] : memref<40x128xi32, #tpu.memory_space<vmem>>[vector<16xi32>, vector<16xi32>], vector<16xi32>,
      %mul3A_1176 = arith.constant 10000 : i32
      %mul3A_1177 = vector.broadcast %mul3A_1176 : i32 to vector<16xi32>
      %mul3A_1178 = arith.muli %iota3A, %mul3A_1177 : vector<16xi32>
      %add3A_1179 = arith.addi %mul3A_1178, %gather3A_1175 : vector<16xi32>
      tpu.vector_store_idx %arg8[%add3A_1179], %get3A_1172 masked %lt3A_2 {add = true} : memref<90112xf32, #tpu.memory_space<vmem>>[vector<16xi32>], vector<16xf32>, vector<16xi1>
      %get3A_1180 = arith.constant 106 : i32
      %get3A_1181 = arith.index_cast %get3A_1180 : i32 to index
      %get3A_1182 = arith.constant 0 : index
      %get3A_1183 = tpu.vector_load %arg7[%get3A_1181, %get3A_1182] {strides = array<i32>} : memref<128x16xf32, #tpu.memory_space<vmem>>, vector<16xf32>,
      %broadcast_in_dim3A_1184 = arith.constant 106 : i32
      %broadcast_in_dim3A_1185 = vector.broadcast %broadcast_in_dim3A_1184 : i32 to vector<16xi32>
      %gather3A_1186 = tpu.vector_load_idx %arg6[%broadcast_in_dim3A, %broadcast_in_dim3A_1185] : memref<40x128xi32, #tpu.memory_space<vmem>>[vector<16xi32>, vector<16xi32>], vector<16xi32>,
      %mul3A_1187 = arith.constant 10000 : i32
      %mul3A_1188 = vector.broadcast %mul3A_1187 : i32 to vector<16xi32>
      %mul3A_1189 = arith.muli %iota3A, %mul3A_1188 : vector<16xi32>
      %add3A_1190 = arith.addi %mul3A_1189, %gather3A_1186 : vector<16xi32>
      tpu.vector_store_idx %arg8[%add3A_1190], %get3A_1183 masked %lt3A_2 {add = true} : memref<90112xf32, #tpu.memory_space<vmem>>[vector<16xi32>], vector<16xf32>, vector<16xi1>
      %get3A_1191 = arith.constant 107 : i32
      %get3A_1192 = arith.index_cast %get3A_1191 : i32 to index
      %get3A_1193 = arith.constant 0 : index
      %get3A_1194 = tpu.vector_load %arg7[%get3A_1192, %get3A_1193] {strides = array<i32>} : memref<128x16xf32, #tpu.memory_space<vmem>>, vector<16xf32>,
      %broadcast_in_dim3A_1195 = arith.constant 107 : i32
      %broadcast_in_dim3A_1196 = vector.broadcast %broadcast_in_dim3A_1195 : i32 to vector<16xi32>
      %gather3A_1197 = tpu.vector_load_idx %arg6[%broadcast_in_dim3A, %broadcast_in_dim3A_1196] : memref<40x128xi32, #tpu.memory_space<vmem>>[vector<16xi32>, vector<16xi32>], vector<16xi32>,
      %mul3A_1198 = arith.constant 10000 : i32
      %mul3A_1199 = vector.broadcast %mul3A_1198 : i32 to vector<16xi32>
      %mul3A_1200 = arith.muli %iota3A, %mul3A_1199 : vector<16xi32>
      %add3A_1201 = arith.addi %mul3A_1200, %gather3A_1197 : vector<16xi32>
      tpu.vector_store_idx %arg8[%add3A_1201], %get3A_1194 masked %lt3A_2 {add = true} : memref<90112xf32, #tpu.memory_space<vmem>>[vector<16xi32>], vector<16xf32>, vector<16xi1>
      %get3A_1202 = arith.constant 108 : i32
      %get3A_1203 = arith.index_cast %get3A_1202 : i32 to index
      %get3A_1204 = arith.constant 0 : index
      %get3A_1205 = tpu.vector_load %arg7[%get3A_1203, %get3A_1204] {strides = array<i32>} : memref<128x16xf32, #tpu.memory_space<vmem>>, vector<16xf32>,
      %broadcast_in_dim3A_1206 = arith.constant 108 : i32
      %broadcast_in_dim3A_1207 = vector.broadcast %broadcast_in_dim3A_1206 : i32 to vector<16xi32>
      %gather3A_1208 = tpu.vector_load_idx %arg6[%broadcast_in_dim3A, %broadcast_in_dim3A_1207] : memref<40x128xi32, #tpu.memory_space<vmem>>[vector<16xi32>, vector<16xi32>], vector<16xi32>,
      %mul3A_1209 = arith.constant 10000 : i32
      %mul3A_1210 = vector.broadcast %mul3A_1209 : i32 to vector<16xi32>
      %mul3A_1211 = arith.muli %iota3A, %mul3A_1210 : vector<16xi32>
      %add3A_1212 = arith.addi %mul3A_1211, %gather3A_1208 : vector<16xi32>
      tpu.vector_store_idx %arg8[%add3A_1212], %get3A_1205 masked %lt3A_2 {add = true} : memref<90112xf32, #tpu.memory_space<vmem>>[vector<16xi32>], vector<16xf32>, vector<16xi1>
      %get3A_1213 = arith.constant 109 : i32
      %get3A_1214 = arith.index_cast %get3A_1213 : i32 to index
      %get3A_1215 = arith.constant 0 : index
      %get3A_1216 = tpu.vector_load %arg7[%get3A_1214, %get3A_1215] {strides = array<i32>} : memref<128x16xf32, #tpu.memory_space<vmem>>, vector<16xf32>,
      %broadcast_in_dim3A_1217 = arith.constant 109 : i32
      %broadcast_in_dim3A_1218 = vector.broadcast %broadcast_in_dim3A_1217 : i32 to vector<16xi32>
      %gather3A_1219 = tpu.vector_load_idx %arg6[%broadcast_in_dim3A, %broadcast_in_dim3A_1218] : memref<40x128xi32, #tpu.memory_space<vmem>>[vector<16xi32>, vector<16xi32>], vector<16xi32>,
      %mul3A_1220 = arith.constant 10000 : i32
      %mul3A_1221 = vector.broadcast %mul3A_1220 : i32 to vector<16xi32>
      %mul3A_1222 = arith.muli %iota3A, %mul3A_1221 : vector<16xi32>
      %add3A_1223 = arith.addi %mul3A_1222, %gather3A_1219 : vector<16xi32>
      tpu.vector_store_idx %arg8[%add3A_1223], %get3A_1216 masked %lt3A_2 {add = true} : memref<90112xf32, #tpu.memory_space<vmem>>[vector<16xi32>], vector<16xf32>, vector<16xi1>
      %get3A_1224 = arith.constant 110 : i32
      %get3A_1225 = arith.index_cast %get3A_1224 : i32 to index
      %get3A_1226 = arith.constant 0 : index
      %get3A_1227 = tpu.vector_load %arg7[%get3A_1225, %get3A_1226] {strides = array<i32>} : memref<128x16xf32, #tpu.memory_space<vmem>>, vector<16xf32>,
      %broadcast_in_dim3A_1228 = arith.constant 110 : i32
      %broadcast_in_dim3A_1229 = vector.broadcast %broadcast_in_dim3A_1228 : i32 to vector<16xi32>
      %gather3A_1230 = tpu.vector_load_idx %arg6[%broadcast_in_dim3A, %broadcast_in_dim3A_1229] : memref<40x128xi32, #tpu.memory_space<vmem>>[vector<16xi32>, vector<16xi32>], vector<16xi32>,
      %mul3A_1231 = arith.constant 10000 : i32
      %mul3A_1232 = vector.broadcast %mul3A_1231 : i32 to vector<16xi32>
      %mul3A_1233 = arith.muli %iota3A, %mul3A_1232 : vector<16xi32>
      %add3A_1234 = arith.addi %mul3A_1233, %gather3A_1230 : vector<16xi32>
      tpu.vector_store_idx %arg8[%add3A_1234], %get3A_1227 masked %lt3A_2 {add = true} : memref<90112xf32, #tpu.memory_space<vmem>>[vector<16xi32>], vector<16xf32>, vector<16xi1>
      %get3A_1235 = arith.constant 111 : i32
      %get3A_1236 = arith.index_cast %get3A_1235 : i32 to index
      %get3A_1237 = arith.constant 0 : index
      %get3A_1238 = tpu.vector_load %arg7[%get3A_1236, %get3A_1237] {strides = array<i32>} : memref<128x16xf32, #tpu.memory_space<vmem>>, vector<16xf32>,
      %broadcast_in_dim3A_1239 = arith.constant 111 : i32
      %broadcast_in_dim3A_1240 = vector.broadcast %broadcast_in_dim3A_1239 : i32 to vector<16xi32>
      %gather3A_1241 = tpu.vector_load_idx %arg6[%broadcast_in_dim3A, %broadcast_in_dim3A_1240] : memref<40x128xi32, #tpu.memory_space<vmem>>[vector<16xi32>, vector<16xi32>], vector<16xi32>,
      %mul3A_1242 = arith.constant 10000 : i32
      %mul3A_1243 = vector.broadcast %mul3A_1242 : i32 to vector<16xi32>
      %mul3A_1244 = arith.muli %iota3A, %mul3A_1243 : vector<16xi32>
      %add3A_1245 = arith.addi %mul3A_1244, %gather3A_1241 : vector<16xi32>
      tpu.vector_store_idx %arg8[%add3A_1245], %get3A_1238 masked %lt3A_2 {add = true} : memref<90112xf32, #tpu.memory_space<vmem>>[vector<16xi32>], vector<16xf32>, vector<16xi1>
      %get3A_1246 = arith.constant 112 : i32
      %get3A_1247 = arith.index_cast %get3A_1246 : i32 to index
      %get3A_1248 = arith.constant 0 : index
      %get3A_1249 = tpu.vector_load %arg7[%get3A_1247, %get3A_1248] {strides = array<i32>} : memref<128x16xf32, #tpu.memory_space<vmem>>, vector<16xf32>,
      %broadcast_in_dim3A_1250 = arith.constant 112 : i32
      %broadcast_in_dim3A_1251 = vector.broadcast %broadcast_in_dim3A_1250 : i32 to vector<16xi32>
      %gather3A_1252 = tpu.vector_load_idx %arg6[%broadcast_in_dim3A, %broadcast_in_dim3A_1251] : memref<40x128xi32, #tpu.memory_space<vmem>>[vector<16xi32>, vector<16xi32>], vector<16xi32>,
      %mul3A_1253 = arith.constant 10000 : i32
      %mul3A_1254 = vector.broadcast %mul3A_1253 : i32 to vector<16xi32>
      %mul3A_1255 = arith.muli %iota3A, %mul3A_1254 : vector<16xi32>
      %add3A_1256 = arith.addi %mul3A_1255, %gather3A_1252 : vector<16xi32>
      tpu.vector_store_idx %arg8[%add3A_1256], %get3A_1249 masked %lt3A_2 {add = true} : memref<90112xf32, #tpu.memory_space<vmem>>[vector<16xi32>], vector<16xf32>, vector<16xi1>
      %get3A_1257 = arith.constant 113 : i32
      %get3A_1258 = arith.index_cast %get3A_1257 : i32 to index
      %get3A_1259 = arith.constant 0 : index
      %get3A_1260 = tpu.vector_load %arg7[%get3A_1258, %get3A_1259] {strides = array<i32>} : memref<128x16xf32, #tpu.memory_space<vmem>>, vector<16xf32>,
      %broadcast_in_dim3A_1261 = arith.constant 113 : i32
      %broadcast_in_dim3A_1262 = vector.broadcast %broadcast_in_dim3A_1261 : i32 to vector<16xi32>
      %gather3A_1263 = tpu.vector_load_idx %arg6[%broadcast_in_dim3A, %broadcast_in_dim3A_1262] : memref<40x128xi32, #tpu.memory_space<vmem>>[vector<16xi32>, vector<16xi32>], vector<16xi32>,
      %mul3A_1264 = arith.constant 10000 : i32
      %mul3A_1265 = vector.broadcast %mul3A_1264 : i32 to vector<16xi32>
      %mul3A_1266 = arith.muli %iota3A, %mul3A_1265 : vector<16xi32>
      %add3A_1267 = arith.addi %mul3A_1266, %gather3A_1263 : vector<16xi32>
      tpu.vector_store_idx %arg8[%add3A_1267], %get3A_1260 masked %lt3A_2 {add = true} : memref<90112xf32, #tpu.memory_space<vmem>>[vector<16xi32>], vector<16xf32>, vector<16xi1>
      %get3A_1268 = arith.constant 114 : i32
      %get3A_1269 = arith.index_cast %get3A_1268 : i32 to index
      %get3A_1270 = arith.constant 0 : index
      %get3A_1271 = tpu.vector_load %arg7[%get3A_1269, %get3A_1270] {strides = array<i32>} : memref<128x16xf32, #tpu.memory_space<vmem>>, vector<16xf32>,
      %broadcast_in_dim3A_1272 = arith.constant 114 : i32
      %broadcast_in_dim3A_1273 = vector.broadcast %broadcast_in_dim3A_1272 : i32 to vector<16xi32>
      %gather3A_1274 = tpu.vector_load_idx %arg6[%broadcast_in_dim3A, %broadcast_in_dim3A_1273] : memref<40x128xi32, #tpu.memory_space<vmem>>[vector<16xi32>, vector<16xi32>], vector<16xi32>,
      %mul3A_1275 = arith.constant 10000 : i32
      %mul3A_1276 = vector.broadcast %mul3A_1275 : i32 to vector<16xi32>
      %mul3A_1277 = arith.muli %iota3A, %mul3A_1276 : vector<16xi32>
      %add3A_1278 = arith.addi %mul3A_1277, %gather3A_1274 : vector<16xi32>
      tpu.vector_store_idx %arg8[%add3A_1278], %get3A_1271 masked %lt3A_2 {add = true} : memref<90112xf32, #tpu.memory_space<vmem>>[vector<16xi32>], vector<16xf32>, vector<16xi1>
      %get3A_1279 = arith.constant 115 : i32
      %get3A_1280 = arith.index_cast %get3A_1279 : i32 to index
      %get3A_1281 = arith.constant 0 : index
      %get3A_1282 = tpu.vector_load %arg7[%get3A_1280, %get3A_1281] {strides = array<i32>} : memref<128x16xf32, #tpu.memory_space<vmem>>, vector<16xf32>,
      %broadcast_in_dim3A_1283 = arith.constant 115 : i32
      %broadcast_in_dim3A_1284 = vector.broadcast %broadcast_in_dim3A_1283 : i32 to vector<16xi32>
      %gather3A_1285 = tpu.vector_load_idx %arg6[%broadcast_in_dim3A, %broadcast_in_dim3A_1284] : memref<40x128xi32, #tpu.memory_space<vmem>>[vector<16xi32>, vector<16xi32>], vector<16xi32>,
      %mul3A_1286 = arith.constant 10000 : i32
      %mul3A_1287 = vector.broadcast %mul3A_1286 : i32 to vector<16xi32>
      %mul3A_1288 = arith.muli %iota3A, %mul3A_1287 : vector<16xi32>
      %add3A_1289 = arith.addi %mul3A_1288, %gather3A_1285 : vector<16xi32>
      tpu.vector_store_idx %arg8[%add3A_1289], %get3A_1282 masked %lt3A_2 {add = true} : memref<90112xf32, #tpu.memory_space<vmem>>[vector<16xi32>], vector<16xf32>, vector<16xi1>
      %get3A_1290 = arith.constant 116 : i32
      %get3A_1291 = arith.index_cast %get3A_1290 : i32 to index
      %get3A_1292 = arith.constant 0 : index
      %get3A_1293 = tpu.vector_load %arg7[%get3A_1291, %get3A_1292] {strides = array<i32>} : memref<128x16xf32, #tpu.memory_space<vmem>>, vector<16xf32>,
      %broadcast_in_dim3A_1294 = arith.constant 116 : i32
      %broadcast_in_dim3A_1295 = vector.broadcast %broadcast_in_dim3A_1294 : i32 to vector<16xi32>
      %gather3A_1296 = tpu.vector_load_idx %arg6[%broadcast_in_dim3A, %broadcast_in_dim3A_1295] : memref<40x128xi32, #tpu.memory_space<vmem>>[vector<16xi32>, vector<16xi32>], vector<16xi32>,
      %mul3A_1297 = arith.constant 10000 : i32
      %mul3A_1298 = vector.broadcast %mul3A_1297 : i32 to vector<16xi32>
      %mul3A_1299 = arith.muli %iota3A, %mul3A_1298 : vector<16xi32>
      %add3A_1300 = arith.addi %mul3A_1299, %gather3A_1296 : vector<16xi32>
      tpu.vector_store_idx %arg8[%add3A_1300], %get3A_1293 masked %lt3A_2 {add = true} : memref<90112xf32, #tpu.memory_space<vmem>>[vector<16xi32>], vector<16xf32>, vector<16xi1>
      %get3A_1301 = arith.constant 117 : i32
      %get3A_1302 = arith.index_cast %get3A_1301 : i32 to index
      %get3A_1303 = arith.constant 0 : index
      %get3A_1304 = tpu.vector_load %arg7[%get3A_1302, %get3A_1303] {strides = array<i32>} : memref<128x16xf32, #tpu.memory_space<vmem>>, vector<16xf32>,
      %broadcast_in_dim3A_1305 = arith.constant 117 : i32
      %broadcast_in_dim3A_1306 = vector.broadcast %broadcast_in_dim3A_1305 : i32 to vector<16xi32>
      %gather3A_1307 = tpu.vector_load_idx %arg6[%broadcast_in_dim3A, %broadcast_in_dim3A_1306] : memref<40x128xi32, #tpu.memory_space<vmem>>[vector<16xi32>, vector<16xi32>], vector<16xi32>,
      %mul3A_1308 = arith.constant 10000 : i32
      %mul3A_1309 = vector.broadcast %mul3A_1308 : i32 to vector<16xi32>
      %mul3A_1310 = arith.muli %iota3A, %mul3A_1309 : vector<16xi32>
      %add3A_1311 = arith.addi %mul3A_1310, %gather3A_1307 : vector<16xi32>
      tpu.vector_store_idx %arg8[%add3A_1311], %get3A_1304 masked %lt3A_2 {add = true} : memref<90112xf32, #tpu.memory_space<vmem>>[vector<16xi32>], vector<16xf32>, vector<16xi1>
      %get3A_1312 = arith.constant 118 : i32
      %get3A_1313 = arith.index_cast %get3A_1312 : i32 to index
      %get3A_1314 = arith.constant 0 : index
      %get3A_1315 = tpu.vector_load %arg7[%get3A_1313, %get3A_1314] {strides = array<i32>} : memref<128x16xf32, #tpu.memory_space<vmem>>, vector<16xf32>,
      %broadcast_in_dim3A_1316 = arith.constant 118 : i32
      %broadcast_in_dim3A_1317 = vector.broadcast %broadcast_in_dim3A_1316 : i32 to vector<16xi32>
      %gather3A_1318 = tpu.vector_load_idx %arg6[%broadcast_in_dim3A, %broadcast_in_dim3A_1317] : memref<40x128xi32, #tpu.memory_space<vmem>>[vector<16xi32>, vector<16xi32>], vector<16xi32>,
      %mul3A_1319 = arith.constant 10000 : i32
      %mul3A_1320 = vector.broadcast %mul3A_1319 : i32 to vector<16xi32>
      %mul3A_1321 = arith.muli %iota3A, %mul3A_1320 : vector<16xi32>
      %add3A_1322 = arith.addi %mul3A_1321, %gather3A_1318 : vector<16xi32>
      tpu.vector_store_idx %arg8[%add3A_1322], %get3A_1315 masked %lt3A_2 {add = true} : memref<90112xf32, #tpu.memory_space<vmem>>[vector<16xi32>], vector<16xf32>, vector<16xi1>
      %get3A_1323 = arith.constant 119 : i32
      %get3A_1324 = arith.index_cast %get3A_1323 : i32 to index
      %get3A_1325 = arith.constant 0 : index
      %get3A_1326 = tpu.vector_load %arg7[%get3A_1324, %get3A_1325] {strides = array<i32>} : memref<128x16xf32, #tpu.memory_space<vmem>>, vector<16xf32>,
      %broadcast_in_dim3A_1327 = arith.constant 119 : i32
      %broadcast_in_dim3A_1328 = vector.broadcast %broadcast_in_dim3A_1327 : i32 to vector<16xi32>
      %gather3A_1329 = tpu.vector_load_idx %arg6[%broadcast_in_dim3A, %broadcast_in_dim3A_1328] : memref<40x128xi32, #tpu.memory_space<vmem>>[vector<16xi32>, vector<16xi32>], vector<16xi32>,
      %mul3A_1330 = arith.constant 10000 : i32
      %mul3A_1331 = vector.broadcast %mul3A_1330 : i32 to vector<16xi32>
      %mul3A_1332 = arith.muli %iota3A, %mul3A_1331 : vector<16xi32>
      %add3A_1333 = arith.addi %mul3A_1332, %gather3A_1329 : vector<16xi32>
      tpu.vector_store_idx %arg8[%add3A_1333], %get3A_1326 masked %lt3A_2 {add = true} : memref<90112xf32, #tpu.memory_space<vmem>>[vector<16xi32>], vector<16xf32>, vector<16xi1>
      %get3A_1334 = arith.constant 120 : i32
      %get3A_1335 = arith.index_cast %get3A_1334 : i32 to index
      %get3A_1336 = arith.constant 0 : index
      %get3A_1337 = tpu.vector_load %arg7[%get3A_1335, %get3A_1336] {strides = array<i32>} : memref<128x16xf32, #tpu.memory_space<vmem>>, vector<16xf32>,
      %broadcast_in_dim3A_1338 = arith.constant 120 : i32
      %broadcast_in_dim3A_1339 = vector.broadcast %broadcast_in_dim3A_1338 : i32 to vector<16xi32>
      %gather3A_1340 = tpu.vector_load_idx %arg6[%broadcast_in_dim3A, %broadcast_in_dim3A_1339] : memref<40x128xi32, #tpu.memory_space<vmem>>[vector<16xi32>, vector<16xi32>], vector<16xi32>,
      %mul3A_1341 = arith.constant 10000 : i32
      %mul3A_1342 = vector.broadcast %mul3A_1341 : i32 to vector<16xi32>
      %mul3A_1343 = arith.muli %iota3A, %mul3A_1342 : vector<16xi32>
      %add3A_1344 = arith.addi %mul3A_1343, %gather3A_1340 : vector<16xi32>
      tpu.vector_store_idx %arg8[%add3A_1344], %get3A_1337 masked %lt3A_2 {add = true} : memref<90112xf32, #tpu.memory_space<vmem>>[vector<16xi32>], vector<16xf32>, vector<16xi1>
      %get3A_1345 = arith.constant 121 : i32
      %get3A_1346 = arith.index_cast %get3A_1345 : i32 to index
      %get3A_1347 = arith.constant 0 : index
      %get3A_1348 = tpu.vector_load %arg7[%get3A_1346, %get3A_1347] {strides = array<i32>} : memref<128x16xf32, #tpu.memory_space<vmem>>, vector<16xf32>,
      %broadcast_in_dim3A_1349 = arith.constant 121 : i32
      %broadcast_in_dim3A_1350 = vector.broadcast %broadcast_in_dim3A_1349 : i32 to vector<16xi32>
      %gather3A_1351 = tpu.vector_load_idx %arg6[%broadcast_in_dim3A, %broadcast_in_dim3A_1350] : memref<40x128xi32, #tpu.memory_space<vmem>>[vector<16xi32>, vector<16xi32>], vector<16xi32>,
      %mul3A_1352 = arith.constant 10000 : i32
      %mul3A_1353 = vector.broadcast %mul3A_1352 : i32 to vector<16xi32>
      %mul3A_1354 = arith.muli %iota3A, %mul3A_1353 : vector<16xi32>
      %add3A_1355 = arith.addi %mul3A_1354, %gather3A_1351 : vector<16xi32>
      tpu.vector_store_idx %arg8[%add3A_1355], %get3A_1348 masked %lt3A_2 {add = true} : memref<90112xf32, #tpu.memory_space<vmem>>[vector<16xi32>], vector<16xf32>, vector<16xi1>
      %get3A_1356 = arith.constant 122 : i32
      %get3A_1357 = arith.index_cast %get3A_1356 : i32 to index
      %get3A_1358 = arith.constant 0 : index
      %get3A_1359 = tpu.vector_load %arg7[%get3A_1357, %get3A_1358] {strides = array<i32>} : memref<128x16xf32, #tpu.memory_space<vmem>>, vector<16xf32>,
      %broadcast_in_dim3A_1360 = arith.constant 122 : i32
      %broadcast_in_dim3A_1361 = vector.broadcast %broadcast_in_dim3A_1360 : i32 to vector<16xi32>
      %gather3A_1362 = tpu.vector_load_idx %arg6[%broadcast_in_dim3A, %broadcast_in_dim3A_1361] : memref<40x128xi32, #tpu.memory_space<vmem>>[vector<16xi32>, vector<16xi32>], vector<16xi32>,
      %mul3A_1363 = arith.constant 10000 : i32
      %mul3A_1364 = vector.broadcast %mul3A_1363 : i32 to vector<16xi32>
      %mul3A_1365 = arith.muli %iota3A, %mul3A_1364 : vector<16xi32>
      %add3A_1366 = arith.addi %mul3A_1365, %gather3A_1362 : vector<16xi32>
      tpu.vector_store_idx %arg8[%add3A_1366], %get3A_1359 masked %lt3A_2 {add = true} : memref<90112xf32, #tpu.memory_space<vmem>>[vector<16xi32>], vector<16xf32>, vector<16xi1>
      %get3A_1367 = arith.constant 123 : i32
      %get3A_1368 = arith.index_cast %get3A_1367 : i32 to index
      %get3A_1369 = arith.constant 0 : index
      %get3A_1370 = tpu.vector_load %arg7[%get3A_1368, %get3A_1369] {strides = array<i32>} : memref<128x16xf32, #tpu.memory_space<vmem>>, vector<16xf32>,
      %broadcast_in_dim3A_1371 = arith.constant 123 : i32
      %broadcast_in_dim3A_1372 = vector.broadcast %broadcast_in_dim3A_1371 : i32 to vector<16xi32>
      %gather3A_1373 = tpu.vector_load_idx %arg6[%broadcast_in_dim3A, %broadcast_in_dim3A_1372] : memref<40x128xi32, #tpu.memory_space<vmem>>[vector<16xi32>, vector<16xi32>], vector<16xi32>,
      %mul3A_1374 = arith.constant 10000 : i32
      %mul3A_1375 = vector.broadcast %mul3A_1374 : i32 to vector<16xi32>
      %mul3A_1376 = arith.muli %iota3A, %mul3A_1375 : vector<16xi32>
      %add3A_1377 = arith.addi %mul3A_1376, %gather3A_1373 : vector<16xi32>
      tpu.vector_store_idx %arg8[%add3A_1377], %get3A_1370 masked %lt3A_2 {add = true} : memref<90112xf32, #tpu.memory_space<vmem>>[vector<16xi32>], vector<16xf32>, vector<16xi1>
      %get3A_1378 = arith.constant 124 : i32
      %get3A_1379 = arith.index_cast %get3A_1378 : i32 to index
      %get3A_1380 = arith.constant 0 : index
      %get3A_1381 = tpu.vector_load %arg7[%get3A_1379, %get3A_1380] {strides = array<i32>} : memref<128x16xf32, #tpu.memory_space<vmem>>, vector<16xf32>,
      %broadcast_in_dim3A_1382 = arith.constant 124 : i32
      %broadcast_in_dim3A_1383 = vector.broadcast %broadcast_in_dim3A_1382 : i32 to vector<16xi32>
      %gather3A_1384 = tpu.vector_load_idx %arg6[%broadcast_in_dim3A, %broadcast_in_dim3A_1383] : memref<40x128xi32, #tpu.memory_space<vmem>>[vector<16xi32>, vector<16xi32>], vector<16xi32>,
      %mul3A_1385 = arith.constant 10000 : i32
      %mul3A_1386 = vector.broadcast %mul3A_1385 : i32 to vector<16xi32>
      %mul3A_1387 = arith.muli %iota3A, %mul3A_1386 : vector<16xi32>
      %add3A_1388 = arith.addi %mul3A_1387, %gather3A_1384 : vector<16xi32>
      tpu.vector_store_idx %arg8[%add3A_1388], %get3A_1381 masked %lt3A_2 {add = true} : memref<90112xf32, #tpu.memory_space<vmem>>[vector<16xi32>], vector<16xf32>, vector<16xi1>
      %get3A_1389 = arith.constant 125 : i32
      %get3A_1390 = arith.index_cast %get3A_1389 : i32 to index
      %get3A_1391 = arith.constant 0 : index
      %get3A_1392 = tpu.vector_load %arg7[%get3A_1390, %get3A_1391] {strides = array<i32>} : memref<128x16xf32, #tpu.memory_space<vmem>>, vector<16xf32>,
      %broadcast_in_dim3A_1393 = arith.constant 125 : i32
      %broadcast_in_dim3A_1394 = vector.broadcast %broadcast_in_dim3A_1393 : i32 to vector<16xi32>
      %gather3A_1395 = tpu.vector_load_idx %arg6[%broadcast_in_dim3A, %broadcast_in_dim3A_1394] : memref<40x128xi32, #tpu.memory_space<vmem>>[vector<16xi32>, vector<16xi32>], vector<16xi32>,
      %mul3A_1396 = arith.constant 10000 : i32
      %mul3A_1397 = vector.broadcast %mul3A_1396 : i32 to vector<16xi32>
      %mul3A_1398 = arith.muli %iota3A, %mul3A_1397 : vector<16xi32>
      %add3A_1399 = arith.addi %mul3A_1398, %gather3A_1395 : vector<16xi32>
      tpu.vector_store_idx %arg8[%add3A_1399], %get3A_1392 masked %lt3A_2 {add = true} : memref<90112xf32, #tpu.memory_space<vmem>>[vector<16xi32>], vector<16xf32>, vector<16xi1>
      %get3A_1400 = arith.constant 126 : i32
      %get3A_1401 = arith.index_cast %get3A_1400 : i32 to index
      %get3A_1402 = arith.constant 0 : index
      %get3A_1403 = tpu.vector_load %arg7[%get3A_1401, %get3A_1402] {strides = array<i32>} : memref<128x16xf32, #tpu.memory_space<vmem>>, vector<16xf32>,
      %broadcast_in_dim3A_1404 = arith.constant 126 : i32
      %broadcast_in_dim3A_1405 = vector.broadcast %broadcast_in_dim3A_1404 : i32 to vector<16xi32>
      %gather3A_1406 = tpu.vector_load_idx %arg6[%broadcast_in_dim3A, %broadcast_in_dim3A_1405] : memref<40x128xi32, #tpu.memory_space<vmem>>[vector<16xi32>, vector<16xi32>], vector<16xi32>,
      %mul3A_1407 = arith.constant 10000 : i32
      %mul3A_1408 = vector.broadcast %mul3A_1407 : i32 to vector<16xi32>
      %mul3A_1409 = arith.muli %iota3A, %mul3A_1408 : vector<16xi32>
      %add3A_1410 = arith.addi %mul3A_1409, %gather3A_1406 : vector<16xi32>
      tpu.vector_store_idx %arg8[%add3A_1410], %get3A_1403 masked %lt3A_2 {add = true} : memref<90112xf32, #tpu.memory_space<vmem>>[vector<16xi32>], vector<16xf32>, vector<16xi1>
      %get3A_1411 = arith.constant 127 : i32
      %get3A_1412 = arith.index_cast %get3A_1411 : i32 to index
      %get3A_1413 = arith.constant 0 : index
      %get3A_1414 = tpu.vector_load %arg7[%get3A_1412, %get3A_1413] {strides = array<i32>} : memref<128x16xf32, #tpu.memory_space<vmem>>, vector<16xf32>,
      %broadcast_in_dim3A_1415 = arith.constant 127 : i32
      %broadcast_in_dim3A_1416 = vector.broadcast %broadcast_in_dim3A_1415 : i32 to vector<16xi32>
      %gather3A_1417 = tpu.vector_load_idx %arg6[%broadcast_in_dim3A, %broadcast_in_dim3A_1416] : memref<40x128xi32, #tpu.memory_space<vmem>>[vector<16xi32>, vector<16xi32>], vector<16xi32>,
      %mul3A_1418 = arith.constant 10000 : i32
      %mul3A_1419 = vector.broadcast %mul3A_1418 : i32 to vector<16xi32>
      %mul3A_1420 = arith.muli %iota3A, %mul3A_1419 : vector<16xi32>
      %add3A_1421 = arith.addi %mul3A_1420, %gather3A_1417 : vector<16xi32>
      tpu.vector_store_idx %arg8[%add3A_1421], %get3A_1414 masked %lt3A_2 {add = true} : memref<90112xf32, #tpu.memory_space<vmem>>[vector<16xi32>], vector<16xf32>, vector<16xi1>
    }
    %scan3A_7 = arith.constant 40 : i32
    %mul3A_8 = arith.constant 90112 : i32
    %mul3A_9 = arith.muli %add3A, %mul3A_8 : i32
    "tpu.region"() ({
      %run_scoped3A = tpu.sem_alloc : memref<!tpu.dma_semaphore, #tpu.memory_space<semaphore_mem>>
      %dma_start3A = tpu.memref_slice %arg5[%mul3A_9] : memref<2883584xf32, #tpu.memory_space<hbm>> -> memref<90112xf32, #tpu.memory_space<hbm>>
      %dma_start3A_10 = tpu.memref_slice %arg5[%mul3A_9] : memref<2883584xf32, #tpu.memory_space<hbm>> -> memref<90112xf32, #tpu.memory_space<hbm>>
      tpu.enqueue_dma source(%arg8 : memref<90112xf32, #tpu.memory_space<vmem>>) target(%dma_start3A_10 : memref<90112xf32, #tpu.memory_space<hbm>>) target_semaphore(%run_scoped3A : memref<!tpu.dma_semaphore, #tpu.memory_space<semaphore_mem>>)
      %dma_wait3A = tpu.memref_slice %arg5[%mul3A_9] : memref<2883584xf32, #tpu.memory_space<hbm>> -> memref<90112xf32, #tpu.memory_space<hbm>>
      %dma_wait3A_11 = tpu.memref_slice %arg5[%mul3A_9] : memref<2883584xf32, #tpu.memory_space<hbm>> -> memref<90112xf32, #tpu.memory_space<hbm>>
      tpu.wait_dma2 semaphore(%run_scoped3A : memref<!tpu.dma_semaphore, #tpu.memory_space<semaphore_mem>>) src(%arg8 : memref<90112xf32, #tpu.memory_space<vmem>>) dst(%dma_wait3A_11 : memref<90112xf32, #tpu.memory_space<hbm>>)
      tpu.yield
    }) : () -> ()
    return
  }
}

#map = affine_map<(d0, d1) -> (0, 0)>
#map1 = affine_map<(d0, d1) -> (0, 0, 0)>
#map2 = affine_map<(d0, d1) -> (0)>
module attributes {stable_mosaic.version = 14 : i64} {
  func.func @k(%arg0: i32, %arg1: i32, %arg2: memref<163840x16xf32, #tpu.memory_space<hbm>>, %arg3: memref<32x40x128xi32, #tpu.memory_space<hbm>>, %arg4: memref<90112xf32, #tpu.memory_space<hbm>>, %arg5: memref<2883584xf32, #tpu.memory_space<hbm>>, %arg6: memref<40x128xi32, #tpu.memory_space<vmem>>, %arg7: memref<128x16xf32, #tpu.memory_space<vmem>>, %arg8: memref<90112xf32, #tpu.memory_space<vmem>>, %arg9: memref<!tpu.dma_semaphore, #tpu.memory_space<semaphore_mem>>) attributes {dimension_semantics = [#tpu.dimension_semantics<core_parallel>, #tpu.dimension_semantics<subcore_parallel>], iteration_bounds = array<i64: 2, 16>, scalar_prefetch = 0 : i64, scratch_operands = 4 : i64, tpu.core_type = #tpu.core_type<sc_vector_subcore>, window_params = [{transform_indices = #map}, {transform_indices = #map1}, {transform_indices = #map2}, {transform_indices = #map2}]} {
    %mul3A = arith.constant 2 : i32
    %mul3A_0 = arith.muli %arg1, %mul3A : i32
    %add3A = arith.addi %mul3A_0, %arg0 : i32
    %iota3A = tpu.iota {dimensions = array<i32: 0>} : vector<16xi32>
    %lt3A = arith.constant 9 : i32
    %lt3A_1 = vector.broadcast %lt3A : i32 to vector<16xi32>
    %lt3A_2 = arith.cmpi slt, %iota3A, %lt3A_1 : vector<16xi32>
    "tpu.region"() ({
      %run_scoped3A = tpu.sem_alloc : memref<!tpu.dma_semaphore, #tpu.memory_space<semaphore_mem>>
      tpu.enqueue_dma source(%arg4 : memref<90112xf32, #tpu.memory_space<hbm>>) target(%arg8 : memref<90112xf32, #tpu.memory_space<vmem>>) target_semaphore(%run_scoped3A : memref<!tpu.dma_semaphore, #tpu.memory_space<semaphore_mem>>)
      tpu.wait_dma2 semaphore(%run_scoped3A : memref<!tpu.dma_semaphore, #tpu.memory_space<semaphore_mem>>) src(%arg4 : memref<90112xf32, #tpu.memory_space<hbm>>) dst(%arg8 : memref<90112xf32, #tpu.memory_space<vmem>>)
      tpu.yield
    }) : () -> ()
    "tpu.region"() ({
      %run_scoped3A = tpu.sem_alloc : memref<!tpu.dma_semaphore, #tpu.memory_space<semaphore_mem>>
      %dma_start3A = arith.constant 0 : i32
      %dma_start3A_10 = arith.constant 0 : i32
      %dma_start3A_11 = tpu.memref_slice %arg3[%add3A, %dma_start3A, %dma_start3A_10] : memref<32x40x128xi32, #tpu.memory_space<hbm>> -> memref<1x40x128xi32, #tpu.memory_space<hbm>>
      %dma_start3A_12 = tpu.memref_squeeze %dma_start3A_11 : memref<1x40x128xi32, #tpu.memory_space<hbm>> -> memref<40x128xi32, #tpu.memory_space<hbm>>
      %dma_start3A_13 = arith.constant 0 : i32
      %dma_start3A_14 = arith.constant 0 : i32
      %dma_start3A_15 = tpu.memref_slice %arg3[%add3A, %dma_start3A_13, %dma_start3A_14] : memref<32x40x128xi32, #tpu.memory_space<hbm>> -> memref<1x40x128xi32, #tpu.memory_space<hbm>>
      %dma_start3A_16 = tpu.memref_squeeze %dma_start3A_15 : memref<1x40x128xi32, #tpu.memory_space<hbm>> -> memref<40x128xi32, #tpu.memory_space<hbm>>
      tpu.enqueue_dma source(%dma_start3A_16 : memref<40x128xi32, #tpu.memory_space<hbm>>) target(%arg6 : memref<40x128xi32, #tpu.memory_space<vmem>>) target_semaphore(%run_scoped3A : memref<!tpu.dma_semaphore, #tpu.memory_space<semaphore_mem>>)
      %dma_wait3A = arith.constant 0 : i32
      %dma_wait3A_17 = arith.constant 0 : i32
      %dma_wait3A_18 = tpu.memref_slice %arg3[%add3A, %dma_wait3A, %dma_wait3A_17] : memref<32x40x128xi32, #tpu.memory_space<hbm>> -> memref<1x40x128xi32, #tpu.memory_space<hbm>>
      %dma_wait3A_19 = tpu.memref_squeeze %dma_wait3A_18 : memref<1x40x128xi32, #tpu.memory_space<hbm>> -> memref<40x128xi32, #tpu.memory_space<hbm>>
      %dma_wait3A_20 = arith.constant 0 : i32
      %dma_wait3A_21 = arith.constant 0 : i32
      %dma_wait3A_22 = tpu.memref_slice %arg3[%add3A, %dma_wait3A_20, %dma_wait3A_21] : memref<32x40x128xi32, #tpu.memory_space<hbm>> -> memref<1x40x128xi32, #tpu.memory_space<hbm>>
      %dma_wait3A_23 = tpu.memref_squeeze %dma_wait3A_22 : memref<1x40x128xi32, #tpu.memory_space<hbm>> -> memref<40x128xi32, #tpu.memory_space<hbm>>
      tpu.wait_dma2 semaphore(%run_scoped3A : memref<!tpu.dma_semaphore, #tpu.memory_space<semaphore_mem>>) src(%dma_wait3A_23 : memref<40x128xi32, #tpu.memory_space<hbm>>) dst(%arg6 : memref<40x128xi32, #tpu.memory_space<vmem>>)
      tpu.yield
    }) : () -> ()
    %scan3A = arith.constant 0 : i32
    %scan3A_3 = arith.constant 0 : i32
    %scan3A_4 = arith.constant 40 : i32
    %scan3A_5 = arith.addi %scan3A_3, %scan3A_4 : i32
    %scan3A_6 = arith.constant 1 : i32
    scf.for %scan3A_10 = %scan3A_3 to %scan3A_5 step %scan3A_6  : i32 {
      %mul3A_11 = arith.constant 40 : i32
      %mul3A_12 = arith.muli %add3A, %mul3A_11 : i32
      %add3A_13 = arith.addi %mul3A_12, %scan3A_10 : i32
      %mul3A_14 = arith.constant 128 : i32
      %mul3A_15 = arith.muli %add3A_13, %mul3A_14 : i32
      "tpu.region"() ({
        %run_scoped3A = tpu.sem_alloc : memref<!tpu.dma_semaphore, #tpu.memory_space<semaphore_mem>>
        %dma_start3A = arith.constant 0 : i32
        %dma_start3A_1422 = tpu.memref_slice %arg2[%mul3A_15, %dma_start3A] : memref<163840x16xf32, #tpu.memory_space<hbm>> -> memref<128x16xf32, #tpu.memory_space<hbm>>
        %dma_start3A_1423 = arith.constant 0 : i32
        %dma_start3A_1424 = tpu.memref_slice %arg2[%mul3A_15, %dma_start3A_1423] : memref<163840x16xf32, #tpu.memory_space<hbm>> -> memref<128x16xf32, #tpu.memory_space<hbm>>
        tpu.enqueue_dma source(%dma_start3A_1424 : memref<128x16xf32, #tpu.memory_space<hbm>>) target(%arg7 : memref<128x16xf32, #tpu.memory_space<vmem>>) target_semaphore(%run_scoped3A : memref<!tpu.dma_semaphore, #tpu.memory_space<semaphore_mem>>)
        %dma_wait3A = arith.constant 0 : i32
        %dma_wait3A_1425 = tpu.memref_slice %arg2[%mul3A_15, %dma_wait3A] : memref<163840x16xf32, #tpu.memory_space<hbm>> -> memref<128x16xf32, #tpu.memory_space<hbm>>
        %dma_wait3A_1426 = arith.constant 0 : i32
        %dma_wait3A_1427 = tpu.memref_slice %arg2[%mul3A_15, %dma_wait3A_1426] : memref<163840x16xf32, #tpu.memory_space<hbm>> -> memref<128x16xf32, #tpu.memory_space<hbm>>
        tpu.wait_dma2 semaphore(%run_scoped3A : memref<!tpu.dma_semaphore, #tpu.memory_space<semaphore_mem>>) src(%dma_wait3A_1427 : memref<128x16xf32, #tpu.memory_space<hbm>>) dst(%arg7 : memref<128x16xf32, #tpu.memory_space<vmem>>)
        tpu.yield
      }) : () -> ()
      %broadcast_in_dim3A = vector.broadcast %scan3A_10 : i32 to vector<16xi32>
      %get3A = arith.constant 0 : i32
      %get3A_16 = arith.index_cast %get3A : i32 to index
      %get3A_17 = arith.constant 0 : index
      %get3A_18 = tpu.vector_load %arg7[%get3A_16, %get3A_17] {strides = array<i32>} : memref<128x16xf32, #tpu.memory_space<vmem>>, vector<16xf32>,
      %broadcast_in_dim3A_19 = arith.constant 0 : i32
      %broadcast_in_dim3A_20 = vector.broadcast %broadcast_in_dim3A_19 : i32 to vector<16xi32>
      %gather3A = tpu.vector_load_idx %arg6[%broadcast_in_dim3A, %broadcast_in_dim3A_20] : memref<40x128xi32, #tpu.memory_space<vmem>>[vector<16xi32>, vector<16xi32>], vector<16xi32>,
      %mul3A_21 = arith.constant 10000 : i32
      %mul3A_22 = vector.broadcast %mul3A_21 : i32 to vector<16xi32>
      %mul3A_23 = arith.muli %iota3A, %mul3A_22 : vector<16xi32>
      %add3A_24 = arith.addi %mul3A_23, %gather3A : vector<16xi32>
      tpu.vector_store_idx %arg8[%add3A_24], %get3A_18 masked %lt3A_2 {add = true} : memref<90112xf32, #tpu.memory_space<vmem>>[vector<16xi32>], vector<16xf32>, vector<16xi1>
      %get3A_25 = arith.constant 1 : i32
      %get3A_26 = arith.index_cast %get3A_25 : i32 to index
      %get3A_27 = arith.constant 0 : index
      %get3A_28 = tpu.vector_load %arg7[%get3A_26, %get3A_27] {strides = array<i32>} : memref<128x16xf32, #tpu.memory_space<vmem>>, vector<16xf32>,
      %broadcast_in_dim3A_29 = arith.constant 1 : i32
      %broadcast_in_dim3A_30 = vector.broadcast %broadcast_in_dim3A_29 : i32 to vector<16xi32>
      %gather3A_31 = tpu.vector_load_idx %arg6[%broadcast_in_dim3A, %broadcast_in_dim3A_30] : memref<40x128xi32, #tpu.memory_space<vmem>>[vector<16xi32>, vector<16xi32>], vector<16xi32>,
      %mul3A_32 = arith.constant 10000 : i32
      %mul3A_33 = vector.broadcast %mul3A_32 : i32 to vector<16xi32>
      %mul3A_34 = arith.muli %iota3A, %mul3A_33 : vector<16xi32>
      %add3A_35 = arith.addi %mul3A_34, %gather3A_31 : vector<16xi32>
      tpu.vector_store_idx %arg8[%add3A_35], %get3A_28 masked %lt3A_2 {add = true} : memref<90112xf32, #tpu.memory_space<vmem>>[vector<16xi32>], vector<16xf32>, vector<16xi1>
      %get3A_36 = arith.constant 2 : i32
      %get3A_37 = arith.index_cast %get3A_36 : i32 to index
      %get3A_38 = arith.constant 0 : index
      %get3A_39 = tpu.vector_load %arg7[%get3A_37, %get3A_38] {strides = array<i32>} : memref<128x16xf32, #tpu.memory_space<vmem>>, vector<16xf32>,
      %broadcast_in_dim3A_40 = arith.constant 2 : i32
      %broadcast_in_dim3A_41 = vector.broadcast %broadcast_in_dim3A_40 : i32 to vector<16xi32>
      %gather3A_42 = tpu.vector_load_idx %arg6[%broadcast_in_dim3A, %broadcast_in_dim3A_41] : memref<40x128xi32, #tpu.memory_space<vmem>>[vector<16xi32>, vector<16xi32>], vector<16xi32>,
      %mul3A_43 = arith.constant 10000 : i32
      %mul3A_44 = vector.broadcast %mul3A_43 : i32 to vector<16xi32>
      %mul3A_45 = arith.muli %iota3A, %mul3A_44 : vector<16xi32>
      %add3A_46 = arith.addi %mul3A_45, %gather3A_42 : vector<16xi32>
      tpu.vector_store_idx %arg8[%add3A_46], %get3A_39 masked %lt3A_2 {add = true} : memref<90112xf32, #tpu.memory_space<vmem>>[vector<16xi32>], vector<16xf32>, vector<16xi1>
      %get3A_47 = arith.constant 3 : i32
      %get3A_48 = arith.index_cast %get3A_47 : i32 to index
      %get3A_49 = arith.constant 0 : index
      %get3A_50 = tpu.vector_load %arg7[%get3A_48, %get3A_49] {strides = array<i32>} : memref<128x16xf32, #tpu.memory_space<vmem>>, vector<16xf32>,
      %broadcast_in_dim3A_51 = arith.constant 3 : i32
      %broadcast_in_dim3A_52 = vector.broadcast %broadcast_in_dim3A_51 : i32 to vector<16xi32>
      %gather3A_53 = tpu.vector_load_idx %arg6[%broadcast_in_dim3A, %broadcast_in_dim3A_52] : memref<40x128xi32, #tpu.memory_space<vmem>>[vector<16xi32>, vector<16xi32>], vector<16xi32>,
      %mul3A_54 = arith.constant 10000 : i32
      %mul3A_55 = vector.broadcast %mul3A_54 : i32 to vector<16xi32>
      %mul3A_56 = arith.muli %iota3A, %mul3A_55 : vector<16xi32>
      %add3A_57 = arith.addi %mul3A_56, %gather3A_53 : vector<16xi32>
      tpu.vector_store_idx %arg8[%add3A_57], %get3A_50 masked %lt3A_2 {add = true} : memref<90112xf32, #tpu.memory_space<vmem>>[vector<16xi32>], vector<16xf32>, vector<16xi1>
      %get3A_58 = arith.constant 4 : i32
      %get3A_59 = arith.index_cast %get3A_58 : i32 to index
      %get3A_60 = arith.constant 0 : index
      %get3A_61 = tpu.vector_load %arg7[%get3A_59, %get3A_60] {strides = array<i32>} : memref<128x16xf32, #tpu.memory_space<vmem>>, vector<16xf32>,
      %broadcast_in_dim3A_62 = arith.constant 4 : i32
      %broadcast_in_dim3A_63 = vector.broadcast %broadcast_in_dim3A_62 : i32 to vector<16xi32>
      %gather3A_64 = tpu.vector_load_idx %arg6[%broadcast_in_dim3A, %broadcast_in_dim3A_63] : memref<40x128xi32, #tpu.memory_space<vmem>>[vector<16xi32>, vector<16xi32>], vector<16xi32>,
      %mul3A_65 = arith.constant 10000 : i32
      %mul3A_66 = vector.broadcast %mul3A_65 : i32 to vector<16xi32>
      %mul3A_67 = arith.muli %iota3A, %mul3A_66 : vector<16xi32>
      %add3A_68 = arith.addi %mul3A_67, %gather3A_64 : vector<16xi32>
      tpu.vector_store_idx %arg8[%add3A_68], %get3A_61 masked %lt3A_2 {add = true} : memref<90112xf32, #tpu.memory_space<vmem>>[vector<16xi32>], vector<16xf32>, vector<16xi1>
      %get3A_69 = arith.constant 5 : i32
      %get3A_70 = arith.index_cast %get3A_69 : i32 to index
      %get3A_71 = arith.constant 0 : index
      %get3A_72 = tpu.vector_load %arg7[%get3A_70, %get3A_71] {strides = array<i32>} : memref<128x16xf32, #tpu.memory_space<vmem>>, vector<16xf32>,
      %broadcast_in_dim3A_73 = arith.constant 5 : i32
      %broadcast_in_dim3A_74 = vector.broadcast %broadcast_in_dim3A_73 : i32 to vector<16xi32>
      %gather3A_75 = tpu.vector_load_idx %arg6[%broadcast_in_dim3A, %broadcast_in_dim3A_74] : memref<40x128xi32, #tpu.memory_space<vmem>>[vector<16xi32>, vector<16xi32>], vector<16xi32>,
      %mul3A_76 = arith.constant 10000 : i32
      %mul3A_77 = vector.broadcast %mul3A_76 : i32 to vector<16xi32>
      %mul3A_78 = arith.muli %iota3A, %mul3A_77 : vector<16xi32>
      %add3A_79 = arith.addi %mul3A_78, %gather3A_75 : vector<16xi32>
      tpu.vector_store_idx %arg8[%add3A_79], %get3A_72 masked %lt3A_2 {add = true} : memref<90112xf32, #tpu.memory_space<vmem>>[vector<16xi32>], vector<16xf32>, vector<16xi1>
      %get3A_80 = arith.constant 6 : i32
      %get3A_81 = arith.index_cast %get3A_80 : i32 to index
      %get3A_82 = arith.constant 0 : index
      %get3A_83 = tpu.vector_load %arg7[%get3A_81, %get3A_82] {strides = array<i32>} : memref<128x16xf32, #tpu.memory_space<vmem>>, vector<16xf32>,
      %broadcast_in_dim3A_84 = arith.constant 6 : i32
      %broadcast_in_dim3A_85 = vector.broadcast %broadcast_in_dim3A_84 : i32 to vector<16xi32>
      %gather3A_86 = tpu.vector_load_idx %arg6[%broadcast_in_dim3A, %broadcast_in_dim3A_85] : memref<40x128xi32, #tpu.memory_space<vmem>>[vector<16xi32>, vector<16xi32>], vector<16xi32>,
      %mul3A_87 = arith.constant 10000 : i32
      %mul3A_88 = vector.broadcast %mul3A_87 : i32 to vector<16xi32>
      %mul3A_89 = arith.muli %iota3A, %mul3A_88 : vector<16xi32>
      %add3A_90 = arith.addi %mul3A_89, %gather3A_86 : vector<16xi32>
      tpu.vector_store_idx %arg8[%add3A_90], %get3A_83 masked %lt3A_2 {add = true} : memref<90112xf32, #tpu.memory_space<vmem>>[vector<16xi32>], vector<16xf32>, vector<16xi1>
      %get3A_91 = arith.constant 7 : i32
      %get3A_92 = arith.index_cast %get3A_91 : i32 to index
      %get3A_93 = arith.constant 0 : index
      %get3A_94 = tpu.vector_load %arg7[%get3A_92, %get3A_93] {strides = array<i32>} : memref<128x16xf32, #tpu.memory_space<vmem>>, vector<16xf32>,
      %broadcast_in_dim3A_95 = arith.constant 7 : i32
      %broadcast_in_dim3A_96 = vector.broadcast %broadcast_in_dim3A_95 : i32 to vector<16xi32>
      %gather3A_97 = tpu.vector_load_idx %arg6[%broadcast_in_dim3A, %broadcast_in_dim3A_96] : memref<40x128xi32, #tpu.memory_space<vmem>>[vector<16xi32>, vector<16xi32>], vector<16xi32>,
      %mul3A_98 = arith.constant 10000 : i32
      %mul3A_99 = vector.broadcast %mul3A_98 : i32 to vector<16xi32>
      %mul3A_100 = arith.muli %iota3A, %mul3A_99 : vector<16xi32>
      %add3A_101 = arith.addi %mul3A_100, %gather3A_97 : vector<16xi32>
      tpu.vector_store_idx %arg8[%add3A_101], %get3A_94 masked %lt3A_2 {add = true} : memref<90112xf32, #tpu.memory_space<vmem>>[vector<16xi32>], vector<16xf32>, vector<16xi1>
      %get3A_102 = arith.constant 8 : i32
      %get3A_103 = arith.index_cast %get3A_102 : i32 to index
      %get3A_104 = arith.constant 0 : index
      %get3A_105 = tpu.vector_load %arg7[%get3A_103, %get3A_104] {strides = array<i32>} : memref<128x16xf32, #tpu.memory_space<vmem>>, vector<16xf32>,
      %broadcast_in_dim3A_106 = arith.constant 8 : i32
      %broadcast_in_dim3A_107 = vector.broadcast %broadcast_in_dim3A_106 : i32 to vector<16xi32>
      %gather3A_108 = tpu.vector_load_idx %arg6[%broadcast_in_dim3A, %broadcast_in_dim3A_107] : memref<40x128xi32, #tpu.memory_space<vmem>>[vector<16xi32>, vector<16xi32>], vector<16xi32>,
      %mul3A_109 = arith.constant 10000 : i32
      %mul3A_110 = vector.broadcast %mul3A_109 : i32 to vector<16xi32>
      %mul3A_111 = arith.muli %iota3A, %mul3A_110 : vector<16xi32>
      %add3A_112 = arith.addi %mul3A_111, %gather3A_108 : vector<16xi32>
      tpu.vector_store_idx %arg8[%add3A_112], %get3A_105 masked %lt3A_2 {add = true} : memref<90112xf32, #tpu.memory_space<vmem>>[vector<16xi32>], vector<16xf32>, vector<16xi1>
      %get3A_113 = arith.constant 9 : i32
      %get3A_114 = arith.index_cast %get3A_113 : i32 to index
      %get3A_115 = arith.constant 0 : index
      %get3A_116 = tpu.vector_load %arg7[%get3A_114, %get3A_115] {strides = array<i32>} : memref<128x16xf32, #tpu.memory_space<vmem>>, vector<16xf32>,
      %broadcast_in_dim3A_117 = arith.constant 9 : i32
      %broadcast_in_dim3A_118 = vector.broadcast %broadcast_in_dim3A_117 : i32 to vector<16xi32>
      %gather3A_119 = tpu.vector_load_idx %arg6[%broadcast_in_dim3A, %broadcast_in_dim3A_118] : memref<40x128xi32, #tpu.memory_space<vmem>>[vector<16xi32>, vector<16xi32>], vector<16xi32>,
      %mul3A_120 = arith.constant 10000 : i32
      %mul3A_121 = vector.broadcast %mul3A_120 : i32 to vector<16xi32>
      %mul3A_122 = arith.muli %iota3A, %mul3A_121 : vector<16xi32>
      %add3A_123 = arith.addi %mul3A_122, %gather3A_119 : vector<16xi32>
      tpu.vector_store_idx %arg8[%add3A_123], %get3A_116 masked %lt3A_2 {add = true} : memref<90112xf32, #tpu.memory_space<vmem>>[vector<16xi32>], vector<16xf32>, vector<16xi1>
      %get3A_124 = arith.constant 10 : i32
      %get3A_125 = arith.index_cast %get3A_124 : i32 to index
      %get3A_126 = arith.constant 0 : index
      %get3A_127 = tpu.vector_load %arg7[%get3A_125, %get3A_126] {strides = array<i32>} : memref<128x16xf32, #tpu.memory_space<vmem>>, vector<16xf32>,
      %broadcast_in_dim3A_128 = arith.constant 10 : i32
      %broadcast_in_dim3A_129 = vector.broadcast %broadcast_in_dim3A_128 : i32 to vector<16xi32>
      %gather3A_130 = tpu.vector_load_idx %arg6[%broadcast_in_dim3A, %broadcast_in_dim3A_129] : memref<40x128xi32, #tpu.memory_space<vmem>>[vector<16xi32>, vector<16xi32>], vector<16xi32>,
      %mul3A_131 = arith.constant 10000 : i32
      %mul3A_132 = vector.broadcast %mul3A_131 : i32 to vector<16xi32>
      %mul3A_133 = arith.muli %iota3A, %mul3A_132 : vector<16xi32>
      %add3A_134 = arith.addi %mul3A_133, %gather3A_130 : vector<16xi32>
      tpu.vector_store_idx %arg8[%add3A_134], %get3A_127 masked %lt3A_2 {add = true} : memref<90112xf32, #tpu.memory_space<vmem>>[vector<16xi32>], vector<16xf32>, vector<16xi1>
      %get3A_135 = arith.constant 11 : i32
      %get3A_136 = arith.index_cast %get3A_135 : i32 to index
      %get3A_137 = arith.constant 0 : index
      %get3A_138 = tpu.vector_load %arg7[%get3A_136, %get3A_137] {strides = array<i32>} : memref<128x16xf32, #tpu.memory_space<vmem>>, vector<16xf32>,
      %broadcast_in_dim3A_139 = arith.constant 11 : i32
      %broadcast_in_dim3A_140 = vector.broadcast %broadcast_in_dim3A_139 : i32 to vector<16xi32>
      %gather3A_141 = tpu.vector_load_idx %arg6[%broadcast_in_dim3A, %broadcast_in_dim3A_140] : memref<40x128xi32, #tpu.memory_space<vmem>>[vector<16xi32>, vector<16xi32>], vector<16xi32>,
      %mul3A_142 = arith.constant 10000 : i32
      %mul3A_143 = vector.broadcast %mul3A_142 : i32 to vector<16xi32>
      %mul3A_144 = arith.muli %iota3A, %mul3A_143 : vector<16xi32>
      %add3A_145 = arith.addi %mul3A_144, %gather3A_141 : vector<16xi32>
      tpu.vector_store_idx %arg8[%add3A_145], %get3A_138 masked %lt3A_2 {add = true} : memref<90112xf32, #tpu.memory_space<vmem>>[vector<16xi32>], vector<16xf32>, vector<16xi1>
      %get3A_146 = arith.constant 12 : i32
      %get3A_147 = arith.index_cast %get3A_146 : i32 to index
      %get3A_148 = arith.constant 0 : index
      %get3A_149 = tpu.vector_load %arg7[%get3A_147, %get3A_148] {strides = array<i32>} : memref<128x16xf32, #tpu.memory_space<vmem>>, vector<16xf32>,
      %broadcast_in_dim3A_150 = arith.constant 12 : i32
      %broadcast_in_dim3A_151 = vector.broadcast %broadcast_in_dim3A_150 : i32 to vector<16xi32>
      %gather3A_152 = tpu.vector_load_idx %arg6[%broadcast_in_dim3A, %broadcast_in_dim3A_151] : memref<40x128xi32, #tpu.memory_space<vmem>>[vector<16xi32>, vector<16xi32>], vector<16xi32>,
      %mul3A_153 = arith.constant 10000 : i32
      %mul3A_154 = vector.broadcast %mul3A_153 : i32 to vector<16xi32>
      %mul3A_155 = arith.muli %iota3A, %mul3A_154 : vector<16xi32>
      %add3A_156 = arith.addi %mul3A_155, %gather3A_152 : vector<16xi32>
      tpu.vector_store_idx %arg8[%add3A_156], %get3A_149 masked %lt3A_2 {add = true} : memref<90112xf32, #tpu.memory_space<vmem>>[vector<16xi32>], vector<16xf32>, vector<16xi1>
      %get3A_157 = arith.constant 13 : i32
      %get3A_158 = arith.index_cast %get3A_157 : i32 to index
      %get3A_159 = arith.constant 0 : index
      %get3A_160 = tpu.vector_load %arg7[%get3A_158, %get3A_159] {strides = array<i32>} : memref<128x16xf32, #tpu.memory_space<vmem>>, vector<16xf32>,
      %broadcast_in_dim3A_161 = arith.constant 13 : i32
      %broadcast_in_dim3A_162 = vector.broadcast %broadcast_in_dim3A_161 : i32 to vector<16xi32>
      %gather3A_163 = tpu.vector_load_idx %arg6[%broadcast_in_dim3A, %broadcast_in_dim3A_162] : memref<40x128xi32, #tpu.memory_space<vmem>>[vector<16xi32>, vector<16xi32>], vector<16xi32>,
      %mul3A_164 = arith.constant 10000 : i32
      %mul3A_165 = vector.broadcast %mul3A_164 : i32 to vector<16xi32>
      %mul3A_166 = arith.muli %iota3A, %mul3A_165 : vector<16xi32>
      %add3A_167 = arith.addi %mul3A_166, %gather3A_163 : vector<16xi32>
      tpu.vector_store_idx %arg8[%add3A_167], %get3A_160 masked %lt3A_2 {add = true} : memref<90112xf32, #tpu.memory_space<vmem>>[vector<16xi32>], vector<16xf32>, vector<16xi1>
      %get3A_168 = arith.constant 14 : i32
      %get3A_169 = arith.index_cast %get3A_168 : i32 to index
      %get3A_170 = arith.constant 0 : index
      %get3A_171 = tpu.vector_load %arg7[%get3A_169, %get3A_170] {strides = array<i32>} : memref<128x16xf32, #tpu.memory_space<vmem>>, vector<16xf32>,
      %broadcast_in_dim3A_172 = arith.constant 14 : i32
      %broadcast_in_dim3A_173 = vector.broadcast %broadcast_in_dim3A_172 : i32 to vector<16xi32>
      %gather3A_174 = tpu.vector_load_idx %arg6[%broadcast_in_dim3A, %broadcast_in_dim3A_173] : memref<40x128xi32, #tpu.memory_space<vmem>>[vector<16xi32>, vector<16xi32>], vector<16xi32>,
      %mul3A_175 = arith.constant 10000 : i32
      %mul3A_176 = vector.broadcast %mul3A_175 : i32 to vector<16xi32>
      %mul3A_177 = arith.muli %iota3A, %mul3A_176 : vector<16xi32>
      %add3A_178 = arith.addi %mul3A_177, %gather3A_174 : vector<16xi32>
      tpu.vector_store_idx %arg8[%add3A_178], %get3A_171 masked %lt3A_2 {add = true} : memref<90112xf32, #tpu.memory_space<vmem>>[vector<16xi32>], vector<16xf32>, vector<16xi1>
      %get3A_179 = arith.constant 15 : i32
      %get3A_180 = arith.index_cast %get3A_179 : i32 to index
      %get3A_181 = arith.constant 0 : index
      %get3A_182 = tpu.vector_load %arg7[%get3A_180, %get3A_181] {strides = array<i32>} : memref<128x16xf32, #tpu.memory_space<vmem>>, vector<16xf32>,
      %broadcast_in_dim3A_183 = arith.constant 15 : i32
      %broadcast_in_dim3A_184 = vector.broadcast %broadcast_in_dim3A_183 : i32 to vector<16xi32>
      %gather3A_185 = tpu.vector_load_idx %arg6[%broadcast_in_dim3A, %broadcast_in_dim3A_184] : memref<40x128xi32, #tpu.memory_space<vmem>>[vector<16xi32>, vector<16xi32>], vector<16xi32>,
      %mul3A_186 = arith.constant 10000 : i32
      %mul3A_187 = vector.broadcast %mul3A_186 : i32 to vector<16xi32>
      %mul3A_188 = arith.muli %iota3A, %mul3A_187 : vector<16xi32>
      %add3A_189 = arith.addi %mul3A_188, %gather3A_185 : vector<16xi32>
      tpu.vector_store_idx %arg8[%add3A_189], %get3A_182 masked %lt3A_2 {add = true} : memref<90112xf32, #tpu.memory_space<vmem>>[vector<16xi32>], vector<16xf32>, vector<16xi1>
      %get3A_190 = arith.constant 16 : i32
      %get3A_191 = arith.index_cast %get3A_190 : i32 to index
      %get3A_192 = arith.constant 0 : index
      %get3A_193 = tpu.vector_load %arg7[%get3A_191, %get3A_192] {strides = array<i32>} : memref<128x16xf32, #tpu.memory_space<vmem>>, vector<16xf32>,
      %broadcast_in_dim3A_194 = arith.constant 16 : i32
      %broadcast_in_dim3A_195 = vector.broadcast %broadcast_in_dim3A_194 : i32 to vector<16xi32>
      %gather3A_196 = tpu.vector_load_idx %arg6[%broadcast_in_dim3A, %broadcast_in_dim3A_195] : memref<40x128xi32, #tpu.memory_space<vmem>>[vector<16xi32>, vector<16xi32>], vector<16xi32>,
      %mul3A_197 = arith.constant 10000 : i32
      %mul3A_198 = vector.broadcast %mul3A_197 : i32 to vector<16xi32>
      %mul3A_199 = arith.muli %iota3A, %mul3A_198 : vector<16xi32>
      %add3A_200 = arith.addi %mul3A_199, %gather3A_196 : vector<16xi32>
      tpu.vector_store_idx %arg8[%add3A_200], %get3A_193 masked %lt3A_2 {add = true} : memref<90112xf32, #tpu.memory_space<vmem>>[vector<16xi32>], vector<16xf32>, vector<16xi1>
      %get3A_201 = arith.constant 17 : i32
      %get3A_202 = arith.index_cast %get3A_201 : i32 to index
      %get3A_203 = arith.constant 0 : index
      %get3A_204 = tpu.vector_load %arg7[%get3A_202, %get3A_203] {strides = array<i32>} : memref<128x16xf32, #tpu.memory_space<vmem>>, vector<16xf32>,
      %broadcast_in_dim3A_205 = arith.constant 17 : i32
      %broadcast_in_dim3A_206 = vector.broadcast %broadcast_in_dim3A_205 : i32 to vector<16xi32>
      %gather3A_207 = tpu.vector_load_idx %arg6[%broadcast_in_dim3A, %broadcast_in_dim3A_206] : memref<40x128xi32, #tpu.memory_space<vmem>>[vector<16xi32>, vector<16xi32>], vector<16xi32>,
      %mul3A_208 = arith.constant 10000 : i32
      %mul3A_209 = vector.broadcast %mul3A_208 : i32 to vector<16xi32>
      %mul3A_210 = arith.muli %iota3A, %mul3A_209 : vector<16xi32>
      %add3A_211 = arith.addi %mul3A_210, %gather3A_207 : vector<16xi32>
      tpu.vector_store_idx %arg8[%add3A_211], %get3A_204 masked %lt3A_2 {add = true} : memref<90112xf32, #tpu.memory_space<vmem>>[vector<16xi32>], vector<16xf32>, vector<16xi1>
      %get3A_212 = arith.constant 18 : i32
      %get3A_213 = arith.index_cast %get3A_212 : i32 to index
      %get3A_214 = arith.constant 0 : index
      %get3A_215 = tpu.vector_load %arg7[%get3A_213, %get3A_214] {strides = array<i32>} : memref<128x16xf32, #tpu.memory_space<vmem>>, vector<16xf32>,
      %broadcast_in_dim3A_216 = arith.constant 18 : i32
      %broadcast_in_dim3A_217 = vector.broadcast %broadcast_in_dim3A_216 : i32 to vector<16xi32>
      %gather3A_218 = tpu.vector_load_idx %arg6[%broadcast_in_dim3A, %broadcast_in_dim3A_217] : memref<40x128xi32, #tpu.memory_space<vmem>>[vector<16xi32>, vector<16xi32>], vector<16xi32>,
      %mul3A_219 = arith.constant 10000 : i32
      %mul3A_220 = vector.broadcast %mul3A_219 : i32 to vector<16xi32>
      %mul3A_221 = arith.muli %iota3A, %mul3A_220 : vector<16xi32>
      %add3A_222 = arith.addi %mul3A_221, %gather3A_218 : vector<16xi32>
      tpu.vector_store_idx %arg8[%add3A_222], %get3A_215 masked %lt3A_2 {add = true} : memref<90112xf32, #tpu.memory_space<vmem>>[vector<16xi32>], vector<16xf32>, vector<16xi1>
      %get3A_223 = arith.constant 19 : i32
      %get3A_224 = arith.index_cast %get3A_223 : i32 to index
      %get3A_225 = arith.constant 0 : index
      %get3A_226 = tpu.vector_load %arg7[%get3A_224, %get3A_225] {strides = array<i32>} : memref<128x16xf32, #tpu.memory_space<vmem>>, vector<16xf32>,
      %broadcast_in_dim3A_227 = arith.constant 19 : i32
      %broadcast_in_dim3A_228 = vector.broadcast %broadcast_in_dim3A_227 : i32 to vector<16xi32>
      %gather3A_229 = tpu.vector_load_idx %arg6[%broadcast_in_dim3A, %broadcast_in_dim3A_228] : memref<40x128xi32, #tpu.memory_space<vmem>>[vector<16xi32>, vector<16xi32>], vector<16xi32>,
      %mul3A_230 = arith.constant 10000 : i32
      %mul3A_231 = vector.broadcast %mul3A_230 : i32 to vector<16xi32>
      %mul3A_232 = arith.muli %iota3A, %mul3A_231 : vector<16xi32>
      %add3A_233 = arith.addi %mul3A_232, %gather3A_229 : vector<16xi32>
      tpu.vector_store_idx %arg8[%add3A_233], %get3A_226 masked %lt3A_2 {add = true} : memref<90112xf32, #tpu.memory_space<vmem>>[vector<16xi32>], vector<16xf32>, vector<16xi1>
      %get3A_234 = arith.constant 20 : i32
      %get3A_235 = arith.index_cast %get3A_234 : i32 to index
      %get3A_236 = arith.constant 0 : index
      %get3A_237 = tpu.vector_load %arg7[%get3A_235, %get3A_236] {strides = array<i32>} : memref<128x16xf32, #tpu.memory_space<vmem>>, vector<16xf32>,
      %broadcast_in_dim3A_238 = arith.constant 20 : i32
      %broadcast_in_dim3A_239 = vector.broadcast %broadcast_in_dim3A_238 : i32 to vector<16xi32>
      %gather3A_240 = tpu.vector_load_idx %arg6[%broadcast_in_dim3A, %broadcast_in_dim3A_239] : memref<40x128xi32, #tpu.memory_space<vmem>>[vector<16xi32>, vector<16xi32>], vector<16xi32>,
      %mul3A_241 = arith.constant 10000 : i32
      %mul3A_242 = vector.broadcast %mul3A_241 : i32 to vector<16xi32>
      %mul3A_243 = arith.muli %iota3A, %mul3A_242 : vector<16xi32>
      %add3A_244 = arith.addi %mul3A_243, %gather3A_240 : vector<16xi32>
      tpu.vector_store_idx %arg8[%add3A_244], %get3A_237 masked %lt3A_2 {add = true} : memref<90112xf32, #tpu.memory_space<vmem>>[vector<16xi32>], vector<16xf32>, vector<16xi1>
      %get3A_245 = arith.constant 21 : i32
      %get3A_246 = arith.index_cast %get3A_245 : i32 to index
      %get3A_247 = arith.constant 0 : index
      %get3A_248 = tpu.vector_load %arg7[%get3A_246, %get3A_247] {strides = array<i32>} : memref<128x16xf32, #tpu.memory_space<vmem>>, vector<16xf32>,
      %broadcast_in_dim3A_249 = arith.constant 21 : i32
      %broadcast_in_dim3A_250 = vector.broadcast %broadcast_in_dim3A_249 : i32 to vector<16xi32>
      %gather3A_251 = tpu.vector_load_idx %arg6[%broadcast_in_dim3A, %broadcast_in_dim3A_250] : memref<40x128xi32, #tpu.memory_space<vmem>>[vector<16xi32>, vector<16xi32>], vector<16xi32>,
      %mul3A_252 = arith.constant 10000 : i32
      %mul3A_253 = vector.broadcast %mul3A_252 : i32 to vector<16xi32>
      %mul3A_254 = arith.muli %iota3A, %mul3A_253 : vector<16xi32>
      %add3A_255 = arith.addi %mul3A_254, %gather3A_251 : vector<16xi32>
      tpu.vector_store_idx %arg8[%add3A_255], %get3A_248 masked %lt3A_2 {add = true} : memref<90112xf32, #tpu.memory_space<vmem>>[vector<16xi32>], vector<16xf32>, vector<16xi1>
      %get3A_256 = arith.constant 22 : i32
      %get3A_257 = arith.index_cast %get3A_256 : i32 to index
      %get3A_258 = arith.constant 0 : index
      %get3A_259 = tpu.vector_load %arg7[%get3A_257, %get3A_258] {strides = array<i32>} : memref<128x16xf32, #tpu.memory_space<vmem>>, vector<16xf32>,
      %broadcast_in_dim3A_260 = arith.constant 22 : i32
      %broadcast_in_dim3A_261 = vector.broadcast %broadcast_in_dim3A_260 : i32 to vector<16xi32>
      %gather3A_262 = tpu.vector_load_idx %arg6[%broadcast_in_dim3A, %broadcast_in_dim3A_261] : memref<40x128xi32, #tpu.memory_space<vmem>>[vector<16xi32>, vector<16xi32>], vector<16xi32>,
      %mul3A_263 = arith.constant 10000 : i32
      %mul3A_264 = vector.broadcast %mul3A_263 : i32 to vector<16xi32>
      %mul3A_265 = arith.muli %iota3A, %mul3A_264 : vector<16xi32>
      %add3A_266 = arith.addi %mul3A_265, %gather3A_262 : vector<16xi32>
      tpu.vector_store_idx %arg8[%add3A_266], %get3A_259 masked %lt3A_2 {add = true} : memref<90112xf32, #tpu.memory_space<vmem>>[vector<16xi32>], vector<16xf32>, vector<16xi1>
      %get3A_267 = arith.constant 23 : i32
      %get3A_268 = arith.index_cast %get3A_267 : i32 to index
      %get3A_269 = arith.constant 0 : index
      %get3A_270 = tpu.vector_load %arg7[%get3A_268, %get3A_269] {strides = array<i32>} : memref<128x16xf32, #tpu.memory_space<vmem>>, vector<16xf32>,
      %broadcast_in_dim3A_271 = arith.constant 23 : i32
      %broadcast_in_dim3A_272 = vector.broadcast %broadcast_in_dim3A_271 : i32 to vector<16xi32>
      %gather3A_273 = tpu.vector_load_idx %arg6[%broadcast_in_dim3A, %broadcast_in_dim3A_272] : memref<40x128xi32, #tpu.memory_space<vmem>>[vector<16xi32>, vector<16xi32>], vector<16xi32>,
      %mul3A_274 = arith.constant 10000 : i32
      %mul3A_275 = vector.broadcast %mul3A_274 : i32 to vector<16xi32>
      %mul3A_276 = arith.muli %iota3A, %mul3A_275 : vector<16xi32>
      %add3A_277 = arith.addi %mul3A_276, %gather3A_273 : vector<16xi32>
      tpu.vector_store_idx %arg8[%add3A_277], %get3A_270 masked %lt3A_2 {add = true} : memref<90112xf32, #tpu.memory_space<vmem>>[vector<16xi32>], vector<16xf32>, vector<16xi1>
      %get3A_278 = arith.constant 24 : i32
      %get3A_279 = arith.index_cast %get3A_278 : i32 to index
      %get3A_280 = arith.constant 0 : index
      %get3A_281 = tpu.vector_load %arg7[%get3A_279, %get3A_280] {strides = array<i32>} : memref<128x16xf32, #tpu.memory_space<vmem>>, vector<16xf32>,
      %broadcast_in_dim3A_282 = arith.constant 24 : i32
      %broadcast_in_dim3A_283 = vector.broadcast %broadcast_in_dim3A_282 : i32 to vector<16xi32>
      %gather3A_284 = tpu.vector_load_idx %arg6[%broadcast_in_dim3A, %broadcast_in_dim3A_283] : memref<40x128xi32, #tpu.memory_space<vmem>>[vector<16xi32>, vector<16xi32>], vector<16xi32>,
      %mul3A_285 = arith.constant 10000 : i32
      %mul3A_286 = vector.broadcast %mul3A_285 : i32 to vector<16xi32>
      %mul3A_287 = arith.muli %iota3A, %mul3A_286 : vector<16xi32>
      %add3A_288 = arith.addi %mul3A_287, %gather3A_284 : vector<16xi32>
      tpu.vector_store_idx %arg8[%add3A_288], %get3A_281 masked %lt3A_2 {add = true} : memref<90112xf32, #tpu.memory_space<vmem>>[vector<16xi32>], vector<16xf32>, vector<16xi1>
      %get3A_289 = arith.constant 25 : i32
      %get3A_290 = arith.index_cast %get3A_289 : i32 to index
      %get3A_291 = arith.constant 0 : index
      %get3A_292 = tpu.vector_load %arg7[%get3A_290, %get3A_291] {strides = array<i32>} : memref<128x16xf32, #tpu.memory_space<vmem>>, vector<16xf32>,
      %broadcast_in_dim3A_293 = arith.constant 25 : i32
      %broadcast_in_dim3A_294 = vector.broadcast %broadcast_in_dim3A_293 : i32 to vector<16xi32>
      %gather3A_295 = tpu.vector_load_idx %arg6[%broadcast_in_dim3A, %broadcast_in_dim3A_294] : memref<40x128xi32, #tpu.memory_space<vmem>>[vector<16xi32>, vector<16xi32>], vector<16xi32>,
      %mul3A_296 = arith.constant 10000 : i32
      %mul3A_297 = vector.broadcast %mul3A_296 : i32 to vector<16xi32>
      %mul3A_298 = arith.muli %iota3A, %mul3A_297 : vector<16xi32>
      %add3A_299 = arith.addi %mul3A_298, %gather3A_295 : vector<16xi32>
      tpu.vector_store_idx %arg8[%add3A_299], %get3A_292 masked %lt3A_2 {add = true} : memref<90112xf32, #tpu.memory_space<vmem>>[vector<16xi32>], vector<16xf32>, vector<16xi1>
      %get3A_300 = arith.constant 26 : i32
      %get3A_301 = arith.index_cast %get3A_300 : i32 to index
      %get3A_302 = arith.constant 0 : index
      %get3A_303 = tpu.vector_load %arg7[%get3A_301, %get3A_302] {strides = array<i32>} : memref<128x16xf32, #tpu.memory_space<vmem>>, vector<16xf32>,
      %broadcast_in_dim3A_304 = arith.constant 26 : i32
      %broadcast_in_dim3A_305 = vector.broadcast %broadcast_in_dim3A_304 : i32 to vector<16xi32>
      %gather3A_306 = tpu.vector_load_idx %arg6[%broadcast_in_dim3A, %broadcast_in_dim3A_305] : memref<40x128xi32, #tpu.memory_space<vmem>>[vector<16xi32>, vector<16xi32>], vector<16xi32>,
      %mul3A_307 = arith.constant 10000 : i32
      %mul3A_308 = vector.broadcast %mul3A_307 : i32 to vector<16xi32>
      %mul3A_309 = arith.muli %iota3A, %mul3A_308 : vector<16xi32>
      %add3A_310 = arith.addi %mul3A_309, %gather3A_306 : vector<16xi32>
      tpu.vector_store_idx %arg8[%add3A_310], %get3A_303 masked %lt3A_2 {add = true} : memref<90112xf32, #tpu.memory_space<vmem>>[vector<16xi32>], vector<16xf32>, vector<16xi1>
      %get3A_311 = arith.constant 27 : i32
      %get3A_312 = arith.index_cast %get3A_311 : i32 to index
      %get3A_313 = arith.constant 0 : index
      %get3A_314 = tpu.vector_load %arg7[%get3A_312, %get3A_313] {strides = array<i32>} : memref<128x16xf32, #tpu.memory_space<vmem>>, vector<16xf32>,
      %broadcast_in_dim3A_315 = arith.constant 27 : i32
      %broadcast_in_dim3A_316 = vector.broadcast %broadcast_in_dim3A_315 : i32 to vector<16xi32>
      %gather3A_317 = tpu.vector_load_idx %arg6[%broadcast_in_dim3A, %broadcast_in_dim3A_316] : memref<40x128xi32, #tpu.memory_space<vmem>>[vector<16xi32>, vector<16xi32>], vector<16xi32>,
      %mul3A_318 = arith.constant 10000 : i32
      %mul3A_319 = vector.broadcast %mul3A_318 : i32 to vector<16xi32>
      %mul3A_320 = arith.muli %iota3A, %mul3A_319 : vector<16xi32>
      %add3A_321 = arith.addi %mul3A_320, %gather3A_317 : vector<16xi32>
      tpu.vector_store_idx %arg8[%add3A_321], %get3A_314 masked %lt3A_2 {add = true} : memref<90112xf32, #tpu.memory_space<vmem>>[vector<16xi32>], vector<16xf32>, vector<16xi1>
      %get3A_322 = arith.constant 28 : i32
      %get3A_323 = arith.index_cast %get3A_322 : i32 to index
      %get3A_324 = arith.constant 0 : index
      %get3A_325 = tpu.vector_load %arg7[%get3A_323, %get3A_324] {strides = array<i32>} : memref<128x16xf32, #tpu.memory_space<vmem>>, vector<16xf32>,
      %broadcast_in_dim3A_326 = arith.constant 28 : i32
      %broadcast_in_dim3A_327 = vector.broadcast %broadcast_in_dim3A_326 : i32 to vector<16xi32>
      %gather3A_328 = tpu.vector_load_idx %arg6[%broadcast_in_dim3A, %broadcast_in_dim3A_327] : memref<40x128xi32, #tpu.memory_space<vmem>>[vector<16xi32>, vector<16xi32>], vector<16xi32>,
      %mul3A_329 = arith.constant 10000 : i32
      %mul3A_330 = vector.broadcast %mul3A_329 : i32 to vector<16xi32>
      %mul3A_331 = arith.muli %iota3A, %mul3A_330 : vector<16xi32>
      %add3A_332 = arith.addi %mul3A_331, %gather3A_328 : vector<16xi32>
      tpu.vector_store_idx %arg8[%add3A_332], %get3A_325 masked %lt3A_2 {add = true} : memref<90112xf32, #tpu.memory_space<vmem>>[vector<16xi32>], vector<16xf32>, vector<16xi1>
      %get3A_333 = arith.constant 29 : i32
      %get3A_334 = arith.index_cast %get3A_333 : i32 to index
      %get3A_335 = arith.constant 0 : index
      %get3A_336 = tpu.vector_load %arg7[%get3A_334, %get3A_335] {strides = array<i32>} : memref<128x16xf32, #tpu.memory_space<vmem>>, vector<16xf32>,
      %broadcast_in_dim3A_337 = arith.constant 29 : i32
      %broadcast_in_dim3A_338 = vector.broadcast %broadcast_in_dim3A_337 : i32 to vector<16xi32>
      %gather3A_339 = tpu.vector_load_idx %arg6[%broadcast_in_dim3A, %broadcast_in_dim3A_338] : memref<40x128xi32, #tpu.memory_space<vmem>>[vector<16xi32>, vector<16xi32>], vector<16xi32>,
      %mul3A_340 = arith.constant 10000 : i32
      %mul3A_341 = vector.broadcast %mul3A_340 : i32 to vector<16xi32>
      %mul3A_342 = arith.muli %iota3A, %mul3A_341 : vector<16xi32>
      %add3A_343 = arith.addi %mul3A_342, %gather3A_339 : vector<16xi32>
      tpu.vector_store_idx %arg8[%add3A_343], %get3A_336 masked %lt3A_2 {add = true} : memref<90112xf32, #tpu.memory_space<vmem>>[vector<16xi32>], vector<16xf32>, vector<16xi1>
      %get3A_344 = arith.constant 30 : i32
      %get3A_345 = arith.index_cast %get3A_344 : i32 to index
      %get3A_346 = arith.constant 0 : index
      %get3A_347 = tpu.vector_load %arg7[%get3A_345, %get3A_346] {strides = array<i32>} : memref<128x16xf32, #tpu.memory_space<vmem>>, vector<16xf32>,
      %broadcast_in_dim3A_348 = arith.constant 30 : i32
      %broadcast_in_dim3A_349 = vector.broadcast %broadcast_in_dim3A_348 : i32 to vector<16xi32>
      %gather3A_350 = tpu.vector_load_idx %arg6[%broadcast_in_dim3A, %broadcast_in_dim3A_349] : memref<40x128xi32, #tpu.memory_space<vmem>>[vector<16xi32>, vector<16xi32>], vector<16xi32>,
      %mul3A_351 = arith.constant 10000 : i32
      %mul3A_352 = vector.broadcast %mul3A_351 : i32 to vector<16xi32>
      %mul3A_353 = arith.muli %iota3A, %mul3A_352 : vector<16xi32>
      %add3A_354 = arith.addi %mul3A_353, %gather3A_350 : vector<16xi32>
      tpu.vector_store_idx %arg8[%add3A_354], %get3A_347 masked %lt3A_2 {add = true} : memref<90112xf32, #tpu.memory_space<vmem>>[vector<16xi32>], vector<16xf32>, vector<16xi1>
      %get3A_355 = arith.constant 31 : i32
      %get3A_356 = arith.index_cast %get3A_355 : i32 to index
      %get3A_357 = arith.constant 0 : index
      %get3A_358 = tpu.vector_load %arg7[%get3A_356, %get3A_357] {strides = array<i32>} : memref<128x16xf32, #tpu.memory_space<vmem>>, vector<16xf32>,
      %broadcast_in_dim3A_359 = arith.constant 31 : i32
      %broadcast_in_dim3A_360 = vector.broadcast %broadcast_in_dim3A_359 : i32 to vector<16xi32>
      %gather3A_361 = tpu.vector_load_idx %arg6[%broadcast_in_dim3A, %broadcast_in_dim3A_360] : memref<40x128xi32, #tpu.memory_space<vmem>>[vector<16xi32>, vector<16xi32>], vector<16xi32>,
      %mul3A_362 = arith.constant 10000 : i32
      %mul3A_363 = vector.broadcast %mul3A_362 : i32 to vector<16xi32>
      %mul3A_364 = arith.muli %iota3A, %mul3A_363 : vector<16xi32>
      %add3A_365 = arith.addi %mul3A_364, %gather3A_361 : vector<16xi32>
      tpu.vector_store_idx %arg8[%add3A_365], %get3A_358 masked %lt3A_2 {add = true} : memref<90112xf32, #tpu.memory_space<vmem>>[vector<16xi32>], vector<16xf32>, vector<16xi1>
      %get3A_366 = arith.constant 32 : i32
      %get3A_367 = arith.index_cast %get3A_366 : i32 to index
      %get3A_368 = arith.constant 0 : index
      %get3A_369 = tpu.vector_load %arg7[%get3A_367, %get3A_368] {strides = array<i32>} : memref<128x16xf32, #tpu.memory_space<vmem>>, vector<16xf32>,
      %broadcast_in_dim3A_370 = arith.constant 32 : i32
      %broadcast_in_dim3A_371 = vector.broadcast %broadcast_in_dim3A_370 : i32 to vector<16xi32>
      %gather3A_372 = tpu.vector_load_idx %arg6[%broadcast_in_dim3A, %broadcast_in_dim3A_371] : memref<40x128xi32, #tpu.memory_space<vmem>>[vector<16xi32>, vector<16xi32>], vector<16xi32>,
      %mul3A_373 = arith.constant 10000 : i32
      %mul3A_374 = vector.broadcast %mul3A_373 : i32 to vector<16xi32>
      %mul3A_375 = arith.muli %iota3A, %mul3A_374 : vector<16xi32>
      %add3A_376 = arith.addi %mul3A_375, %gather3A_372 : vector<16xi32>
      tpu.vector_store_idx %arg8[%add3A_376], %get3A_369 masked %lt3A_2 {add = true} : memref<90112xf32, #tpu.memory_space<vmem>>[vector<16xi32>], vector<16xf32>, vector<16xi1>
      %get3A_377 = arith.constant 33 : i32
      %get3A_378 = arith.index_cast %get3A_377 : i32 to index
      %get3A_379 = arith.constant 0 : index
      %get3A_380 = tpu.vector_load %arg7[%get3A_378, %get3A_379] {strides = array<i32>} : memref<128x16xf32, #tpu.memory_space<vmem>>, vector<16xf32>,
      %broadcast_in_dim3A_381 = arith.constant 33 : i32
      %broadcast_in_dim3A_382 = vector.broadcast %broadcast_in_dim3A_381 : i32 to vector<16xi32>
      %gather3A_383 = tpu.vector_load_idx %arg6[%broadcast_in_dim3A, %broadcast_in_dim3A_382] : memref<40x128xi32, #tpu.memory_space<vmem>>[vector<16xi32>, vector<16xi32>], vector<16xi32>,
      %mul3A_384 = arith.constant 10000 : i32
      %mul3A_385 = vector.broadcast %mul3A_384 : i32 to vector<16xi32>
      %mul3A_386 = arith.muli %iota3A, %mul3A_385 : vector<16xi32>
      %add3A_387 = arith.addi %mul3A_386, %gather3A_383 : vector<16xi32>
      tpu.vector_store_idx %arg8[%add3A_387], %get3A_380 masked %lt3A_2 {add = true} : memref<90112xf32, #tpu.memory_space<vmem>>[vector<16xi32>], vector<16xf32>, vector<16xi1>
      %get3A_388 = arith.constant 34 : i32
      %get3A_389 = arith.index_cast %get3A_388 : i32 to index
      %get3A_390 = arith.constant 0 : index
      %get3A_391 = tpu.vector_load %arg7[%get3A_389, %get3A_390] {strides = array<i32>} : memref<128x16xf32, #tpu.memory_space<vmem>>, vector<16xf32>,
      %broadcast_in_dim3A_392 = arith.constant 34 : i32
      %broadcast_in_dim3A_393 = vector.broadcast %broadcast_in_dim3A_392 : i32 to vector<16xi32>
      %gather3A_394 = tpu.vector_load_idx %arg6[%broadcast_in_dim3A, %broadcast_in_dim3A_393] : memref<40x128xi32, #tpu.memory_space<vmem>>[vector<16xi32>, vector<16xi32>], vector<16xi32>,
      %mul3A_395 = arith.constant 10000 : i32
      %mul3A_396 = vector.broadcast %mul3A_395 : i32 to vector<16xi32>
      %mul3A_397 = arith.muli %iota3A, %mul3A_396 : vector<16xi32>
      %add3A_398 = arith.addi %mul3A_397, %gather3A_394 : vector<16xi32>
      tpu.vector_store_idx %arg8[%add3A_398], %get3A_391 masked %lt3A_2 {add = true} : memref<90112xf32, #tpu.memory_space<vmem>>[vector<16xi32>], vector<16xf32>, vector<16xi1>
      %get3A_399 = arith.constant 35 : i32
      %get3A_400 = arith.index_cast %get3A_399 : i32 to index
      %get3A_401 = arith.constant 0 : index
      %get3A_402 = tpu.vector_load %arg7[%get3A_400, %get3A_401] {strides = array<i32>} : memref<128x16xf32, #tpu.memory_space<vmem>>, vector<16xf32>,
      %broadcast_in_dim3A_403 = arith.constant 35 : i32
      %broadcast_in_dim3A_404 = vector.broadcast %broadcast_in_dim3A_403 : i32 to vector<16xi32>
      %gather3A_405 = tpu.vector_load_idx %arg6[%broadcast_in_dim3A, %broadcast_in_dim3A_404] : memref<40x128xi32, #tpu.memory_space<vmem>>[vector<16xi32>, vector<16xi32>], vector<16xi32>,
      %mul3A_406 = arith.constant 10000 : i32
      %mul3A_407 = vector.broadcast %mul3A_406 : i32 to vector<16xi32>
      %mul3A_408 = arith.muli %iota3A, %mul3A_407 : vector<16xi32>
      %add3A_409 = arith.addi %mul3A_408, %gather3A_405 : vector<16xi32>
      tpu.vector_store_idx %arg8[%add3A_409], %get3A_402 masked %lt3A_2 {add = true} : memref<90112xf32, #tpu.memory_space<vmem>>[vector<16xi32>], vector<16xf32>, vector<16xi1>
      %get3A_410 = arith.constant 36 : i32
      %get3A_411 = arith.index_cast %get3A_410 : i32 to index
      %get3A_412 = arith.constant 0 : index
      %get3A_413 = tpu.vector_load %arg7[%get3A_411, %get3A_412] {strides = array<i32>} : memref<128x16xf32, #tpu.memory_space<vmem>>, vector<16xf32>,
      %broadcast_in_dim3A_414 = arith.constant 36 : i32
      %broadcast_in_dim3A_415 = vector.broadcast %broadcast_in_dim3A_414 : i32 to vector<16xi32>
      %gather3A_416 = tpu.vector_load_idx %arg6[%broadcast_in_dim3A, %broadcast_in_dim3A_415] : memref<40x128xi32, #tpu.memory_space<vmem>>[vector<16xi32>, vector<16xi32>], vector<16xi32>,
      %mul3A_417 = arith.constant 10000 : i32
      %mul3A_418 = vector.broadcast %mul3A_417 : i32 to vector<16xi32>
      %mul3A_419 = arith.muli %iota3A, %mul3A_418 : vector<16xi32>
      %add3A_420 = arith.addi %mul3A_419, %gather3A_416 : vector<16xi32>
      tpu.vector_store_idx %arg8[%add3A_420], %get3A_413 masked %lt3A_2 {add = true} : memref<90112xf32, #tpu.memory_space<vmem>>[vector<16xi32>], vector<16xf32>, vector<16xi1>
      %get3A_421 = arith.constant 37 : i32
      %get3A_422 = arith.index_cast %get3A_421 : i32 to index
      %get3A_423 = arith.constant 0 : index
      %get3A_424 = tpu.vector_load %arg7[%get3A_422, %get3A_423] {strides = array<i32>} : memref<128x16xf32, #tpu.memory_space<vmem>>, vector<16xf32>,
      %broadcast_in_dim3A_425 = arith.constant 37 : i32
      %broadcast_in_dim3A_426 = vector.broadcast %broadcast_in_dim3A_425 : i32 to vector<16xi32>
      %gather3A_427 = tpu.vector_load_idx %arg6[%broadcast_in_dim3A, %broadcast_in_dim3A_426] : memref<40x128xi32, #tpu.memory_space<vmem>>[vector<16xi32>, vector<16xi32>], vector<16xi32>,
      %mul3A_428 = arith.constant 10000 : i32
      %mul3A_429 = vector.broadcast %mul3A_428 : i32 to vector<16xi32>
      %mul3A_430 = arith.muli %iota3A, %mul3A_429 : vector<16xi32>
      %add3A_431 = arith.addi %mul3A_430, %gather3A_427 : vector<16xi32>
      tpu.vector_store_idx %arg8[%add3A_431], %get3A_424 masked %lt3A_2 {add = true} : memref<90112xf32, #tpu.memory_space<vmem>>[vector<16xi32>], vector<16xf32>, vector<16xi1>
      %get3A_432 = arith.constant 38 : i32
      %get3A_433 = arith.index_cast %get3A_432 : i32 to index
      %get3A_434 = arith.constant 0 : index
      %get3A_435 = tpu.vector_load %arg7[%get3A_433, %get3A_434] {strides = array<i32>} : memref<128x16xf32, #tpu.memory_space<vmem>>, vector<16xf32>,
      %broadcast_in_dim3A_436 = arith.constant 38 : i32
      %broadcast_in_dim3A_437 = vector.broadcast %broadcast_in_dim3A_436 : i32 to vector<16xi32>
      %gather3A_438 = tpu.vector_load_idx %arg6[%broadcast_in_dim3A, %broadcast_in_dim3A_437] : memref<40x128xi32, #tpu.memory_space<vmem>>[vector<16xi32>, vector<16xi32>], vector<16xi32>,
      %mul3A_439 = arith.constant 10000 : i32
      %mul3A_440 = vector.broadcast %mul3A_439 : i32 to vector<16xi32>
      %mul3A_441 = arith.muli %iota3A, %mul3A_440 : vector<16xi32>
      %add3A_442 = arith.addi %mul3A_441, %gather3A_438 : vector<16xi32>
      tpu.vector_store_idx %arg8[%add3A_442], %get3A_435 masked %lt3A_2 {add = true} : memref<90112xf32, #tpu.memory_space<vmem>>[vector<16xi32>], vector<16xf32>, vector<16xi1>
      %get3A_443 = arith.constant 39 : i32
      %get3A_444 = arith.index_cast %get3A_443 : i32 to index
      %get3A_445 = arith.constant 0 : index
      %get3A_446 = tpu.vector_load %arg7[%get3A_444, %get3A_445] {strides = array<i32>} : memref<128x16xf32, #tpu.memory_space<vmem>>, vector<16xf32>,
      %broadcast_in_dim3A_447 = arith.constant 39 : i32
      %broadcast_in_dim3A_448 = vector.broadcast %broadcast_in_dim3A_447 : i32 to vector<16xi32>
      %gather3A_449 = tpu.vector_load_idx %arg6[%broadcast_in_dim3A, %broadcast_in_dim3A_448] : memref<40x128xi32, #tpu.memory_space<vmem>>[vector<16xi32>, vector<16xi32>], vector<16xi32>,
      %mul3A_450 = arith.constant 10000 : i32
      %mul3A_451 = vector.broadcast %mul3A_450 : i32 to vector<16xi32>
      %mul3A_452 = arith.muli %iota3A, %mul3A_451 : vector<16xi32>
      %add3A_453 = arith.addi %mul3A_452, %gather3A_449 : vector<16xi32>
      tpu.vector_store_idx %arg8[%add3A_453], %get3A_446 masked %lt3A_2 {add = true} : memref<90112xf32, #tpu.memory_space<vmem>>[vector<16xi32>], vector<16xf32>, vector<16xi1>
      %get3A_454 = arith.constant 40 : i32
      %get3A_455 = arith.index_cast %get3A_454 : i32 to index
      %get3A_456 = arith.constant 0 : index
      %get3A_457 = tpu.vector_load %arg7[%get3A_455, %get3A_456] {strides = array<i32>} : memref<128x16xf32, #tpu.memory_space<vmem>>, vector<16xf32>,
      %broadcast_in_dim3A_458 = arith.constant 40 : i32
      %broadcast_in_dim3A_459 = vector.broadcast %broadcast_in_dim3A_458 : i32 to vector<16xi32>
      %gather3A_460 = tpu.vector_load_idx %arg6[%broadcast_in_dim3A, %broadcast_in_dim3A_459] : memref<40x128xi32, #tpu.memory_space<vmem>>[vector<16xi32>, vector<16xi32>], vector<16xi32>,
      %mul3A_461 = arith.constant 10000 : i32
      %mul3A_462 = vector.broadcast %mul3A_461 : i32 to vector<16xi32>
      %mul3A_463 = arith.muli %iota3A, %mul3A_462 : vector<16xi32>
      %add3A_464 = arith.addi %mul3A_463, %gather3A_460 : vector<16xi32>
      tpu.vector_store_idx %arg8[%add3A_464], %get3A_457 masked %lt3A_2 {add = true} : memref<90112xf32, #tpu.memory_space<vmem>>[vector<16xi32>], vector<16xf32>, vector<16xi1>
      %get3A_465 = arith.constant 41 : i32
      %get3A_466 = arith.index_cast %get3A_465 : i32 to index
      %get3A_467 = arith.constant 0 : index
      %get3A_468 = tpu.vector_load %arg7[%get3A_466, %get3A_467] {strides = array<i32>} : memref<128x16xf32, #tpu.memory_space<vmem>>, vector<16xf32>,
      %broadcast_in_dim3A_469 = arith.constant 41 : i32
      %broadcast_in_dim3A_470 = vector.broadcast %broadcast_in_dim3A_469 : i32 to vector<16xi32>
      %gather3A_471 = tpu.vector_load_idx %arg6[%broadcast_in_dim3A, %broadcast_in_dim3A_470] : memref<40x128xi32, #tpu.memory_space<vmem>>[vector<16xi32>, vector<16xi32>], vector<16xi32>,
      %mul3A_472 = arith.constant 10000 : i32
      %mul3A_473 = vector.broadcast %mul3A_472 : i32 to vector<16xi32>
      %mul3A_474 = arith.muli %iota3A, %mul3A_473 : vector<16xi32>
      %add3A_475 = arith.addi %mul3A_474, %gather3A_471 : vector<16xi32>
      tpu.vector_store_idx %arg8[%add3A_475], %get3A_468 masked %lt3A_2 {add = true} : memref<90112xf32, #tpu.memory_space<vmem>>[vector<16xi32>], vector<16xf32>, vector<16xi1>
      %get3A_476 = arith.constant 42 : i32
      %get3A_477 = arith.index_cast %get3A_476 : i32 to index
      %get3A_478 = arith.constant 0 : index
      %get3A_479 = tpu.vector_load %arg7[%get3A_477, %get3A_478] {strides = array<i32>} : memref<128x16xf32, #tpu.memory_space<vmem>>, vector<16xf32>,
      %broadcast_in_dim3A_480 = arith.constant 42 : i32
      %broadcast_in_dim3A_481 = vector.broadcast %broadcast_in_dim3A_480 : i32 to vector<16xi32>
      %gather3A_482 = tpu.vector_load_idx %arg6[%broadcast_in_dim3A, %broadcast_in_dim3A_481] : memref<40x128xi32, #tpu.memory_space<vmem>>[vector<16xi32>, vector<16xi32>], vector<16xi32>,
      %mul3A_483 = arith.constant 10000 : i32
      %mul3A_484 = vector.broadcast %mul3A_483 : i32 to vector<16xi32>
      %mul3A_485 = arith.muli %iota3A, %mul3A_484 : vector<16xi32>
      %add3A_486 = arith.addi %mul3A_485, %gather3A_482 : vector<16xi32>
      tpu.vector_store_idx %arg8[%add3A_486], %get3A_479 masked %lt3A_2 {add = true} : memref<90112xf32, #tpu.memory_space<vmem>>[vector<16xi32>], vector<16xf32>, vector<16xi1>
      %get3A_487 = arith.constant 43 : i32
      %get3A_488 = arith.index_cast %get3A_487 : i32 to index
      %get3A_489 = arith.constant 0 : index
      %get3A_490 = tpu.vector_load %arg7[%get3A_488, %get3A_489] {strides = array<i32>} : memref<128x16xf32, #tpu.memory_space<vmem>>, vector<16xf32>,
      %broadcast_in_dim3A_491 = arith.constant 43 : i32
      %broadcast_in_dim3A_492 = vector.broadcast %broadcast_in_dim3A_491 : i32 to vector<16xi32>
      %gather3A_493 = tpu.vector_load_idx %arg6[%broadcast_in_dim3A, %broadcast_in_dim3A_492] : memref<40x128xi32, #tpu.memory_space<vmem>>[vector<16xi32>, vector<16xi32>], vector<16xi32>,
      %mul3A_494 = arith.constant 10000 : i32
      %mul3A_495 = vector.broadcast %mul3A_494 : i32 to vector<16xi32>
      %mul3A_496 = arith.muli %iota3A, %mul3A_495 : vector<16xi32>
      %add3A_497 = arith.addi %mul3A_496, %gather3A_493 : vector<16xi32>
      tpu.vector_store_idx %arg8[%add3A_497], %get3A_490 masked %lt3A_2 {add = true} : memref<90112xf32, #tpu.memory_space<vmem>>[vector<16xi32>], vector<16xf32>, vector<16xi1>
      %get3A_498 = arith.constant 44 : i32
      %get3A_499 = arith.index_cast %get3A_498 : i32 to index
      %get3A_500 = arith.constant 0 : index
      %get3A_501 = tpu.vector_load %arg7[%get3A_499, %get3A_500] {strides = array<i32>} : memref<128x16xf32, #tpu.memory_space<vmem>>, vector<16xf32>,
      %broadcast_in_dim3A_502 = arith.constant 44 : i32
      %broadcast_in_dim3A_503 = vector.broadcast %broadcast_in_dim3A_502 : i32 to vector<16xi32>
      %gather3A_504 = tpu.vector_load_idx %arg6[%broadcast_in_dim3A, %broadcast_in_dim3A_503] : memref<40x128xi32, #tpu.memory_space<vmem>>[vector<16xi32>, vector<16xi32>], vector<16xi32>,
      %mul3A_505 = arith.constant 10000 : i32
      %mul3A_506 = vector.broadcast %mul3A_505 : i32 to vector<16xi32>
      %mul3A_507 = arith.muli %iota3A, %mul3A_506 : vector<16xi32>
      %add3A_508 = arith.addi %mul3A_507, %gather3A_504 : vector<16xi32>
      tpu.vector_store_idx %arg8[%add3A_508], %get3A_501 masked %lt3A_2 {add = true} : memref<90112xf32, #tpu.memory_space<vmem>>[vector<16xi32>], vector<16xf32>, vector<16xi1>
      %get3A_509 = arith.constant 45 : i32
      %get3A_510 = arith.index_cast %get3A_509 : i32 to index
      %get3A_511 = arith.constant 0 : index
      %get3A_512 = tpu.vector_load %arg7[%get3A_510, %get3A_511] {strides = array<i32>} : memref<128x16xf32, #tpu.memory_space<vmem>>, vector<16xf32>,
      %broadcast_in_dim3A_513 = arith.constant 45 : i32
      %broadcast_in_dim3A_514 = vector.broadcast %broadcast_in_dim3A_513 : i32 to vector<16xi32>
      %gather3A_515 = tpu.vector_load_idx %arg6[%broadcast_in_dim3A, %broadcast_in_dim3A_514] : memref<40x128xi32, #tpu.memory_space<vmem>>[vector<16xi32>, vector<16xi32>], vector<16xi32>,
      %mul3A_516 = arith.constant 10000 : i32
      %mul3A_517 = vector.broadcast %mul3A_516 : i32 to vector<16xi32>
      %mul3A_518 = arith.muli %iota3A, %mul3A_517 : vector<16xi32>
      %add3A_519 = arith.addi %mul3A_518, %gather3A_515 : vector<16xi32>
      tpu.vector_store_idx %arg8[%add3A_519], %get3A_512 masked %lt3A_2 {add = true} : memref<90112xf32, #tpu.memory_space<vmem>>[vector<16xi32>], vector<16xf32>, vector<16xi1>
      %get3A_520 = arith.constant 46 : i32
      %get3A_521 = arith.index_cast %get3A_520 : i32 to index
      %get3A_522 = arith.constant 0 : index
      %get3A_523 = tpu.vector_load %arg7[%get3A_521, %get3A_522] {strides = array<i32>} : memref<128x16xf32, #tpu.memory_space<vmem>>, vector<16xf32>,
      %broadcast_in_dim3A_524 = arith.constant 46 : i32
      %broadcast_in_dim3A_525 = vector.broadcast %broadcast_in_dim3A_524 : i32 to vector<16xi32>
      %gather3A_526 = tpu.vector_load_idx %arg6[%broadcast_in_dim3A, %broadcast_in_dim3A_525] : memref<40x128xi32, #tpu.memory_space<vmem>>[vector<16xi32>, vector<16xi32>], vector<16xi32>,
      %mul3A_527 = arith.constant 10000 : i32
      %mul3A_528 = vector.broadcast %mul3A_527 : i32 to vector<16xi32>
      %mul3A_529 = arith.muli %iota3A, %mul3A_528 : vector<16xi32>
      %add3A_530 = arith.addi %mul3A_529, %gather3A_526 : vector<16xi32>
      tpu.vector_store_idx %arg8[%add3A_530], %get3A_523 masked %lt3A_2 {add = true} : memref<90112xf32, #tpu.memory_space<vmem>>[vector<16xi32>], vector<16xf32>, vector<16xi1>
      %get3A_531 = arith.constant 47 : i32
      %get3A_532 = arith.index_cast %get3A_531 : i32 to index
      %get3A_533 = arith.constant 0 : index
      %get3A_534 = tpu.vector_load %arg7[%get3A_532, %get3A_533] {strides = array<i32>} : memref<128x16xf32, #tpu.memory_space<vmem>>, vector<16xf32>,
      %broadcast_in_dim3A_535 = arith.constant 47 : i32
      %broadcast_in_dim3A_536 = vector.broadcast %broadcast_in_dim3A_535 : i32 to vector<16xi32>
      %gather3A_537 = tpu.vector_load_idx %arg6[%broadcast_in_dim3A, %broadcast_in_dim3A_536] : memref<40x128xi32, #tpu.memory_space<vmem>>[vector<16xi32>, vector<16xi32>], vector<16xi32>,
      %mul3A_538 = arith.constant 10000 : i32
      %mul3A_539 = vector.broadcast %mul3A_538 : i32 to vector<16xi32>
      %mul3A_540 = arith.muli %iota3A, %mul3A_539 : vector<16xi32>
      %add3A_541 = arith.addi %mul3A_540, %gather3A_537 : vector<16xi32>
      tpu.vector_store_idx %arg8[%add3A_541], %get3A_534 masked %lt3A_2 {add = true} : memref<90112xf32, #tpu.memory_space<vmem>>[vector<16xi32>], vector<16xf32>, vector<16xi1>
      %get3A_542 = arith.constant 48 : i32
      %get3A_543 = arith.index_cast %get3A_542 : i32 to index
      %get3A_544 = arith.constant 0 : index
      %get3A_545 = tpu.vector_load %arg7[%get3A_543, %get3A_544] {strides = array<i32>} : memref<128x16xf32, #tpu.memory_space<vmem>>, vector<16xf32>,
      %broadcast_in_dim3A_546 = arith.constant 48 : i32
      %broadcast_in_dim3A_547 = vector.broadcast %broadcast_in_dim3A_546 : i32 to vector<16xi32>
      %gather3A_548 = tpu.vector_load_idx %arg6[%broadcast_in_dim3A, %broadcast_in_dim3A_547] : memref<40x128xi32, #tpu.memory_space<vmem>>[vector<16xi32>, vector<16xi32>], vector<16xi32>,
      %mul3A_549 = arith.constant 10000 : i32
      %mul3A_550 = vector.broadcast %mul3A_549 : i32 to vector<16xi32>
      %mul3A_551 = arith.muli %iota3A, %mul3A_550 : vector<16xi32>
      %add3A_552 = arith.addi %mul3A_551, %gather3A_548 : vector<16xi32>
      tpu.vector_store_idx %arg8[%add3A_552], %get3A_545 masked %lt3A_2 {add = true} : memref<90112xf32, #tpu.memory_space<vmem>>[vector<16xi32>], vector<16xf32>, vector<16xi1>
      %get3A_553 = arith.constant 49 : i32
      %get3A_554 = arith.index_cast %get3A_553 : i32 to index
      %get3A_555 = arith.constant 0 : index
      %get3A_556 = tpu.vector_load %arg7[%get3A_554, %get3A_555] {strides = array<i32>} : memref<128x16xf32, #tpu.memory_space<vmem>>, vector<16xf32>,
      %broadcast_in_dim3A_557 = arith.constant 49 : i32
      %broadcast_in_dim3A_558 = vector.broadcast %broadcast_in_dim3A_557 : i32 to vector<16xi32>
      %gather3A_559 = tpu.vector_load_idx %arg6[%broadcast_in_dim3A, %broadcast_in_dim3A_558] : memref<40x128xi32, #tpu.memory_space<vmem>>[vector<16xi32>, vector<16xi32>], vector<16xi32>,
      %mul3A_560 = arith.constant 10000 : i32
      %mul3A_561 = vector.broadcast %mul3A_560 : i32 to vector<16xi32>
      %mul3A_562 = arith.muli %iota3A, %mul3A_561 : vector<16xi32>
      %add3A_563 = arith.addi %mul3A_562, %gather3A_559 : vector<16xi32>
      tpu.vector_store_idx %arg8[%add3A_563], %get3A_556 masked %lt3A_2 {add = true} : memref<90112xf32, #tpu.memory_space<vmem>>[vector<16xi32>], vector<16xf32>, vector<16xi1>
      %get3A_564 = arith.constant 50 : i32
      %get3A_565 = arith.index_cast %get3A_564 : i32 to index
      %get3A_566 = arith.constant 0 : index
      %get3A_567 = tpu.vector_load %arg7[%get3A_565, %get3A_566] {strides = array<i32>} : memref<128x16xf32, #tpu.memory_space<vmem>>, vector<16xf32>,
      %broadcast_in_dim3A_568 = arith.constant 50 : i32
      %broadcast_in_dim3A_569 = vector.broadcast %broadcast_in_dim3A_568 : i32 to vector<16xi32>
      %gather3A_570 = tpu.vector_load_idx %arg6[%broadcast_in_dim3A, %broadcast_in_dim3A_569] : memref<40x128xi32, #tpu.memory_space<vmem>>[vector<16xi32>, vector<16xi32>], vector<16xi32>,
      %mul3A_571 = arith.constant 10000 : i32
      %mul3A_572 = vector.broadcast %mul3A_571 : i32 to vector<16xi32>
      %mul3A_573 = arith.muli %iota3A, %mul3A_572 : vector<16xi32>
      %add3A_574 = arith.addi %mul3A_573, %gather3A_570 : vector<16xi32>
      tpu.vector_store_idx %arg8[%add3A_574], %get3A_567 masked %lt3A_2 {add = true} : memref<90112xf32, #tpu.memory_space<vmem>>[vector<16xi32>], vector<16xf32>, vector<16xi1>
      %get3A_575 = arith.constant 51 : i32
      %get3A_576 = arith.index_cast %get3A_575 : i32 to index
      %get3A_577 = arith.constant 0 : index
      %get3A_578 = tpu.vector_load %arg7[%get3A_576, %get3A_577] {strides = array<i32>} : memref<128x16xf32, #tpu.memory_space<vmem>>, vector<16xf32>,
      %broadcast_in_dim3A_579 = arith.constant 51 : i32
      %broadcast_in_dim3A_580 = vector.broadcast %broadcast_in_dim3A_579 : i32 to vector<16xi32>
      %gather3A_581 = tpu.vector_load_idx %arg6[%broadcast_in_dim3A, %broadcast_in_dim3A_580] : memref<40x128xi32, #tpu.memory_space<vmem>>[vector<16xi32>, vector<16xi32>], vector<16xi32>,
      %mul3A_582 = arith.constant 10000 : i32
      %mul3A_583 = vector.broadcast %mul3A_582 : i32 to vector<16xi32>
      %mul3A_584 = arith.muli %iota3A, %mul3A_583 : vector<16xi32>
      %add3A_585 = arith.addi %mul3A_584, %gather3A_581 : vector<16xi32>
      tpu.vector_store_idx %arg8[%add3A_585], %get3A_578 masked %lt3A_2 {add = true} : memref<90112xf32, #tpu.memory_space<vmem>>[vector<16xi32>], vector<16xf32>, vector<16xi1>
      %get3A_586 = arith.constant 52 : i32
      %get3A_587 = arith.index_cast %get3A_586 : i32 to index
      %get3A_588 = arith.constant 0 : index
      %get3A_589 = tpu.vector_load %arg7[%get3A_587, %get3A_588] {strides = array<i32>} : memref<128x16xf32, #tpu.memory_space<vmem>>, vector<16xf32>,
      %broadcast_in_dim3A_590 = arith.constant 52 : i32
      %broadcast_in_dim3A_591 = vector.broadcast %broadcast_in_dim3A_590 : i32 to vector<16xi32>
      %gather3A_592 = tpu.vector_load_idx %arg6[%broadcast_in_dim3A, %broadcast_in_dim3A_591] : memref<40x128xi32, #tpu.memory_space<vmem>>[vector<16xi32>, vector<16xi32>], vector<16xi32>,
      %mul3A_593 = arith.constant 10000 : i32
      %mul3A_594 = vector.broadcast %mul3A_593 : i32 to vector<16xi32>
      %mul3A_595 = arith.muli %iota3A, %mul3A_594 : vector<16xi32>
      %add3A_596 = arith.addi %mul3A_595, %gather3A_592 : vector<16xi32>
      tpu.vector_store_idx %arg8[%add3A_596], %get3A_589 masked %lt3A_2 {add = true} : memref<90112xf32, #tpu.memory_space<vmem>>[vector<16xi32>], vector<16xf32>, vector<16xi1>
      %get3A_597 = arith.constant 53 : i32
      %get3A_598 = arith.index_cast %get3A_597 : i32 to index
      %get3A_599 = arith.constant 0 : index
      %get3A_600 = tpu.vector_load %arg7[%get3A_598, %get3A_599] {strides = array<i32>} : memref<128x16xf32, #tpu.memory_space<vmem>>, vector<16xf32>,
      %broadcast_in_dim3A_601 = arith.constant 53 : i32
      %broadcast_in_dim3A_602 = vector.broadcast %broadcast_in_dim3A_601 : i32 to vector<16xi32>
      %gather3A_603 = tpu.vector_load_idx %arg6[%broadcast_in_dim3A, %broadcast_in_dim3A_602] : memref<40x128xi32, #tpu.memory_space<vmem>>[vector<16xi32>, vector<16xi32>], vector<16xi32>,
      %mul3A_604 = arith.constant 10000 : i32
      %mul3A_605 = vector.broadcast %mul3A_604 : i32 to vector<16xi32>
      %mul3A_606 = arith.muli %iota3A, %mul3A_605 : vector<16xi32>
      %add3A_607 = arith.addi %mul3A_606, %gather3A_603 : vector<16xi32>
      tpu.vector_store_idx %arg8[%add3A_607], %get3A_600 masked %lt3A_2 {add = true} : memref<90112xf32, #tpu.memory_space<vmem>>[vector<16xi32>], vector<16xf32>, vector<16xi1>
      %get3A_608 = arith.constant 54 : i32
      %get3A_609 = arith.index_cast %get3A_608 : i32 to index
      %get3A_610 = arith.constant 0 : index
      %get3A_611 = tpu.vector_load %arg7[%get3A_609, %get3A_610] {strides = array<i32>} : memref<128x16xf32, #tpu.memory_space<vmem>>, vector<16xf32>,
      %broadcast_in_dim3A_612 = arith.constant 54 : i32
      %broadcast_in_dim3A_613 = vector.broadcast %broadcast_in_dim3A_612 : i32 to vector<16xi32>
      %gather3A_614 = tpu.vector_load_idx %arg6[%broadcast_in_dim3A, %broadcast_in_dim3A_613] : memref<40x128xi32, #tpu.memory_space<vmem>>[vector<16xi32>, vector<16xi32>], vector<16xi32>,
      %mul3A_615 = arith.constant 10000 : i32
      %mul3A_616 = vector.broadcast %mul3A_615 : i32 to vector<16xi32>
      %mul3A_617 = arith.muli %iota3A, %mul3A_616 : vector<16xi32>
      %add3A_618 = arith.addi %mul3A_617, %gather3A_614 : vector<16xi32>
      tpu.vector_store_idx %arg8[%add3A_618], %get3A_611 masked %lt3A_2 {add = true} : memref<90112xf32, #tpu.memory_space<vmem>>[vector<16xi32>], vector<16xf32>, vector<16xi1>
      %get3A_619 = arith.constant 55 : i32
      %get3A_620 = arith.index_cast %get3A_619 : i32 to index
      %get3A_621 = arith.constant 0 : index
      %get3A_622 = tpu.vector_load %arg7[%get3A_620, %get3A_621] {strides = array<i32>} : memref<128x16xf32, #tpu.memory_space<vmem>>, vector<16xf32>,
      %broadcast_in_dim3A_623 = arith.constant 55 : i32
      %broadcast_in_dim3A_624 = vector.broadcast %broadcast_in_dim3A_623 : i32 to vector<16xi32>
      %gather3A_625 = tpu.vector_load_idx %arg6[%broadcast_in_dim3A, %broadcast_in_dim3A_624] : memref<40x128xi32, #tpu.memory_space<vmem>>[vector<16xi32>, vector<16xi32>], vector<16xi32>,
      %mul3A_626 = arith.constant 10000 : i32
      %mul3A_627 = vector.broadcast %mul3A_626 : i32 to vector<16xi32>
      %mul3A_628 = arith.muli %iota3A, %mul3A_627 : vector<16xi32>
      %add3A_629 = arith.addi %mul3A_628, %gather3A_625 : vector<16xi32>
      tpu.vector_store_idx %arg8[%add3A_629], %get3A_622 masked %lt3A_2 {add = true} : memref<90112xf32, #tpu.memory_space<vmem>>[vector<16xi32>], vector<16xf32>, vector<16xi1>
      %get3A_630 = arith.constant 56 : i32
      %get3A_631 = arith.index_cast %get3A_630 : i32 to index
      %get3A_632 = arith.constant 0 : index
      %get3A_633 = tpu.vector_load %arg7[%get3A_631, %get3A_632] {strides = array<i32>} : memref<128x16xf32, #tpu.memory_space<vmem>>, vector<16xf32>,
      %broadcast_in_dim3A_634 = arith.constant 56 : i32
      %broadcast_in_dim3A_635 = vector.broadcast %broadcast_in_dim3A_634 : i32 to vector<16xi32>
      %gather3A_636 = tpu.vector_load_idx %arg6[%broadcast_in_dim3A, %broadcast_in_dim3A_635] : memref<40x128xi32, #tpu.memory_space<vmem>>[vector<16xi32>, vector<16xi32>], vector<16xi32>,
      %mul3A_637 = arith.constant 10000 : i32
      %mul3A_638 = vector.broadcast %mul3A_637 : i32 to vector<16xi32>
      %mul3A_639 = arith.muli %iota3A, %mul3A_638 : vector<16xi32>
      %add3A_640 = arith.addi %mul3A_639, %gather3A_636 : vector<16xi32>
      tpu.vector_store_idx %arg8[%add3A_640], %get3A_633 masked %lt3A_2 {add = true} : memref<90112xf32, #tpu.memory_space<vmem>>[vector<16xi32>], vector<16xf32>, vector<16xi1>
      %get3A_641 = arith.constant 57 : i32
      %get3A_642 = arith.index_cast %get3A_641 : i32 to index
      %get3A_643 = arith.constant 0 : index
      %get3A_644 = tpu.vector_load %arg7[%get3A_642, %get3A_643] {strides = array<i32>} : memref<128x16xf32, #tpu.memory_space<vmem>>, vector<16xf32>,
      %broadcast_in_dim3A_645 = arith.constant 57 : i32
      %broadcast_in_dim3A_646 = vector.broadcast %broadcast_in_dim3A_645 : i32 to vector<16xi32>
      %gather3A_647 = tpu.vector_load_idx %arg6[%broadcast_in_dim3A, %broadcast_in_dim3A_646] : memref<40x128xi32, #tpu.memory_space<vmem>>[vector<16xi32>, vector<16xi32>], vector<16xi32>,
      %mul3A_648 = arith.constant 10000 : i32
      %mul3A_649 = vector.broadcast %mul3A_648 : i32 to vector<16xi32>
      %mul3A_650 = arith.muli %iota3A, %mul3A_649 : vector<16xi32>
      %add3A_651 = arith.addi %mul3A_650, %gather3A_647 : vector<16xi32>
      tpu.vector_store_idx %arg8[%add3A_651], %get3A_644 masked %lt3A_2 {add = true} : memref<90112xf32, #tpu.memory_space<vmem>>[vector<16xi32>], vector<16xf32>, vector<16xi1>
      %get3A_652 = arith.constant 58 : i32
      %get3A_653 = arith.index_cast %get3A_652 : i32 to index
      %get3A_654 = arith.constant 0 : index
      %get3A_655 = tpu.vector_load %arg7[%get3A_653, %get3A_654] {strides = array<i32>} : memref<128x16xf32, #tpu.memory_space<vmem>>, vector<16xf32>,
      %broadcast_in_dim3A_656 = arith.constant 58 : i32
      %broadcast_in_dim3A_657 = vector.broadcast %broadcast_in_dim3A_656 : i32 to vector<16xi32>
      %gather3A_658 = tpu.vector_load_idx %arg6[%broadcast_in_dim3A, %broadcast_in_dim3A_657] : memref<40x128xi32, #tpu.memory_space<vmem>>[vector<16xi32>, vector<16xi32>], vector<16xi32>,
      %mul3A_659 = arith.constant 10000 : i32
      %mul3A_660 = vector.broadcast %mul3A_659 : i32 to vector<16xi32>
      %mul3A_661 = arith.muli %iota3A, %mul3A_660 : vector<16xi32>
      %add3A_662 = arith.addi %mul3A_661, %gather3A_658 : vector<16xi32>
      tpu.vector_store_idx %arg8[%add3A_662], %get3A_655 masked %lt3A_2 {add = true} : memref<90112xf32, #tpu.memory_space<vmem>>[vector<16xi32>], vector<16xf32>, vector<16xi1>
      %get3A_663 = arith.constant 59 : i32
      %get3A_664 = arith.index_cast %get3A_663 : i32 to index
      %get3A_665 = arith.constant 0 : index
      %get3A_666 = tpu.vector_load %arg7[%get3A_664, %get3A_665] {strides = array<i32>} : memref<128x16xf32, #tpu.memory_space<vmem>>, vector<16xf32>,
      %broadcast_in_dim3A_667 = arith.constant 59 : i32
      %broadcast_in_dim3A_668 = vector.broadcast %broadcast_in_dim3A_667 : i32 to vector<16xi32>
      %gather3A_669 = tpu.vector_load_idx %arg6[%broadcast_in_dim3A, %broadcast_in_dim3A_668] : memref<40x128xi32, #tpu.memory_space<vmem>>[vector<16xi32>, vector<16xi32>], vector<16xi32>,
      %mul3A_670 = arith.constant 10000 : i32
      %mul3A_671 = vector.broadcast %mul3A_670 : i32 to vector<16xi32>
      %mul3A_672 = arith.muli %iota3A, %mul3A_671 : vector<16xi32>
      %add3A_673 = arith.addi %mul3A_672, %gather3A_669 : vector<16xi32>
      tpu.vector_store_idx %arg8[%add3A_673], %get3A_666 masked %lt3A_2 {add = true} : memref<90112xf32, #tpu.memory_space<vmem>>[vector<16xi32>], vector<16xf32>, vector<16xi1>
      %get3A_674 = arith.constant 60 : i32
      %get3A_675 = arith.index_cast %get3A_674 : i32 to index
      %get3A_676 = arith.constant 0 : index
      %get3A_677 = tpu.vector_load %arg7[%get3A_675, %get3A_676] {strides = array<i32>} : memref<128x16xf32, #tpu.memory_space<vmem>>, vector<16xf32>,
      %broadcast_in_dim3A_678 = arith.constant 60 : i32
      %broadcast_in_dim3A_679 = vector.broadcast %broadcast_in_dim3A_678 : i32 to vector<16xi32>
      %gather3A_680 = tpu.vector_load_idx %arg6[%broadcast_in_dim3A, %broadcast_in_dim3A_679] : memref<40x128xi32, #tpu.memory_space<vmem>>[vector<16xi32>, vector<16xi32>], vector<16xi32>,
      %mul3A_681 = arith.constant 10000 : i32
      %mul3A_682 = vector.broadcast %mul3A_681 : i32 to vector<16xi32>
      %mul3A_683 = arith.muli %iota3A, %mul3A_682 : vector<16xi32>
      %add3A_684 = arith.addi %mul3A_683, %gather3A_680 : vector<16xi32>
      tpu.vector_store_idx %arg8[%add3A_684], %get3A_677 masked %lt3A_2 {add = true} : memref<90112xf32, #tpu.memory_space<vmem>>[vector<16xi32>], vector<16xf32>, vector<16xi1>
      %get3A_685 = arith.constant 61 : i32
      %get3A_686 = arith.index_cast %get3A_685 : i32 to index
      %get3A_687 = arith.constant 0 : index
      %get3A_688 = tpu.vector_load %arg7[%get3A_686, %get3A_687] {strides = array<i32>} : memref<128x16xf32, #tpu.memory_space<vmem>>, vector<16xf32>,
      %broadcast_in_dim3A_689 = arith.constant 61 : i32
      %broadcast_in_dim3A_690 = vector.broadcast %broadcast_in_dim3A_689 : i32 to vector<16xi32>
      %gather3A_691 = tpu.vector_load_idx %arg6[%broadcast_in_dim3A, %broadcast_in_dim3A_690] : memref<40x128xi32, #tpu.memory_space<vmem>>[vector<16xi32>, vector<16xi32>], vector<16xi32>,
      %mul3A_692 = arith.constant 10000 : i32
      %mul3A_693 = vector.broadcast %mul3A_692 : i32 to vector<16xi32>
      %mul3A_694 = arith.muli %iota3A, %mul3A_693 : vector<16xi32>
      %add3A_695 = arith.addi %mul3A_694, %gather3A_691 : vector<16xi32>
      tpu.vector_store_idx %arg8[%add3A_695], %get3A_688 masked %lt3A_2 {add = true} : memref<90112xf32, #tpu.memory_space<vmem>>[vector<16xi32>], vector<16xf32>, vector<16xi1>
      %get3A_696 = arith.constant 62 : i32
      %get3A_697 = arith.index_cast %get3A_696 : i32 to index
      %get3A_698 = arith.constant 0 : index
      %get3A_699 = tpu.vector_load %arg7[%get3A_697, %get3A_698] {strides = array<i32>} : memref<128x16xf32, #tpu.memory_space<vmem>>, vector<16xf32>,
      %broadcast_in_dim3A_700 = arith.constant 62 : i32
      %broadcast_in_dim3A_701 = vector.broadcast %broadcast_in_dim3A_700 : i32 to vector<16xi32>
      %gather3A_702 = tpu.vector_load_idx %arg6[%broadcast_in_dim3A, %broadcast_in_dim3A_701] : memref<40x128xi32, #tpu.memory_space<vmem>>[vector<16xi32>, vector<16xi32>], vector<16xi32>,
      %mul3A_703 = arith.constant 10000 : i32
      %mul3A_704 = vector.broadcast %mul3A_703 : i32 to vector<16xi32>
      %mul3A_705 = arith.muli %iota3A, %mul3A_704 : vector<16xi32>
      %add3A_706 = arith.addi %mul3A_705, %gather3A_702 : vector<16xi32>
      tpu.vector_store_idx %arg8[%add3A_706], %get3A_699 masked %lt3A_2 {add = true} : memref<90112xf32, #tpu.memory_space<vmem>>[vector<16xi32>], vector<16xf32>, vector<16xi1>
      %get3A_707 = arith.constant 63 : i32
      %get3A_708 = arith.index_cast %get3A_707 : i32 to index
      %get3A_709 = arith.constant 0 : index
      %get3A_710 = tpu.vector_load %arg7[%get3A_708, %get3A_709] {strides = array<i32>} : memref<128x16xf32, #tpu.memory_space<vmem>>, vector<16xf32>,
      %broadcast_in_dim3A_711 = arith.constant 63 : i32
      %broadcast_in_dim3A_712 = vector.broadcast %broadcast_in_dim3A_711 : i32 to vector<16xi32>
      %gather3A_713 = tpu.vector_load_idx %arg6[%broadcast_in_dim3A, %broadcast_in_dim3A_712] : memref<40x128xi32, #tpu.memory_space<vmem>>[vector<16xi32>, vector<16xi32>], vector<16xi32>,
      %mul3A_714 = arith.constant 10000 : i32
      %mul3A_715 = vector.broadcast %mul3A_714 : i32 to vector<16xi32>
      %mul3A_716 = arith.muli %iota3A, %mul3A_715 : vector<16xi32>
      %add3A_717 = arith.addi %mul3A_716, %gather3A_713 : vector<16xi32>
      tpu.vector_store_idx %arg8[%add3A_717], %get3A_710 masked %lt3A_2 {add = true} : memref<90112xf32, #tpu.memory_space<vmem>>[vector<16xi32>], vector<16xf32>, vector<16xi1>
      %get3A_718 = arith.constant 64 : i32
      %get3A_719 = arith.index_cast %get3A_718 : i32 to index
      %get3A_720 = arith.constant 0 : index
      %get3A_721 = tpu.vector_load %arg7[%get3A_719, %get3A_720] {strides = array<i32>} : memref<128x16xf32, #tpu.memory_space<vmem>>, vector<16xf32>,
      %broadcast_in_dim3A_722 = arith.constant 64 : i32
      %broadcast_in_dim3A_723 = vector.broadcast %broadcast_in_dim3A_722 : i32 to vector<16xi32>
      %gather3A_724 = tpu.vector_load_idx %arg6[%broadcast_in_dim3A, %broadcast_in_dim3A_723] : memref<40x128xi32, #tpu.memory_space<vmem>>[vector<16xi32>, vector<16xi32>], vector<16xi32>,
      %mul3A_725 = arith.constant 10000 : i32
      %mul3A_726 = vector.broadcast %mul3A_725 : i32 to vector<16xi32>
      %mul3A_727 = arith.muli %iota3A, %mul3A_726 : vector<16xi32>
      %add3A_728 = arith.addi %mul3A_727, %gather3A_724 : vector<16xi32>
      tpu.vector_store_idx %arg8[%add3A_728], %get3A_721 masked %lt3A_2 {add = true} : memref<90112xf32, #tpu.memory_space<vmem>>[vector<16xi32>], vector<16xf32>, vector<16xi1>
      %get3A_729 = arith.constant 65 : i32
      %get3A_730 = arith.index_cast %get3A_729 : i32 to index
      %get3A_731 = arith.constant 0 : index
      %get3A_732 = tpu.vector_load %arg7[%get3A_730, %get3A_731] {strides = array<i32>} : memref<128x16xf32, #tpu.memory_space<vmem>>, vector<16xf32>,
      %broadcast_in_dim3A_733 = arith.constant 65 : i32
      %broadcast_in_dim3A_734 = vector.broadcast %broadcast_in_dim3A_733 : i32 to vector<16xi32>
      %gather3A_735 = tpu.vector_load_idx %arg6[%broadcast_in_dim3A, %broadcast_in_dim3A_734] : memref<40x128xi32, #tpu.memory_space<vmem>>[vector<16xi32>, vector<16xi32>], vector<16xi32>,
      %mul3A_736 = arith.constant 10000 : i32
      %mul3A_737 = vector.broadcast %mul3A_736 : i32 to vector<16xi32>
      %mul3A_738 = arith.muli %iota3A, %mul3A_737 : vector<16xi32>
      %add3A_739 = arith.addi %mul3A_738, %gather3A_735 : vector<16xi32>
      tpu.vector_store_idx %arg8[%add3A_739], %get3A_732 masked %lt3A_2 {add = true} : memref<90112xf32, #tpu.memory_space<vmem>>[vector<16xi32>], vector<16xf32>, vector<16xi1>
      %get3A_740 = arith.constant 66 : i32
      %get3A_741 = arith.index_cast %get3A_740 : i32 to index
      %get3A_742 = arith.constant 0 : index
      %get3A_743 = tpu.vector_load %arg7[%get3A_741, %get3A_742] {strides = array<i32>} : memref<128x16xf32, #tpu.memory_space<vmem>>, vector<16xf32>,
      %broadcast_in_dim3A_744 = arith.constant 66 : i32
      %broadcast_in_dim3A_745 = vector.broadcast %broadcast_in_dim3A_744 : i32 to vector<16xi32>
      %gather3A_746 = tpu.vector_load_idx %arg6[%broadcast_in_dim3A, %broadcast_in_dim3A_745] : memref<40x128xi32, #tpu.memory_space<vmem>>[vector<16xi32>, vector<16xi32>], vector<16xi32>,
      %mul3A_747 = arith.constant 10000 : i32
      %mul3A_748 = vector.broadcast %mul3A_747 : i32 to vector<16xi32>
      %mul3A_749 = arith.muli %iota3A, %mul3A_748 : vector<16xi32>
      %add3A_750 = arith.addi %mul3A_749, %gather3A_746 : vector<16xi32>
      tpu.vector_store_idx %arg8[%add3A_750], %get3A_743 masked %lt3A_2 {add = true} : memref<90112xf32, #tpu.memory_space<vmem>>[vector<16xi32>], vector<16xf32>, vector<16xi1>
      %get3A_751 = arith.constant 67 : i32
      %get3A_752 = arith.index_cast %get3A_751 : i32 to index
      %get3A_753 = arith.constant 0 : index
      %get3A_754 = tpu.vector_load %arg7[%get3A_752, %get3A_753] {strides = array<i32>} : memref<128x16xf32, #tpu.memory_space<vmem>>, vector<16xf32>,
      %broadcast_in_dim3A_755 = arith.constant 67 : i32
      %broadcast_in_dim3A_756 = vector.broadcast %broadcast_in_dim3A_755 : i32 to vector<16xi32>
      %gather3A_757 = tpu.vector_load_idx %arg6[%broadcast_in_dim3A, %broadcast_in_dim3A_756] : memref<40x128xi32, #tpu.memory_space<vmem>>[vector<16xi32>, vector<16xi32>], vector<16xi32>,
      %mul3A_758 = arith.constant 10000 : i32
      %mul3A_759 = vector.broadcast %mul3A_758 : i32 to vector<16xi32>
      %mul3A_760 = arith.muli %iota3A, %mul3A_759 : vector<16xi32>
      %add3A_761 = arith.addi %mul3A_760, %gather3A_757 : vector<16xi32>
      tpu.vector_store_idx %arg8[%add3A_761], %get3A_754 masked %lt3A_2 {add = true} : memref<90112xf32, #tpu.memory_space<vmem>>[vector<16xi32>], vector<16xf32>, vector<16xi1>
      %get3A_762 = arith.constant 68 : i32
      %get3A_763 = arith.index_cast %get3A_762 : i32 to index
      %get3A_764 = arith.constant 0 : index
      %get3A_765 = tpu.vector_load %arg7[%get3A_763, %get3A_764] {strides = array<i32>} : memref<128x16xf32, #tpu.memory_space<vmem>>, vector<16xf32>,
      %broadcast_in_dim3A_766 = arith.constant 68 : i32
      %broadcast_in_dim3A_767 = vector.broadcast %broadcast_in_dim3A_766 : i32 to vector<16xi32>
      %gather3A_768 = tpu.vector_load_idx %arg6[%broadcast_in_dim3A, %broadcast_in_dim3A_767] : memref<40x128xi32, #tpu.memory_space<vmem>>[vector<16xi32>, vector<16xi32>], vector<16xi32>,
      %mul3A_769 = arith.constant 10000 : i32
      %mul3A_770 = vector.broadcast %mul3A_769 : i32 to vector<16xi32>
      %mul3A_771 = arith.muli %iota3A, %mul3A_770 : vector<16xi32>
      %add3A_772 = arith.addi %mul3A_771, %gather3A_768 : vector<16xi32>
      tpu.vector_store_idx %arg8[%add3A_772], %get3A_765 masked %lt3A_2 {add = true} : memref<90112xf32, #tpu.memory_space<vmem>>[vector<16xi32>], vector<16xf32>, vector<16xi1>
      %get3A_773 = arith.constant 69 : i32
      %get3A_774 = arith.index_cast %get3A_773 : i32 to index
      %get3A_775 = arith.constant 0 : index
      %get3A_776 = tpu.vector_load %arg7[%get3A_774, %get3A_775] {strides = array<i32>} : memref<128x16xf32, #tpu.memory_space<vmem>>, vector<16xf32>,
      %broadcast_in_dim3A_777 = arith.constant 69 : i32
      %broadcast_in_dim3A_778 = vector.broadcast %broadcast_in_dim3A_777 : i32 to vector<16xi32>
      %gather3A_779 = tpu.vector_load_idx %arg6[%broadcast_in_dim3A, %broadcast_in_dim3A_778] : memref<40x128xi32, #tpu.memory_space<vmem>>[vector<16xi32>, vector<16xi32>], vector<16xi32>,
      %mul3A_780 = arith.constant 10000 : i32
      %mul3A_781 = vector.broadcast %mul3A_780 : i32 to vector<16xi32>
      %mul3A_782 = arith.muli %iota3A, %mul3A_781 : vector<16xi32>
      %add3A_783 = arith.addi %mul3A_782, %gather3A_779 : vector<16xi32>
      tpu.vector_store_idx %arg8[%add3A_783], %get3A_776 masked %lt3A_2 {add = true} : memref<90112xf32, #tpu.memory_space<vmem>>[vector<16xi32>], vector<16xf32>, vector<16xi1>
      %get3A_784 = arith.constant 70 : i32
      %get3A_785 = arith.index_cast %get3A_784 : i32 to index
      %get3A_786 = arith.constant 0 : index
      %get3A_787 = tpu.vector_load %arg7[%get3A_785, %get3A_786] {strides = array<i32>} : memref<128x16xf32, #tpu.memory_space<vmem>>, vector<16xf32>,
      %broadcast_in_dim3A_788 = arith.constant 70 : i32
      %broadcast_in_dim3A_789 = vector.broadcast %broadcast_in_dim3A_788 : i32 to vector<16xi32>
      %gather3A_790 = tpu.vector_load_idx %arg6[%broadcast_in_dim3A, %broadcast_in_dim3A_789] : memref<40x128xi32, #tpu.memory_space<vmem>>[vector<16xi32>, vector<16xi32>], vector<16xi32>,
      %mul3A_791 = arith.constant 10000 : i32
      %mul3A_792 = vector.broadcast %mul3A_791 : i32 to vector<16xi32>
      %mul3A_793 = arith.muli %iota3A, %mul3A_792 : vector<16xi32>
      %add3A_794 = arith.addi %mul3A_793, %gather3A_790 : vector<16xi32>
      tpu.vector_store_idx %arg8[%add3A_794], %get3A_787 masked %lt3A_2 {add = true} : memref<90112xf32, #tpu.memory_space<vmem>>[vector<16xi32>], vector<16xf32>, vector<16xi1>
      %get3A_795 = arith.constant 71 : i32
      %get3A_796 = arith.index_cast %get3A_795 : i32 to index
      %get3A_797 = arith.constant 0 : index
      %get3A_798 = tpu.vector_load %arg7[%get3A_796, %get3A_797] {strides = array<i32>} : memref<128x16xf32, #tpu.memory_space<vmem>>, vector<16xf32>,
      %broadcast_in_dim3A_799 = arith.constant 71 : i32
      %broadcast_in_dim3A_800 = vector.broadcast %broadcast_in_dim3A_799 : i32 to vector<16xi32>
      %gather3A_801 = tpu.vector_load_idx %arg6[%broadcast_in_dim3A, %broadcast_in_dim3A_800] : memref<40x128xi32, #tpu.memory_space<vmem>>[vector<16xi32>, vector<16xi32>], vector<16xi32>,
      %mul3A_802 = arith.constant 10000 : i32
      %mul3A_803 = vector.broadcast %mul3A_802 : i32 to vector<16xi32>
      %mul3A_804 = arith.muli %iota3A, %mul3A_803 : vector<16xi32>
      %add3A_805 = arith.addi %mul3A_804, %gather3A_801 : vector<16xi32>
      tpu.vector_store_idx %arg8[%add3A_805], %get3A_798 masked %lt3A_2 {add = true} : memref<90112xf32, #tpu.memory_space<vmem>>[vector<16xi32>], vector<16xf32>, vector<16xi1>
      %get3A_806 = arith.constant 72 : i32
      %get3A_807 = arith.index_cast %get3A_806 : i32 to index
      %get3A_808 = arith.constant 0 : index
      %get3A_809 = tpu.vector_load %arg7[%get3A_807, %get3A_808] {strides = array<i32>} : memref<128x16xf32, #tpu.memory_space<vmem>>, vector<16xf32>,
      %broadcast_in_dim3A_810 = arith.constant 72 : i32
      %broadcast_in_dim3A_811 = vector.broadcast %broadcast_in_dim3A_810 : i32 to vector<16xi32>
      %gather3A_812 = tpu.vector_load_idx %arg6[%broadcast_in_dim3A, %broadcast_in_dim3A_811] : memref<40x128xi32, #tpu.memory_space<vmem>>[vector<16xi32>, vector<16xi32>], vector<16xi32>,
      %mul3A_813 = arith.constant 10000 : i32
      %mul3A_814 = vector.broadcast %mul3A_813 : i32 to vector<16xi32>
      %mul3A_815 = arith.muli %iota3A, %mul3A_814 : vector<16xi32>
      %add3A_816 = arith.addi %mul3A_815, %gather3A_812 : vector<16xi32>
      tpu.vector_store_idx %arg8[%add3A_816], %get3A_809 masked %lt3A_2 {add = true} : memref<90112xf32, #tpu.memory_space<vmem>>[vector<16xi32>], vector<16xf32>, vector<16xi1>
      %get3A_817 = arith.constant 73 : i32
      %get3A_818 = arith.index_cast %get3A_817 : i32 to index
      %get3A_819 = arith.constant 0 : index
      %get3A_820 = tpu.vector_load %arg7[%get3A_818, %get3A_819] {strides = array<i32>} : memref<128x16xf32, #tpu.memory_space<vmem>>, vector<16xf32>,
      %broadcast_in_dim3A_821 = arith.constant 73 : i32
      %broadcast_in_dim3A_822 = vector.broadcast %broadcast_in_dim3A_821 : i32 to vector<16xi32>
      %gather3A_823 = tpu.vector_load_idx %arg6[%broadcast_in_dim3A, %broadcast_in_dim3A_822] : memref<40x128xi32, #tpu.memory_space<vmem>>[vector<16xi32>, vector<16xi32>], vector<16xi32>,
      %mul3A_824 = arith.constant 10000 : i32
      %mul3A_825 = vector.broadcast %mul3A_824 : i32 to vector<16xi32>
      %mul3A_826 = arith.muli %iota3A, %mul3A_825 : vector<16xi32>
      %add3A_827 = arith.addi %mul3A_826, %gather3A_823 : vector<16xi32>
      tpu.vector_store_idx %arg8[%add3A_827], %get3A_820 masked %lt3A_2 {add = true} : memref<90112xf32, #tpu.memory_space<vmem>>[vector<16xi32>], vector<16xf32>, vector<16xi1>
      %get3A_828 = arith.constant 74 : i32
      %get3A_829 = arith.index_cast %get3A_828 : i32 to index
      %get3A_830 = arith.constant 0 : index
      %get3A_831 = tpu.vector_load %arg7[%get3A_829, %get3A_830] {strides = array<i32>} : memref<128x16xf32, #tpu.memory_space<vmem>>, vector<16xf32>,
      %broadcast_in_dim3A_832 = arith.constant 74 : i32
      %broadcast_in_dim3A_833 = vector.broadcast %broadcast_in_dim3A_832 : i32 to vector<16xi32>
      %gather3A_834 = tpu.vector_load_idx %arg6[%broadcast_in_dim3A, %broadcast_in_dim3A_833] : memref<40x128xi32, #tpu.memory_space<vmem>>[vector<16xi32>, vector<16xi32>], vector<16xi32>,
      %mul3A_835 = arith.constant 10000 : i32
      %mul3A_836 = vector.broadcast %mul3A_835 : i32 to vector<16xi32>
      %mul3A_837 = arith.muli %iota3A, %mul3A_836 : vector<16xi32>
      %add3A_838 = arith.addi %mul3A_837, %gather3A_834 : vector<16xi32>
      tpu.vector_store_idx %arg8[%add3A_838], %get3A_831 masked %lt3A_2 {add = true} : memref<90112xf32, #tpu.memory_space<vmem>>[vector<16xi32>], vector<16xf32>, vector<16xi1>
      %get3A_839 = arith.constant 75 : i32
      %get3A_840 = arith.index_cast %get3A_839 : i32 to index
      %get3A_841 = arith.constant 0 : index
      %get3A_842 = tpu.vector_load %arg7[%get3A_840, %get3A_841] {strides = array<i32>} : memref<128x16xf32, #tpu.memory_space<vmem>>, vector<16xf32>,
      %broadcast_in_dim3A_843 = arith.constant 75 : i32
      %broadcast_in_dim3A_844 = vector.broadcast %broadcast_in_dim3A_843 : i32 to vector<16xi32>
      %gather3A_845 = tpu.vector_load_idx %arg6[%broadcast_in_dim3A, %broadcast_in_dim3A_844] : memref<40x128xi32, #tpu.memory_space<vmem>>[vector<16xi32>, vector<16xi32>], vector<16xi32>,
      %mul3A_846 = arith.constant 10000 : i32
      %mul3A_847 = vector.broadcast %mul3A_846 : i32 to vector<16xi32>
      %mul3A_848 = arith.muli %iota3A, %mul3A_847 : vector<16xi32>
      %add3A_849 = arith.addi %mul3A_848, %gather3A_845 : vector<16xi32>
      tpu.vector_store_idx %arg8[%add3A_849], %get3A_842 masked %lt3A_2 {add = true} : memref<90112xf32, #tpu.memory_space<vmem>>[vector<16xi32>], vector<16xf32>, vector<16xi1>
      %get3A_850 = arith.constant 76 : i32
      %get3A_851 = arith.index_cast %get3A_850 : i32 to index
      %get3A_852 = arith.constant 0 : index
      %get3A_853 = tpu.vector_load %arg7[%get3A_851, %get3A_852] {strides = array<i32>} : memref<128x16xf32, #tpu.memory_space<vmem>>, vector<16xf32>,
      %broadcast_in_dim3A_854 = arith.constant 76 : i32
      %broadcast_in_dim3A_855 = vector.broadcast %broadcast_in_dim3A_854 : i32 to vector<16xi32>
      %gather3A_856 = tpu.vector_load_idx %arg6[%broadcast_in_dim3A, %broadcast_in_dim3A_855] : memref<40x128xi32, #tpu.memory_space<vmem>>[vector<16xi32>, vector<16xi32>], vector<16xi32>,
      %mul3A_857 = arith.constant 10000 : i32
      %mul3A_858 = vector.broadcast %mul3A_857 : i32 to vector<16xi32>
      %mul3A_859 = arith.muli %iota3A, %mul3A_858 : vector<16xi32>
      %add3A_860 = arith.addi %mul3A_859, %gather3A_856 : vector<16xi32>
      tpu.vector_store_idx %arg8[%add3A_860], %get3A_853 masked %lt3A_2 {add = true} : memref<90112xf32, #tpu.memory_space<vmem>>[vector<16xi32>], vector<16xf32>, vector<16xi1>
      %get3A_861 = arith.constant 77 : i32
      %get3A_862 = arith.index_cast %get3A_861 : i32 to index
      %get3A_863 = arith.constant 0 : index
      %get3A_864 = tpu.vector_load %arg7[%get3A_862, %get3A_863] {strides = array<i32>} : memref<128x16xf32, #tpu.memory_space<vmem>>, vector<16xf32>,
      %broadcast_in_dim3A_865 = arith.constant 77 : i32
      %broadcast_in_dim3A_866 = vector.broadcast %broadcast_in_dim3A_865 : i32 to vector<16xi32>
      %gather3A_867 = tpu.vector_load_idx %arg6[%broadcast_in_dim3A, %broadcast_in_dim3A_866] : memref<40x128xi32, #tpu.memory_space<vmem>>[vector<16xi32>, vector<16xi32>], vector<16xi32>,
      %mul3A_868 = arith.constant 10000 : i32
      %mul3A_869 = vector.broadcast %mul3A_868 : i32 to vector<16xi32>
      %mul3A_870 = arith.muli %iota3A, %mul3A_869 : vector<16xi32>
      %add3A_871 = arith.addi %mul3A_870, %gather3A_867 : vector<16xi32>
      tpu.vector_store_idx %arg8[%add3A_871], %get3A_864 masked %lt3A_2 {add = true} : memref<90112xf32, #tpu.memory_space<vmem>>[vector<16xi32>], vector<16xf32>, vector<16xi1>
      %get3A_872 = arith.constant 78 : i32
      %get3A_873 = arith.index_cast %get3A_872 : i32 to index
      %get3A_874 = arith.constant 0 : index
      %get3A_875 = tpu.vector_load %arg7[%get3A_873, %get3A_874] {strides = array<i32>} : memref<128x16xf32, #tpu.memory_space<vmem>>, vector<16xf32>,
      %broadcast_in_dim3A_876 = arith.constant 78 : i32
      %broadcast_in_dim3A_877 = vector.broadcast %broadcast_in_dim3A_876 : i32 to vector<16xi32>
      %gather3A_878 = tpu.vector_load_idx %arg6[%broadcast_in_dim3A, %broadcast_in_dim3A_877] : memref<40x128xi32, #tpu.memory_space<vmem>>[vector<16xi32>, vector<16xi32>], vector<16xi32>,
      %mul3A_879 = arith.constant 10000 : i32
      %mul3A_880 = vector.broadcast %mul3A_879 : i32 to vector<16xi32>
      %mul3A_881 = arith.muli %iota3A, %mul3A_880 : vector<16xi32>
      %add3A_882 = arith.addi %mul3A_881, %gather3A_878 : vector<16xi32>
      tpu.vector_store_idx %arg8[%add3A_882], %get3A_875 masked %lt3A_2 {add = true} : memref<90112xf32, #tpu.memory_space<vmem>>[vector<16xi32>], vector<16xf32>, vector<16xi1>
      %get3A_883 = arith.constant 79 : i32
      %get3A_884 = arith.index_cast %get3A_883 : i32 to index
      %get3A_885 = arith.constant 0 : index
      %get3A_886 = tpu.vector_load %arg7[%get3A_884, %get3A_885] {strides = array<i32>} : memref<128x16xf32, #tpu.memory_space<vmem>>, vector<16xf32>,
      %broadcast_in_dim3A_887 = arith.constant 79 : i32
      %broadcast_in_dim3A_888 = vector.broadcast %broadcast_in_dim3A_887 : i32 to vector<16xi32>
      %gather3A_889 = tpu.vector_load_idx %arg6[%broadcast_in_dim3A, %broadcast_in_dim3A_888] : memref<40x128xi32, #tpu.memory_space<vmem>>[vector<16xi32>, vector<16xi32>], vector<16xi32>,
      %mul3A_890 = arith.constant 10000 : i32
      %mul3A_891 = vector.broadcast %mul3A_890 : i32 to vector<16xi32>
      %mul3A_892 = arith.muli %iota3A, %mul3A_891 : vector<16xi32>
      %add3A_893 = arith.addi %mul3A_892, %gather3A_889 : vector<16xi32>
      tpu.vector_store_idx %arg8[%add3A_893], %get3A_886 masked %lt3A_2 {add = true} : memref<90112xf32, #tpu.memory_space<vmem>>[vector<16xi32>], vector<16xf32>, vector<16xi1>
      %get3A_894 = arith.constant 80 : i32
      %get3A_895 = arith.index_cast %get3A_894 : i32 to index
      %get3A_896 = arith.constant 0 : index
      %get3A_897 = tpu.vector_load %arg7[%get3A_895, %get3A_896] {strides = array<i32>} : memref<128x16xf32, #tpu.memory_space<vmem>>, vector<16xf32>,
      %broadcast_in_dim3A_898 = arith.constant 80 : i32
      %broadcast_in_dim3A_899 = vector.broadcast %broadcast_in_dim3A_898 : i32 to vector<16xi32>
      %gather3A_900 = tpu.vector_load_idx %arg6[%broadcast_in_dim3A, %broadcast_in_dim3A_899] : memref<40x128xi32, #tpu.memory_space<vmem>>[vector<16xi32>, vector<16xi32>], vector<16xi32>,
      %mul3A_901 = arith.constant 10000 : i32
      %mul3A_902 = vector.broadcast %mul3A_901 : i32 to vector<16xi32>
      %mul3A_903 = arith.muli %iota3A, %mul3A_902 : vector<16xi32>
      %add3A_904 = arith.addi %mul3A_903, %gather3A_900 : vector<16xi32>
      tpu.vector_store_idx %arg8[%add3A_904], %get3A_897 masked %lt3A_2 {add = true} : memref<90112xf32, #tpu.memory_space<vmem>>[vector<16xi32>], vector<16xf32>, vector<16xi1>
      %get3A_905 = arith.constant 81 : i32
      %get3A_906 = arith.index_cast %get3A_905 : i32 to index
      %get3A_907 = arith.constant 0 : index
      %get3A_908 = tpu.vector_load %arg7[%get3A_906, %get3A_907] {strides = array<i32>} : memref<128x16xf32, #tpu.memory_space<vmem>>, vector<16xf32>,
      %broadcast_in_dim3A_909 = arith.constant 81 : i32
      %broadcast_in_dim3A_910 = vector.broadcast %broadcast_in_dim3A_909 : i32 to vector<16xi32>
      %gather3A_911 = tpu.vector_load_idx %arg6[%broadcast_in_dim3A, %broadcast_in_dim3A_910] : memref<40x128xi32, #tpu.memory_space<vmem>>[vector<16xi32>, vector<16xi32>], vector<16xi32>,
      %mul3A_912 = arith.constant 10000 : i32
      %mul3A_913 = vector.broadcast %mul3A_912 : i32 to vector<16xi32>
      %mul3A_914 = arith.muli %iota3A, %mul3A_913 : vector<16xi32>
      %add3A_915 = arith.addi %mul3A_914, %gather3A_911 : vector<16xi32>
      tpu.vector_store_idx %arg8[%add3A_915], %get3A_908 masked %lt3A_2 {add = true} : memref<90112xf32, #tpu.memory_space<vmem>>[vector<16xi32>], vector<16xf32>, vector<16xi1>
      %get3A_916 = arith.constant 82 : i32
      %get3A_917 = arith.index_cast %get3A_916 : i32 to index
      %get3A_918 = arith.constant 0 : index
      %get3A_919 = tpu.vector_load %arg7[%get3A_917, %get3A_918] {strides = array<i32>} : memref<128x16xf32, #tpu.memory_space<vmem>>, vector<16xf32>,
      %broadcast_in_dim3A_920 = arith.constant 82 : i32
      %broadcast_in_dim3A_921 = vector.broadcast %broadcast_in_dim3A_920 : i32 to vector<16xi32>
      %gather3A_922 = tpu.vector_load_idx %arg6[%broadcast_in_dim3A, %broadcast_in_dim3A_921] : memref<40x128xi32, #tpu.memory_space<vmem>>[vector<16xi32>, vector<16xi32>], vector<16xi32>,
      %mul3A_923 = arith.constant 10000 : i32
      %mul3A_924 = vector.broadcast %mul3A_923 : i32 to vector<16xi32>
      %mul3A_925 = arith.muli %iota3A, %mul3A_924 : vector<16xi32>
      %add3A_926 = arith.addi %mul3A_925, %gather3A_922 : vector<16xi32>
      tpu.vector_store_idx %arg8[%add3A_926], %get3A_919 masked %lt3A_2 {add = true} : memref<90112xf32, #tpu.memory_space<vmem>>[vector<16xi32>], vector<16xf32>, vector<16xi1>
      %get3A_927 = arith.constant 83 : i32
      %get3A_928 = arith.index_cast %get3A_927 : i32 to index
      %get3A_929 = arith.constant 0 : index
      %get3A_930 = tpu.vector_load %arg7[%get3A_928, %get3A_929] {strides = array<i32>} : memref<128x16xf32, #tpu.memory_space<vmem>>, vector<16xf32>,
      %broadcast_in_dim3A_931 = arith.constant 83 : i32
      %broadcast_in_dim3A_932 = vector.broadcast %broadcast_in_dim3A_931 : i32 to vector<16xi32>
      %gather3A_933 = tpu.vector_load_idx %arg6[%broadcast_in_dim3A, %broadcast_in_dim3A_932] : memref<40x128xi32, #tpu.memory_space<vmem>>[vector<16xi32>, vector<16xi32>], vector<16xi32>,
      %mul3A_934 = arith.constant 10000 : i32
      %mul3A_935 = vector.broadcast %mul3A_934 : i32 to vector<16xi32>
      %mul3A_936 = arith.muli %iota3A, %mul3A_935 : vector<16xi32>
      %add3A_937 = arith.addi %mul3A_936, %gather3A_933 : vector<16xi32>
      tpu.vector_store_idx %arg8[%add3A_937], %get3A_930 masked %lt3A_2 {add = true} : memref<90112xf32, #tpu.memory_space<vmem>>[vector<16xi32>], vector<16xf32>, vector<16xi1>
      %get3A_938 = arith.constant 84 : i32
      %get3A_939 = arith.index_cast %get3A_938 : i32 to index
      %get3A_940 = arith.constant 0 : index
      %get3A_941 = tpu.vector_load %arg7[%get3A_939, %get3A_940] {strides = array<i32>} : memref<128x16xf32, #tpu.memory_space<vmem>>, vector<16xf32>,
      %broadcast_in_dim3A_942 = arith.constant 84 : i32
      %broadcast_in_dim3A_943 = vector.broadcast %broadcast_in_dim3A_942 : i32 to vector<16xi32>
      %gather3A_944 = tpu.vector_load_idx %arg6[%broadcast_in_dim3A, %broadcast_in_dim3A_943] : memref<40x128xi32, #tpu.memory_space<vmem>>[vector<16xi32>, vector<16xi32>], vector<16xi32>,
      %mul3A_945 = arith.constant 10000 : i32
      %mul3A_946 = vector.broadcast %mul3A_945 : i32 to vector<16xi32>
      %mul3A_947 = arith.muli %iota3A, %mul3A_946 : vector<16xi32>
      %add3A_948 = arith.addi %mul3A_947, %gather3A_944 : vector<16xi32>
      tpu.vector_store_idx %arg8[%add3A_948], %get3A_941 masked %lt3A_2 {add = true} : memref<90112xf32, #tpu.memory_space<vmem>>[vector<16xi32>], vector<16xf32>, vector<16xi1>
      %get3A_949 = arith.constant 85 : i32
      %get3A_950 = arith.index_cast %get3A_949 : i32 to index
      %get3A_951 = arith.constant 0 : index
      %get3A_952 = tpu.vector_load %arg7[%get3A_950, %get3A_951] {strides = array<i32>} : memref<128x16xf32, #tpu.memory_space<vmem>>, vector<16xf32>,
      %broadcast_in_dim3A_953 = arith.constant 85 : i32
      %broadcast_in_dim3A_954 = vector.broadcast %broadcast_in_dim3A_953 : i32 to vector<16xi32>
      %gather3A_955 = tpu.vector_load_idx %arg6[%broadcast_in_dim3A, %broadcast_in_dim3A_954] : memref<40x128xi32, #tpu.memory_space<vmem>>[vector<16xi32>, vector<16xi32>], vector<16xi32>,
      %mul3A_956 = arith.constant 10000 : i32
      %mul3A_957 = vector.broadcast %mul3A_956 : i32 to vector<16xi32>
      %mul3A_958 = arith.muli %iota3A, %mul3A_957 : vector<16xi32>
      %add3A_959 = arith.addi %mul3A_958, %gather3A_955 : vector<16xi32>
      tpu.vector_store_idx %arg8[%add3A_959], %get3A_952 masked %lt3A_2 {add = true} : memref<90112xf32, #tpu.memory_space<vmem>>[vector<16xi32>], vector<16xf32>, vector<16xi1>
      %get3A_960 = arith.constant 86 : i32
      %get3A_961 = arith.index_cast %get3A_960 : i32 to index
      %get3A_962 = arith.constant 0 : index
      %get3A_963 = tpu.vector_load %arg7[%get3A_961, %get3A_962] {strides = array<i32>} : memref<128x16xf32, #tpu.memory_space<vmem>>, vector<16xf32>,
      %broadcast_in_dim3A_964 = arith.constant 86 : i32
      %broadcast_in_dim3A_965 = vector.broadcast %broadcast_in_dim3A_964 : i32 to vector<16xi32>
      %gather3A_966 = tpu.vector_load_idx %arg6[%broadcast_in_dim3A, %broadcast_in_dim3A_965] : memref<40x128xi32, #tpu.memory_space<vmem>>[vector<16xi32>, vector<16xi32>], vector<16xi32>,
      %mul3A_967 = arith.constant 10000 : i32
      %mul3A_968 = vector.broadcast %mul3A_967 : i32 to vector<16xi32>
      %mul3A_969 = arith.muli %iota3A, %mul3A_968 : vector<16xi32>
      %add3A_970 = arith.addi %mul3A_969, %gather3A_966 : vector<16xi32>
      tpu.vector_store_idx %arg8[%add3A_970], %get3A_963 masked %lt3A_2 {add = true} : memref<90112xf32, #tpu.memory_space<vmem>>[vector<16xi32>], vector<16xf32>, vector<16xi1>
      %get3A_971 = arith.constant 87 : i32
      %get3A_972 = arith.index_cast %get3A_971 : i32 to index
      %get3A_973 = arith.constant 0 : index
      %get3A_974 = tpu.vector_load %arg7[%get3A_972, %get3A_973] {strides = array<i32>} : memref<128x16xf32, #tpu.memory_space<vmem>>, vector<16xf32>,
      %broadcast_in_dim3A_975 = arith.constant 87 : i32
      %broadcast_in_dim3A_976 = vector.broadcast %broadcast_in_dim3A_975 : i32 to vector<16xi32>
      %gather3A_977 = tpu.vector_load_idx %arg6[%broadcast_in_dim3A, %broadcast_in_dim3A_976] : memref<40x128xi32, #tpu.memory_space<vmem>>[vector<16xi32>, vector<16xi32>], vector<16xi32>,
      %mul3A_978 = arith.constant 10000 : i32
      %mul3A_979 = vector.broadcast %mul3A_978 : i32 to vector<16xi32>
      %mul3A_980 = arith.muli %iota3A, %mul3A_979 : vector<16xi32>
      %add3A_981 = arith.addi %mul3A_980, %gather3A_977 : vector<16xi32>
      tpu.vector_store_idx %arg8[%add3A_981], %get3A_974 masked %lt3A_2 {add = true} : memref<90112xf32, #tpu.memory_space<vmem>>[vector<16xi32>], vector<16xf32>, vector<16xi1>
      %get3A_982 = arith.constant 88 : i32
      %get3A_983 = arith.index_cast %get3A_982 : i32 to index
      %get3A_984 = arith.constant 0 : index
      %get3A_985 = tpu.vector_load %arg7[%get3A_983, %get3A_984] {strides = array<i32>} : memref<128x16xf32, #tpu.memory_space<vmem>>, vector<16xf32>,
      %broadcast_in_dim3A_986 = arith.constant 88 : i32
      %broadcast_in_dim3A_987 = vector.broadcast %broadcast_in_dim3A_986 : i32 to vector<16xi32>
      %gather3A_988 = tpu.vector_load_idx %arg6[%broadcast_in_dim3A, %broadcast_in_dim3A_987] : memref<40x128xi32, #tpu.memory_space<vmem>>[vector<16xi32>, vector<16xi32>], vector<16xi32>,
      %mul3A_989 = arith.constant 10000 : i32
      %mul3A_990 = vector.broadcast %mul3A_989 : i32 to vector<16xi32>
      %mul3A_991 = arith.muli %iota3A, %mul3A_990 : vector<16xi32>
      %add3A_992 = arith.addi %mul3A_991, %gather3A_988 : vector<16xi32>
      tpu.vector_store_idx %arg8[%add3A_992], %get3A_985 masked %lt3A_2 {add = true} : memref<90112xf32, #tpu.memory_space<vmem>>[vector<16xi32>], vector<16xf32>, vector<16xi1>
      %get3A_993 = arith.constant 89 : i32
      %get3A_994 = arith.index_cast %get3A_993 : i32 to index
      %get3A_995 = arith.constant 0 : index
      %get3A_996 = tpu.vector_load %arg7[%get3A_994, %get3A_995] {strides = array<i32>} : memref<128x16xf32, #tpu.memory_space<vmem>>, vector<16xf32>,
      %broadcast_in_dim3A_997 = arith.constant 89 : i32
      %broadcast_in_dim3A_998 = vector.broadcast %broadcast_in_dim3A_997 : i32 to vector<16xi32>
      %gather3A_999 = tpu.vector_load_idx %arg6[%broadcast_in_dim3A, %broadcast_in_dim3A_998] : memref<40x128xi32, #tpu.memory_space<vmem>>[vector<16xi32>, vector<16xi32>], vector<16xi32>,
      %mul3A_1000 = arith.constant 10000 : i32
      %mul3A_1001 = vector.broadcast %mul3A_1000 : i32 to vector<16xi32>
      %mul3A_1002 = arith.muli %iota3A, %mul3A_1001 : vector<16xi32>
      %add3A_1003 = arith.addi %mul3A_1002, %gather3A_999 : vector<16xi32>
      tpu.vector_store_idx %arg8[%add3A_1003], %get3A_996 masked %lt3A_2 {add = true} : memref<90112xf32, #tpu.memory_space<vmem>>[vector<16xi32>], vector<16xf32>, vector<16xi1>
      %get3A_1004 = arith.constant 90 : i32
      %get3A_1005 = arith.index_cast %get3A_1004 : i32 to index
      %get3A_1006 = arith.constant 0 : index
      %get3A_1007 = tpu.vector_load %arg7[%get3A_1005, %get3A_1006] {strides = array<i32>} : memref<128x16xf32, #tpu.memory_space<vmem>>, vector<16xf32>,
      %broadcast_in_dim3A_1008 = arith.constant 90 : i32
      %broadcast_in_dim3A_1009 = vector.broadcast %broadcast_in_dim3A_1008 : i32 to vector<16xi32>
      %gather3A_1010 = tpu.vector_load_idx %arg6[%broadcast_in_dim3A, %broadcast_in_dim3A_1009] : memref<40x128xi32, #tpu.memory_space<vmem>>[vector<16xi32>, vector<16xi32>], vector<16xi32>,
      %mul3A_1011 = arith.constant 10000 : i32
      %mul3A_1012 = vector.broadcast %mul3A_1011 : i32 to vector<16xi32>
      %mul3A_1013 = arith.muli %iota3A, %mul3A_1012 : vector<16xi32>
      %add3A_1014 = arith.addi %mul3A_1013, %gather3A_1010 : vector<16xi32>
      tpu.vector_store_idx %arg8[%add3A_1014], %get3A_1007 masked %lt3A_2 {add = true} : memref<90112xf32, #tpu.memory_space<vmem>>[vector<16xi32>], vector<16xf32>, vector<16xi1>
      %get3A_1015 = arith.constant 91 : i32
      %get3A_1016 = arith.index_cast %get3A_1015 : i32 to index
      %get3A_1017 = arith.constant 0 : index
      %get3A_1018 = tpu.vector_load %arg7[%get3A_1016, %get3A_1017] {strides = array<i32>} : memref<128x16xf32, #tpu.memory_space<vmem>>, vector<16xf32>,
      %broadcast_in_dim3A_1019 = arith.constant 91 : i32
      %broadcast_in_dim3A_1020 = vector.broadcast %broadcast_in_dim3A_1019 : i32 to vector<16xi32>
      %gather3A_1021 = tpu.vector_load_idx %arg6[%broadcast_in_dim3A, %broadcast_in_dim3A_1020] : memref<40x128xi32, #tpu.memory_space<vmem>>[vector<16xi32>, vector<16xi32>], vector<16xi32>,
      %mul3A_1022 = arith.constant 10000 : i32
      %mul3A_1023 = vector.broadcast %mul3A_1022 : i32 to vector<16xi32>
      %mul3A_1024 = arith.muli %iota3A, %mul3A_1023 : vector<16xi32>
      %add3A_1025 = arith.addi %mul3A_1024, %gather3A_1021 : vector<16xi32>
      tpu.vector_store_idx %arg8[%add3A_1025], %get3A_1018 masked %lt3A_2 {add = true} : memref<90112xf32, #tpu.memory_space<vmem>>[vector<16xi32>], vector<16xf32>, vector<16xi1>
      %get3A_1026 = arith.constant 92 : i32
      %get3A_1027 = arith.index_cast %get3A_1026 : i32 to index
      %get3A_1028 = arith.constant 0 : index
      %get3A_1029 = tpu.vector_load %arg7[%get3A_1027, %get3A_1028] {strides = array<i32>} : memref<128x16xf32, #tpu.memory_space<vmem>>, vector<16xf32>,
      %broadcast_in_dim3A_1030 = arith.constant 92 : i32
      %broadcast_in_dim3A_1031 = vector.broadcast %broadcast_in_dim3A_1030 : i32 to vector<16xi32>
      %gather3A_1032 = tpu.vector_load_idx %arg6[%broadcast_in_dim3A, %broadcast_in_dim3A_1031] : memref<40x128xi32, #tpu.memory_space<vmem>>[vector<16xi32>, vector<16xi32>], vector<16xi32>,
      %mul3A_1033 = arith.constant 10000 : i32
      %mul3A_1034 = vector.broadcast %mul3A_1033 : i32 to vector<16xi32>
      %mul3A_1035 = arith.muli %iota3A, %mul3A_1034 : vector<16xi32>
      %add3A_1036 = arith.addi %mul3A_1035, %gather3A_1032 : vector<16xi32>
      tpu.vector_store_idx %arg8[%add3A_1036], %get3A_1029 masked %lt3A_2 {add = true} : memref<90112xf32, #tpu.memory_space<vmem>>[vector<16xi32>], vector<16xf32>, vector<16xi1>
      %get3A_1037 = arith.constant 93 : i32
      %get3A_1038 = arith.index_cast %get3A_1037 : i32 to index
      %get3A_1039 = arith.constant 0 : index
      %get3A_1040 = tpu.vector_load %arg7[%get3A_1038, %get3A_1039] {strides = array<i32>} : memref<128x16xf32, #tpu.memory_space<vmem>>, vector<16xf32>,
      %broadcast_in_dim3A_1041 = arith.constant 93 : i32
      %broadcast_in_dim3A_1042 = vector.broadcast %broadcast_in_dim3A_1041 : i32 to vector<16xi32>
      %gather3A_1043 = tpu.vector_load_idx %arg6[%broadcast_in_dim3A, %broadcast_in_dim3A_1042] : memref<40x128xi32, #tpu.memory_space<vmem>>[vector<16xi32>, vector<16xi32>], vector<16xi32>,
      %mul3A_1044 = arith.constant 10000 : i32
      %mul3A_1045 = vector.broadcast %mul3A_1044 : i32 to vector<16xi32>
      %mul3A_1046 = arith.muli %iota3A, %mul3A_1045 : vector<16xi32>
      %add3A_1047 = arith.addi %mul3A_1046, %gather3A_1043 : vector<16xi32>
      tpu.vector_store_idx %arg8[%add3A_1047], %get3A_1040 masked %lt3A_2 {add = true} : memref<90112xf32, #tpu.memory_space<vmem>>[vector<16xi32>], vector<16xf32>, vector<16xi1>
      %get3A_1048 = arith.constant 94 : i32
      %get3A_1049 = arith.index_cast %get3A_1048 : i32 to index
      %get3A_1050 = arith.constant 0 : index
      %get3A_1051 = tpu.vector_load %arg7[%get3A_1049, %get3A_1050] {strides = array<i32>} : memref<128x16xf32, #tpu.memory_space<vmem>>, vector<16xf32>,
      %broadcast_in_dim3A_1052 = arith.constant 94 : i32
      %broadcast_in_dim3A_1053 = vector.broadcast %broadcast_in_dim3A_1052 : i32 to vector<16xi32>
      %gather3A_1054 = tpu.vector_load_idx %arg6[%broadcast_in_dim3A, %broadcast_in_dim3A_1053] : memref<40x128xi32, #tpu.memory_space<vmem>>[vector<16xi32>, vector<16xi32>], vector<16xi32>,
      %mul3A_1055 = arith.constant 10000 : i32
      %mul3A_1056 = vector.broadcast %mul3A_1055 : i32 to vector<16xi32>
      %mul3A_1057 = arith.muli %iota3A, %mul3A_1056 : vector<16xi32>
      %add3A_1058 = arith.addi %mul3A_1057, %gather3A_1054 : vector<16xi32>
      tpu.vector_store_idx %arg8[%add3A_1058], %get3A_1051 masked %lt3A_2 {add = true} : memref<90112xf32, #tpu.memory_space<vmem>>[vector<16xi32>], vector<16xf32>, vector<16xi1>
      %get3A_1059 = arith.constant 95 : i32
      %get3A_1060 = arith.index_cast %get3A_1059 : i32 to index
      %get3A_1061 = arith.constant 0 : index
      %get3A_1062 = tpu.vector_load %arg7[%get3A_1060, %get3A_1061] {strides = array<i32>} : memref<128x16xf32, #tpu.memory_space<vmem>>, vector<16xf32>,
      %broadcast_in_dim3A_1063 = arith.constant 95 : i32
      %broadcast_in_dim3A_1064 = vector.broadcast %broadcast_in_dim3A_1063 : i32 to vector<16xi32>
      %gather3A_1065 = tpu.vector_load_idx %arg6[%broadcast_in_dim3A, %broadcast_in_dim3A_1064] : memref<40x128xi32, #tpu.memory_space<vmem>>[vector<16xi32>, vector<16xi32>], vector<16xi32>,
      %mul3A_1066 = arith.constant 10000 : i32
      %mul3A_1067 = vector.broadcast %mul3A_1066 : i32 to vector<16xi32>
      %mul3A_1068 = arith.muli %iota3A, %mul3A_1067 : vector<16xi32>
      %add3A_1069 = arith.addi %mul3A_1068, %gather3A_1065 : vector<16xi32>
      tpu.vector_store_idx %arg8[%add3A_1069], %get3A_1062 masked %lt3A_2 {add = true} : memref<90112xf32, #tpu.memory_space<vmem>>[vector<16xi32>], vector<16xf32>, vector<16xi1>
      %get3A_1070 = arith.constant 96 : i32
      %get3A_1071 = arith.index_cast %get3A_1070 : i32 to index
      %get3A_1072 = arith.constant 0 : index
      %get3A_1073 = tpu.vector_load %arg7[%get3A_1071, %get3A_1072] {strides = array<i32>} : memref<128x16xf32, #tpu.memory_space<vmem>>, vector<16xf32>,
      %broadcast_in_dim3A_1074 = arith.constant 96 : i32
      %broadcast_in_dim3A_1075 = vector.broadcast %broadcast_in_dim3A_1074 : i32 to vector<16xi32>
      %gather3A_1076 = tpu.vector_load_idx %arg6[%broadcast_in_dim3A, %broadcast_in_dim3A_1075] : memref<40x128xi32, #tpu.memory_space<vmem>>[vector<16xi32>, vector<16xi32>], vector<16xi32>,
      %mul3A_1077 = arith.constant 10000 : i32
      %mul3A_1078 = vector.broadcast %mul3A_1077 : i32 to vector<16xi32>
      %mul3A_1079 = arith.muli %iota3A, %mul3A_1078 : vector<16xi32>
      %add3A_1080 = arith.addi %mul3A_1079, %gather3A_1076 : vector<16xi32>
      tpu.vector_store_idx %arg8[%add3A_1080], %get3A_1073 masked %lt3A_2 {add = true} : memref<90112xf32, #tpu.memory_space<vmem>>[vector<16xi32>], vector<16xf32>, vector<16xi1>
      %get3A_1081 = arith.constant 97 : i32
      %get3A_1082 = arith.index_cast %get3A_1081 : i32 to index
      %get3A_1083 = arith.constant 0 : index
      %get3A_1084 = tpu.vector_load %arg7[%get3A_1082, %get3A_1083] {strides = array<i32>} : memref<128x16xf32, #tpu.memory_space<vmem>>, vector<16xf32>,
      %broadcast_in_dim3A_1085 = arith.constant 97 : i32
      %broadcast_in_dim3A_1086 = vector.broadcast %broadcast_in_dim3A_1085 : i32 to vector<16xi32>
      %gather3A_1087 = tpu.vector_load_idx %arg6[%broadcast_in_dim3A, %broadcast_in_dim3A_1086] : memref<40x128xi32, #tpu.memory_space<vmem>>[vector<16xi32>, vector<16xi32>], vector<16xi32>,
      %mul3A_1088 = arith.constant 10000 : i32
      %mul3A_1089 = vector.broadcast %mul3A_1088 : i32 to vector<16xi32>
      %mul3A_1090 = arith.muli %iota3A, %mul3A_1089 : vector<16xi32>
      %add3A_1091 = arith.addi %mul3A_1090, %gather3A_1087 : vector<16xi32>
      tpu.vector_store_idx %arg8[%add3A_1091], %get3A_1084 masked %lt3A_2 {add = true} : memref<90112xf32, #tpu.memory_space<vmem>>[vector<16xi32>], vector<16xf32>, vector<16xi1>
      %get3A_1092 = arith.constant 98 : i32
      %get3A_1093 = arith.index_cast %get3A_1092 : i32 to index
      %get3A_1094 = arith.constant 0 : index
      %get3A_1095 = tpu.vector_load %arg7[%get3A_1093, %get3A_1094] {strides = array<i32>} : memref<128x16xf32, #tpu.memory_space<vmem>>, vector<16xf32>,
      %broadcast_in_dim3A_1096 = arith.constant 98 : i32
      %broadcast_in_dim3A_1097 = vector.broadcast %broadcast_in_dim3A_1096 : i32 to vector<16xi32>
      %gather3A_1098 = tpu.vector_load_idx %arg6[%broadcast_in_dim3A, %broadcast_in_dim3A_1097] : memref<40x128xi32, #tpu.memory_space<vmem>>[vector<16xi32>, vector<16xi32>], vector<16xi32>,
      %mul3A_1099 = arith.constant 10000 : i32
      %mul3A_1100 = vector.broadcast %mul3A_1099 : i32 to vector<16xi32>
      %mul3A_1101 = arith.muli %iota3A, %mul3A_1100 : vector<16xi32>
      %add3A_1102 = arith.addi %mul3A_1101, %gather3A_1098 : vector<16xi32>
      tpu.vector_store_idx %arg8[%add3A_1102], %get3A_1095 masked %lt3A_2 {add = true} : memref<90112xf32, #tpu.memory_space<vmem>>[vector<16xi32>], vector<16xf32>, vector<16xi1>
      %get3A_1103 = arith.constant 99 : i32
      %get3A_1104 = arith.index_cast %get3A_1103 : i32 to index
      %get3A_1105 = arith.constant 0 : index
      %get3A_1106 = tpu.vector_load %arg7[%get3A_1104, %get3A_1105] {strides = array<i32>} : memref<128x16xf32, #tpu.memory_space<vmem>>, vector<16xf32>,
      %broadcast_in_dim3A_1107 = arith.constant 99 : i32
      %broadcast_in_dim3A_1108 = vector.broadcast %broadcast_in_dim3A_1107 : i32 to vector<16xi32>
      %gather3A_1109 = tpu.vector_load_idx %arg6[%broadcast_in_dim3A, %broadcast_in_dim3A_1108] : memref<40x128xi32, #tpu.memory_space<vmem>>[vector<16xi32>, vector<16xi32>], vector<16xi32>,
      %mul3A_1110 = arith.constant 10000 : i32
      %mul3A_1111 = vector.broadcast %mul3A_1110 : i32 to vector<16xi32>
      %mul3A_1112 = arith.muli %iota3A, %mul3A_1111 : vector<16xi32>
      %add3A_1113 = arith.addi %mul3A_1112, %gather3A_1109 : vector<16xi32>
      tpu.vector_store_idx %arg8[%add3A_1113], %get3A_1106 masked %lt3A_2 {add = true} : memref<90112xf32, #tpu.memory_space<vmem>>[vector<16xi32>], vector<16xf32>, vector<16xi1>
      %get3A_1114 = arith.constant 100 : i32
      %get3A_1115 = arith.index_cast %get3A_1114 : i32 to index
      %get3A_1116 = arith.constant 0 : index
      %get3A_1117 = tpu.vector_load %arg7[%get3A_1115, %get3A_1116] {strides = array<i32>} : memref<128x16xf32, #tpu.memory_space<vmem>>, vector<16xf32>,
      %broadcast_in_dim3A_1118 = arith.constant 100 : i32
      %broadcast_in_dim3A_1119 = vector.broadcast %broadcast_in_dim3A_1118 : i32 to vector<16xi32>
      %gather3A_1120 = tpu.vector_load_idx %arg6[%broadcast_in_dim3A, %broadcast_in_dim3A_1119] : memref<40x128xi32, #tpu.memory_space<vmem>>[vector<16xi32>, vector<16xi32>], vector<16xi32>,
      %mul3A_1121 = arith.constant 10000 : i32
      %mul3A_1122 = vector.broadcast %mul3A_1121 : i32 to vector<16xi32>
      %mul3A_1123 = arith.muli %iota3A, %mul3A_1122 : vector<16xi32>
      %add3A_1124 = arith.addi %mul3A_1123, %gather3A_1120 : vector<16xi32>
      tpu.vector_store_idx %arg8[%add3A_1124], %get3A_1117 masked %lt3A_2 {add = true} : memref<90112xf32, #tpu.memory_space<vmem>>[vector<16xi32>], vector<16xf32>, vector<16xi1>
      %get3A_1125 = arith.constant 101 : i32
      %get3A_1126 = arith.index_cast %get3A_1125 : i32 to index
      %get3A_1127 = arith.constant 0 : index
      %get3A_1128 = tpu.vector_load %arg7[%get3A_1126, %get3A_1127] {strides = array<i32>} : memref<128x16xf32, #tpu.memory_space<vmem>>, vector<16xf32>,
      %broadcast_in_dim3A_1129 = arith.constant 101 : i32
      %broadcast_in_dim3A_1130 = vector.broadcast %broadcast_in_dim3A_1129 : i32 to vector<16xi32>
      %gather3A_1131 = tpu.vector_load_idx %arg6[%broadcast_in_dim3A, %broadcast_in_dim3A_1130] : memref<40x128xi32, #tpu.memory_space<vmem>>[vector<16xi32>, vector<16xi32>], vector<16xi32>,
      %mul3A_1132 = arith.constant 10000 : i32
      %mul3A_1133 = vector.broadcast %mul3A_1132 : i32 to vector<16xi32>
      %mul3A_1134 = arith.muli %iota3A, %mul3A_1133 : vector<16xi32>
      %add3A_1135 = arith.addi %mul3A_1134, %gather3A_1131 : vector<16xi32>
      tpu.vector_store_idx %arg8[%add3A_1135], %get3A_1128 masked %lt3A_2 {add = true} : memref<90112xf32, #tpu.memory_space<vmem>>[vector<16xi32>], vector<16xf32>, vector<16xi1>
      %get3A_1136 = arith.constant 102 : i32
      %get3A_1137 = arith.index_cast %get3A_1136 : i32 to index
      %get3A_1138 = arith.constant 0 : index
      %get3A_1139 = tpu.vector_load %arg7[%get3A_1137, %get3A_1138] {strides = array<i32>} : memref<128x16xf32, #tpu.memory_space<vmem>>, vector<16xf32>,
      %broadcast_in_dim3A_1140 = arith.constant 102 : i32
      %broadcast_in_dim3A_1141 = vector.broadcast %broadcast_in_dim3A_1140 : i32 to vector<16xi32>
      %gather3A_1142 = tpu.vector_load_idx %arg6[%broadcast_in_dim3A, %broadcast_in_dim3A_1141] : memref<40x128xi32, #tpu.memory_space<vmem>>[vector<16xi32>, vector<16xi32>], vector<16xi32>,
      %mul3A_1143 = arith.constant 10000 : i32
      %mul3A_1144 = vector.broadcast %mul3A_1143 : i32 to vector<16xi32>
      %mul3A_1145 = arith.muli %iota3A, %mul3A_1144 : vector<16xi32>
      %add3A_1146 = arith.addi %mul3A_1145, %gather3A_1142 : vector<16xi32>
      tpu.vector_store_idx %arg8[%add3A_1146], %get3A_1139 masked %lt3A_2 {add = true} : memref<90112xf32, #tpu.memory_space<vmem>>[vector<16xi32>], vector<16xf32>, vector<16xi1>
      %get3A_1147 = arith.constant 103 : i32
      %get3A_1148 = arith.index_cast %get3A_1147 : i32 to index
      %get3A_1149 = arith.constant 0 : index
      %get3A_1150 = tpu.vector_load %arg7[%get3A_1148, %get3A_1149] {strides = array<i32>} : memref<128x16xf32, #tpu.memory_space<vmem>>, vector<16xf32>,
      %broadcast_in_dim3A_1151 = arith.constant 103 : i32
      %broadcast_in_dim3A_1152 = vector.broadcast %broadcast_in_dim3A_1151 : i32 to vector<16xi32>
      %gather3A_1153 = tpu.vector_load_idx %arg6[%broadcast_in_dim3A, %broadcast_in_dim3A_1152] : memref<40x128xi32, #tpu.memory_space<vmem>>[vector<16xi32>, vector<16xi32>], vector<16xi32>,
      %mul3A_1154 = arith.constant 10000 : i32
      %mul3A_1155 = vector.broadcast %mul3A_1154 : i32 to vector<16xi32>
      %mul3A_1156 = arith.muli %iota3A, %mul3A_1155 : vector<16xi32>
      %add3A_1157 = arith.addi %mul3A_1156, %gather3A_1153 : vector<16xi32>
      tpu.vector_store_idx %arg8[%add3A_1157], %get3A_1150 masked %lt3A_2 {add = true} : memref<90112xf32, #tpu.memory_space<vmem>>[vector<16xi32>], vector<16xf32>, vector<16xi1>
      %get3A_1158 = arith.constant 104 : i32
      %get3A_1159 = arith.index_cast %get3A_1158 : i32 to index
      %get3A_1160 = arith.constant 0 : index
      %get3A_1161 = tpu.vector_load %arg7[%get3A_1159, %get3A_1160] {strides = array<i32>} : memref<128x16xf32, #tpu.memory_space<vmem>>, vector<16xf32>,
      %broadcast_in_dim3A_1162 = arith.constant 104 : i32
      %broadcast_in_dim3A_1163 = vector.broadcast %broadcast_in_dim3A_1162 : i32 to vector<16xi32>
      %gather3A_1164 = tpu.vector_load_idx %arg6[%broadcast_in_dim3A, %broadcast_in_dim3A_1163] : memref<40x128xi32, #tpu.memory_space<vmem>>[vector<16xi32>, vector<16xi32>], vector<16xi32>,
      %mul3A_1165 = arith.constant 10000 : i32
      %mul3A_1166 = vector.broadcast %mul3A_1165 : i32 to vector<16xi32>
      %mul3A_1167 = arith.muli %iota3A, %mul3A_1166 : vector<16xi32>
      %add3A_1168 = arith.addi %mul3A_1167, %gather3A_1164 : vector<16xi32>
      tpu.vector_store_idx %arg8[%add3A_1168], %get3A_1161 masked %lt3A_2 {add = true} : memref<90112xf32, #tpu.memory_space<vmem>>[vector<16xi32>], vector<16xf32>, vector<16xi1>
      %get3A_1169 = arith.constant 105 : i32
      %get3A_1170 = arith.index_cast %get3A_1169 : i32 to index
      %get3A_1171 = arith.constant 0 : index
      %get3A_1172 = tpu.vector_load %arg7[%get3A_1170, %get3A_1171] {strides = array<i32>} : memref<128x16xf32, #tpu.memory_space<vmem>>, vector<16xf32>,
      %broadcast_in_dim3A_1173 = arith.constant 105 : i32
      %broadcast_in_dim3A_1174 = vector.broadcast %broadcast_in_dim3A_1173 : i32 to vector<16xi32>
      %gather3A_1175 = tpu.vector_load_idx %arg6[%broadcast_in_dim3A, %broadcast_in_dim3A_1174] : memref<40x128xi32, #tpu.memory_space<vmem>>[vector<16xi32>, vector<16xi32>], vector<16xi32>,
      %mul3A_1176 = arith.constant 10000 : i32
      %mul3A_1177 = vector.broadcast %mul3A_1176 : i32 to vector<16xi32>
      %mul3A_1178 = arith.muli %iota3A, %mul3A_1177 : vector<16xi32>
      %add3A_1179 = arith.addi %mul3A_1178, %gather3A_1175 : vector<16xi32>
      tpu.vector_store_idx %arg8[%add3A_1179], %get3A_1172 masked %lt3A_2 {add = true} : memref<90112xf32, #tpu.memory_space<vmem>>[vector<16xi32>], vector<16xf32>, vector<16xi1>
      %get3A_1180 = arith.constant 106 : i32
      %get3A_1181 = arith.index_cast %get3A_1180 : i32 to index
      %get3A_1182 = arith.constant 0 : index
      %get3A_1183 = tpu.vector_load %arg7[%get3A_1181, %get3A_1182] {strides = array<i32>} : memref<128x16xf32, #tpu.memory_space<vmem>>, vector<16xf32>,
      %broadcast_in_dim3A_1184 = arith.constant 106 : i32
      %broadcast_in_dim3A_1185 = vector.broadcast %broadcast_in_dim3A_1184 : i32 to vector<16xi32>
      %gather3A_1186 = tpu.vector_load_idx %arg6[%broadcast_in_dim3A, %broadcast_in_dim3A_1185] : memref<40x128xi32, #tpu.memory_space<vmem>>[vector<16xi32>, vector<16xi32>], vector<16xi32>,
      %mul3A_1187 = arith.constant 10000 : i32
      %mul3A_1188 = vector.broadcast %mul3A_1187 : i32 to vector<16xi32>
      %mul3A_1189 = arith.muli %iota3A, %mul3A_1188 : vector<16xi32>
      %add3A_1190 = arith.addi %mul3A_1189, %gather3A_1186 : vector<16xi32>
      tpu.vector_store_idx %arg8[%add3A_1190], %get3A_1183 masked %lt3A_2 {add = true} : memref<90112xf32, #tpu.memory_space<vmem>>[vector<16xi32>], vector<16xf32>, vector<16xi1>
      %get3A_1191 = arith.constant 107 : i32
      %get3A_1192 = arith.index_cast %get3A_1191 : i32 to index
      %get3A_1193 = arith.constant 0 : index
      %get3A_1194 = tpu.vector_load %arg7[%get3A_1192, %get3A_1193] {strides = array<i32>} : memref<128x16xf32, #tpu.memory_space<vmem>>, vector<16xf32>,
      %broadcast_in_dim3A_1195 = arith.constant 107 : i32
      %broadcast_in_dim3A_1196 = vector.broadcast %broadcast_in_dim3A_1195 : i32 to vector<16xi32>
      %gather3A_1197 = tpu.vector_load_idx %arg6[%broadcast_in_dim3A, %broadcast_in_dim3A_1196] : memref<40x128xi32, #tpu.memory_space<vmem>>[vector<16xi32>, vector<16xi32>], vector<16xi32>,
      %mul3A_1198 = arith.constant 10000 : i32
      %mul3A_1199 = vector.broadcast %mul3A_1198 : i32 to vector<16xi32>
      %mul3A_1200 = arith.muli %iota3A, %mul3A_1199 : vector<16xi32>
      %add3A_1201 = arith.addi %mul3A_1200, %gather3A_1197 : vector<16xi32>
      tpu.vector_store_idx %arg8[%add3A_1201], %get3A_1194 masked %lt3A_2 {add = true} : memref<90112xf32, #tpu.memory_space<vmem>>[vector<16xi32>], vector<16xf32>, vector<16xi1>
      %get3A_1202 = arith.constant 108 : i32
      %get3A_1203 = arith.index_cast %get3A_1202 : i32 to index
      %get3A_1204 = arith.constant 0 : index
      %get3A_1205 = tpu.vector_load %arg7[%get3A_1203, %get3A_1204] {strides = array<i32>} : memref<128x16xf32, #tpu.memory_space<vmem>>, vector<16xf32>,
      %broadcast_in_dim3A_1206 = arith.constant 108 : i32
      %broadcast_in_dim3A_1207 = vector.broadcast %broadcast_in_dim3A_1206 : i32 to vector<16xi32>
      %gather3A_1208 = tpu.vector_load_idx %arg6[%broadcast_in_dim3A, %broadcast_in_dim3A_1207] : memref<40x128xi32, #tpu.memory_space<vmem>>[vector<16xi32>, vector<16xi32>], vector<16xi32>,
      %mul3A_1209 = arith.constant 10000 : i32
      %mul3A_1210 = vector.broadcast %mul3A_1209 : i32 to vector<16xi32>
      %mul3A_1211 = arith.muli %iota3A, %mul3A_1210 : vector<16xi32>
      %add3A_1212 = arith.addi %mul3A_1211, %gather3A_1208 : vector<16xi32>
      tpu.vector_store_idx %arg8[%add3A_1212], %get3A_1205 masked %lt3A_2 {add = true} : memref<90112xf32, #tpu.memory_space<vmem>>[vector<16xi32>], vector<16xf32>, vector<16xi1>
      %get3A_1213 = arith.constant 109 : i32
      %get3A_1214 = arith.index_cast %get3A_1213 : i32 to index
      %get3A_1215 = arith.constant 0 : index
      %get3A_1216 = tpu.vector_load %arg7[%get3A_1214, %get3A_1215] {strides = array<i32>} : memref<128x16xf32, #tpu.memory_space<vmem>>, vector<16xf32>,
      %broadcast_in_dim3A_1217 = arith.constant 109 : i32
      %broadcast_in_dim3A_1218 = vector.broadcast %broadcast_in_dim3A_1217 : i32 to vector<16xi32>
      %gather3A_1219 = tpu.vector_load_idx %arg6[%broadcast_in_dim3A, %broadcast_in_dim3A_1218] : memref<40x128xi32, #tpu.memory_space<vmem>>[vector<16xi32>, vector<16xi32>], vector<16xi32>,
      %mul3A_1220 = arith.constant 10000 : i32
      %mul3A_1221 = vector.broadcast %mul3A_1220 : i32 to vector<16xi32>
      %mul3A_1222 = arith.muli %iota3A, %mul3A_1221 : vector<16xi32>
      %add3A_1223 = arith.addi %mul3A_1222, %gather3A_1219 : vector<16xi32>
      tpu.vector_store_idx %arg8[%add3A_1223], %get3A_1216 masked %lt3A_2 {add = true} : memref<90112xf32, #tpu.memory_space<vmem>>[vector<16xi32>], vector<16xf32>, vector<16xi1>
      %get3A_1224 = arith.constant 110 : i32
      %get3A_1225 = arith.index_cast %get3A_1224 : i32 to index
      %get3A_1226 = arith.constant 0 : index
      %get3A_1227 = tpu.vector_load %arg7[%get3A_1225, %get3A_1226] {strides = array<i32>} : memref<128x16xf32, #tpu.memory_space<vmem>>, vector<16xf32>,
      %broadcast_in_dim3A_1228 = arith.constant 110 : i32
      %broadcast_in_dim3A_1229 = vector.broadcast %broadcast_in_dim3A_1228 : i32 to vector<16xi32>
      %gather3A_1230 = tpu.vector_load_idx %arg6[%broadcast_in_dim3A, %broadcast_in_dim3A_1229] : memref<40x128xi32, #tpu.memory_space<vmem>>[vector<16xi32>, vector<16xi32>], vector<16xi32>,
      %mul3A_1231 = arith.constant 10000 : i32
      %mul3A_1232 = vector.broadcast %mul3A_1231 : i32 to vector<16xi32>
      %mul3A_1233 = arith.muli %iota3A, %mul3A_1232 : vector<16xi32>
      %add3A_1234 = arith.addi %mul3A_1233, %gather3A_1230 : vector<16xi32>
      tpu.vector_store_idx %arg8[%add3A_1234], %get3A_1227 masked %lt3A_2 {add = true} : memref<90112xf32, #tpu.memory_space<vmem>>[vector<16xi32>], vector<16xf32>, vector<16xi1>
      %get3A_1235 = arith.constant 111 : i32
      %get3A_1236 = arith.index_cast %get3A_1235 : i32 to index
      %get3A_1237 = arith.constant 0 : index
      %get3A_1238 = tpu.vector_load %arg7[%get3A_1236, %get3A_1237] {strides = array<i32>} : memref<128x16xf32, #tpu.memory_space<vmem>>, vector<16xf32>,
      %broadcast_in_dim3A_1239 = arith.constant 111 : i32
      %broadcast_in_dim3A_1240 = vector.broadcast %broadcast_in_dim3A_1239 : i32 to vector<16xi32>
      %gather3A_1241 = tpu.vector_load_idx %arg6[%broadcast_in_dim3A, %broadcast_in_dim3A_1240] : memref<40x128xi32, #tpu.memory_space<vmem>>[vector<16xi32>, vector<16xi32>], vector<16xi32>,
      %mul3A_1242 = arith.constant 10000 : i32
      %mul3A_1243 = vector.broadcast %mul3A_1242 : i32 to vector<16xi32>
      %mul3A_1244 = arith.muli %iota3A, %mul3A_1243 : vector<16xi32>
      %add3A_1245 = arith.addi %mul3A_1244, %gather3A_1241 : vector<16xi32>
      tpu.vector_store_idx %arg8[%add3A_1245], %get3A_1238 masked %lt3A_2 {add = true} : memref<90112xf32, #tpu.memory_space<vmem>>[vector<16xi32>], vector<16xf32>, vector<16xi1>
      %get3A_1246 = arith.constant 112 : i32
      %get3A_1247 = arith.index_cast %get3A_1246 : i32 to index
      %get3A_1248 = arith.constant 0 : index
      %get3A_1249 = tpu.vector_load %arg7[%get3A_1247, %get3A_1248] {strides = array<i32>} : memref<128x16xf32, #tpu.memory_space<vmem>>, vector<16xf32>,
      %broadcast_in_dim3A_1250 = arith.constant 112 : i32
      %broadcast_in_dim3A_1251 = vector.broadcast %broadcast_in_dim3A_1250 : i32 to vector<16xi32>
      %gather3A_1252 = tpu.vector_load_idx %arg6[%broadcast_in_dim3A, %broadcast_in_dim3A_1251] : memref<40x128xi32, #tpu.memory_space<vmem>>[vector<16xi32>, vector<16xi32>], vector<16xi32>,
      %mul3A_1253 = arith.constant 10000 : i32
      %mul3A_1254 = vector.broadcast %mul3A_1253 : i32 to vector<16xi32>
      %mul3A_1255 = arith.muli %iota3A, %mul3A_1254 : vector<16xi32>
      %add3A_1256 = arith.addi %mul3A_1255, %gather3A_1252 : vector<16xi32>
      tpu.vector_store_idx %arg8[%add3A_1256], %get3A_1249 masked %lt3A_2 {add = true} : memref<90112xf32, #tpu.memory_space<vmem>>[vector<16xi32>], vector<16xf32>, vector<16xi1>
      %get3A_1257 = arith.constant 113 : i32
      %get3A_1258 = arith.index_cast %get3A_1257 : i32 to index
      %get3A_1259 = arith.constant 0 : index
      %get3A_1260 = tpu.vector_load %arg7[%get3A_1258, %get3A_1259] {strides = array<i32>} : memref<128x16xf32, #tpu.memory_space<vmem>>, vector<16xf32>,
      %broadcast_in_dim3A_1261 = arith.constant 113 : i32
      %broadcast_in_dim3A_1262 = vector.broadcast %broadcast_in_dim3A_1261 : i32 to vector<16xi32>
      %gather3A_1263 = tpu.vector_load_idx %arg6[%broadcast_in_dim3A, %broadcast_in_dim3A_1262] : memref<40x128xi32, #tpu.memory_space<vmem>>[vector<16xi32>, vector<16xi32>], vector<16xi32>,
      %mul3A_1264 = arith.constant 10000 : i32
      %mul3A_1265 = vector.broadcast %mul3A_1264 : i32 to vector<16xi32>
      %mul3A_1266 = arith.muli %iota3A, %mul3A_1265 : vector<16xi32>
      %add3A_1267 = arith.addi %mul3A_1266, %gather3A_1263 : vector<16xi32>
      tpu.vector_store_idx %arg8[%add3A_1267], %get3A_1260 masked %lt3A_2 {add = true} : memref<90112xf32, #tpu.memory_space<vmem>>[vector<16xi32>], vector<16xf32>, vector<16xi1>
      %get3A_1268 = arith.constant 114 : i32
      %get3A_1269 = arith.index_cast %get3A_1268 : i32 to index
      %get3A_1270 = arith.constant 0 : index
      %get3A_1271 = tpu.vector_load %arg7[%get3A_1269, %get3A_1270] {strides = array<i32>} : memref<128x16xf32, #tpu.memory_space<vmem>>, vector<16xf32>,
      %broadcast_in_dim3A_1272 = arith.constant 114 : i32
      %broadcast_in_dim3A_1273 = vector.broadcast %broadcast_in_dim3A_1272 : i32 to vector<16xi32>
      %gather3A_1274 = tpu.vector_load_idx %arg6[%broadcast_in_dim3A, %broadcast_in_dim3A_1273] : memref<40x128xi32, #tpu.memory_space<vmem>>[vector<16xi32>, vector<16xi32>], vector<16xi32>,
      %mul3A_1275 = arith.constant 10000 : i32
      %mul3A_1276 = vector.broadcast %mul3A_1275 : i32 to vector<16xi32>
      %mul3A_1277 = arith.muli %iota3A, %mul3A_1276 : vector<16xi32>
      %add3A_1278 = arith.addi %mul3A_1277, %gather3A_1274 : vector<16xi32>
      tpu.vector_store_idx %arg8[%add3A_1278], %get3A_1271 masked %lt3A_2 {add = true} : memref<90112xf32, #tpu.memory_space<vmem>>[vector<16xi32>], vector<16xf32>, vector<16xi1>
      %get3A_1279 = arith.constant 115 : i32
      %get3A_1280 = arith.index_cast %get3A_1279 : i32 to index
      %get3A_1281 = arith.constant 0 : index
      %get3A_1282 = tpu.vector_load %arg7[%get3A_1280, %get3A_1281] {strides = array<i32>} : memref<128x16xf32, #tpu.memory_space<vmem>>, vector<16xf32>,
      %broadcast_in_dim3A_1283 = arith.constant 115 : i32
      %broadcast_in_dim3A_1284 = vector.broadcast %broadcast_in_dim3A_1283 : i32 to vector<16xi32>
      %gather3A_1285 = tpu.vector_load_idx %arg6[%broadcast_in_dim3A, %broadcast_in_dim3A_1284] : memref<40x128xi32, #tpu.memory_space<vmem>>[vector<16xi32>, vector<16xi32>], vector<16xi32>,
      %mul3A_1286 = arith.constant 10000 : i32
      %mul3A_1287 = vector.broadcast %mul3A_1286 : i32 to vector<16xi32>
      %mul3A_1288 = arith.muli %iota3A, %mul3A_1287 : vector<16xi32>
      %add3A_1289 = arith.addi %mul3A_1288, %gather3A_1285 : vector<16xi32>
      tpu.vector_store_idx %arg8[%add3A_1289], %get3A_1282 masked %lt3A_2 {add = true} : memref<90112xf32, #tpu.memory_space<vmem>>[vector<16xi32>], vector<16xf32>, vector<16xi1>
      %get3A_1290 = arith.constant 116 : i32
      %get3A_1291 = arith.index_cast %get3A_1290 : i32 to index
      %get3A_1292 = arith.constant 0 : index
      %get3A_1293 = tpu.vector_load %arg7[%get3A_1291, %get3A_1292] {strides = array<i32>} : memref<128x16xf32, #tpu.memory_space<vmem>>, vector<16xf32>,
      %broadcast_in_dim3A_1294 = arith.constant 116 : i32
      %broadcast_in_dim3A_1295 = vector.broadcast %broadcast_in_dim3A_1294 : i32 to vector<16xi32>
      %gather3A_1296 = tpu.vector_load_idx %arg6[%broadcast_in_dim3A, %broadcast_in_dim3A_1295] : memref<40x128xi32, #tpu.memory_space<vmem>>[vector<16xi32>, vector<16xi32>], vector<16xi32>,
      %mul3A_1297 = arith.constant 10000 : i32
      %mul3A_1298 = vector.broadcast %mul3A_1297 : i32 to vector<16xi32>
      %mul3A_1299 = arith.muli %iota3A, %mul3A_1298 : vector<16xi32>
      %add3A_1300 = arith.addi %mul3A_1299, %gather3A_1296 : vector<16xi32>
      tpu.vector_store_idx %arg8[%add3A_1300], %get3A_1293 masked %lt3A_2 {add = true} : memref<90112xf32, #tpu.memory_space<vmem>>[vector<16xi32>], vector<16xf32>, vector<16xi1>
      %get3A_1301 = arith.constant 117 : i32
      %get3A_1302 = arith.index_cast %get3A_1301 : i32 to index
      %get3A_1303 = arith.constant 0 : index
      %get3A_1304 = tpu.vector_load %arg7[%get3A_1302, %get3A_1303] {strides = array<i32>} : memref<128x16xf32, #tpu.memory_space<vmem>>, vector<16xf32>,
      %broadcast_in_dim3A_1305 = arith.constant 117 : i32
      %broadcast_in_dim3A_1306 = vector.broadcast %broadcast_in_dim3A_1305 : i32 to vector<16xi32>
      %gather3A_1307 = tpu.vector_load_idx %arg6[%broadcast_in_dim3A, %broadcast_in_dim3A_1306] : memref<40x128xi32, #tpu.memory_space<vmem>>[vector<16xi32>, vector<16xi32>], vector<16xi32>,
      %mul3A_1308 = arith.constant 10000 : i32
      %mul3A_1309 = vector.broadcast %mul3A_1308 : i32 to vector<16xi32>
      %mul3A_1310 = arith.muli %iota3A, %mul3A_1309 : vector<16xi32>
      %add3A_1311 = arith.addi %mul3A_1310, %gather3A_1307 : vector<16xi32>
      tpu.vector_store_idx %arg8[%add3A_1311], %get3A_1304 masked %lt3A_2 {add = true} : memref<90112xf32, #tpu.memory_space<vmem>>[vector<16xi32>], vector<16xf32>, vector<16xi1>
      %get3A_1312 = arith.constant 118 : i32
      %get3A_1313 = arith.index_cast %get3A_1312 : i32 to index
      %get3A_1314 = arith.constant 0 : index
      %get3A_1315 = tpu.vector_load %arg7[%get3A_1313, %get3A_1314] {strides = array<i32>} : memref<128x16xf32, #tpu.memory_space<vmem>>, vector<16xf32>,
      %broadcast_in_dim3A_1316 = arith.constant 118 : i32
      %broadcast_in_dim3A_1317 = vector.broadcast %broadcast_in_dim3A_1316 : i32 to vector<16xi32>
      %gather3A_1318 = tpu.vector_load_idx %arg6[%broadcast_in_dim3A, %broadcast_in_dim3A_1317] : memref<40x128xi32, #tpu.memory_space<vmem>>[vector<16xi32>, vector<16xi32>], vector<16xi32>,
      %mul3A_1319 = arith.constant 10000 : i32
      %mul3A_1320 = vector.broadcast %mul3A_1319 : i32 to vector<16xi32>
      %mul3A_1321 = arith.muli %iota3A, %mul3A_1320 : vector<16xi32>
      %add3A_1322 = arith.addi %mul3A_1321, %gather3A_1318 : vector<16xi32>
      tpu.vector_store_idx %arg8[%add3A_1322], %get3A_1315 masked %lt3A_2 {add = true} : memref<90112xf32, #tpu.memory_space<vmem>>[vector<16xi32>], vector<16xf32>, vector<16xi1>
      %get3A_1323 = arith.constant 119 : i32
      %get3A_1324 = arith.index_cast %get3A_1323 : i32 to index
      %get3A_1325 = arith.constant 0 : index
      %get3A_1326 = tpu.vector_load %arg7[%get3A_1324, %get3A_1325] {strides = array<i32>} : memref<128x16xf32, #tpu.memory_space<vmem>>, vector<16xf32>,
      %broadcast_in_dim3A_1327 = arith.constant 119 : i32
      %broadcast_in_dim3A_1328 = vector.broadcast %broadcast_in_dim3A_1327 : i32 to vector<16xi32>
      %gather3A_1329 = tpu.vector_load_idx %arg6[%broadcast_in_dim3A, %broadcast_in_dim3A_1328] : memref<40x128xi32, #tpu.memory_space<vmem>>[vector<16xi32>, vector<16xi32>], vector<16xi32>,
      %mul3A_1330 = arith.constant 10000 : i32
      %mul3A_1331 = vector.broadcast %mul3A_1330 : i32 to vector<16xi32>
      %mul3A_1332 = arith.muli %iota3A, %mul3A_1331 : vector<16xi32>
      %add3A_1333 = arith.addi %mul3A_1332, %gather3A_1329 : vector<16xi32>
      tpu.vector_store_idx %arg8[%add3A_1333], %get3A_1326 masked %lt3A_2 {add = true} : memref<90112xf32, #tpu.memory_space<vmem>>[vector<16xi32>], vector<16xf32>, vector<16xi1>
      %get3A_1334 = arith.constant 120 : i32
      %get3A_1335 = arith.index_cast %get3A_1334 : i32 to index
      %get3A_1336 = arith.constant 0 : index
      %get3A_1337 = tpu.vector_load %arg7[%get3A_1335, %get3A_1336] {strides = array<i32>} : memref<128x16xf32, #tpu.memory_space<vmem>>, vector<16xf32>,
      %broadcast_in_dim3A_1338 = arith.constant 120 : i32
      %broadcast_in_dim3A_1339 = vector.broadcast %broadcast_in_dim3A_1338 : i32 to vector<16xi32>
      %gather3A_1340 = tpu.vector_load_idx %arg6[%broadcast_in_dim3A, %broadcast_in_dim3A_1339] : memref<40x128xi32, #tpu.memory_space<vmem>>[vector<16xi32>, vector<16xi32>], vector<16xi32>,
      %mul3A_1341 = arith.constant 10000 : i32
      %mul3A_1342 = vector.broadcast %mul3A_1341 : i32 to vector<16xi32>
      %mul3A_1343 = arith.muli %iota3A, %mul3A_1342 : vector<16xi32>
      %add3A_1344 = arith.addi %mul3A_1343, %gather3A_1340 : vector<16xi32>
      tpu.vector_store_idx %arg8[%add3A_1344], %get3A_1337 masked %lt3A_2 {add = true} : memref<90112xf32, #tpu.memory_space<vmem>>[vector<16xi32>], vector<16xf32>, vector<16xi1>
      %get3A_1345 = arith.constant 121 : i32
      %get3A_1346 = arith.index_cast %get3A_1345 : i32 to index
      %get3A_1347 = arith.constant 0 : index
      %get3A_1348 = tpu.vector_load %arg7[%get3A_1346, %get3A_1347] {strides = array<i32>} : memref<128x16xf32, #tpu.memory_space<vmem>>, vector<16xf32>,
      %broadcast_in_dim3A_1349 = arith.constant 121 : i32
      %broadcast_in_dim3A_1350 = vector.broadcast %broadcast_in_dim3A_1349 : i32 to vector<16xi32>
      %gather3A_1351 = tpu.vector_load_idx %arg6[%broadcast_in_dim3A, %broadcast_in_dim3A_1350] : memref<40x128xi32, #tpu.memory_space<vmem>>[vector<16xi32>, vector<16xi32>], vector<16xi32>,
      %mul3A_1352 = arith.constant 10000 : i32
      %mul3A_1353 = vector.broadcast %mul3A_1352 : i32 to vector<16xi32>
      %mul3A_1354 = arith.muli %iota3A, %mul3A_1353 : vector<16xi32>
      %add3A_1355 = arith.addi %mul3A_1354, %gather3A_1351 : vector<16xi32>
      tpu.vector_store_idx %arg8[%add3A_1355], %get3A_1348 masked %lt3A_2 {add = true} : memref<90112xf32, #tpu.memory_space<vmem>>[vector<16xi32>], vector<16xf32>, vector<16xi1>
      %get3A_1356 = arith.constant 122 : i32
      %get3A_1357 = arith.index_cast %get3A_1356 : i32 to index
      %get3A_1358 = arith.constant 0 : index
      %get3A_1359 = tpu.vector_load %arg7[%get3A_1357, %get3A_1358] {strides = array<i32>} : memref<128x16xf32, #tpu.memory_space<vmem>>, vector<16xf32>,
      %broadcast_in_dim3A_1360 = arith.constant 122 : i32
      %broadcast_in_dim3A_1361 = vector.broadcast %broadcast_in_dim3A_1360 : i32 to vector<16xi32>
      %gather3A_1362 = tpu.vector_load_idx %arg6[%broadcast_in_dim3A, %broadcast_in_dim3A_1361] : memref<40x128xi32, #tpu.memory_space<vmem>>[vector<16xi32>, vector<16xi32>], vector<16xi32>,
      %mul3A_1363 = arith.constant 10000 : i32
      %mul3A_1364 = vector.broadcast %mul3A_1363 : i32 to vector<16xi32>
      %mul3A_1365 = arith.muli %iota3A, %mul3A_1364 : vector<16xi32>
      %add3A_1366 = arith.addi %mul3A_1365, %gather3A_1362 : vector<16xi32>
      tpu.vector_store_idx %arg8[%add3A_1366], %get3A_1359 masked %lt3A_2 {add = true} : memref<90112xf32, #tpu.memory_space<vmem>>[vector<16xi32>], vector<16xf32>, vector<16xi1>
      %get3A_1367 = arith.constant 123 : i32
      %get3A_1368 = arith.index_cast %get3A_1367 : i32 to index
      %get3A_1369 = arith.constant 0 : index
      %get3A_1370 = tpu.vector_load %arg7[%get3A_1368, %get3A_1369] {strides = array<i32>} : memref<128x16xf32, #tpu.memory_space<vmem>>, vector<16xf32>,
      %broadcast_in_dim3A_1371 = arith.constant 123 : i32
      %broadcast_in_dim3A_1372 = vector.broadcast %broadcast_in_dim3A_1371 : i32 to vector<16xi32>
      %gather3A_1373 = tpu.vector_load_idx %arg6[%broadcast_in_dim3A, %broadcast_in_dim3A_1372] : memref<40x128xi32, #tpu.memory_space<vmem>>[vector<16xi32>, vector<16xi32>], vector<16xi32>,
      %mul3A_1374 = arith.constant 10000 : i32
      %mul3A_1375 = vector.broadcast %mul3A_1374 : i32 to vector<16xi32>
      %mul3A_1376 = arith.muli %iota3A, %mul3A_1375 : vector<16xi32>
      %add3A_1377 = arith.addi %mul3A_1376, %gather3A_1373 : vector<16xi32>
      tpu.vector_store_idx %arg8[%add3A_1377], %get3A_1370 masked %lt3A_2 {add = true} : memref<90112xf32, #tpu.memory_space<vmem>>[vector<16xi32>], vector<16xf32>, vector<16xi1>
      %get3A_1378 = arith.constant 124 : i32
      %get3A_1379 = arith.index_cast %get3A_1378 : i32 to index
      %get3A_1380 = arith.constant 0 : index
      %get3A_1381 = tpu.vector_load %arg7[%get3A_1379, %get3A_1380] {strides = array<i32>} : memref<128x16xf32, #tpu.memory_space<vmem>>, vector<16xf32>,
      %broadcast_in_dim3A_1382 = arith.constant 124 : i32
      %broadcast_in_dim3A_1383 = vector.broadcast %broadcast_in_dim3A_1382 : i32 to vector<16xi32>
      %gather3A_1384 = tpu.vector_load_idx %arg6[%broadcast_in_dim3A, %broadcast_in_dim3A_1383] : memref<40x128xi32, #tpu.memory_space<vmem>>[vector<16xi32>, vector<16xi32>], vector<16xi32>,
      %mul3A_1385 = arith.constant 10000 : i32
      %mul3A_1386 = vector.broadcast %mul3A_1385 : i32 to vector<16xi32>
      %mul3A_1387 = arith.muli %iota3A, %mul3A_1386 : vector<16xi32>
      %add3A_1388 = arith.addi %mul3A_1387, %gather3A_1384 : vector<16xi32>
      tpu.vector_store_idx %arg8[%add3A_1388], %get3A_1381 masked %lt3A_2 {add = true} : memref<90112xf32, #tpu.memory_space<vmem>>[vector<16xi32>], vector<16xf32>, vector<16xi1>
      %get3A_1389 = arith.constant 125 : i32
      %get3A_1390 = arith.index_cast %get3A_1389 : i32 to index
      %get3A_1391 = arith.constant 0 : index
      %get3A_1392 = tpu.vector_load %arg7[%get3A_1390, %get3A_1391] {strides = array<i32>} : memref<128x16xf32, #tpu.memory_space<vmem>>, vector<16xf32>,
      %broadcast_in_dim3A_1393 = arith.constant 125 : i32
      %broadcast_in_dim3A_1394 = vector.broadcast %broadcast_in_dim3A_1393 : i32 to vector<16xi32>
      %gather3A_1395 = tpu.vector_load_idx %arg6[%broadcast_in_dim3A, %broadcast_in_dim3A_1394] : memref<40x128xi32, #tpu.memory_space<vmem>>[vector<16xi32>, vector<16xi32>], vector<16xi32>,
      %mul3A_1396 = arith.constant 10000 : i32
      %mul3A_1397 = vector.broadcast %mul3A_1396 : i32 to vector<16xi32>
      %mul3A_1398 = arith.muli %iota3A, %mul3A_1397 : vector<16xi32>
      %add3A_1399 = arith.addi %mul3A_1398, %gather3A_1395 : vector<16xi32>
      tpu.vector_store_idx %arg8[%add3A_1399], %get3A_1392 masked %lt3A_2 {add = true} : memref<90112xf32, #tpu.memory_space<vmem>>[vector<16xi32>], vector<16xf32>, vector<16xi1>
      %get3A_1400 = arith.constant 126 : i32
      %get3A_1401 = arith.index_cast %get3A_1400 : i32 to index
      %get3A_1402 = arith.constant 0 : index
      %get3A_1403 = tpu.vector_load %arg7[%get3A_1401, %get3A_1402] {strides = array<i32>} : memref<128x16xf32, #tpu.memory_space<vmem>>, vector<16xf32>,
      %broadcast_in_dim3A_1404 = arith.constant 126 : i32
      %broadcast_in_dim3A_1405 = vector.broadcast %broadcast_in_dim3A_1404 : i32 to vector<16xi32>
      %gather3A_1406 = tpu.vector_load_idx %arg6[%broadcast_in_dim3A, %broadcast_in_dim3A_1405] : memref<40x128xi32, #tpu.memory_space<vmem>>[vector<16xi32>, vector<16xi32>], vector<16xi32>,
      %mul3A_1407 = arith.constant 10000 : i32
      %mul3A_1408 = vector.broadcast %mul3A_1407 : i32 to vector<16xi32>
      %mul3A_1409 = arith.muli %iota3A, %mul3A_1408 : vector<16xi32>
      %add3A_1410 = arith.addi %mul3A_1409, %gather3A_1406 : vector<16xi32>
      tpu.vector_store_idx %arg8[%add3A_1410], %get3A_1403 masked %lt3A_2 {add = true} : memref<90112xf32, #tpu.memory_space<vmem>>[vector<16xi32>], vector<16xf32>, vector<16xi1>
      %get3A_1411 = arith.constant 127 : i32
      %get3A_1412 = arith.index_cast %get3A_1411 : i32 to index
      %get3A_1413 = arith.constant 0 : index
      %get3A_1414 = tpu.vector_load %arg7[%get3A_1412, %get3A_1413] {strides = array<i32>} : memref<128x16xf32, #tpu.memory_space<vmem>>, vector<16xf32>,
      %broadcast_in_dim3A_1415 = arith.constant 127 : i32
      %broadcast_in_dim3A_1416 = vector.broadcast %broadcast_in_dim3A_1415 : i32 to vector<16xi32>
      %gather3A_1417 = tpu.vector_load_idx %arg6[%broadcast_in_dim3A, %broadcast_in_dim3A_1416] : memref<40x128xi32, #tpu.memory_space<vmem>>[vector<16xi32>, vector<16xi32>], vector<16xi32>,
      %mul3A_1418 = arith.constant 10000 : i32
      %mul3A_1419 = vector.broadcast %mul3A_1418 : i32 to vector<16xi32>
      %mul3A_1420 = arith.muli %iota3A, %mul3A_1419 : vector<16xi32>
      %add3A_1421 = arith.addi %mul3A_1420, %gather3A_1417 : vector<16xi32>
      tpu.vector_store_idx %arg8[%add3A_1421], %get3A_1414 masked %lt3A_2 {add = true} : memref<90112xf32, #tpu.memory_space<vmem>>[vector<16xi32>], vector<16xf32>, vector<16xi1>
    }
    %scan3A_7 = arith.constant 40 : i32
    %mul3A_8 = arith.constant 90112 : i32
    %mul3A_9 = arith.muli %add3A, %mul3A_8 : i32
    "tpu.region"() ({
      %run_scoped3A = tpu.sem_alloc : memref<!tpu.dma_semaphore, #tpu.memory_space<semaphore_mem>>
      %dma_start3A = tpu.memref_slice %arg5[%mul3A_9] : memref<2883584xf32, #tpu.memory_space<hbm>> -> memref<90112xf32, #tpu.memory_space<hbm>>
      %dma_start3A_10 = tpu.memref_slice %arg5[%mul3A_9] : memref<2883584xf32, #tpu.memory_space<hbm>> -> memref<90112xf32, #tpu.memory_space<hbm>>
      tpu.enqueue_dma source(%arg8 : memref<90112xf32, #tpu.memory_space<vmem>>) target(%dma_start3A_10 : memref<90112xf32, #tpu.memory_space<hbm>>) target_semaphore(%run_scoped3A : memref<!tpu.dma_semaphore, #tpu.memory_space<semaphore_mem>>)
      %dma_wait3A = tpu.memref_slice %arg5[%mul3A_9] : memref<2883584xf32, #tpu.memory_space<hbm>> -> memref<90112xf32, #tpu.memory_space<hbm>>
      %dma_wait3A_11 = tpu.memref_slice %arg5[%mul3A_9] : memref<2883584xf32, #tpu.memory_space<hbm>> -> memref<90112xf32, #tpu.memory_space<hbm>>
      tpu.wait_dma2 semaphore(%run_scoped3A : memref<!tpu.dma_semaphore, #tpu.memory_space<semaphore_mem>>) src(%arg8 : memref<90112xf32, #tpu.memory_space<vmem>>) dst(%dma_wait3A_11 : memref<90112xf32, #tpu.memory_space<hbm>>)
      tpu.yield
    }) : () -> ()
    return
  }
}

#map = affine_map<(d0, d1) -> (0, 0)>
#map1 = affine_map<(d0, d1) -> (0, 0, 0)>
module attributes {stable_mosaic.version = 14 : i64} {
  func.func @k(%arg0: i32, %arg1: i32, %arg2: memref<10000x128xf32, #tpu.memory_space<hbm>>, %arg3: memref<32x40x128xi32, #tpu.memory_space<hbm>>, %arg4: memref<163840x128xf32, #tpu.memory_space<hbm>>, %arg5: memref<40x128xi32, #tpu.memory_space<vmem>>, %arg6: memref<128x128xf32, #tpu.memory_space<vmem>>, %arg7: memref<!tpu.dma_semaphore, #tpu.memory_space<semaphore_mem>>) attributes {dimension_semantics = [#tpu.dimension_semantics<core_parallel>, #tpu.dimension_semantics<subcore_parallel>], iteration_bounds = array<i64: 2, 16>, scalar_prefetch = 0 : i64, scratch_operands = 3 : i64, tpu.core_type = #tpu.core_type<sc_vector_subcore>, window_params = [{transform_indices = #map}, {transform_indices = #map1}, {transform_indices = #map}]} {
    %mul3A = arith.constant 2 : i32
    %mul3A_0 = arith.muli %arg1, %mul3A : i32
    %add3A = arith.addi %mul3A_0, %arg0 : i32
    "tpu.region"() ({
      %run_scoped3A = tpu.sem_alloc : memref<!tpu.dma_semaphore, #tpu.memory_space<semaphore_mem>>
      %dma_start3A = arith.constant 0 : i32
      %dma_start3A_6 = arith.constant 0 : i32
      %dma_start3A_7 = tpu.memref_slice %arg3[%add3A, %dma_start3A, %dma_start3A_6] : memref<32x40x128xi32, #tpu.memory_space<hbm>> -> memref<1x40x128xi32, #tpu.memory_space<hbm>>
      %dma_start3A_8 = tpu.memref_squeeze %dma_start3A_7 : memref<1x40x128xi32, #tpu.memory_space<hbm>> -> memref<40x128xi32, #tpu.memory_space<hbm>>
      %dma_start3A_9 = arith.constant 0 : i32
      %dma_start3A_10 = arith.constant 0 : i32
      %dma_start3A_11 = tpu.memref_slice %arg3[%add3A, %dma_start3A_9, %dma_start3A_10] : memref<32x40x128xi32, #tpu.memory_space<hbm>> -> memref<1x40x128xi32, #tpu.memory_space<hbm>>
      %dma_start3A_12 = tpu.memref_squeeze %dma_start3A_11 : memref<1x40x128xi32, #tpu.memory_space<hbm>> -> memref<40x128xi32, #tpu.memory_space<hbm>>
      tpu.enqueue_dma source(%dma_start3A_12 : memref<40x128xi32, #tpu.memory_space<hbm>>) target(%arg5 : memref<40x128xi32, #tpu.memory_space<vmem>>) target_semaphore(%run_scoped3A : memref<!tpu.dma_semaphore, #tpu.memory_space<semaphore_mem>>)
      %dma_wait3A = arith.constant 0 : i32
      %dma_wait3A_13 = arith.constant 0 : i32
      %dma_wait3A_14 = tpu.memref_slice %arg3[%add3A, %dma_wait3A, %dma_wait3A_13] : memref<32x40x128xi32, #tpu.memory_space<hbm>> -> memref<1x40x128xi32, #tpu.memory_space<hbm>>
      %dma_wait3A_15 = tpu.memref_squeeze %dma_wait3A_14 : memref<1x40x128xi32, #tpu.memory_space<hbm>> -> memref<40x128xi32, #tpu.memory_space<hbm>>
      %dma_wait3A_16 = arith.constant 0 : i32
      %dma_wait3A_17 = arith.constant 0 : i32
      %dma_wait3A_18 = tpu.memref_slice %arg3[%add3A, %dma_wait3A_16, %dma_wait3A_17] : memref<32x40x128xi32, #tpu.memory_space<hbm>> -> memref<1x40x128xi32, #tpu.memory_space<hbm>>
      %dma_wait3A_19 = tpu.memref_squeeze %dma_wait3A_18 : memref<1x40x128xi32, #tpu.memory_space<hbm>> -> memref<40x128xi32, #tpu.memory_space<hbm>>
      tpu.wait_dma2 semaphore(%run_scoped3A : memref<!tpu.dma_semaphore, #tpu.memory_space<semaphore_mem>>) src(%dma_wait3A_19 : memref<40x128xi32, #tpu.memory_space<hbm>>) dst(%arg5 : memref<40x128xi32, #tpu.memory_space<vmem>>)
      tpu.yield
    }) : () -> ()
    %scan3A = arith.constant 0 : i32
    %scan3A_1 = arith.constant 0 : i32
    %scan3A_2 = arith.constant 40 : i32
    %scan3A_3 = arith.addi %scan3A_1, %scan3A_2 : i32
    %scan3A_4 = arith.constant 1 : i32
    scf.for %scan3A_6 = %scan3A_1 to %scan3A_3 step %scan3A_4  : i32 {
      %dma_start3A = arith.constant 0 : i32
      %dma_start3A_7 = tpu.memref_slice %arg5[%scan3A_6, %dma_start3A] : memref<40x128xi32, #tpu.memory_space<vmem>> -> memref<1x128xi32, #tpu.memory_space<vmem>>
      %dma_start3A_8 = tpu.memref_squeeze %dma_start3A_7 : memref<1x128xi32, #tpu.memory_space<vmem>> -> memref<128xi32, #tpu.memory_space<vmem>>
      %dma_start3A_9 = arith.constant 0 : i32
      %dma_start3A_10 = arith.constant 0 : i32
      %dma_start3A_11 = tpu.memref_slice %arg2[%dma_start3A_9, %dma_start3A_10] : memref<10000x128xf32, #tpu.memory_space<hbm>> -> memref<10000x128xf32, #tpu.memory_space<hbm>>
      tpu.enqueue_indirect_dma source(%dma_start3A_11 : memref<10000x128xf32, #tpu.memory_space<hbm>>) target(%arg6 : memref<128x128xf32, #tpu.memory_space<vmem>>) offsets(%dma_start3A_8 : memref<128xi32, #tpu.memory_space<vmem>>) semaphore(%arg7 : memref<!tpu.dma_semaphore, #tpu.memory_space<semaphore_mem>>)
      %dma_wait3A = arith.constant 0 : i32
      %dma_wait3A_12 = tpu.memref_slice %arg5[%scan3A_6, %dma_wait3A] : memref<40x128xi32, #tpu.memory_space<vmem>> -> memref<1x128xi32, #tpu.memory_space<vmem>>
      %dma_wait3A_13 = tpu.memref_squeeze %dma_wait3A_12 : memref<1x128xi32, #tpu.memory_space<vmem>> -> memref<128xi32, #tpu.memory_space<vmem>>
      %dma_wait3A_14 = arith.constant 0 : i32
      %dma_wait3A_15 = arith.constant 0 : i32
      %dma_wait3A_16 = tpu.memref_slice %arg2[%dma_wait3A_14, %dma_wait3A_15] : memref<10000x128xf32, #tpu.memory_space<hbm>> -> memref<10000x128xf32, #tpu.memory_space<hbm>>
      tpu.wait_indirect_dma semaphore(%arg7 : memref<!tpu.dma_semaphore, #tpu.memory_space<semaphore_mem>>) src(%dma_wait3A_16 : memref<10000x128xf32, #tpu.memory_space<hbm>>) dst(%arg6 : memref<128x128xf32, #tpu.memory_space<vmem>>)
      %mul3A_17 = arith.constant 40 : i32
      %mul3A_18 = arith.muli %add3A, %mul3A_17 : i32
      %add3A_19 = arith.addi %mul3A_18, %scan3A_6 : i32
      %mul3A_20 = arith.constant 128 : i32
      %mul3A_21 = arith.muli %add3A_19, %mul3A_20 : i32
      "tpu.region"() ({
        %run_scoped3A = tpu.sem_alloc : memref<!tpu.dma_semaphore, #tpu.memory_space<semaphore_mem>>
        %dma_start3A_22 = arith.constant 0 : i32
        %dma_start3A_23 = tpu.memref_slice %arg4[%mul3A_21, %dma_start3A_22] : memref<163840x128xf32, #tpu.memory_space<hbm>> -> memref<128x128xf32, #tpu.memory_space<hbm>>
        %dma_start3A_24 = arith.constant 0 : i32
        %dma_start3A_25 = tpu.memref_slice %arg4[%mul3A_21, %dma_start3A_24] : memref<163840x128xf32, #tpu.memory_space<hbm>> -> memref<128x128xf32, #tpu.memory_space<hbm>>
        tpu.enqueue_dma source(%arg6 : memref<128x128xf32, #tpu.memory_space<vmem>>) target(%dma_start3A_25 : memref<128x128xf32, #tpu.memory_space<hbm>>) target_semaphore(%run_scoped3A : memref<!tpu.dma_semaphore, #tpu.memory_space<semaphore_mem>>)
        %dma_wait3A_26 = arith.constant 0 : i32
        %dma_wait3A_27 = tpu.memref_slice %arg4[%mul3A_21, %dma_wait3A_26] : memref<163840x128xf32, #tpu.memory_space<hbm>> -> memref<128x128xf32, #tpu.memory_space<hbm>>
        %dma_wait3A_28 = arith.constant 0 : i32
        %dma_wait3A_29 = tpu.memref_slice %arg4[%mul3A_21, %dma_wait3A_28] : memref<163840x128xf32, #tpu.memory_space<hbm>> -> memref<128x128xf32, #tpu.memory_space<hbm>>
        tpu.wait_dma2 semaphore(%run_scoped3A : memref<!tpu.dma_semaphore, #tpu.memory_space<semaphore_mem>>) src(%arg6 : memref<128x128xf32, #tpu.memory_space<vmem>>) dst(%dma_wait3A_29 : memref<128x128xf32, #tpu.memory_space<hbm>>)
        tpu.yield
      }) : () -> ()
    }
    %scan3A_5 = arith.constant 40 : i32
    return
  }
}

module attributes {stable_mosaic.version = 14 : i64} {
  func.func @body(%arg0: i32, %arg1: memref<2048x16xf32, #tpu.memory_space<vmem>>, %arg2: memref<2048x128xf32, #tpu.memory_space<vmem>>, %arg3: memref<16x32xf32, #tpu.memory_space<vmem>>, %arg4: memref<1x32xf32, #tpu.memory_space<vmem>>, %arg5: memref<128x256xf32, #tpu.memory_space<vmem>>, %arg6: memref<128x8xf32, #tpu.memory_space<vmem>>, %arg7: memref<2048x16xf32, #tpu.memory_space<vmem>>) attributes {dimension_semantics = [#tpu.dimension_semantics<arbitrary>], iteration_bounds = array<i64: 80>, scalar_prefetch = 0 : i64, scratch_operands = 0 : i64, tpu.core_type = #tpu.core_type<tc>, window_params = [{transform_indices = @transform_0, window_bounds = array<i64: 2048, 16>}, {transform_indices = @transform_1, window_bounds = array<i64: 2048, 128>}, {pipeline_mode = #tpu.pipeline_mode<synchronous>, transform_indices = @transform_2, window_bounds = array<i64: 16, 32>}, {pipeline_mode = #tpu.pipeline_mode<synchronous>, transform_indices = @transform_3, window_bounds = array<i64: 1, 32>}, {pipeline_mode = #tpu.pipeline_mode<synchronous>, transform_indices = @transform_4, window_bounds = array<i64: 128, 256>}, {pipeline_mode = #tpu.pipeline_mode<synchronous>, transform_indices = @transform_5, window_bounds = array<i64: 128, 8>}, {transform_indices = @transform_6, window_bounds = array<i64: 2048, 16>}]} {
    %get3A = arith.constant 0 : index
    %get3A_0 = arith.constant 0 : index
    %get3A_1 = vector.load %arg1[%get3A, %get3A_0] : memref<2048x16xf32, #tpu.memory_space<vmem>>, vector<2048x16xf32>
    %get3A_2 = arith.constant 0 : index
    %get3A_3 = arith.constant 0 : index
    %get3A_4 = vector.load %arg3[%get3A_2, %get3A_3] : memref<16x32xf32, #tpu.memory_space<vmem>>, vector<16x32xf32>
    %dot_general3A = arith.constant dense<0.000000e+00> : vector<2048x32xf32>
    %dot_general3A_5 = tpu.matmul %get3A_1, %get3A_4, %dot_general3A {dimension_numbers = #tpu.dot_dimension_numbers<[1], [0], [0], [1], [0, 0, 1, 1], [], []>, transpose_lhs_hint = false} : vector<2048x16xf32>, vector<16x32xf32>, vector<2048x32xf32> -> vector<2048x32xf32>
    %get3A_6 = arith.constant 0 : index
    %get3A_7 = arith.constant 0 : index
    %get3A_8 = vector.load %arg4[%get3A_6, %get3A_7] : memref<1x32xf32, #tpu.memory_space<vmem>>, vector<1x32xf32>
    %add3A = vector.broadcast %get3A_8 : vector<1x32xf32> to vector<2048x32xf32>
    %add3A_9 = arith.addf %dot_general3A_5, %add3A : vector<2048x32xf32>
    %max3A = arith.constant 0.000000e+00 : f32
    %max3A_10 = vector.broadcast %max3A : f32 to vector<2048x32xf32>
    %max3A_11 = arith.maximumf %add3A_9, %max3A_10 : vector<2048x32xf32>
    %get3A_12 = arith.constant 0 : index
    %get3A_13 = arith.constant 0 : index
    %get3A_14 = vector.load %arg2[%get3A_12, %get3A_13] : memref<2048x128xf32, #tpu.memory_space<vmem>>, vector<2048x128xf32>
    %get3A_15 = arith.constant 0 : index
    %get3A_16 = arith.constant 0 : index
    %get3A_17 = vector.load %arg5[%get3A_15, %get3A_16] : memref<128x256xf32, #tpu.memory_space<vmem>>, vector<128x256xf32>
    %dot_general3A_18 = arith.constant dense<0.000000e+00> : vector<2048x256xf32>
    %dot_general3A_19 = tpu.matmul %get3A_14, %get3A_17, %dot_general3A_18 {dimension_numbers = #tpu.dot_dimension_numbers<[1], [0], [0], [1], [0, 0, 1, 1], [], []>, transpose_lhs_hint = false} : vector<2048x128xf32>, vector<128x256xf32>, vector<2048x256xf32> -> vector<2048x256xf32>
    %get3A_20 = arith.constant 0 : index
    %get3A_21 = arith.constant 0 : index
    %get3A_22 = vector.load %arg6[%get3A_20, %get3A_21] : memref<128x8xf32, #tpu.memory_space<vmem>>, vector<128x8xf32>
    %dot_general3A_23 = arith.constant dense<0.000000e+00> : vector<2048x8xf32>
    %dot_general3A_24 = tpu.matmul %get3A_14, %get3A_22, %dot_general3A_23 {dimension_numbers = #tpu.dot_dimension_numbers<[1], [0], [0], [1], [0, 0, 1, 1], [], []>, transpose_lhs_hint = false} : vector<2048x128xf32>, vector<128x8xf32>, vector<2048x8xf32> -> vector<2048x8xf32>
    %slice3A = vector.extract_strided_slice %dot_general3A_19 {offsets = [0, 0], sizes = [2048, 32], strides = [1, 1]} : vector<2048x256xf32> to vector<2048x32xf32>
    %mul3A = arith.mulf %max3A_11, %slice3A : vector<2048x32xf32>
    %reduce_sum3A = arith.constant dense<0.000000e+00> : vector<2048xf32>
    %reduce_sum3A_25 = vector.multi_reduction <add>, %mul3A, %reduce_sum3A [1] : vector<2048x32xf32> to vector<2048xf32>
    %broadcast_in_dim3A = vector.shape_cast %reduce_sum3A_25 : vector<2048xf32> to vector<2048x1xf32>
    %slice3A_26 = vector.extract_strided_slice %dot_general3A_19 {offsets = [0, 32], sizes = [2048, 32], strides = [1, 1]} : vector<2048x256xf32> to vector<2048x32xf32>
    %mul3A_27 = arith.mulf %max3A_11, %slice3A_26 : vector<2048x32xf32>
    %reduce_sum3A_28 = arith.constant dense<0.000000e+00> : vector<2048xf32>
    %reduce_sum3A_29 = vector.multi_reduction <add>, %mul3A_27, %reduce_sum3A_28 [1] : vector<2048x32xf32> to vector<2048xf32>
    %broadcast_in_dim3A_30 = vector.shape_cast %reduce_sum3A_29 : vector<2048xf32> to vector<2048x1xf32>
    %slice3A_31 = vector.extract_strided_slice %dot_general3A_19 {offsets = [0, 64], sizes = [2048, 32], strides = [1, 1]} : vector<2048x256xf32> to vector<2048x32xf32>
    %mul3A_32 = arith.mulf %max3A_11, %slice3A_31 : vector<2048x32xf32>
    %reduce_sum3A_33 = arith.constant dense<0.000000e+00> : vector<2048xf32>
    %reduce_sum3A_34 = vector.multi_reduction <add>, %mul3A_32, %reduce_sum3A_33 [1] : vector<2048x32xf32> to vector<2048xf32>
    %broadcast_in_dim3A_35 = vector.shape_cast %reduce_sum3A_34 : vector<2048xf32> to vector<2048x1xf32>
    %slice3A_36 = vector.extract_strided_slice %dot_general3A_19 {offsets = [0, 96], sizes = [2048, 32], strides = [1, 1]} : vector<2048x256xf32> to vector<2048x32xf32>
    %mul3A_37 = arith.mulf %max3A_11, %slice3A_36 : vector<2048x32xf32>
    %reduce_sum3A_38 = arith.constant dense<0.000000e+00> : vector<2048xf32>
    %reduce_sum3A_39 = vector.multi_reduction <add>, %mul3A_37, %reduce_sum3A_38 [1] : vector<2048x32xf32> to vector<2048xf32>
    %broadcast_in_dim3A_40 = vector.shape_cast %reduce_sum3A_39 : vector<2048xf32> to vector<2048x1xf32>
    %slice3A_41 = vector.extract_strided_slice %dot_general3A_19 {offsets = [0, 128], sizes = [2048, 32], strides = [1, 1]} : vector<2048x256xf32> to vector<2048x32xf32>
    %mul3A_42 = arith.mulf %max3A_11, %slice3A_41 : vector<2048x32xf32>
    %reduce_sum3A_43 = arith.constant dense<0.000000e+00> : vector<2048xf32>
    %reduce_sum3A_44 = vector.multi_reduction <add>, %mul3A_42, %reduce_sum3A_43 [1] : vector<2048x32xf32> to vector<2048xf32>
    %broadcast_in_dim3A_45 = vector.shape_cast %reduce_sum3A_44 : vector<2048xf32> to vector<2048x1xf32>
    %slice3A_46 = vector.extract_strided_slice %dot_general3A_19 {offsets = [0, 160], sizes = [2048, 32], strides = [1, 1]} : vector<2048x256xf32> to vector<2048x32xf32>
    %mul3A_47 = arith.mulf %max3A_11, %slice3A_46 : vector<2048x32xf32>
    %reduce_sum3A_48 = arith.constant dense<0.000000e+00> : vector<2048xf32>
    %reduce_sum3A_49 = vector.multi_reduction <add>, %mul3A_47, %reduce_sum3A_48 [1] : vector<2048x32xf32> to vector<2048xf32>
    %broadcast_in_dim3A_50 = vector.shape_cast %reduce_sum3A_49 : vector<2048xf32> to vector<2048x1xf32>
    %slice3A_51 = vector.extract_strided_slice %dot_general3A_19 {offsets = [0, 192], sizes = [2048, 32], strides = [1, 1]} : vector<2048x256xf32> to vector<2048x32xf32>
    %mul3A_52 = arith.mulf %max3A_11, %slice3A_51 : vector<2048x32xf32>
    %reduce_sum3A_53 = arith.constant dense<0.000000e+00> : vector<2048xf32>
    %reduce_sum3A_54 = vector.multi_reduction <add>, %mul3A_52, %reduce_sum3A_53 [1] : vector<2048x32xf32> to vector<2048xf32>
    %broadcast_in_dim3A_55 = vector.shape_cast %reduce_sum3A_54 : vector<2048xf32> to vector<2048x1xf32>
    %slice3A_56 = vector.extract_strided_slice %dot_general3A_19 {offsets = [0, 224], sizes = [2048, 32], strides = [1, 1]} : vector<2048x256xf32> to vector<2048x32xf32>
    %mul3A_57 = arith.mulf %max3A_11, %slice3A_56 : vector<2048x32xf32>
    %reduce_sum3A_58 = arith.constant dense<0.000000e+00> : vector<2048xf32>
    %reduce_sum3A_59 = vector.multi_reduction <add>, %mul3A_57, %reduce_sum3A_58 [1] : vector<2048x32xf32> to vector<2048xf32>
    %broadcast_in_dim3A_60 = vector.shape_cast %reduce_sum3A_59 : vector<2048xf32> to vector<2048x1xf32>
    %concatenate3A = tpu.concatenate %broadcast_in_dim3A, %broadcast_in_dim3A_30, %broadcast_in_dim3A_35, %broadcast_in_dim3A_40, %broadcast_in_dim3A_45, %broadcast_in_dim3A_50, %broadcast_in_dim3A_55, %broadcast_in_dim3A_60 in 1 : vector<2048x1xf32>, vector<2048x1xf32>, vector<2048x1xf32>, vector<2048x1xf32>, vector<2048x1xf32>, vector<2048x1xf32>, vector<2048x1xf32>, vector<2048x1xf32> -> vector<2048x8xf32>
    %add3A_61 = arith.addf %concatenate3A, %dot_general3A_24 : vector<2048x8xf32>
    %mul3A_62 = arith.constant 2048 : i32
    %mul3A_63 = arith.muli %arg0, %mul3A_62 : i32
    %iota3A = tpu.iota {dimensions = array<i32: 0>} : vector<2048x1xi32>
    %add3A_64 = vector.broadcast %mul3A_63 : i32 to vector<2048x1xi32>
    %add3A_65 = arith.addi %add3A_64, %iota3A : vector<2048x1xi32>
    %lt3A = arith.constant 160000 : i32
    %lt3A_66 = vector.broadcast %lt3A : i32 to vector<2048x1xi32>
    %lt3A_67 = arith.cmpi slt, %add3A_65, %lt3A_66 : vector<2048x1xi32>
    %convert_element_type3A = arith.extui %lt3A_67 : vector<2048x1xi1> to vector<2048x1xi32>
    %convert_element_type3A_68 = arith.sitofp %convert_element_type3A : vector<2048x1xi32> to vector<2048x1xf32>
    %mul3A_69 = vector.broadcast %convert_element_type3A_68 : vector<2048x1xf32> to vector<2048x8xf32>
    %mul3A_70 = arith.mulf %add3A_61, %mul3A_69 : vector<2048x8xf32>
    %broadcast_in_dim3A_71 = arith.constant 0.000000e+00 : f32
    %broadcast_in_dim3A_72 = vector.broadcast %broadcast_in_dim3A_71 : f32 to vector<2048x7xf32>
    %concatenate3A_73 = tpu.concatenate %mul3A_70, %convert_element_type3A_68, %broadcast_in_dim3A_72 in 1 : vector<2048x8xf32>, vector<2048x1xf32>, vector<2048x7xf32> -> vector<2048x16xf32>
    %swap3A = arith.constant 0 : index
    %swap3A_74 = arith.constant 0 : index
    %swap3A_75 = vector.load %arg7[%swap3A, %swap3A_74] : memref<2048x16xf32, #tpu.memory_space<vmem>>, vector<2048x16xf32>
    tpu.vector_store %arg7[%swap3A, %swap3A_74], %concatenate3A_73 {strides = array<i32>} : memref<2048x16xf32, #tpu.memory_space<vmem>>, vector<2048x16xf32>,
    return
  }
  func.func @transform_0(%arg0: i32) -> (i32, i32) {
    %c0_i32 = arith.constant 0 : i32
    %c0_i32_0 = arith.constant 0 : i32
    return %arg0, %c0_i32 : i32, i32
  }
  func.func @transform_1(%arg0: i32) -> (i32, i32) {
    %c0_i32 = arith.constant 0 : i32
    %c0_i32_0 = arith.constant 0 : i32
    return %arg0, %c0_i32 : i32, i32
  }
  func.func @transform_2(%arg0: i32) -> (i32, i32) {
    %c0_i32 = arith.constant 0 : i32
    %c0_i32_0 = arith.constant 0 : i32
    %c0_i32_1 = arith.constant 0 : i32
    return %c0_i32, %c0_i32_0 : i32, i32
  }
  func.func @transform_3(%arg0: i32) -> (i32, i32) {
    %c0_i32 = arith.constant 0 : i32
    %c0_i32_0 = arith.constant 0 : i32
    %c0_i32_1 = arith.constant 0 : i32
    return %c0_i32, %c0_i32_0 : i32, i32
  }
  func.func @transform_4(%arg0: i32) -> (i32, i32) {
    %c0_i32 = arith.constant 0 : i32
    %c0_i32_0 = arith.constant 0 : i32
    %c0_i32_1 = arith.constant 0 : i32
    return %c0_i32, %c0_i32_0 : i32, i32
  }
  func.func @transform_5(%arg0: i32) -> (i32, i32) {
    %c0_i32 = arith.constant 0 : i32
    %c0_i32_0 = arith.constant 0 : i32
    %c0_i32_1 = arith.constant 0 : i32
    return %c0_i32, %c0_i32_0 : i32, i32
  }
  func.func @transform_6(%arg0: i32) -> (i32, i32) {
    %c0_i32 = arith.constant 0 : i32
    %c0_i32_0 = arith.constant 0 : i32
    return %arg0, %c0_i32 : i32, i32
  }
}

module attributes {stable_mosaic.version = 14 : i64} {
  func.func @body(%arg0: memref<32x9x10000xf32, #tpu.memory_space<vmem>>, %arg1: memref<10000x128xf32, #tpu.memory_space<vmem>>, %arg2: memref<128x8xf32, #tpu.memory_space<vmem>>, %arg3: memref<8x1xf32, #tpu.memory_space<vmem>>, %arg4: memref<8x1xf32, #tpu.memory_space<vmem>>, %arg5: memref<8x1xf32, #tpu.memory_space<vmem>>, %arg6: memref<10000x128xf32, #tpu.memory_space<vmem>>) attributes {dimension_semantics = [], scalar_prefetch = 0 : i64, scratch_operands = 0 : i64, tpu.core_type = #tpu.core_type<tc>} {
    %get3A = arith.constant 0 : index
    %get3A_0 = arith.constant 0 : index
    %get3A_1 = arith.constant 0 : index
    %get3A_2 = vector.load %arg0[%get3A, %get3A_0, %get3A_1] : memref<32x9x10000xf32, #tpu.memory_space<vmem>>, vector<32x9x10000xf32>
    %reduce_sum3A = arith.constant dense<0.000000e+00> : vector<9x10000xf32>
    %reduce_sum3A_3 = vector.multi_reduction <add>, %get3A_2, %reduce_sum3A [0] : vector<32x9x10000xf32> to vector<9x10000xf32>
    %slice3A = vector.extract_strided_slice %reduce_sum3A_3 {offsets = [0, 0], sizes = [8, 10000], strides = [1, 1]} : vector<9x10000xf32> to vector<8x10000xf32>
    %slice3A_4 = vector.extract_strided_slice %reduce_sum3A_3 {offsets = [8, 0], sizes = [1, 10000], strides = [1, 1]} : vector<9x10000xf32> to vector<1x10000xf32>
    %max3A = arith.constant 1.000000e+00 : f32
    %max3A_5 = vector.broadcast %max3A : f32 to vector<1x10000xf32>
    %max3A_6 = arith.maximumf %slice3A_4, %max3A_5 : vector<1x10000xf32>
    %div3A = vector.broadcast %max3A_6 : vector<1x10000xf32> to vector<8x10000xf32>
    %div3A_7 = arith.divf %slice3A, %div3A : vector<8x10000xf32>
    %get3A_8 = arith.constant 0 : index
    %get3A_9 = arith.constant 0 : index
    %get3A_10 = vector.load %arg2[%get3A_8, %get3A_9] : memref<128x8xf32, #tpu.memory_space<vmem>>, vector<128x8xf32>
    %get3A_11 = arith.constant 0 : index
    %get3A_12 = arith.constant 0 : index
    %get3A_13 = vector.load %arg1[%get3A_11, %get3A_12] : memref<10000x128xf32, #tpu.memory_space<vmem>>, vector<10000x128xf32>
    %dot_general3A = arith.constant dense<0.000000e+00> : vector<8x10000xf32>
    %dot_general3A_14 = tpu.matmul %get3A_10, %get3A_13, %dot_general3A {dimension_numbers = #tpu.dot_dimension_numbers<[0], [1], [1], [0], [0, 1, 1, 0], [], []>, transpose_lhs_hint = false} : vector<128x8xf32>, vector<10000x128xf32>, vector<8x10000xf32> -> vector<8x10000xf32>
    %add3A = arith.addf %div3A_7, %dot_general3A_14 : vector<8x10000xf32>
    %get3A_15 = arith.constant 0 : index
    %get3A_16 = arith.constant 0 : index
    %get3A_17 = vector.load %arg3[%get3A_15, %get3A_16] : memref<8x1xf32, #tpu.memory_space<vmem>>, vector<8x1xf32>
    %add3A_18 = vector.broadcast %get3A_17 : vector<8x1xf32> to vector<8x10000xf32>
    %add3A_19 = arith.addf %add3A, %add3A_18 : vector<8x10000xf32>
    %reduce_sum3A_20 = arith.constant dense<0.000000e+00> : vector<8xf32>
    %reduce_sum3A_21 = vector.multi_reduction <add>, %add3A_19, %reduce_sum3A_20 [1] : vector<8x10000xf32> to vector<8xf32>
    %broadcast_in_dim3A = vector.shape_cast %reduce_sum3A_21 : vector<8xf32> to vector<8x1xf32>
    %div3A_22 = arith.constant 1.000000e+04 : f32
    %div3A_23 = vector.broadcast %div3A_22 : f32 to vector<8x1xf32>
    %div3A_24 = arith.divf %broadcast_in_dim3A, %div3A_23 : vector<8x1xf32>
    %sub3A = vector.broadcast %div3A_24 : vector<8x1xf32> to vector<8x10000xf32>
    %sub3A_25 = arith.subf %add3A_19, %sub3A : vector<8x10000xf32>
    %integer_pow3A = arith.mulf %sub3A_25, %sub3A_25 : vector<8x10000xf32>
    %reduce_sum3A_26 = arith.constant dense<0.000000e+00> : vector<8xf32>
    %reduce_sum3A_27 = vector.multi_reduction <add>, %integer_pow3A, %reduce_sum3A_26 [1] : vector<8x10000xf32> to vector<8xf32>
    %broadcast_in_dim3A_28 = vector.shape_cast %reduce_sum3A_27 : vector<8xf32> to vector<8x1xf32>
    %div3A_29 = arith.constant 1.000000e+04 : f32
    %div3A_30 = vector.broadcast %div3A_29 : f32 to vector<8x1xf32>
    %div3A_31 = arith.divf %broadcast_in_dim3A_28, %div3A_30 : vector<8x1xf32>
    %get3A_32 = arith.constant 0 : index
    %get3A_33 = arith.constant 0 : index
    %get3A_34 = vector.load %arg4[%get3A_32, %get3A_33] : memref<8x1xf32, #tpu.memory_space<vmem>>, vector<8x1xf32>
    %sub3A_35 = vector.broadcast %div3A_24 : vector<8x1xf32> to vector<8x10000xf32>
    %sub3A_36 = arith.subf %add3A_19, %sub3A_35 : vector<8x10000xf32>
    %mul3A = vector.broadcast %get3A_34 : vector<8x1xf32> to vector<8x10000xf32>
    %mul3A_37 = arith.mulf %mul3A, %sub3A_36 : vector<8x10000xf32>
    %add3A_38 = arith.constant 9.99999974E-6 : f32
    %add3A_39 = vector.broadcast %add3A_38 : f32 to vector<8x1xf32>
    %add3A_40 = arith.addf %div3A_31, %add3A_39 : vector<8x1xf32>
    %sqrt3A = math.sqrt %add3A_40 : vector<8x1xf32>
    %div3A_41 = vector.broadcast %sqrt3A : vector<8x1xf32> to vector<8x10000xf32>
    %div3A_42 = arith.divf %mul3A_37, %div3A_41 : vector<8x10000xf32>
    %get3A_43 = arith.constant 0 : index
    %get3A_44 = arith.constant 0 : index
    %get3A_45 = vector.load %arg5[%get3A_43, %get3A_44] : memref<8x1xf32, #tpu.memory_space<vmem>>, vector<8x1xf32>
    %add3A_46 = vector.broadcast %get3A_45 : vector<8x1xf32> to vector<8x10000xf32>
    %add3A_47 = arith.addf %div3A_42, %add3A_46 : vector<8x10000xf32>
    %max3A_48 = arith.constant 0.000000e+00 : f32
    %max3A_49 = vector.broadcast %max3A_48 : f32 to vector<8x10000xf32>
    %max3A_50 = arith.maximumf %add3A_47, %max3A_49 : vector<8x10000xf32>
    %iota3A = tpu.iota {dimensions = array<i32: 0>} : vector<8x128xi32>
    %iota3A_51 = tpu.iota {dimensions = array<i32: 1>} : vector<8x128xi32>
    %eq3A = arith.cmpi eq, %iota3A, %iota3A_51 : vector<8x128xi32>
    %convert_element_type3A = arith.extui %eq3A : vector<8x128xi1> to vector<8x128xi32>
    %convert_element_type3A_52 = arith.sitofp %convert_element_type3A : vector<8x128xi32> to vector<8x128xf32>
    %dot_general3A_53 = arith.constant dense<0.000000e+00> : vector<10000x128xf32>
    %dot_general3A_54 = tpu.matmul %max3A_50, %convert_element_type3A_52, %dot_general3A_53 {dimension_numbers = #tpu.dot_dimension_numbers<[0], [0], [1], [1], [0, 1, 1, 1], [], []>, transpose_lhs_hint = false} : vector<8x10000xf32>, vector<8x128xf32>, vector<10000x128xf32> -> vector<10000x128xf32>
    %swap3A = arith.constant 0 : index
    %swap3A_55 = arith.constant 0 : index
    %swap3A_56 = vector.load %arg6[%swap3A, %swap3A_55] : memref<10000x128xf32, #tpu.memory_space<vmem>>, vector<10000x128xf32>
    tpu.vector_store %arg6[%swap3A, %swap3A_55], %dot_general3A_54 {strides = array<i32>} : memref<10000x128xf32, #tpu.memory_space<vmem>>, vector<10000x128xf32>,
    return
  }
}

module attributes {stable_mosaic.version = 14 : i64} {
  func.func @body(%arg0: i32, %arg1: memref<2048x16xf32, #tpu.memory_space<vmem>>, %arg2: memref<2048x128xf32, #tpu.memory_space<vmem>>, %arg3: memref<16x32xf32, #tpu.memory_space<vmem>>, %arg4: memref<1x32xf32, #tpu.memory_space<vmem>>, %arg5: memref<8x256xf32, #tpu.memory_space<vmem>>, %arg6: memref<8x8xf32, #tpu.memory_space<vmem>>, %arg7: memref<2048x16xf32, #tpu.memory_space<vmem>>) attributes {dimension_semantics = [#tpu.dimension_semantics<arbitrary>], iteration_bounds = array<i64: 80>, scalar_prefetch = 0 : i64, scratch_operands = 0 : i64, tpu.core_type = #tpu.core_type<tc>, window_params = [{transform_indices = @transform_0, window_bounds = array<i64: 2048, 16>}, {transform_indices = @transform_1, window_bounds = array<i64: 2048, 128>}, {pipeline_mode = #tpu.pipeline_mode<synchronous>, transform_indices = @transform_2, window_bounds = array<i64: 16, 32>}, {pipeline_mode = #tpu.pipeline_mode<synchronous>, transform_indices = @transform_3, window_bounds = array<i64: 1, 32>}, {pipeline_mode = #tpu.pipeline_mode<synchronous>, transform_indices = @transform_4, window_bounds = array<i64: 8, 256>}, {pipeline_mode = #tpu.pipeline_mode<synchronous>, transform_indices = @transform_5, window_bounds = array<i64: 8, 8>}, {transform_indices = @transform_6, window_bounds = array<i64: 2048, 16>}]} {
    %get3A = arith.constant 0 : index
    %get3A_0 = arith.constant 0 : index
    %get3A_1 = vector.load %arg1[%get3A, %get3A_0] : memref<2048x16xf32, #tpu.memory_space<vmem>>, vector<2048x16xf32>
    %get3A_2 = arith.constant 0 : index
    %get3A_3 = arith.constant 0 : index
    %get3A_4 = vector.load %arg3[%get3A_2, %get3A_3] : memref<16x32xf32, #tpu.memory_space<vmem>>, vector<16x32xf32>
    %dot_general3A = arith.constant dense<0.000000e+00> : vector<2048x32xf32>
    %dot_general3A_5 = tpu.matmul %get3A_1, %get3A_4, %dot_general3A {dimension_numbers = #tpu.dot_dimension_numbers<[1], [0], [0], [1], [0, 0, 1, 1], [], []>, transpose_lhs_hint = false} : vector<2048x16xf32>, vector<16x32xf32>, vector<2048x32xf32> -> vector<2048x32xf32>
    %get3A_6 = arith.constant 0 : index
    %get3A_7 = arith.constant 0 : index
    %get3A_8 = vector.load %arg4[%get3A_6, %get3A_7] : memref<1x32xf32, #tpu.memory_space<vmem>>, vector<1x32xf32>
    %add3A = vector.broadcast %get3A_8 : vector<1x32xf32> to vector<2048x32xf32>
    %add3A_9 = arith.addf %dot_general3A_5, %add3A : vector<2048x32xf32>
    %max3A = arith.constant 0.000000e+00 : f32
    %max3A_10 = vector.broadcast %max3A : f32 to vector<2048x32xf32>
    %max3A_11 = arith.maximumf %add3A_9, %max3A_10 : vector<2048x32xf32>
    %get3A_12 = arith.constant 0 : index
    %get3A_13 = arith.constant 0 : index
    %get3A_14 = vector.load %arg2[%get3A_12, %get3A_13] : memref<2048x128xf32, #tpu.memory_space<vmem>>, vector<2048x128xf32>
    %slice3A = vector.extract_strided_slice %get3A_14 {offsets = [0, 0], sizes = [2048, 8], strides = [1, 1]} : vector<2048x128xf32> to vector<2048x8xf32>
    %get3A_15 = arith.constant 0 : index
    %get3A_16 = arith.constant 0 : index
    %get3A_17 = vector.load %arg5[%get3A_15, %get3A_16] : memref<8x256xf32, #tpu.memory_space<vmem>>, vector<8x256xf32>
    %dot_general3A_18 = arith.constant dense<0.000000e+00> : vector<2048x256xf32>
    %dot_general3A_19 = tpu.matmul %slice3A, %get3A_17, %dot_general3A_18 {dimension_numbers = #tpu.dot_dimension_numbers<[1], [0], [0], [1], [0, 0, 1, 1], [], []>, transpose_lhs_hint = false} : vector<2048x8xf32>, vector<8x256xf32>, vector<2048x256xf32> -> vector<2048x256xf32>
    %get3A_20 = arith.constant 0 : index
    %get3A_21 = arith.constant 0 : index
    %get3A_22 = vector.load %arg6[%get3A_20, %get3A_21] : memref<8x8xf32, #tpu.memory_space<vmem>>, vector<8x8xf32>
    %dot_general3A_23 = arith.constant dense<0.000000e+00> : vector<2048x8xf32>
    %dot_general3A_24 = tpu.matmul %slice3A, %get3A_22, %dot_general3A_23 {dimension_numbers = #tpu.dot_dimension_numbers<[1], [0], [0], [1], [0, 0, 1, 1], [], []>, transpose_lhs_hint = false} : vector<2048x8xf32>, vector<8x8xf32>, vector<2048x8xf32> -> vector<2048x8xf32>
    %slice3A_25 = vector.extract_strided_slice %dot_general3A_19 {offsets = [0, 0], sizes = [2048, 32], strides = [1, 1]} : vector<2048x256xf32> to vector<2048x32xf32>
    %mul3A = arith.mulf %max3A_11, %slice3A_25 : vector<2048x32xf32>
    %reduce_sum3A = arith.constant dense<0.000000e+00> : vector<2048xf32>
    %reduce_sum3A_26 = vector.multi_reduction <add>, %mul3A, %reduce_sum3A [1] : vector<2048x32xf32> to vector<2048xf32>
    %broadcast_in_dim3A = vector.shape_cast %reduce_sum3A_26 : vector<2048xf32> to vector<2048x1xf32>
    %slice3A_27 = vector.extract_strided_slice %dot_general3A_19 {offsets = [0, 32], sizes = [2048, 32], strides = [1, 1]} : vector<2048x256xf32> to vector<2048x32xf32>
    %mul3A_28 = arith.mulf %max3A_11, %slice3A_27 : vector<2048x32xf32>
    %reduce_sum3A_29 = arith.constant dense<0.000000e+00> : vector<2048xf32>
    %reduce_sum3A_30 = vector.multi_reduction <add>, %mul3A_28, %reduce_sum3A_29 [1] : vector<2048x32xf32> to vector<2048xf32>
    %broadcast_in_dim3A_31 = vector.shape_cast %reduce_sum3A_30 : vector<2048xf32> to vector<2048x1xf32>
    %slice3A_32 = vector.extract_strided_slice %dot_general3A_19 {offsets = [0, 64], sizes = [2048, 32], strides = [1, 1]} : vector<2048x256xf32> to vector<2048x32xf32>
    %mul3A_33 = arith.mulf %max3A_11, %slice3A_32 : vector<2048x32xf32>
    %reduce_sum3A_34 = arith.constant dense<0.000000e+00> : vector<2048xf32>
    %reduce_sum3A_35 = vector.multi_reduction <add>, %mul3A_33, %reduce_sum3A_34 [1] : vector<2048x32xf32> to vector<2048xf32>
    %broadcast_in_dim3A_36 = vector.shape_cast %reduce_sum3A_35 : vector<2048xf32> to vector<2048x1xf32>
    %slice3A_37 = vector.extract_strided_slice %dot_general3A_19 {offsets = [0, 96], sizes = [2048, 32], strides = [1, 1]} : vector<2048x256xf32> to vector<2048x32xf32>
    %mul3A_38 = arith.mulf %max3A_11, %slice3A_37 : vector<2048x32xf32>
    %reduce_sum3A_39 = arith.constant dense<0.000000e+00> : vector<2048xf32>
    %reduce_sum3A_40 = vector.multi_reduction <add>, %mul3A_38, %reduce_sum3A_39 [1] : vector<2048x32xf32> to vector<2048xf32>
    %broadcast_in_dim3A_41 = vector.shape_cast %reduce_sum3A_40 : vector<2048xf32> to vector<2048x1xf32>
    %slice3A_42 = vector.extract_strided_slice %dot_general3A_19 {offsets = [0, 128], sizes = [2048, 32], strides = [1, 1]} : vector<2048x256xf32> to vector<2048x32xf32>
    %mul3A_43 = arith.mulf %max3A_11, %slice3A_42 : vector<2048x32xf32>
    %reduce_sum3A_44 = arith.constant dense<0.000000e+00> : vector<2048xf32>
    %reduce_sum3A_45 = vector.multi_reduction <add>, %mul3A_43, %reduce_sum3A_44 [1] : vector<2048x32xf32> to vector<2048xf32>
    %broadcast_in_dim3A_46 = vector.shape_cast %reduce_sum3A_45 : vector<2048xf32> to vector<2048x1xf32>
    %slice3A_47 = vector.extract_strided_slice %dot_general3A_19 {offsets = [0, 160], sizes = [2048, 32], strides = [1, 1]} : vector<2048x256xf32> to vector<2048x32xf32>
    %mul3A_48 = arith.mulf %max3A_11, %slice3A_47 : vector<2048x32xf32>
    %reduce_sum3A_49 = arith.constant dense<0.000000e+00> : vector<2048xf32>
    %reduce_sum3A_50 = vector.multi_reduction <add>, %mul3A_48, %reduce_sum3A_49 [1] : vector<2048x32xf32> to vector<2048xf32>
    %broadcast_in_dim3A_51 = vector.shape_cast %reduce_sum3A_50 : vector<2048xf32> to vector<2048x1xf32>
    %slice3A_52 = vector.extract_strided_slice %dot_general3A_19 {offsets = [0, 192], sizes = [2048, 32], strides = [1, 1]} : vector<2048x256xf32> to vector<2048x32xf32>
    %mul3A_53 = arith.mulf %max3A_11, %slice3A_52 : vector<2048x32xf32>
    %reduce_sum3A_54 = arith.constant dense<0.000000e+00> : vector<2048xf32>
    %reduce_sum3A_55 = vector.multi_reduction <add>, %mul3A_53, %reduce_sum3A_54 [1] : vector<2048x32xf32> to vector<2048xf32>
    %broadcast_in_dim3A_56 = vector.shape_cast %reduce_sum3A_55 : vector<2048xf32> to vector<2048x1xf32>
    %slice3A_57 = vector.extract_strided_slice %dot_general3A_19 {offsets = [0, 224], sizes = [2048, 32], strides = [1, 1]} : vector<2048x256xf32> to vector<2048x32xf32>
    %mul3A_58 = arith.mulf %max3A_11, %slice3A_57 : vector<2048x32xf32>
    %reduce_sum3A_59 = arith.constant dense<0.000000e+00> : vector<2048xf32>
    %reduce_sum3A_60 = vector.multi_reduction <add>, %mul3A_58, %reduce_sum3A_59 [1] : vector<2048x32xf32> to vector<2048xf32>
    %broadcast_in_dim3A_61 = vector.shape_cast %reduce_sum3A_60 : vector<2048xf32> to vector<2048x1xf32>
    %concatenate3A = tpu.concatenate %broadcast_in_dim3A, %broadcast_in_dim3A_31, %broadcast_in_dim3A_36, %broadcast_in_dim3A_41, %broadcast_in_dim3A_46, %broadcast_in_dim3A_51, %broadcast_in_dim3A_56, %broadcast_in_dim3A_61 in 1 : vector<2048x1xf32>, vector<2048x1xf32>, vector<2048x1xf32>, vector<2048x1xf32>, vector<2048x1xf32>, vector<2048x1xf32>, vector<2048x1xf32>, vector<2048x1xf32> -> vector<2048x8xf32>
    %add3A_62 = arith.addf %concatenate3A, %dot_general3A_24 : vector<2048x8xf32>
    %mul3A_63 = arith.constant 2048 : i32
    %mul3A_64 = arith.muli %arg0, %mul3A_63 : i32
    %iota3A = tpu.iota {dimensions = array<i32: 0>} : vector<2048x1xi32>
    %add3A_65 = vector.broadcast %mul3A_64 : i32 to vector<2048x1xi32>
    %add3A_66 = arith.addi %add3A_65, %iota3A : vector<2048x1xi32>
    %lt3A = arith.constant 160000 : i32
    %lt3A_67 = vector.broadcast %lt3A : i32 to vector<2048x1xi32>
    %lt3A_68 = arith.cmpi slt, %add3A_66, %lt3A_67 : vector<2048x1xi32>
    %convert_element_type3A = arith.extui %lt3A_68 : vector<2048x1xi1> to vector<2048x1xi32>
    %convert_element_type3A_69 = arith.sitofp %convert_element_type3A : vector<2048x1xi32> to vector<2048x1xf32>
    %mul3A_70 = vector.broadcast %convert_element_type3A_69 : vector<2048x1xf32> to vector<2048x8xf32>
    %mul3A_71 = arith.mulf %add3A_62, %mul3A_70 : vector<2048x8xf32>
    %broadcast_in_dim3A_72 = arith.constant 0.000000e+00 : f32
    %broadcast_in_dim3A_73 = vector.broadcast %broadcast_in_dim3A_72 : f32 to vector<2048x7xf32>
    %concatenate3A_74 = tpu.concatenate %mul3A_71, %convert_element_type3A_69, %broadcast_in_dim3A_73 in 1 : vector<2048x8xf32>, vector<2048x1xf32>, vector<2048x7xf32> -> vector<2048x16xf32>
    %swap3A = arith.constant 0 : index
    %swap3A_75 = arith.constant 0 : index
    %swap3A_76 = vector.load %arg7[%swap3A, %swap3A_75] : memref<2048x16xf32, #tpu.memory_space<vmem>>, vector<2048x16xf32>
    tpu.vector_store %arg7[%swap3A, %swap3A_75], %concatenate3A_74 {strides = array<i32>} : memref<2048x16xf32, #tpu.memory_space<vmem>>, vector<2048x16xf32>,
    return
  }
  func.func @transform_0(%arg0: i32) -> (i32, i32) {
    %c0_i32 = arith.constant 0 : i32
    %c0_i32_0 = arith.constant 0 : i32
    return %arg0, %c0_i32 : i32, i32
  }
  func.func @transform_1(%arg0: i32) -> (i32, i32) {
    %c0_i32 = arith.constant 0 : i32
    %c0_i32_0 = arith.constant 0 : i32
    return %arg0, %c0_i32 : i32, i32
  }
  func.func @transform_2(%arg0: i32) -> (i32, i32) {
    %c0_i32 = arith.constant 0 : i32
    %c0_i32_0 = arith.constant 0 : i32
    %c0_i32_1 = arith.constant 0 : i32
    return %c0_i32, %c0_i32_0 : i32, i32
  }
  func.func @transform_3(%arg0: i32) -> (i32, i32) {
    %c0_i32 = arith.constant 0 : i32
    %c0_i32_0 = arith.constant 0 : i32
    %c0_i32_1 = arith.constant 0 : i32
    return %c0_i32, %c0_i32_0 : i32, i32
  }
  func.func @transform_4(%arg0: i32) -> (i32, i32) {
    %c0_i32 = arith.constant 0 : i32
    %c0_i32_0 = arith.constant 0 : i32
    %c0_i32_1 = arith.constant 0 : i32
    return %c0_i32, %c0_i32_0 : i32, i32
  }
  func.func @transform_5(%arg0: i32) -> (i32, i32) {
    %c0_i32 = arith.constant 0 : i32
    %c0_i32_0 = arith.constant 0 : i32
    %c0_i32_1 = arith.constant 0 : i32
    return %c0_i32, %c0_i32_0 : i32, i32
  }
  func.func @transform_6(%arg0: i32) -> (i32, i32) {
    %c0_i32 = arith.constant 0 : i32
    %c0_i32_0 = arith.constant 0 : i32
    return %arg0, %c0_i32 : i32, i32
  }
}

module attributes {stable_mosaic.version = 14 : i64} {
  func.func @body(%arg0: memref<32x9x10000xf32, #tpu.memory_space<vmem>>, %arg1: memref<10000x128xf32, #tpu.memory_space<vmem>>, %arg2: memref<8x8xf32, #tpu.memory_space<vmem>>, %arg3: memref<8x1xf32, #tpu.memory_space<vmem>>, %arg4: memref<8x1xf32, #tpu.memory_space<vmem>>, %arg5: memref<8x1xf32, #tpu.memory_space<vmem>>, %arg6: memref<1x10000xi32, #tpu.memory_space<vmem>>, %arg7: memref<8x16xf32, #tpu.memory_space<vmem>>, %arg8: memref<16x1xf32, #tpu.memory_space<vmem>>, %arg9: memref<16x10xf32, #tpu.memory_space<vmem>>, %arg10: memref<10x1xf32, #tpu.memory_space<vmem>>, %arg11: memref<64x10xf32, #tpu.memory_space<vmem>>) attributes {dimension_semantics = [], scalar_prefetch = 0 : i64, scratch_operands = 0 : i64, tpu.core_type = #tpu.core_type<tc>} {
    %get3A = arith.constant 0 : index
    %get3A_0 = arith.constant 0 : index
    %get3A_1 = arith.constant 0 : index
    %get3A_2 = vector.load %arg0[%get3A, %get3A_0, %get3A_1] : memref<32x9x10000xf32, #tpu.memory_space<vmem>>, vector<32x9x10000xf32>
    %reduce_sum3A = arith.constant dense<0.000000e+00> : vector<9x10000xf32>
    %reduce_sum3A_3 = vector.multi_reduction <add>, %get3A_2, %reduce_sum3A [0] : vector<32x9x10000xf32> to vector<9x10000xf32>
    %slice3A = vector.extract_strided_slice %reduce_sum3A_3 {offsets = [0, 0], sizes = [8, 10000], strides = [1, 1]} : vector<9x10000xf32> to vector<8x10000xf32>
    %slice3A_4 = vector.extract_strided_slice %reduce_sum3A_3 {offsets = [8, 0], sizes = [1, 10000], strides = [1, 1]} : vector<9x10000xf32> to vector<1x10000xf32>
    %max3A = arith.constant 1.000000e+00 : f32
    %max3A_5 = vector.broadcast %max3A : f32 to vector<1x10000xf32>
    %max3A_6 = arith.maximumf %slice3A_4, %max3A_5 : vector<1x10000xf32>
    %div3A = vector.broadcast %max3A_6 : vector<1x10000xf32> to vector<8x10000xf32>
    %div3A_7 = arith.divf %slice3A, %div3A : vector<8x10000xf32>
    %get3A_8 = arith.constant 0 : index
    %get3A_9 = arith.constant 0 : index
    %get3A_10 = vector.load %arg1[%get3A_8, %get3A_9] : memref<10000x128xf32, #tpu.memory_space<vmem>>, vector<10000x128xf32>
    %slice3A_11 = vector.extract_strided_slice %get3A_10 {offsets = [0, 0], sizes = [10000, 8], strides = [1, 1]} : vector<10000x128xf32> to vector<10000x8xf32>
    %get3A_12 = arith.constant 0 : index
    %get3A_13 = arith.constant 0 : index
    %get3A_14 = vector.load %arg2[%get3A_12, %get3A_13] : memref<8x8xf32, #tpu.memory_space<vmem>>, vector<8x8xf32>
    %dot_general3A = arith.constant dense<0.000000e+00> : vector<8x10000xf32>
    %dot_general3A_15 = tpu.matmul %get3A_14, %slice3A_11, %dot_general3A {dimension_numbers = #tpu.dot_dimension_numbers<[0], [1], [1], [0], [0, 1, 1, 0], [], []>, transpose_lhs_hint = false} : vector<8x8xf32>, vector<10000x8xf32>, vector<8x10000xf32> -> vector<8x10000xf32>
    %add3A = arith.addf %div3A_7, %dot_general3A_15 : vector<8x10000xf32>
    %get3A_16 = arith.constant 0 : index
    %get3A_17 = arith.constant 0 : index
    %get3A_18 = vector.load %arg3[%get3A_16, %get3A_17] : memref<8x1xf32, #tpu.memory_space<vmem>>, vector<8x1xf32>
    %add3A_19 = vector.broadcast %get3A_18 : vector<8x1xf32> to vector<8x10000xf32>
    %add3A_20 = arith.addf %add3A, %add3A_19 : vector<8x10000xf32>
    %reduce_sum3A_21 = arith.constant dense<0.000000e+00> : vector<8xf32>
    %reduce_sum3A_22 = vector.multi_reduction <add>, %add3A_20, %reduce_sum3A_21 [1] : vector<8x10000xf32> to vector<8xf32>
    %broadcast_in_dim3A = vector.shape_cast %reduce_sum3A_22 : vector<8xf32> to vector<8x1xf32>
    %div3A_23 = arith.constant 1.000000e+04 : f32
    %div3A_24 = vector.broadcast %div3A_23 : f32 to vector<8x1xf32>
    %div3A_25 = arith.divf %broadcast_in_dim3A, %div3A_24 : vector<8x1xf32>
    %sub3A = vector.broadcast %div3A_25 : vector<8x1xf32> to vector<8x10000xf32>
    %sub3A_26 = arith.subf %add3A_20, %sub3A : vector<8x10000xf32>
    %integer_pow3A = arith.mulf %sub3A_26, %sub3A_26 : vector<8x10000xf32>
    %reduce_sum3A_27 = arith.constant dense<0.000000e+00> : vector<8xf32>
    %reduce_sum3A_28 = vector.multi_reduction <add>, %integer_pow3A, %reduce_sum3A_27 [1] : vector<8x10000xf32> to vector<8xf32>
    %broadcast_in_dim3A_29 = vector.shape_cast %reduce_sum3A_28 : vector<8xf32> to vector<8x1xf32>
    %div3A_30 = arith.constant 1.000000e+04 : f32
    %div3A_31 = vector.broadcast %div3A_30 : f32 to vector<8x1xf32>
    %div3A_32 = arith.divf %broadcast_in_dim3A_29, %div3A_31 : vector<8x1xf32>
    %get3A_33 = arith.constant 0 : index
    %get3A_34 = arith.constant 0 : index
    %get3A_35 = vector.load %arg4[%get3A_33, %get3A_34] : memref<8x1xf32, #tpu.memory_space<vmem>>, vector<8x1xf32>
    %sub3A_36 = vector.broadcast %div3A_25 : vector<8x1xf32> to vector<8x10000xf32>
    %sub3A_37 = arith.subf %add3A_20, %sub3A_36 : vector<8x10000xf32>
    %mul3A = vector.broadcast %get3A_35 : vector<8x1xf32> to vector<8x10000xf32>
    %mul3A_38 = arith.mulf %mul3A, %sub3A_37 : vector<8x10000xf32>
    %add3A_39 = arith.constant 9.99999974E-6 : f32
    %add3A_40 = vector.broadcast %add3A_39 : f32 to vector<8x1xf32>
    %add3A_41 = arith.addf %div3A_32, %add3A_40 : vector<8x1xf32>
    %sqrt3A = math.sqrt %add3A_41 : vector<8x1xf32>
    %div3A_42 = vector.broadcast %sqrt3A : vector<8x1xf32> to vector<8x10000xf32>
    %div3A_43 = arith.divf %mul3A_38, %div3A_42 : vector<8x10000xf32>
    %get3A_44 = arith.constant 0 : index
    %get3A_45 = arith.constant 0 : index
    %get3A_46 = vector.load %arg5[%get3A_44, %get3A_45] : memref<8x1xf32, #tpu.memory_space<vmem>>, vector<8x1xf32>
    %add3A_47 = vector.broadcast %get3A_46 : vector<8x1xf32> to vector<8x10000xf32>
    %add3A_48 = arith.addf %div3A_43, %add3A_47 : vector<8x10000xf32>
    %max3A_49 = arith.constant 0.000000e+00 : f32
    %max3A_50 = vector.broadcast %max3A_49 : f32 to vector<8x10000xf32>
    %max3A_51 = arith.maximumf %add3A_48, %max3A_50 : vector<8x10000xf32>
    %iota3A = tpu.iota {dimensions = array<i32: 0>} : vector<64x10000xi32>
    %get3A_52 = arith.constant 0 : index
    %get3A_53 = arith.constant 0 : index
    %get3A_54 = vector.load %arg6[%get3A_52, %get3A_53] : memref<1x10000xi32, #tpu.memory_space<vmem>>, vector<1x10000xi32>
    %eq3A = vector.broadcast %get3A_54 : vector<1x10000xi32> to vector<64x10000xi32>
    %eq3A_55 = arith.cmpi eq, %iota3A, %eq3A : vector<64x10000xi32>
    %convert_element_type3A = arith.extui %eq3A_55 : vector<64x10000xi1> to vector<64x10000xi32>
    %convert_element_type3A_56 = arith.sitofp %convert_element_type3A : vector<64x10000xi32> to vector<64x10000xf32>
    %dot_general3A_57 = arith.constant dense<0.000000e+00> : vector<8x64xf32>
    %dot_general3A_58 = tpu.matmul %max3A_51, %convert_element_type3A_56, %dot_general3A_57 {dimension_numbers = #tpu.dot_dimension_numbers<[1], [1], [0], [0], [0, 0, 1, 0], [], []>, transpose_lhs_hint = false} : vector<8x10000xf32>, vector<64x10000xf32>, vector<8x64xf32> -> vector<8x64xf32>
    %broadcast_in_dim3A_59 = arith.constant 1.000000e+00 : f32
    %broadcast_in_dim3A_60 = vector.broadcast %broadcast_in_dim3A_59 : f32 to vector<1x10000xf32>
    %dot_general3A_61 = arith.constant dense<0.000000e+00> : vector<1x64xf32>
    %dot_general3A_62 = tpu.matmul %broadcast_in_dim3A_60, %convert_element_type3A_56, %dot_general3A_61 {dimension_numbers = #tpu.dot_dimension_numbers<[1], [1], [0], [0], [0, 0, 1, 0], [], []>, transpose_lhs_hint = false} : vector<1x10000xf32>, vector<64x10000xf32>, vector<1x64xf32> -> vector<1x64xf32>
    %max3A_63 = arith.constant 1.000000e+00 : f32
    %max3A_64 = vector.broadcast %max3A_63 : f32 to vector<1x64xf32>
    %max3A_65 = arith.maximumf %dot_general3A_62, %max3A_64 : vector<1x64xf32>
    %div3A_66 = vector.broadcast %max3A_65 : vector<1x64xf32> to vector<8x64xf32>
    %div3A_67 = arith.divf %dot_general3A_58, %div3A_66 : vector<8x64xf32>
    %get3A_68 = arith.constant 0 : index
    %get3A_69 = arith.constant 0 : index
    %get3A_70 = vector.load %arg7[%get3A_68, %get3A_69] : memref<8x16xf32, #tpu.memory_space<vmem>>, vector<8x16xf32>
    %dot_general3A_71 = arith.constant dense<0.000000e+00> : vector<16x64xf32>
    %dot_general3A_72 = tpu.matmul %get3A_70, %div3A_67, %dot_general3A_71 {dimension_numbers = #tpu.dot_dimension_numbers<[0], [0], [1], [1], [0, 1, 1, 1], [], []>, transpose_lhs_hint = false} : vector<8x16xf32>, vector<8x64xf32>, vector<16x64xf32> -> vector<16x64xf32>
    %get3A_73 = arith.constant 0 : index
    %get3A_74 = arith.constant 0 : index
    %get3A_75 = vector.load %arg8[%get3A_73, %get3A_74] : memref<16x1xf32, #tpu.memory_space<vmem>>, vector<16x1xf32>
    %add3A_76 = vector.broadcast %get3A_75 : vector<16x1xf32> to vector<16x64xf32>
    %add3A_77 = arith.addf %dot_general3A_72, %add3A_76 : vector<16x64xf32>
    %max3A_78 = arith.constant 0.000000e+00 : f32
    %max3A_79 = vector.broadcast %max3A_78 : f32 to vector<16x64xf32>
    %max3A_80 = arith.maximumf %add3A_77, %max3A_79 : vector<16x64xf32>
    %get3A_81 = arith.constant 0 : index
    %get3A_82 = arith.constant 0 : index
    %get3A_83 = vector.load %arg9[%get3A_81, %get3A_82] : memref<16x10xf32, #tpu.memory_space<vmem>>, vector<16x10xf32>
    %dot_general3A_84 = arith.constant dense<0.000000e+00> : vector<10x64xf32>
    %dot_general3A_85 = tpu.matmul %get3A_83, %max3A_80, %dot_general3A_84 {dimension_numbers = #tpu.dot_dimension_numbers<[0], [0], [1], [1], [0, 1, 1, 1], [], []>, transpose_lhs_hint = false} : vector<16x10xf32>, vector<16x64xf32>, vector<10x64xf32> -> vector<10x64xf32>
    %get3A_86 = arith.constant 0 : index
    %get3A_87 = arith.constant 0 : index
    %get3A_88 = vector.load %arg10[%get3A_86, %get3A_87] : memref<10x1xf32, #tpu.memory_space<vmem>>, vector<10x1xf32>
    %add3A_89 = vector.broadcast %get3A_88 : vector<10x1xf32> to vector<10x64xf32>
    %add3A_90 = arith.addf %dot_general3A_85, %add3A_89 : vector<10x64xf32>
    %iota3A_91 = tpu.iota {dimensions = array<i32: 0>} : vector<64x64xi32>
    %iota3A_92 = tpu.iota {dimensions = array<i32: 1>} : vector<64x64xi32>
    %eq3A_93 = arith.cmpi eq, %iota3A_91, %iota3A_92 : vector<64x64xi32>
    %convert_element_type3A_94 = arith.extui %eq3A_93 : vector<64x64xi1> to vector<64x64xi32>
    %convert_element_type3A_95 = arith.sitofp %convert_element_type3A_94 : vector<64x64xi32> to vector<64x64xf32>
    %dot_general3A_96 = arith.constant dense<0.000000e+00> : vector<64x10xf32>
    %dot_general3A_97 = tpu.matmul %convert_element_type3A_95, %add3A_90, %dot_general3A_96 {dimension_numbers = #tpu.dot_dimension_numbers<[1], [1], [0], [0], [0, 0, 1, 0], [], []>, transpose_lhs_hint = false} : vector<64x64xf32>, vector<10x64xf32>, vector<64x10xf32> -> vector<64x10xf32>
    %swap3A = arith.constant 0 : index
    %swap3A_98 = arith.constant 0 : index
    %swap3A_99 = vector.load %arg11[%swap3A, %swap3A_98] : memref<64x10xf32, #tpu.memory_space<vmem>>, vector<64x10xf32>
    tpu.vector_store %arg11[%swap3A, %swap3A_98], %dot_general3A_97 {strides = array<i32>} : memref<64x10xf32, #tpu.memory_space<vmem>>, vector<64x10xf32>,
    return
  }
}

</mosaic_0001>

<sc_bundles>
// kernel: kernel.10.cloned.1.call-start
scs
__scs_entry_jumppad:
0x0: {  	(pc) =	sbr.rel $0x88, $3  }
0x1: {  	(tag) =	ssettag $0x0;
	lr =	simm.s32 $0x1  }
0x2: {  	[smem:$0x3F89] =	sst lr;
	_ =	strace $0xD0000000  }
0x3: {  	_ = 	snop  }
0x4: {  	_ = 	snop  }
0x5: {  	_ = 	snop  }
0x6: {  	_ = 	snop  }
0x7: {  	_ = 	snop  }
__scs_overlays_trampoline_lowered:
0x8: {  	[smem:$0x3F98] =	sst s0  }
0x9: {  	[smem:$0x3F99] =	sst s1  }
0xa: {  	[smem:$0x3F9A] =	sst s2  }
0xb: {  	[smem:$0x3F9B] =	sst s3  }
0xc: {  	[smem:$0x3F9C] =	sst s4  }
0xd: {  	[smem:$0x3F9D] =	sst s5  }
0xe: {  	[smem:$0x3F9E] =	sst s6  }
0xf: {  	[smem:$0x3F9F] =	sst s7  }
0x10: {  	[smem:$0x3FA0] =	sst s8  }
0x11: {  	[smem:$0x3FA1] =	sst s9;
	s0 =	simm.s32 @!p0 $0x0  }
0x12: {  	s1 =	sld [smem:$0x3F87];
	s0 =	simm.s32 @p0 $0x1  }
0x13: {  	[smem:$0x3FA2] =	sst s0;
	s0 =	simm.s32 @!p1 $0x0  }
0x14: {  	s2 =	sld [smem:$0x3F86];
	s0 =	simm.s32 @p1 $0x1  }
0x15: {  	[smem:$0x3FA3] =	sst s0;
	s0 =	simm.s32 @!p2 $0x0  }
0x16: {  	s3 =	sld [smem:$0x3FDB];
	s0 =	simm.s32 @p2 $0x1  }
0x17: {  	s4 =	simm.s32 $0x1BF5;
	[smem:$0x3FA5] =	sst s0  }
0x18: {  	s0 =	sld [smem:$0x3F88];
	_ =	swait.ge [sflag:s4], $0x0  }
0x19: {  	s7 =	sld [smem:$0x3F89]  }
0x1a: {  	s8 =	sadd.s32 $0xFFFFE003, lr  }
0x1b: {  	s9 =	sadd.s32 $0xFFFFFEF7, lr;
	s5 =	simm.s32 $0xFFFFFFFF;
	p2 =	slt.u32 s8, $0xFFFFF086  }
0x1c: {  	p1 =	slt.u32 s9, $0xF7A;
	s5 =	simm.s32 @!p2 $0x0  }
0x1d: {  	s5 =	simm.s32 @p1 $0x1;
	p0 =	seq.s32 s7, s2  }
0x1e: {  	s7 =	smul.u32 @!p0 $0xF7A, s2;
	p2 =	seq.s32 @!p0 s5, $0x0  }
0x1f: {  	s9 =	smul.u32 $0xF7A, s1;
	s8 =	simm.s32 @!p0 $0x1BF5;
	p2 =	por !p2, p0  }
0x20: {  	[sflag:s8] =	ssyncset.s32 @!p0 $0xFFFFF086;
	s6 =	sadd.s32 @!p0 s3, s7;
	s7 =	simm.s32 @!p0 $0x108  }
0x21: {  	s3 =	sadd.s32 s3, s9;
	s6 =	sadd.s32 @!p0 $0x88, s6;
	s7 =	simm.s32 @p2 $0x1082  }
0x22: {  	[simem:s7], [sflag:s8] =	dma.local @!p0 [hbm:s6], $0xF7A  }
0x23: {  	s9 =	sor.u32 $0xD0000000, s2;
	s6 =	simm.s32 $0x108;
	_ =	swait.ge @!p0 [sflag:s8], $0x0  }
0x24: {  	s3 =	sadd.s32 $0x88, s3;
	s6 =	simm.s32 @!p1 $0x1082;
	[sflag:s4] =	ssyncset.s32 $0xFFFFF086  }
0x25: {  	[simem:s6], [sflag:s4] =	dma.local [hbm:s3], $0xF7A  }
0x26: {  	[smem:$0x3F89] =	sst s1;
	(tag) =	ssettag s2;
	_ =	strace s9  }
0x27: {  	s1 =	sld [smem:$0x3F99]  }
0x28: {  	s2 =	sld [smem:$0x3F9A]  }
0x29: {  	s4 =	sld [smem:$0x3F9C]  }
0x2a: {  	p0 =	seq.s32 s5, $0x0;
	s5 =	sld [smem:$0x3F9D]  }
0x2b: {  	s6 =	sld [smem:$0x3F9E]  }
0x2c: {  	s7 =	sld [smem:$0x3F9F]  }
0x2d: {  	s3 =	simm.s32 $0x108;
	s8 =	sld [smem:$0x3FA0]  }
0x2e: {  	s3 =	simm.s32 @!p0 $0x1082;
	s9 =	sld [smem:$0x3FA1]  }
0x2f: {  	lr =	sadd.s32 s0, s3;
	s0 =	sld [smem:$0x3F98]  }
0x30: {  	s3 =	sld [smem:$0x3F9B]  }
0x31: {  	[smem:$0x3FA4] =	sst s10  }
0x32: {  	s10 =	sld [smem:$0x3FA2];
	_ =	sdelay $0x3  }
0x33: {  	p0 =	seq.s32 s10, $0x1;
	s10 =	sld [smem:$0x3FA4];
	_ =	sdelay $0x3  }
0x34: {  	[smem:$0x3FA4] =	sst s10  }
0x35: {  	s10 =	sld [smem:$0x3FA3];
	_ =	sdelay $0x3  }
0x36: {  	p1 =	seq.s32 s10, $0x1;
	s10 =	sld [smem:$0x3FA4];
	_ =	sdelay $0x3  }
0x37: {  	[smem:$0x3FA4] =	sst s10  }
0x38: {  	s10 =	sld [smem:$0x3FA5]  }
0x39: {  	_ = 	snop;
	(pc) =	sbr.ind lr, $3  }
0x3a: {  	_ = 	snop  }
0x3b: {  	_ = 	snop  }
0x3c: {  	p2 =	seq.s32 s10, $0x1;
	s10 =	sld [smem:$0x3FA4]  }
0x3d: {  	_ =	shalt  }
0x3e: {  	_ =	shalt  }
0x3f: {  	_ =	shalt  }
0x40: {  	_ =	shalt  }
0x41: {  	_ =	shalt  }
0x42: {  	_ =	shalt  }
0x43: {  	_ =	shalt  }
0x44: {  	_ =	shalt  }
0x45: {  	_ =	shalt  }
0x46: {  	_ =	shalt  }
0x47: {  	_ =	shalt  }
0x48: {  	_ =	shalt  }
0x49: {  	_ =	shalt  }
0x4a: {  	_ =	shalt  }
0x4b: {  	_ =	shalt  }
0x4c: {  	_ =	shalt  }
0x4d: {  	_ =	shalt  }
0x4e: {  	_ =	shalt  }
0x4f: {  	_ =	shalt  }
0x50: {  	_ =	shalt  }
0x51: {  	_ =	shalt  }
0x52: {  	_ =	shalt  }
0x53: {  	_ =	shalt  }
0x54: {  	_ =	shalt  }
0x55: {  	_ =	shalt  }
0x56: {  	_ =	shalt  }
0x57: {  	_ =	shalt  }
0x58: {  	_ =	shalt  }
0x59: {  	_ =	shalt  }
0x5a: {  	_ =	shalt  }
0x5b: {  	_ =	shalt  }
0x5c: {  	_ =	shalt  }
0x5d: {  	_ =	shalt  }
0x5e: {  	_ =	shalt  }
0x5f: {  	_ =	shalt  }
0x60: {  	_ =	shalt  }
0x61: {  	_ =	shalt  }
0x62: {  	_ =	shalt  }
0x63: {  	_ =	shalt  }
0x64: {  	_ =	shalt  }
0x65: {  	_ =	shalt  }
0x66: {  	_ =	shalt  }
0x67: {  	_ =	shalt  }
0x68: {  	_ =	shalt  }
0x69: {  	_ =	shalt  }
0x6a: {  	_ =	shalt  }
0x6b: {  	_ =	shalt  }
0x6c: {  	_ =	shalt  }
0x6d: {  	_ =	shalt  }
0x6e: {  	_ =	shalt  }
0x6f: {  	_ =	shalt  }
0x70: {  	_ =	shalt  }
0x71: {  	_ =	shalt  }
0x72: {  	_ =	shalt  }
0x73: {  	_ =	shalt  }
0x74: {  	_ =	shalt  }
0x75: {  	_ =	shalt  }
0x76: {  	_ =	shalt  }
0x77: {  	_ =	shalt  }
0x78: {  	_ =	shalt  }
0x79: {  	_ =	shalt  }
0x7a: {  	_ =	shalt  }
0x7b: {  	_ =	shalt  }
0x7c: {  	_ =	shalt  }
0x7d: {  	_ =	shalt  }
0x7e: {  	_ =	shalt  }
0x7f: {  	_ =	shalt  }
0x80: {  	_ =	shalt  }
0x81: {  	_ =	shalt  }
0x82: {  	_ =	shalt  }
0x83: {  	_ =	shalt  }
0x84: {  	_ =	shalt  }
0x85: {  	_ =	shalt  }
0x86: {  	_ =	shalt  }
0x87: {  	_ =	shalt  }
.Lfunc_end0:
.L_simem_size_0:
called_computation_lowered:
.L_overlay_start_0:
0x88: {  	s2 =	sld [smem:$0x3FD9]  }
0x89: {  	s3 =	sld [smem:$0x3FFE];
	_ =	sdelay $0x1  }
0x8a: {  	s1 =	srdreg.scid  }
0x8b: {  	s0 =	sand.u32 $0x1, s1  }
0x8c: {  	s17 =	sshll.u32 s0, $0xA;
	s2 =	sadd.s32 s3, s2  }
0x8d: {  	s2 =	sadd.s32 s2, s17  }
0x8e: {  	[smem:$0x3FB0] =	sst s2  }
0x8f: {  	_ = 	snop  }
0x90: {  	s2 =	sld [smem:$0x3FC9];
	(tm) =	ssettm $0x1  }
0x91: {  	s18 =	sld [smem:$0x3FFB];
	_ =	sdelay $0x3  }
0x92: {  	_ =	strace s18  }
0x93: {  	s3 =	sld [smem:$0x3FFC];
	_ =	sdelay $0x3  }
0x94: {  	_ =	strace s3  }
0x95: {  	s3 =	sld [smem:$0x3FFD];
	_ =	sdelay $0x3  }
0x96: {  	_ =	strace s3  }
0x97: {  	_ =	strace $0x8FFFFFFF  }
0x98: {  	s19 =	sld [smem:$0x3FDB];
	_ =	sdelay $0x1  }
0x99: {  	s4 =	simm.s32 $_scs_section_size  }
0x9a: {  	s5 =	simm.s32 $_size__tile_overlayer_lowered;
	s6 =	simm.s32 $_tile_overlayer_lowered  }
0x9b: {  	s22 =	simm.s32 $0x1BFF;
	s21 =	sshll.u32 s6, $0x1;
	s3 =	sadd.s32 s4, s19  }
0x9c: {  	s7 =	simm.s32 $0x0;
	s20 =	sshll.u32 s5, $0x1;
	s5 =	sadd.s32 s21, s3  }
0x9d: {  	[timem:s7], [sflag:s22] =	dma.local [hbm:s5], s20  }
0x9e: {  	_ =	swait.ge [sflag:s22], s20  }
0x9f: {  	s4 =	ssub.s32 $0x0, s20;
	[sflag:s22] =	ssyncset.done $0x0  }
0xa0: {  	[sflag:s22] =	ssyncadd.s32 s4;
	_ =	sdelay $0x1  }
0xa1: {  	s23 =	simm.s32 $0x1B8B  }
0xa2: {  	_ =	swait.ge [sflag:s23], $0x1  }
0xa3: {  	[sflag:s23] =	ssyncset.done $0x0  }
0xa4: {  	s25 =	simm.s32 $0x1B8E;
	s24 =	sld [smem:$0x3FFE];
	[sflag:s23] =	ssyncadd.s32 $0xFFFFFFFF  }
0xa5: {  	s26 =	simm.s32 $execute0_lowered;
	[smem:$0x3FD2] =	sst s25  }
0xa6: {  	s5 =	sshll.u32 s26, $0x1;
	_ =	strace $0x80000046;
	[dreg:$0x1] =	wrdreg $0xFFFFFFFF  }
0xa7: {  	s28 =	simm.s32 $_size_execute0_lowered;
	s3 =	sadd.s32 s3, s5;
	[dreg:$0x0] =	wrdreg $0x0  }
0xa8: {  	s5 =	sshll.u32 s28, $0x1;
	[dreg:$0x2] =	wrdreg s3  }
0xa9: {  	[dreg:$0x3] =	wrdreg s5  }
0xaa: {  	[dreg:$0x4] =	wrdreg $0xC0  }
0xab: {  	_ =	task [dreg:s7], $0x5FFFF  }
0xac: {  	[dreg:$0x1] =	wrdreg $0xFFFFFFFF  }
0xad: {  	[dreg:$0x0] =	wrdreg $0x60  }
0xae: {  	[dreg:$0x2] =	wrdreg s2  }
0xaf: {  	[dreg:$0x3] =	wrdreg s24  }
0xb0: {  	[dreg:$0x4] =	wrdreg $0x9  }
0xb1: {  	_ =	task.clear_ibuf [dreg:s7], $0x5FFFF;
	_ =	strace $0x90000046  }
0xb2: {  	s29 =	simm.s32 $0x9;
	_ =	strace $0x80000048  }
0xb3: {  	_ =	swait.ge [sflag:s29], $0x1  }
0xb4: {  	[sflag:s29] =	ssyncadd.s32 $0xFFFFFFFF  }
0xb5: {  	_ =	strace $0x90000048  }
0xb6: {  	_ =	sfence  }
0xb7: {  	s30 =	sld [smem:$0x0];
	_ =	sdelay $0x2  }
0xb8: {  	s31 =	sshll.u32 s1, $0xD;
	s1 =	sshrl.u32 s1, $0x2  }
0xb9: {  	s3 =	sand.u32 $0x4000, s31;
	s1 =	sadd.s32 s1, s30  }
0xba: {  	s0 =	sor.u32 s3, s0;
	s1 =	sshll.u32 s1, $0x11  }
0xbb: {  	s0 =	sor.u32 s1, s0  }
0xbc: {  	s0 =	sadd.s32 $0x8F2B, s0  }
0xbd: {  	[sflag:s0] =	ssyncadd.remote.s32 $0x1  }
0xbe: {  	_ =	sfence.sel $0xFFFF  }
0xbf: {  	[dreg:$0x0] =	wrdreg $0xFFFFFFFF;
	(pc) =	sbr.abs _section_cstart, $3  }
0xc0: {  	[dreg:$0x1] =	wrdreg $0xFFFFFFFF  }
0xc1: {  	_ =	task.clear_ibuf [dreg:s7], $0x2FFFF;
	_ =	strace $0x9FFFFFFF  }
0xc2: {  	(tm) =	ssettm $0x7FFFFFFF  }
0xc3: {  	_ =	shalt  }
tec
execute0_lowered:
.L_overlay_start_1:
0x0: {  	(tag) =	ssettag $0x1  }
0x1: {  	s1 =	srdreg.scid;
	s2 =	rddreg [dreg:$0x0]  }
0x2: {  	s0 =	stileid.u32;
	s5 =	rddreg [dreg:$0x1]  }
0x3: {  	s3 =	simm.s32 $0x0;
	s11 =	simm.s32 $0x0;
	s4 =	sand.u32 $0x1, s1  }
0x4: {  	s28 =	sshll.u32 s0, $0x1;
	s1 =	rddreg [dreg:$0x2];
	s7 =	smul.u32 $0x28000, s0  }
0x5: {  	[smem:$0x7FF] =	sst s3;
	s6 =	sor.u32 s4, s28;
	s10 =	smul.u32 $0x14000, s4  }
0x6: {  	s8 =	ssub.s32 $0x2, s4;
	_ =	strace $0x80000047;
	s6 =	smul.u32 $0x280, s6  }
0x7: {  	s9 =	sshrl.u32 s8, $0x1;
	s30 =	sadd.s32 s7, s5;
	s7 =	simm.s32 $0x2  }
0x8: {  	s31 =	ssub.s32 s8, s9;
	s8 =	simm.s32 $0x80;
	s9 =	simm.s32 $0x1400  }
0x9: {  	s29 =	sadd.s32 s6, s5;
	s5 =	smax.u32 s31, $0x1;
	s6 =	sadd.s32 s10, s30  }
0xa: {  	s10 =	simm.s32 $0x1;
	s4 =	sadd.s32 $0x5000, s29;
	s6 =	sadd.s32 $0xA000, s6  }
.LBB2_1:
0xb: {  	[tilespmem:s3], [sflag:$0x2] =	stream.linear.gather [hbm4b:s4+s3], $0x1400, $0x38;
	[tilespmem:$0x5400] =	vst v63  }
0xc: {  	_ =	swait.ge [sflag:s7], $0x1400  }
0xd: {  	[sflag:s7] =	ssyncset.done $0x0  }
0xe: {  	s12 =	simm.s32 $0x0;
	[sflag:s7] =	ssyncadd.s32 $0xFFFFEC00  }
0xf: {  	[tilespmem:s9], [sflag:$0x1] =	stream.indirect.gather [hbm4b:s2+s8], $0x80, s12, s8, $0xb8;
	[tilespmem:$0x5400] =	vst v63  }
0x10: {  	_ =	swait.ge [sflag:s10], $0x4000  }
0x11: {  	[sflag:s10] =	ssyncset.done $0x0  }
0x12: {  	[sflag:s10] =	ssyncadd.s32 $0xFFFFC000  }
0x13: {  	[hbm4b:s6+s3] =	stream.linear.scatter [tilespmem:s9], [sflag:$0x2], $0x4000, $0x38;
	[tilespmem:$0x5400] =	vst v63  }
0x14: {  	s13 =	simm.s32 $0x200;
	_ =	swait.ge [sflag:s7], $0x4000  }
0x15: {  	s14 =	simm.s32 $0x400;
	s12 =	sadd.s32 $0x800, s6;
	[sflag:s7] =	ssyncset.done $0x0  }
.LBB2_2:
0x16: {  	s15 =	sshra.s32 s13, $0x2  }
0x17: {  	[sflag:s7] =	ssyncadd.s32 $0xFFFFC000;
	s13 =	smov.u32 s14;
	s16 =	sadd.s32 $0x200, s14  }
0x18: {  	[tilespmem:s9], [sflag:$0x1] =	stream.indirect.gather [hbm4b:s2+s8], $0x80, s15, s8, $0xb8;
	[tilespmem:$0x5400] =	vst v63  }
0x19: {  	p0 =	sne.s32 s14, $0x4E00;
	_ =	swait.ge [sflag:s10], $0x4000  }
.Ltmp0:
0x1a: {  	[sflag:s10] =	ssyncset.done $0x0;
	(pc) =	sbr.rel @p0 .LBB2_2-.Ltmp0, $4  }
0x1b: {  	[sflag:s10] =	ssyncadd.s32 $0xFFFFC000  }
0x1c: {  	[hbm4b:s12+s3] =	stream.linear.scatter [tilespmem:s9], [sflag:$0x2], $0x4000, $0x38;
	[tilespmem:$0x5400] =	vst v63  }
0x1d: {  	_ =	swait.ge [sflag:s7], $0x4000  }
0x1e: {  	s14 =	smov.u32 s16;
	s12 =	sadd.s32 $0x800, s12;
	[sflag:s7] =	ssyncset.done $0x0  }
0x1f: {  	s13 =	sshra.s32 s13, $0x2;
	[sflag:s7] =	ssyncadd.s32 $0xFFFFC000  }
0x20: {  	[tilespmem:s9], [sflag:$0x1] =	stream.indirect.gather [hbm4b:s2+s8], $0x80, s13, s8, $0xb8;
	[tilespmem:$0x5400] =	vst v63  }
0x21: {  	s11 =	sadd.s32 $0x1, s11;
	_ =	swait.ge [sflag:s10], $0x4000  }
0x22: {  	p0 =	sne.s32 s11, s5;
	[sflag:s10] =	ssyncset.done $0x0  }
.Ltmp1:
0x23: {  	[sflag:s10] =	ssyncadd.s32 $0xFFFFC000;
	(pc) =	sbr.rel @p0 .LBB2_1-.Ltmp1, $4  }
0x24: {  	[hbm4b:s12+s3] =	stream.linear.scatter [tilespmem:s9], [sflag:$0x2], $0x4000, $0x38;
	[tilespmem:$0x5400] =	vst v63  }
0x25: {  	_ =	swait.ge [sflag:s7], $0x4000  }
0x26: {  	[sflag:s7] =	ssyncset.done $0x0  }
0x27: {  	[sflag:s7] =	ssyncadd.s32 $0xFFFFC000  }
0x28: {  	_ =	sfence.sel $0x180000  }
0x29: {  	[bflag:$0x0] =	sbarrier.arrive $0xFFFF  }
0x2a: {  	p0 =	sne.s32 s0, $0x0;
	_ =	strace $0x90000047  }
0x2b: {  	s0 =	sadd.s32 @!p0 $0x100000, s1;
	[bflag:$0x2] =	sbarrier.arrive $0xFFFF  }
0x2c: {  	[sflag:s0] =	ssyncadd.tile.s32 @!p0 $0x1;
	_ =	shalt  }
.Lfunc_end2:
_tile_overlayer_lowered:
.L_overlay_start_2:
0x2d: {  	(tag) =	ssettag $0x2  }
0x2e: {  	s0 =	rddreg [dreg:$0x0];
	s2 =	stileid.u32  }
0x2f: {  	s1 =	rddreg [dreg:$0x1];
	p0 =	sne.s32 s2, $0x0  }
0x30: {  	s3 =	rddreg [dreg:$0x2];
	[bflag:$0x3] =	sbarrier.arrive $0xFFFF;
	s2 =	simm.s32 @!p0 $0x1C02  }
0x31: {  	[timem:s3], [sflag:s2] =	dma.local @!p0 [hbm:s0], s1  }
0x32: {  	s0 =	simm.s32 @!p0 $0x2  }
0x33: {  	_ =	swait.ge @!p0 [sflag:s0], s1  }
0x34: {  	s1 =	ssub.s32 @!p0 $0x0, s1;
	[sflag:s0] =	ssyncset.done @!p0 $0x0  }
0x35: {  	[sflag:s0] =	ssyncadd.s32 @!p0 s1  }
0x36: {  	[bflag:$0x3] =	sbarrier.arrive $0xFFFF  }
0x37: {  	_ =	shalt  }

// kernel: kernel.13.cloned.1.call-start
scs
__scs_entry_jumppad:
0x0: {  	(pc) =	sbr.rel $0x88, $3  }
0x1: {  	(tag) =	ssettag $0x0;
	lr =	simm.s32 $0x1  }
0x2: {  	[smem:$0x3F89] =	sst lr;
	_ =	strace $0xD0000000  }
0x3: {  	_ = 	snop  }
0x4: {  	_ = 	snop  }
0x5: {  	_ = 	snop  }
0x6: {  	_ = 	snop  }
0x7: {  	_ = 	snop  }
__scs_overlays_trampoline_lowered:
0x8: {  	[smem:$0x3F98] =	sst s0  }
0x9: {  	[smem:$0x3F99] =	sst s1  }
0xa: {  	[smem:$0x3F9A] =	sst s2  }
0xb: {  	[smem:$0x3F9B] =	sst s3  }
0xc: {  	[smem:$0x3F9C] =	sst s4  }
0xd: {  	[smem:$0x3F9D] =	sst s5  }
0xe: {  	[smem:$0x3F9E] =	sst s6  }
0xf: {  	[smem:$0x3F9F] =	sst s7  }
0x10: {  	[smem:$0x3FA0] =	sst s8  }
0x11: {  	[smem:$0x3FA1] =	sst s9;
	s0 =	simm.s32 @!p0 $0x0  }
0x12: {  	s1 =	sld [smem:$0x3F87];
	s0 =	simm.s32 @p0 $0x1  }
0x13: {  	[smem:$0x3FA2] =	sst s0;
	s0 =	simm.s32 @!p1 $0x0  }
0x14: {  	s2 =	sld [smem:$0x3F86];
	s0 =	simm.s32 @p1 $0x1  }
0x15: {  	[smem:$0x3FA3] =	sst s0;
	s0 =	simm.s32 @!p2 $0x0  }
0x16: {  	s3 =	sld [smem:$0x3FDB];
	s0 =	simm.s32 @p2 $0x1  }
0x17: {  	s4 =	simm.s32 $0x1BF5;
	[smem:$0x3FA5] =	sst s0  }
0x18: {  	s0 =	sld [smem:$0x3F88];
	_ =	swait.ge [sflag:s4], $0x0  }
0x19: {  	s7 =	sld [smem:$0x3F89]  }
0x1a: {  	s8 =	sadd.s32 $0xFFFFE003, lr  }
0x1b: {  	s9 =	sadd.s32 $0xFFFFFEF7, lr;
	s5 =	simm.s32 $0xFFFFFFFF;
	p2 =	slt.u32 s8, $0xFFFFF086  }
0x1c: {  	p1 =	slt.u32 s9, $0xF7A;
	s5 =	simm.s32 @!p2 $0x0  }
0x1d: {  	s5 =	simm.s32 @p1 $0x1;
	p0 =	seq.s32 s7, s2  }
0x1e: {  	s7 =	smul.u32 @!p0 $0xF7A, s2;
	p2 =	seq.s32 @!p0 s5, $0x0  }
0x1f: {  	s9 =	smul.u32 $0xF7A, s1;
	s8 =	simm.s32 @!p0 $0x1BF5;
	p2 =	por !p2, p0  }
0x20: {  	[sflag:s8] =	ssyncset.s32 @!p0 $0xFFFFF086;
	s6 =	sadd.s32 @!p0 s3, s7;
	s7 =	simm.s32 @!p0 $0x108  }
0x21: {  	s3 =	sadd.s32 s3, s9;
	s6 =	sadd.s32 @!p0 $0x88, s6;
	s7 =	simm.s32 @p2 $0x1082  }
0x22: {  	[simem:s7], [sflag:s8] =	dma.local @!p0 [hbm:s6], $0xF7A  }
0x23: {  	s9 =	sor.u32 $0xD0000000, s2;
	s6 =	simm.s32 $0x108;
	_ =	swait.ge @!p0 [sflag:s8], $0x0  }
0x24: {  	s3 =	sadd.s32 $0x88, s3;
	s6 =	simm.s32 @!p1 $0x1082;
	[sflag:s4] =	ssyncset.s32 $0xFFFFF086  }
0x25: {  	[simem:s6], [sflag:s4] =	dma.local [hbm:s3], $0xF7A  }
0x26: {  	[smem:$0x3F89] =	sst s1;
	(tag) =	ssettag s2;
	_ =	strace s9  }
0x27: {  	s1 =	sld [smem:$0x3F99]  }
0x28: {  	s2 =	sld [smem:$0x3F9A]  }
0x29: {  	s4 =	sld [smem:$0x3F9C]  }
0x2a: {  	p0 =	seq.s32 s5, $0x0;
	s5 =	sld [smem:$0x3F9D]  }
0x2b: {  	s6 =	sld [smem:$0x3F9E]  }
0x2c: {  	s7 =	sld [smem:$0x3F9F]  }
0x2d: {  	s3 =	simm.s32 $0x108;
	s8 =	sld [smem:$0x3FA0]  }
0x2e: {  	s3 =	simm.s32 @!p0 $0x1082;
	s9 =	sld [smem:$0x3FA1]  }
0x2f: {  	lr =	sadd.s32 s0, s3;
	s0 =	sld [smem:$0x3F98]  }
0x30: {  	s3 =	sld [smem:$0x3F9B]  }
0x31: {  	[smem:$0x3FA4] =	sst s10  }
0x32: {  	s10 =	sld [smem:$0x3FA2];
	_ =	sdelay $0x3  }
0x33: {  	p0 =	seq.s32 s10, $0x1;
	s10 =	sld [smem:$0x3FA4];
	_ =	sdelay $0x3  }
0x34: {  	[smem:$0x3FA4] =	sst s10  }
0x35: {  	s10 =	sld [smem:$0x3FA3];
	_ =	sdelay $0x3  }
0x36: {  	p1 =	seq.s32 s10, $0x1;
	s10 =	sld [smem:$0x3FA4];
	_ =	sdelay $0x3  }
0x37: {  	[smem:$0x3FA4] =	sst s10  }
0x38: {  	s10 =	sld [smem:$0x3FA5]  }
0x39: {  	_ = 	snop;
	(pc) =	sbr.ind lr, $3  }
0x3a: {  	_ = 	snop  }
0x3b: {  	_ = 	snop  }
0x3c: {  	p2 =	seq.s32 s10, $0x1;
	s10 =	sld [smem:$0x3FA4]  }
0x3d: {  	_ =	shalt  }
0x3e: {  	_ =	shalt  }
0x3f: {  	_ =	shalt  }
0x40: {  	_ =	shalt  }
0x41: {  	_ =	shalt  }
0x42: {  	_ =	shalt  }
0x43: {  	_ =	shalt  }
0x44: {  	_ =	shalt  }
0x45: {  	_ =	shalt  }
0x46: {  	_ =	shalt  }
0x47: {  	_ =	shalt  }
0x48: {  	_ =	shalt  }
0x49: {  	_ =	shalt  }
0x4a: {  	_ =	shalt  }
0x4b: {  	_ =	shalt  }
0x4c: {  	_ =	shalt  }
0x4d: {  	_ =	shalt  }
0x4e: {  	_ =	shalt  }
0x4f: {  	_ =	shalt  }
0x50: {  	_ =	shalt  }
0x51: {  	_ =	shalt  }
0x52: {  	_ =	shalt  }
0x53: {  	_ =	shalt  }
0x54: {  	_ =	shalt  }
0x55: {  	_ =	shalt  }
0x56: {  	_ =	shalt  }
0x57: {  	_ =	shalt  }
0x58: {  	_ =	shalt  }
0x59: {  	_ =	shalt  }
0x5a: {  	_ =	shalt  }
0x5b: {  	_ =	shalt  }
0x5c: {  	_ =	shalt  }
0x5d: {  	_ =	shalt  }
0x5e: {  	_ =	shalt  }
0x5f: {  	_ =	shalt  }
0x60: {  	_ =	shalt  }
0x61: {  	_ =	shalt  }
0x62: {  	_ =	shalt  }
0x63: {  	_ =	shalt  }
0x64: {  	_ =	shalt  }
0x65: {  	_ =	shalt  }
0x66: {  	_ =	shalt  }
0x67: {  	_ =	shalt  }
0x68: {  	_ =	shalt  }
0x69: {  	_ =	shalt  }
0x6a: {  	_ =	shalt  }
0x6b: {  	_ =	shalt  }
0x6c: {  	_ =	shalt  }
0x6d: {  	_ =	shalt  }
0x6e: {  	_ =	shalt  }
0x6f: {  	_ =	shalt  }
0x70: {  	_ =	shalt  }
0x71: {  	_ =	shalt  }
0x72: {  	_ =	shalt  }
0x73: {  	_ =	shalt  }
0x74: {  	_ =	shalt  }
0x75: {  	_ =	shalt  }
0x76: {  	_ =	shalt  }
0x77: {  	_ =	shalt  }
0x78: {  	_ =	shalt  }
0x79: {  	_ =	shalt  }
0x7a: {  	_ =	shalt  }
0x7b: {  	_ =	shalt  }
0x7c: {  	_ =	shalt  }
0x7d: {  	_ =	shalt  }
0x7e: {  	_ =	shalt  }
0x7f: {  	_ =	shalt  }
0x80: {  	_ =	shalt  }
0x81: {  	_ =	shalt  }
0x82: {  	_ =	shalt  }
0x83: {  	_ =	shalt  }
0x84: {  	_ =	shalt  }
0x85: {  	_ =	shalt  }
0x86: {  	_ =	shalt  }
0x87: {  	_ =	shalt  }
.Lfunc_end0:
.L_simem_size_0:
called_computation.1_lowered:
.L_overlay_start_0:
0x88: {  	s2 =	sld [smem:$0x3FD9]  }
0x89: {  	s3 =	sld [smem:$0x3FFE];
	_ =	sdelay $0x1  }
0x8a: {  	s1 =	srdreg.scid  }
0x8b: {  	s0 =	sand.u32 $0x1, s1  }
0x8c: {  	s16 =	sshll.u32 s0, $0xA;
	s2 =	sadd.s32 s3, s2  }
0x8d: {  	s2 =	sadd.s32 s2, s16  }
0x8e: {  	[smem:$0x3FB0] =	sst s2  }
0x8f: {  	_ = 	snop  }
0x90: {  	(tm) =	ssettm $0x1  }
0x91: {  	s17 =	sld [smem:$0x3FFB];
	_ =	sdelay $0x3  }
0x92: {  	_ =	strace s17  }
0x93: {  	s2 =	sld [smem:$0x3FFC];
	_ =	sdelay $0x3  }
0x94: {  	_ =	strace s2  }
0x95: {  	s2 =	sld [smem:$0x3FFD];
	_ =	sdelay $0x3  }
0x96: {  	_ =	strace s2  }
0x97: {  	_ =	strace $0x8FFFFFFF  }
0x98: {  	s18 =	sld [smem:$0x3FDB];
	_ =	sdelay $0x1  }
0x99: {  	s19 =	simm.s32 $_scs_section_size  }
0x9a: {  	s4 =	simm.s32 $_size__tile_overlayer_lowered;
	s5 =	simm.s32 $_tile_overlayer_lowered  }
0x9b: {  	s22 =	simm.s32 $0x1BFF;
	s21 =	sshll.u32 s5, $0x1;
	s2 =	sadd.s32 s19, s18  }
0x9c: {  	s6 =	simm.s32 $0x0;
	s20 =	sshll.u32 s4, $0x1;
	s4 =	sadd.s32 s21, s2  }
0x9d: {  	[timem:s6], [sflag:s22] =	dma.local [hbm:s4], s20  }
0x9e: {  	_ =	swait.ge [sflag:s22], s20  }
0x9f: {  	s3 =	ssub.s32 $0x0, s20;
	[sflag:s22] =	ssyncset.done $0x0  }
0xa0: {  	[sflag:s22] =	ssyncadd.s32 s3;
	_ =	sdelay $0x1  }
0xa1: {  	s23 =	simm.s32 $0x1B8B  }
0xa2: {  	_ =	swait.ge [sflag:s23], $0x1  }
0xa3: {  	[sflag:s23] =	ssyncset.done $0x0  }
0xa4: {  	s25 =	simm.s32 $0x1B8E;
	s24 =	sld [smem:$0x3FFE];
	[sflag:s23] =	ssyncadd.s32 $0xFFFFFFFF  }
0xa5: {  	s26 =	simm.s32 $execute0_lowered;
	[smem:$0x3FD2] =	sst s25  }
0xa6: {  	s4 =	sshll.u32 s26, $0x1;
	_ =	strace $0x80000049;
	[dreg:$0x1] =	wrdreg $0xFFFFFFFF  }
0xa7: {  	s28 =	simm.s32 $_size_execute0_lowered;
	s2 =	sadd.s32 s2, s4;
	[dreg:$0x0] =	wrdreg $0x0  }
0xa8: {  	s4 =	sshll.u32 s28, $0x1;
	[dreg:$0x2] =	wrdreg s2  }
0xa9: {  	[dreg:$0x3] =	wrdreg s4  }
0xaa: {  	[dreg:$0x4] =	wrdreg $0xC0  }
0xab: {  	_ =	task [dreg:s6], $0x5FFFF  }
0xac: {  	[dreg:$0x1] =	wrdreg $0xFFFFFFFF  }
0xad: {  	[dreg:$0x0] =	wrdreg $0x60  }
0xae: {  	[dreg:$0x2] =	wrdreg s24  }
0xaf: {  	[dreg:$0x3] =	wrdreg $0x9  }
0xb0: {  	_ =	task.clear_ibuf [dreg:s6], $0x4FFFF;
	_ =	strace $0x90000049  }
0xb1: {  	s29 =	simm.s32 $0x9;
	_ =	strace $0x8000004B  }
0xb2: {  	_ =	swait.ge [sflag:s29], $0x1  }
0xb3: {  	[sflag:s29] =	ssyncadd.s32 $0xFFFFFFFF  }
0xb4: {  	_ =	strace $0x9000004B  }
0xb5: {  	_ =	sfence  }
0xb6: {  	s30 =	sld [smem:$0x0];
	_ =	sdelay $0x2  }
0xb7: {  	s31 =	sshll.u32 s1, $0xD;
	s1 =	sshrl.u32 s1, $0x2  }
0xb8: {  	s3 =	sand.u32 $0x4000, s31;
	s1 =	sadd.s32 s1, s30  }
0xb9: {  	s0 =	sor.u32 s3, s0;
	s1 =	sshll.u32 s1, $0x11  }
0xba: {  	s0 =	sor.u32 s1, s0  }
0xbb: {  	s0 =	sadd.s32 $0x8F2B, s0  }
0xbc: {  	[sflag:s0] =	ssyncadd.remote.s32 $0x1  }
0xbd: {  	_ =	sfence.sel $0xFFFF  }
0xbe: {  	[dreg:$0x0] =	wrdreg $0xFFFFFFFF;
	(pc) =	sbr.abs _section_cstart, $3  }
0xbf: {  	[dreg:$0x1] =	wrdreg $0xFFFFFFFF  }
0xc0: {  	_ =	task.clear_ibuf [dreg:s6], $0x2FFFF;
	_ =	strace $0x9FFFFFFF  }
0xc1: {  	(tm) =	ssettm $0x7FFFFFFF  }
tec
execute0_lowered:
.L_overlay_start_1:
0x0: {  	(tag) =	ssettag $0x1  }
0x1: {  	s4 =	rddreg [dreg:$0x0]  }
0x2: {  	s0 =	rddreg [dreg:$0x1];
	s1 =	stileid.u32  }
0x3: {  	s3 =	srdreg.scid;
	s2 =	simm.s32 $0x0;
	s11 =	simm.s32 $0x0  }
0x4: {  	s3 =	sand.u32 $0x1, s3;
	s5 =	sshll.u32 s1, $0x1;
	[smem:$0x7FF] =	sst s2  }
0x5: {  	s6 =	smul.u32 $0x28000, s1;
	s5 =	sor.u32 s3, s5;
	_ =	strace $0x8000004A  }
0x6: {  	s8 =	ssub.s32 $0x2, s3;
	s10 =	smul.u32 $0x14000, s3;
	s3 =	sadd.s32 $0xA000, s4  }
0x7: {  	s7 =	smul.u32 $0x280, s5;
	s6 =	sadd.s32 s6, s4;
	s9 =	sshrl.u32 s8, $0x1  }
0x8: {  	s5 =	smul.u32 $0x2C00, s5;
	s8 =	ssub.s32 s8, s9;
	s31 =	sadd.s32 s10, s6  }
0x9: {  	s9 =	simm.s32 $0x1;
	s10 =	simm.s32 $0x1400;
	s7 =	sadd.s32 s7, s4  }
0xa: {  	v0 =	vlaneseq.u32;
	s5 =	sadd.s32 s5, s4;
	s6 =	smax.u32 s8, $0x1;
	s8 =	simm.s32 $0x5400  }
0xb: {  	v0 =	vmul.u32 $0x2710, v0;
	s4 =	sadd.s32 $0x4FB000, s7;
	s5 =	sadd.s32 $0xCC00, s5;
	s7 =	sadd.s32 $0x780000, s31  }
.LBB2_1:
0xc: {  	[tilespmem:s8], [sflag:$0x1] =	stream.linear.gather [hbm4b:s3+s2], $0x16000, $0x38;
	[tilespmem:$0x1B400] =	vst v63  }
0xd: {  	_ =	swait.ge [sflag:s9], $0x16000  }
0xe: {  	[sflag:s9] =	ssyncset.done $0x0  }
0xf: {  	[sflag:s9] =	ssyncadd.s32 $0xFFFEA000  }
0x10: {  	[tilespmem:s2], [sflag:$0x1] =	stream.linear.gather [hbm4b:s4+s2], $0x1400, $0x38;
	[tilespmem:$0x1B400] =	vst v63  }
0x11: {  	_ =	swait.ge [sflag:s9], $0x1400  }
0x12: {  	[sflag:s9] =	ssyncset.done $0x0  }
0x13: {  	s12 =	smov.u32 s7;
	s13 =	simm.s32 $0x0;
	[sflag:s9] =	ssyncadd.s32 $0xFFFFEC00  }
.LBB2_2:
0x14: {  	s14 =	sshll.u32 s13, $0x7  }
0x15: {  	v1 =	vmov s14  }
0x16: {  	[tilespmem:s10], [sflag:$0x1] =	stream.linear.gather [hbm4b:s12+s2], $0x4000, $0x38;
	[tilespmem:$0x1B400] =	vst v63  }
0x17: {  	_ =	swait.ge [sflag:s9], $0x4000  }
0x18: {  	[sflag:s9] =	ssyncset.done $0x0  }
0x19: {  	[sflag:s9] =	ssyncadd.s32 $0xFFFFC000  }
0x1a: {  	v2 =	vld.idx.msk [tilespmem:v1+s2+$0x0], $0xffff;
	_ =	sdelay $0x4  }
0x1b: {  	v3 =	vld [tilespmem:$0x1400];
	v2 =	vadd.s32 v0, v2  }
0x1c: {  	v4 =	vor.u32 $0x1, v1;
	_ =	sdelay $0x3  }
0x1d: {  	[tilespmem:v2+s8+$0x0] =	vst.idx.add.f32.msk $0x1ff, v3  }
0x1e: {  	v2 =	vld.idx.msk [tilespmem:v4+s2+$0x0], $0xffff;
	_ =	sdelay $0x4  }
0x1f: {  	v3 =	vld [tilespmem:$0x1480];
	v2 =	vadd.s32 v0, v2  }
0x20: {  	v51 =	vor.u32 $0x2, v1;
	_ =	sdelay $0x3  }
0x21: {  	[tilespmem:v2+s8+$0x0] =	vst.idx.add.f32.msk $0x1ff, v3  }
0x22: {  	v2 =	vld.idx.msk [tilespmem:v51+s2+$0x0], $0xffff;
	_ =	sdelay $0x4  }
0x23: {  	v3 =	vld [tilespmem:$0x1500];
	v2 =	vadd.s32 v0, v2  }
0x24: {  	v52 =	vor.u32 $0x3, v1;
	_ =	sdelay $0x3  }
0x25: {  	[tilespmem:v2+s8+$0x0] =	vst.idx.add.f32.msk $0x1ff, v3  }
0x26: {  	v2 =	vld.idx.msk [tilespmem:v52+s2+$0x0], $0xffff;
	_ =	sdelay $0x4  }
0x27: {  	v3 =	vld [tilespmem:$0x1580];
	v2 =	vadd.s32 v0, v2  }
0x28: {  	v53 =	vor.u32 $0x4, v1;
	_ =	sdelay $0x3  }
0x29: {  	[tilespmem:v2+s8+$0x0] =	vst.idx.add.f32.msk $0x1ff, v3  }
0x2a: {  	v2 =	vld.idx.msk [tilespmem:v53+s2+$0x0], $0xffff;
	_ =	sdelay $0x4  }
0x2b: {  	v3 =	vld [tilespmem:$0x1600];
	v2 =	vadd.s32 v0, v2  }
0x2c: {  	v54 =	vor.u32 $0x5, v1;
	_ =	sdelay $0x3  }
0x2d: {  	[tilespmem:v2+s8+$0x0] =	vst.idx.add.f32.msk $0x1ff, v3  }
0x2e: {  	v2 =	vld.idx.msk [tilespmem:v54+s2+$0x0], $0xffff;
	_ =	sdelay $0x4  }
0x2f: {  	v3 =	vld [tilespmem:$0x1680];
	v2 =	vadd.s32 v0, v2  }
0x30: {  	v55 =	vor.u32 $0x6, v1;
	_ =	sdelay $0x3  }
0x31: {  	[tilespmem:v2+s8+$0x0] =	vst.idx.add.f32.msk $0x1ff, v3  }
0x32: {  	v2 =	vld.idx.msk [tilespmem:v55+s2+$0x0], $0xffff;
	_ =	sdelay $0x4  }
0x33: {  	v3 =	vld [tilespmem:$0x1700];
	v2 =	vadd.s32 v0, v2  }
0x34: {  	v56 =	vor.u32 $0x7, v1;
	_ =	sdelay $0x3  }
0x35: {  	[tilespmem:v2+s8+$0x0] =	vst.idx.add.f32.msk $0x1ff, v3  }
0x36: {  	v2 =	vld.idx.msk [tilespmem:v56+s2+$0x0], $0xffff;
	_ =	sdelay $0x4  }
0x37: {  	v3 =	vld [tilespmem:$0x1780];
	v2 =	vadd.s32 v0, v2  }
0x38: {  	v57 =	vor.u32 $0x8, v1;
	_ =	sdelay $0x3  }
0x39: {  	[tilespmem:v2+s8+$0x0] =	vst.idx.add.f32.msk $0x1ff, v3  }
0x3a: {  	v2 =	vld.idx.msk [tilespmem:v57+s2+$0x0], $0xffff;
	_ =	sdelay $0x4  }
0x3b: {  	v3 =	vld [tilespmem:$0x1800];
	v2 =	vadd.s32 v0, v2  }
0x3c: {  	v58 =	vor.u32 $0x9, v1;
	_ =	sdelay $0x3  }
0x3d: {  	[tilespmem:v2+s8+$0x0] =	vst.idx.add.f32.msk $0x1ff, v3  }
0x3e: {  	v2 =	vld.idx.msk [tilespmem:v58+s2+$0x0], $0xffff;
	_ =	sdelay $0x4  }
0x3f: {  	v3 =	vld [tilespmem:$0x1880];
	v2 =	vadd.s32 v0, v2  }
0x40: {  	v59 =	vor.u32 $0xA, v1;
	_ =	sdelay $0x3  }
0x41: {  	[tilespmem:v2+s8+$0x0] =	vst.idx.add.f32.msk $0x1ff, v3  }
0x42: {  	v2 =	vld.idx.msk [tilespmem:v59+s2+$0x0], $0xffff;
	_ =	sdelay $0x4  }
0x43: {  	v3 =	vld [tilespmem:$0x1900];
	v2 =	vadd.s32 v0, v2  }
0x44: {  	v60 =	vor.u32 $0xB, v1;
	_ =	sdelay $0x3  }
0x45: {  	[tilespmem:v2+s8+$0x0] =	vst.idx.add.f32.msk $0x1ff, v3  }
0x46: {  	v2 =	vld.idx.msk [tilespmem:v60+s2+$0x0], $0xffff;
	_ =	sdelay $0x4  }
0x47: {  	v3 =	vld [tilespmem:$0x1980];
	v2 =	vadd.s32 v0, v2  }
0x48: {  	v61 =	vor.u32 $0xC, v1;
	_ =	sdelay $0x3  }
0x49: {  	[tilespmem:v2+s8+$0x0] =	vst.idx.add.f32.msk $0x1ff, v3  }
0x4a: {  	v2 =	vld.idx.msk [tilespmem:v61+s2+$0x0], $0xffff;
	_ =	sdelay $0x4  }
0x4b: {  	v3 =	vld [tilespmem:$0x1A00];
	v2 =	vadd.s32 v0, v2  }
0x4c: {  	v62 =	vor.u32 $0xD, v1;
	_ =	sdelay $0x3  }
0x4d: {  	[tilespmem:v2+s8+$0x0] =	vst.idx.add.f32.msk $0x1ff, v3  }
0x4e: {  	v2 =	vld.idx.msk [tilespmem:v62+s2+$0x0], $0xffff;
	_ =	sdelay $0x4  }
0x4f: {  	v3 =	vld [tilespmem:$0x1A80];
	v2 =	vadd.s32 v0, v2  }
0x50: {  	v63 =	vor.u32 $0xE, v1;
	_ =	sdelay $0x3  }
0x51: {  	[tilespmem:v2+s8+$0x0] =	vst.idx.add.f32.msk $0x1ff, v3  }
0x52: {  	v2 =	vld.idx.msk [tilespmem:v63+s2+$0x0], $0xffff;
	_ =	sdelay $0x4  }
0x53: {  	v3 =	vld [tilespmem:$0x1B00];
	v2 =	vadd.s32 v0, v2  }
0x54: {  	v8 =	vor.u32 $0xF, v1;
	_ =	sdelay $0x3  }
0x55: {  	[tilespmem:v2+s8+$0x0] =	vst.idx.add.f32.msk $0x1ff, v3  }
0x56: {  	v2 =	vld.idx.msk [tilespmem:v8+s2+$0x0], $0xffff;
	_ =	sdelay $0x4  }
0x57: {  	v3 =	vld [tilespmem:$0x1B80];
	v2 =	vadd.s32 v0, v2  }
0x58: {  	v9 =	vor.u32 $0x10, v1;
	_ =	sdelay $0x3  }
0x59: {  	[tilespmem:v2+s8+$0x0] =	vst.idx.add.f32.msk $0x1ff, v3  }
0x5a: {  	v2 =	vld.idx.msk [tilespmem:v9+s2+$0x0], $0xffff;
	_ =	sdelay $0x4  }
0x5b: {  	v3 =	vld [tilespmem:$0x1C00];
	v2 =	vadd.s32 v0, v2  }
0x5c: {  	v10 =	vor.u32 $0x11, v1;
	_ =	sdelay $0x3  }
0x5d: {  	[tilespmem:v2+s8+$0x0] =	vst.idx.add.f32.msk $0x1ff, v3  }
0x5e: {  	v2 =	vld.idx.msk [tilespmem:v10+s2+$0x0], $0xffff;
	_ =	sdelay $0x4  }
0x5f: {  	v3 =	vld [tilespmem:$0x1C80];
	v2 =	vadd.s32 v0, v2  }
0x60: {  	v11 =	vor.u32 $0x12, v1;
	_ =	sdelay $0x3  }
0x61: {  	[tilespmem:v2+s8+$0x0] =	vst.idx.add.f32.msk $0x1ff, v3  }
0x62: {  	v2 =	vld.idx.msk [tilespmem:v11+s2+$0x0], $0xffff;
	_ =	sdelay $0x4  }
0x63: {  	v3 =	vld [tilespmem:$0x1D00];
	v2 =	vadd.s32 v0, v2  }
0x64: {  	v12 =	vor.u32 $0x13, v1;
	_ =	sdelay $0x3  }
0x65: {  	[tilespmem:v2+s8+$0x0] =	vst.idx.add.f32.msk $0x1ff, v3  }
0x66: {  	v2 =	vld.idx.msk [tilespmem:v12+s2+$0x0], $0xffff;
	_ =	sdelay $0x4  }
0x67: {  	v3 =	vld [tilespmem:$0x1D80];
	v2 =	vadd.s32 v0, v2  }
0x68: {  	v13 =	vor.u32 $0x14, v1;
	_ =	sdelay $0x3  }
0x69: {  	[tilespmem:v2+s8+$0x0] =	vst.idx.add.f32.msk $0x1ff, v3  }
0x6a: {  	v2 =	vld.idx.msk [tilespmem:v13+s2+$0x0], $0xffff;
	_ =	sdelay $0x4  }
0x6b: {  	v3 =	vld [tilespmem:$0x1E00];
	v2 =	vadd.s32 v0, v2  }
0x6c: {  	v14 =	vor.u32 $0x15, v1;
	_ =	sdelay $0x3  }
0x6d: {  	[tilespmem:v2+s8+$0x0] =	vst.idx.add.f32.msk $0x1ff, v3  }
0x6e: {  	v2 =	vld.idx.msk [tilespmem:v14+s2+$0x0], $0xffff;
	_ =	sdelay $0x4  }
0x6f: {  	v3 =	vld [tilespmem:$0x1E80];
	v2 =	vadd.s32 v0, v2  }
0x70: {  	v15 =	vor.u32 $0x16, v1;
	_ =	sdelay $0x3  }
0x71: {  	[tilespmem:v2+s8+$0x0] =	vst.idx.add.f32.msk $0x1ff, v3  }
0x72: {  	v2 =	vld.idx.msk [tilespmem:v15+s2+$0x0], $0xffff;
	_ =	sdelay $0x4  }
0x73: {  	v3 =	vld [tilespmem:$0x1F00];
	v2 =	vadd.s32 v0, v2  }
0x74: {  	v16 =	vor.u32 $0x17, v1;
	_ =	sdelay $0x3  }
0x75: {  	[tilespmem:v2+s8+$0x0] =	vst.idx.add.f32.msk $0x1ff, v3  }
0x76: {  	v2 =	vld.idx.msk [tilespmem:v16+s2+$0x0], $0xffff;
	_ =	sdelay $0x4  }
0x77: {  	v3 =	vld [tilespmem:$0x1F80];
	v2 =	vadd.s32 v0, v2  }
0x78: {  	v17 =	vor.u32 $0x18, v1;
	_ =	sdelay $0x3  }
0x79: {  	[tilespmem:v2+s8+$0x0] =	vst.idx.add.f32.msk $0x1ff, v3  }
0x7a: {  	v2 =	vld.idx.msk [tilespmem:v17+s2+$0x0], $0xffff;
	_ =	sdelay $0x4  }
0x7b: {  	v3 =	vld [tilespmem:$0x2000];
	v2 =	vadd.s32 v0, v2  }
0x7c: {  	v18 =	vor.u32 $0x19, v1;
	_ =	sdelay $0x3  }
0x7d: {  	[tilespmem:v2+s8+$0x0] =	vst.idx.add.f32.msk $0x1ff, v3  }
0x7e: {  	v2 =	vld.idx.msk [tilespmem:v18+s2+$0x0], $0xffff;
	_ =	sdelay $0x4  }
0x7f: {  	v3 =	vld [tilespmem:$0x2080];
	v2 =	vadd.s32 v0, v2  }
0x80: {  	v19 =	vor.u32 $0x1A, v1;
	_ =	sdelay $0x3  }
0x81: {  	[tilespmem:v2+s8+$0x0] =	vst.idx.add.f32.msk $0x1ff, v3  }
0x82: {  	v2 =	vld.idx.msk [tilespmem:v19+s2+$0x0], $0xffff;
	_ =	sdelay $0x4  }
0x83: {  	v3 =	vld [tilespmem:$0x2100];
	v2 =	vadd.s32 v0, v2  }
0x84: {  	v20 =	vor.u32 $0x1B, v1;
	_ =	sdelay $0x3  }
0x85: {  	[tilespmem:v2+s8+$0x0] =	vst.idx.add.f32.msk $0x1ff, v3  }
0x86: {  	v2 =	vld.idx.msk [tilespmem:v20+s2+$0x0], $0xffff;
	_ =	sdelay $0x4  }
0x87: {  	v3 =	vld [tilespmem:$0x2180];
	v2 =	vadd.s32 v0, v2  }
0x88: {  	v21 =	vor.u32 $0x1C, v1;
	_ =	sdelay $0x3  }
0x89: {  	[tilespmem:v2+s8+$0x0] =	vst.idx.add.f32.msk $0x1ff, v3  }
0x8a: {  	v2 =	vld.idx.msk [tilespmem:v21+s2+$0x0], $0xffff;
	_ =	sdelay $0x4  }
0x8b: {  	v3 =	vld [tilespmem:$0x2200];
	v2 =	vadd.s32 v0, v2  }
0x8c: {  	v22 =	vor.u32 $0x1D, v1;
	_ =	sdelay $0x3  }
0x8d: {  	[tilespmem:v2+s8+$0x0] =	vst.idx.add.f32.msk $0x1ff, v3  }
0x8e: {  	v2 =	vld.idx.msk [tilespmem:v22+s2+$0x0], $0xffff;
	_ =	sdelay $0x4  }
0x8f: {  	v3 =	vld [tilespmem:$0x2280];
	v2 =	vadd.s32 v0, v2  }
0x90: {  	v23 =	vor.u32 $0x1E, v1;
	_ =	sdelay $0x3  }
0x91: {  	[tilespmem:v2+s8+$0x0] =	vst.idx.add.f32.msk $0x1ff, v3  }
0x92: {  	v2 =	vld.idx.msk [tilespmem:v23+s2+$0x0], $0xffff;
	_ =	sdelay $0x4  }
0x93: {  	v3 =	vld [tilespmem:$0x2300];
	v2 =	vadd.s32 v0, v2  }
0x94: {  	v24 =	vor.u32 $0x1F, v1;
	_ =	sdelay $0x3  }
0x95: {  	[tilespmem:v2+s8+$0x0] =	vst.idx.add.f32.msk $0x1ff, v3  }
0x96: {  	v2 =	vld.idx.msk [tilespmem:v24+s2+$0x0], $0xffff;
	_ =	sdelay $0x4  }
0x97: {  	v3 =	vld [tilespmem:$0x2380];
	v2 =	vadd.s32 v0, v2  }
0x98: {  	v25 =	vor.u32 $0x20, v1;
	_ =	sdelay $0x3  }
0x99: {  	[tilespmem:v2+s8+$0x0] =	vst.idx.add.f32.msk $0x1ff, v3  }
0x9a: {  	v2 =	vld.idx.msk [tilespmem:v25+s2+$0x0], $0xffff;
	_ =	sdelay $0x4  }
0x9b: {  	v3 =	vld [tilespmem:$0x2400];
	v2 =	vadd.s32 v0, v2  }
0x9c: {  	v26 =	vor.u32 $0x21, v1;
	_ =	sdelay $0x3  }
0x9d: {  	[tilespmem:v2+s8+$0x0] =	vst.idx.add.f32.msk $0x1ff, v3  }
0x9e: {  	v2 =	vld.idx.msk [tilespmem:v26+s2+$0x0], $0xffff;
	_ =	sdelay $0x4  }
0x9f: {  	v3 =	vld [tilespmem:$0x2480];
	v2 =	vadd.s32 v0, v2  }
0xa0: {  	v27 =	vor.u32 $0x22, v1;
	_ =	sdelay $0x3  }
0xa1: {  	[tilespmem:v2+s8+$0x0] =	vst.idx.add.f32.msk $0x1ff, v3  }
0xa2: {  	v2 =	vld.idx.msk [tilespmem:v27+s2+$0x0], $0xffff;
	_ =	sdelay $0x4  }
0xa3: {  	v3 =	vld [tilespmem:$0x2500];
	v2 =	vadd.s32 v0, v2  }
0xa4: {  	v28 =	vor.u32 $0x23, v1;
	_ =	sdelay $0x3  }
0xa5: {  	[tilespmem:v2+s8+$0x0] =	vst.idx.add.f32.msk $0x1ff, v3  }
0xa6: {  	v2 =	vld.idx.msk [tilespmem:v28+s2+$0x0], $0xffff;
	_ =	sdelay $0x4  }
0xa7: {  	v3 =	vld [tilespmem:$0x2580];
	v2 =	vadd.s32 v0, v2  }
0xa8: {  	v29 =	vor.u32 $0x24, v1;
	_ =	sdelay $0x3  }
0xa9: {  	[tilespmem:v2+s8+$0x0] =	vst.idx.add.f32.msk $0x1ff, v3  }
0xaa: {  	v2 =	vld.idx.msk [tilespmem:v29+s2+$0x0], $0xffff;
	_ =	sdelay $0x4  }
0xab: {  	v3 =	vld [tilespmem:$0x2600];
	v2 =	vadd.s32 v0, v2  }
0xac: {  	v30 =	vor.u32 $0x25, v1;
	_ =	sdelay $0x3  }
0xad: {  	[tilespmem:v2+s8+$0x0] =	vst.idx.add.f32.msk $0x1ff, v3  }
0xae: {  	v2 =	vld.idx.msk [tilespmem:v30+s2+$0x0], $0xffff;
	_ =	sdelay $0x4  }
0xaf: {  	v3 =	vld [tilespmem:$0x2680];
	v2 =	vadd.s32 v0, v2  }
0xb0: {  	v31 =	vor.u32 $0x26, v1;
	_ =	sdelay $0x3  }
0xb1: {  	[tilespmem:v2+s8+$0x0] =	vst.idx.add.f32.msk $0x1ff, v3  }
0xb2: {  	v2 =	vld.idx.msk [tilespmem:v31+s2+$0x0], $0xffff;
	_ =	sdelay $0x4  }
0xb3: {  	v3 =	vld [tilespmem:$0x2700];
	v2 =	vadd.s32 v0, v2  }
0xb4: {  	v32 =	vor.u32 $0x27, v1;
	_ =	sdelay $0x3  }
0xb5: {  	[tilespmem:v2+s8+$0x0] =	vst.idx.add.f32.msk $0x1ff, v3  }
0xb6: {  	v2 =	vld.idx.msk [tilespmem:v32+s2+$0x0], $0xffff;
	_ =	sdelay $0x4  }
0xb7: {  	v3 =	vld [tilespmem:$0x2780];
	v2 =	vadd.s32 v0, v2  }
0xb8: {  	v33 =	vor.u32 $0x28, v1;
	_ =	sdelay $0x3  }
0xb9: {  	[tilespmem:v2+s8+$0x0] =	vst.idx.add.f32.msk $0x1ff, v3  }
0xba: {  	v2 =	vld.idx.msk [tilespmem:v33+s2+$0x0], $0xffff;
	_ =	sdelay $0x4  }
0xbb: {  	v3 =	vld [tilespmem:$0x2800];
	v2 =	vadd.s32 v0, v2  }
0xbc: {  	v34 =	vor.u32 $0x29, v1;
	_ =	sdelay $0x3  }
0xbd: {  	[tilespmem:v2+s8+$0x0] =	vst.idx.add.f32.msk $0x1ff, v3  }
0xbe: {  	v2 =	vld.idx.msk [tilespmem:v34+s2+$0x0], $0xffff;
	_ =	sdelay $0x4  }
0xbf: {  	v3 =	vld [tilespmem:$0x2880];
	v2 =	vadd.s32 v0, v2  }
0xc0: {  	v35 =	vor.u32 $0x2A, v1;
	_ =	sdelay $0x3  }
0xc1: {  	[tilespmem:v2+s8+$0x0] =	vst.idx.add.f32.msk $0x1ff, v3  }
0xc2: {  	v2 =	vld.idx.msk [tilespmem:v35+s2+$0x0], $0xffff;
	_ =	sdelay $0x4  }
0xc3: {  	v3 =	vld [tilespmem:$0x2900];
	v2 =	vadd.s32 v0, v2  }
0xc4: {  	v36 =	vor.u32 $0x2B, v1;
	_ =	sdelay $0x3  }
0xc5: {  	[tilespmem:v2+s8+$0x0] =	vst.idx.add.f32.msk $0x1ff, v3  }
0xc6: {  	v2 =	vld.idx.msk [tilespmem:v36+s2+$0x0], $0xffff;
	_ =	sdelay $0x4  }
0xc7: {  	v3 =	vld [tilespmem:$0x2980];
	v2 =	vadd.s32 v0, v2  }
0xc8: {  	v37 =	vor.u32 $0x2C, v1;
	_ =	sdelay $0x3  }
0xc9: {  	[tilespmem:v2+s8+$0x0] =	vst.idx.add.f32.msk $0x1ff, v3  }
0xca: {  	v2 =	vld.idx.msk [tilespmem:v37+s2+$0x0], $0xffff;
	_ =	sdelay $0x4  }
0xcb: {  	v3 =	vld [tilespmem:$0x2A00];
	v2 =	vadd.s32 v0, v2  }
0xcc: {  	v38 =	vor.u32 $0x2D, v1;
	_ =	sdelay $0x3  }
0xcd: {  	[tilespmem:v2+s8+$0x0] =	vst.idx.add.f32.msk $0x1ff, v3  }
0xce: {  	v2 =	vld.idx.msk [tilespmem:v38+s2+$0x0], $0xffff;
	_ =	sdelay $0x4  }
0xcf: {  	v3 =	vld [tilespmem:$0x2A80];
	v2 =	vadd.s32 v0, v2  }
0xd0: {  	v39 =	vor.u32 $0x2E, v1;
	_ =	sdelay $0x3  }
0xd1: {  	[tilespmem:v2+s8+$0x0] =	vst.idx.add.f32.msk $0x1ff, v3  }
0xd2: {  	v2 =	vld.idx.msk [tilespmem:v39+s2+$0x0], $0xffff;
	_ =	sdelay $0x4  }
0xd3: {  	v3 =	vld [tilespmem:$0x2B00];
	v2 =	vadd.s32 v0, v2  }
0xd4: {  	v40 =	vor.u32 $0x2F, v1;
	_ =	sdelay $0x3  }
0xd5: {  	[tilespmem:v2+s8+$0x0] =	vst.idx.add.f32.msk $0x1ff, v3  }
0xd6: {  	v2 =	vld.idx.msk [tilespmem:v40+s2+$0x0], $0xffff;
	_ =	sdelay $0x4  }
0xd7: {  	v3 =	vld [tilespmem:$0x2B80];
	v2 =	vadd.s32 v0, v2  }
0xd8: {  	v41 =	vor.u32 $0x30, v1;
	_ =	sdelay $0x3  }
0xd9: {  	[tilespmem:v2+s8+$0x0] =	vst.idx.add.f32.msk $0x1ff, v3  }
0xda: {  	v2 =	vld.idx.msk [tilespmem:v41+s2+$0x0], $0xffff;
	_ =	sdelay $0x4  }
0xdb: {  	v3 =	vld [tilespmem:$0x2C00];
	v2 =	vadd.s32 v0, v2  }
0xdc: {  	v42 =	vor.u32 $0x31, v1;
	_ =	sdelay $0x3  }
0xdd: {  	[tilespmem:v2+s8+$0x0] =	vst.idx.add.f32.msk $0x1ff, v3  }
0xde: {  	v2 =	vld.idx.msk [tilespmem:v42+s2+$0x0], $0xffff;
	_ =	sdelay $0x4  }
0xdf: {  	v3 =	vld [tilespmem:$0x2C80];
	v2 =	vadd.s32 v0, v2  }
0xe0: {  	v43 =	vor.u32 $0x32, v1;
	_ =	sdelay $0x3  }
0xe1: {  	[tilespmem:v2+s8+$0x0] =	vst.idx.add.f32.msk $0x1ff, v3  }
0xe2: {  	v2 =	vld.idx.msk [tilespmem:v43+s2+$0x0], $0xffff;
	_ =	sdelay $0x4  }
0xe3: {  	v3 =	vld [tilespmem:$0x2D00];
	v2 =	vadd.s32 v0, v2  }
0xe4: {  	v44 =	vor.u32 $0x33, v1;
	_ =	sdelay $0x3  }
0xe5: {  	[tilespmem:v2+s8+$0x0] =	vst.idx.add.f32.msk $0x1ff, v3  }
0xe6: {  	v2 =	vld.idx.msk [tilespmem:v44+s2+$0x0], $0xffff;
	_ =	sdelay $0x4  }
0xe7: {  	v3 =	vld [tilespmem:$0x2D80];
	v2 =	vadd.s32 v0, v2  }
0xe8: {  	v45 =	vor.u32 $0x34, v1;
	_ =	sdelay $0x3  }
0xe9: {  	[tilespmem:v2+s8+$0x0] =	vst.idx.add.f32.msk $0x1ff, v3  }
0xea: {  	v2 =	vld.idx.msk [tilespmem:v45+s2+$0x0], $0xffff;
	_ =	sdelay $0x4  }
0xeb: {  	v3 =	vld [tilespmem:$0x2E00];
	v2 =	vadd.s32 v0, v2  }
0xec: {  	v46 =	vor.u32 $0x35, v1;
	_ =	sdelay $0x3  }
0xed: {  	[tilespmem:v2+s8+$0x0] =	vst.idx.add.f32.msk $0x1ff, v3  }
0xee: {  	v2 =	vld.idx.msk [tilespmem:v46+s2+$0x0], $0xffff;
	_ =	sdelay $0x4  }
0xef: {  	v3 =	vld [tilespmem:$0x2E80];
	v2 =	vadd.s32 v0, v2  }
0xf0: {  	v47 =	vor.u32 $0x36, v1;
	_ =	sdelay $0x3  }
0xf1: {  	[tilespmem:v2+s8+$0x0] =	vst.idx.add.f32.msk $0x1ff, v3  }
0xf2: {  	v2 =	vld.idx.msk [tilespmem:v47+s2+$0x0], $0xffff;
	_ =	sdelay $0x4  }
0xf3: {  	v3 =	vld [tilespmem:$0x2F00];
	v2 =	vadd.s32 v0, v2  }
0xf4: {  	v48 =	vor.u32 $0x37, v1;
	_ =	sdelay $0x3  }
0xf5: {  	[tilespmem:v2+s8+$0x0] =	vst.idx.add.f32.msk $0x1ff, v3  }
0xf6: {  	v2 =	vld.idx.msk [tilespmem:v48+s2+$0x0], $0xffff;
	_ =	sdelay $0x4  }
0xf7: {  	v3 =	vld [tilespmem:$0x2F80];
	v2 =	vadd.s32 v0, v2  }
0xf8: {  	v49 =	vor.u32 $0x38, v1;
	_ =	sdelay $0x3  }
0xf9: {  	[tilespmem:v2+s8+$0x0] =	vst.idx.add.f32.msk $0x1ff, v3  }
0xfa: {  	v2 =	vld.idx.msk [tilespmem:v49+s2+$0x0], $0xffff;
	_ =	sdelay $0x4  }
0xfb: {  	v3 =	vld [tilespmem:$0x3000];
	v2 =	vadd.s32 v0, v2  }
0xfc: {  	v50 =	vor.u32 $0x39, v1;
	_ =	sdelay $0x3  }
0xfd: {  	[tilespmem:v2+s8+$0x0] =	vst.idx.add.f32.msk $0x1ff, v3  }
0xfe: {  	v2 =	vld.idx.msk [tilespmem:v50+s2+$0x0], $0xffff;
	_ =	sdelay $0x4  }
0xff: {  	v3 =	vld [tilespmem:$0x3080];
	v2 =	vadd.s32 v0, v2  }
0x100: {  	v51 =	vor.u32 $0x3A, v1;
	_ =	sdelay $0x3  }
0x101: {  	[tilespmem:v2+s8+$0x0] =	vst.idx.add.f32.msk $0x1ff, v3  }
0x102: {  	v2 =	vld.idx.msk [tilespmem:v51+s2+$0x0], $0xffff;
	_ =	sdelay $0x4  }
0x103: {  	v3 =	vld [tilespmem:$0x3100];
	v2 =	vadd.s32 v0, v2  }
0x104: {  	v52 =	vor.u32 $0x3B, v1;
	_ =	sdelay $0x3  }
0x105: {  	[tilespmem:v2+s8+$0x0] =	vst.idx.add.f32.msk $0x1ff, v3  }
0x106: {  	v2 =	vld.idx.msk [tilespmem:v52+s2+$0x0], $0xffff;
	_ =	sdelay $0x4  }
0x107: {  	v3 =	vld [tilespmem:$0x3180];
	v2 =	vadd.s32 v0, v2  }
0x108: {  	v53 =	vor.u32 $0x3C, v1;
	_ =	sdelay $0x3  }
0x109: {  	[tilespmem:v2+s8+$0x0] =	vst.idx.add.f32.msk $0x1ff, v3  }
0x10a: {  	v2 =	vld.idx.msk [tilespmem:v53+s2+$0x0], $0xffff;
	_ =	sdelay $0x4  }
0x10b: {  	v3 =	vld [tilespmem:$0x3200];
	v2 =	vadd.s32 v0, v2  }
0x10c: {  	v54 =	vor.u32 $0x3D, v1;
	_ =	sdelay $0x3  }
0x10d: {  	[tilespmem:v2+s8+$0x0] =	vst.idx.add.f32.msk $0x1ff, v3  }
0x10e: {  	v2 =	vld.idx.msk [tilespmem:v54+s2+$0x0], $0xffff;
	_ =	sdelay $0x4  }
0x10f: {  	v3 =	vld [tilespmem:$0x3280];
	v2 =	vadd.s32 v0, v2  }
0x110: {  	v55 =	vor.u32 $0x3E, v1;
	_ =	sdelay $0x3  }
0x111: {  	[tilespmem:v2+s8+$0x0] =	vst.idx.add.f32.msk $0x1ff, v3  }
0x112: {  	v2 =	vld.idx.msk [tilespmem:v55+s2+$0x0], $0xffff;
	_ =	sdelay $0x4  }
0x113: {  	v3 =	vld [tilespmem:$0x3300];
	v2 =	vadd.s32 v0, v2  }
0x114: {  	v56 =	vor.u32 $0x3F, v1;
	_ =	sdelay $0x3  }
0x115: {  	[tilespmem:v2+s8+$0x0] =	vst.idx.add.f32.msk $0x1ff, v3  }
0x116: {  	v2 =	vld.idx.msk [tilespmem:v56+s2+$0x0], $0xffff;
	_ =	sdelay $0x4  }
0x117: {  	v3 =	vld [tilespmem:$0x3380];
	v2 =	vadd.s32 v0, v2  }
0x118: {  	v57 =	vor.u32 $0x40, v1;
	_ =	sdelay $0x3  }
0x119: {  	[tilespmem:v2+s8+$0x0] =	vst.idx.add.f32.msk $0x1ff, v3  }
0x11a: {  	v2 =	vld.idx.msk [tilespmem:v57+s2+$0x0], $0xffff;
	_ =	sdelay $0x4  }
0x11b: {  	v3 =	vld [tilespmem:$0x3400];
	v2 =	vadd.s32 v0, v2  }
0x11c: {  	v58 =	vor.u32 $0x41, v1;
	_ =	sdelay $0x3  }
0x11d: {  	[tilespmem:v2+s8+$0x0] =	vst.idx.add.f32.msk $0x1ff, v3  }
0x11e: {  	v2 =	vld.idx.msk [tilespmem:v58+s2+$0x0], $0xffff;
	_ =	sdelay $0x4  }
0x11f: {  	v3 =	vld [tilespmem:$0x3480];
	v2 =	vadd.s32 v0, v2  }
0x120: {  	v59 =	vor.u32 $0x42, v1;
	_ =	sdelay $0x3  }
0x121: {  	[tilespmem:v2+s8+$0x0] =	vst.idx.add.f32.msk $0x1ff, v3  }
0x122: {  	v2 =	vld.idx.msk [tilespmem:v59+s2+$0x0], $0xffff;
	_ =	sdelay $0x4  }
0x123: {  	v3 =	vld [tilespmem:$0x3500];
	v2 =	vadd.s32 v0, v2  }
0x124: {  	v60 =	vor.u32 $0x43, v1;
	_ =	sdelay $0x3  }
0x125: {  	[tilespmem:v2+s8+$0x0] =	vst.idx.add.f32.msk $0x1ff, v3  }
0x126: {  	v2 =	vld.idx.msk [tilespmem:v60+s2+$0x0], $0xffff;
	_ =	sdelay $0x4  }
0x127: {  	v3 =	vld [tilespmem:$0x3580];
	v2 =	vadd.s32 v0, v2  }
0x128: {  	v61 =	vor.u32 $0x44, v1;
	_ =	sdelay $0x3  }
0x129: {  	[tilespmem:v2+s8+$0x0] =	vst.idx.add.f32.msk $0x1ff, v3  }
0x12a: {  	v2 =	vld.idx.msk [tilespmem:v61+s2+$0x0], $0xffff;
	_ =	sdelay $0x4  }
0x12b: {  	v3 =	vld [tilespmem:$0x3600];
	v2 =	vadd.s32 v0, v2  }
0x12c: {  	v62 =	vor.u32 $0x45, v1;
	_ =	sdelay $0x3  }
0x12d: {  	[tilespmem:v2+s8+$0x0] =	vst.idx.add.f32.msk $0x1ff, v3  }
0x12e: {  	v2 =	vld.idx.msk [tilespmem:v62+s2+$0x0], $0xffff;
	_ =	sdelay $0x4  }
0x12f: {  	v3 =	vld [tilespmem:$0x3680];
	v2 =	vadd.s32 v0, v2  }
0x130: {  	v63 =	vor.u32 $0x46, v1;
	_ =	sdelay $0x3  }
0x131: {  	[tilespmem:v2+s8+$0x0] =	vst.idx.add.f32.msk $0x1ff, v3  }
0x132: {  	v2 =	vld.idx.msk [tilespmem:v63+s2+$0x0], $0xffff;
	_ =	sdelay $0x4  }
0x133: {  	v3 =	vld [tilespmem:$0x3700];
	v2 =	vadd.s32 v0, v2  }
0x134: {  	v8 =	vor.u32 $0x47, v1;
	_ =	sdelay $0x3  }
0x135: {  	[tilespmem:v2+s8+$0x0] =	vst.idx.add.f32.msk $0x1ff, v3  }
0x136: {  	v2 =	vld.idx.msk [tilespmem:v8+s2+$0x0], $0xffff;
	_ =	sdelay $0x4  }
0x137: {  	v3 =	vld [tilespmem:$0x3780];
	v2 =	vadd.s32 v0, v2  }
0x138: {  	v9 =	vor.u32 $0x48, v1;
	_ =	sdelay $0x3  }
0x139: {  	[tilespmem:v2+s8+$0x0] =	vst.idx.add.f32.msk $0x1ff, v3  }
0x13a: {  	v2 =	vld.idx.msk [tilespmem:v9+s2+$0x0], $0xffff;
	_ =	sdelay $0x4  }
0x13b: {  	v3 =	vld [tilespmem:$0x3800];
	v2 =	vadd.s32 v0, v2  }
0x13c: {  	v10 =	vor.u32 $0x49, v1;
	_ =	sdelay $0x3  }
0x13d: {  	[tilespmem:v2+s8+$0x0] =	vst.idx.add.f32.msk $0x1ff, v3  }
0x13e: {  	v2 =	vld.idx.msk [tilespmem:v10+s2+$0x0], $0xffff;
	_ =	sdelay $0x4  }
0x13f: {  	v3 =	vld [tilespmem:$0x3880];
	v2 =	vadd.s32 v0, v2  }
0x140: {  	v11 =	vor.u32 $0x4A, v1;
	_ =	sdelay $0x3  }
0x141: {  	[tilespmem:v2+s8+$0x0] =	vst.idx.add.f32.msk $0x1ff, v3  }
0x142: {  	v2 =	vld.idx.msk [tilespmem:v11+s2+$0x0], $0xffff;
	_ =	sdelay $0x4  }
0x143: {  	v3 =	vld [tilespmem:$0x3900];
	v2 =	vadd.s32 v0, v2  }
0x144: {  	v12 =	vor.u32 $0x4B, v1;
	_ =	sdelay $0x3  }
0x145: {  	[tilespmem:v2+s8+$0x0] =	vst.idx.add.f32.msk $0x1ff, v3  }
0x146: {  	v2 =	vld.idx.msk [tilespmem:v12+s2+$0x0], $0xffff;
	_ =	sdelay $0x4  }
0x147: {  	v3 =	vld [tilespmem:$0x3980];
	v2 =	vadd.s32 v0, v2  }
0x148: {  	v13 =	vor.u32 $0x4C, v1;
	_ =	sdelay $0x3  }
0x149: {  	[tilespmem:v2+s8+$0x0] =	vst.idx.add.f32.msk $0x1ff, v3  }
0x14a: {  	v2 =	vld.idx.msk [tilespmem:v13+s2+$0x0], $0xffff;
	_ =	sdelay $0x4  }
0x14b: {  	v3 =	vld [tilespmem:$0x3A00];
	v2 =	vadd.s32 v0, v2  }
0x14c: {  	v14 =	vor.u32 $0x4D, v1;
	_ =	sdelay $0x3  }
0x14d: {  	[tilespmem:v2+s8+$0x0] =	vst.idx.add.f32.msk $0x1ff, v3  }
0x14e: {  	v2 =	vld.idx.msk [tilespmem:v14+s2+$0x0], $0xffff;
	_ =	sdelay $0x4  }
0x14f: {  	v3 =	vld [tilespmem:$0x3A80];
	v2 =	vadd.s32 v0, v2  }
0x150: {  	v15 =	vor.u32 $0x4E, v1;
	_ =	sdelay $0x3  }
0x151: {  	[tilespmem:v2+s8+$0x0] =	vst.idx.add.f32.msk $0x1ff, v3  }
0x152: {  	v2 =	vld.idx.msk [tilespmem:v15+s2+$0x0], $0xffff;
	_ =	sdelay $0x4  }
0x153: {  	v3 =	vld [tilespmem:$0x3B00];
	v2 =	vadd.s32 v0, v2  }
0x154: {  	v16 =	vor.u32 $0x4F, v1;
	_ =	sdelay $0x3  }
0x155: {  	[tilespmem:v2+s8+$0x0] =	vst.idx.add.f32.msk $0x1ff, v3  }
0x156: {  	v2 =	vld.idx.msk [tilespmem:v16+s2+$0x0], $0xffff;
	_ =	sdelay $0x4  }
0x157: {  	v3 =	vld [tilespmem:$0x3B80];
	v2 =	vadd.s32 v0, v2  }
0x158: {  	v17 =	vor.u32 $0x50, v1;
	_ =	sdelay $0x3  }
0x159: {  	[tilespmem:v2+s8+$0x0] =	vst.idx.add.f32.msk $0x1ff, v3  }
0x15a: {  	v2 =	vld.idx.msk [tilespmem:v17+s2+$0x0], $0xffff;
	_ =	sdelay $0x4  }
0x15b: {  	v3 =	vld [tilespmem:$0x3C00];
	v2 =	vadd.s32 v0, v2  }
0x15c: {  	v18 =	vor.u32 $0x51, v1;
	_ =	sdelay $0x3  }
0x15d: {  	[tilespmem:v2+s8+$0x0] =	vst.idx.add.f32.msk $0x1ff, v3  }
0x15e: {  	v2 =	vld.idx.msk [tilespmem:v18+s2+$0x0], $0xffff;
	_ =	sdelay $0x4  }
0x15f: {  	v3 =	vld [tilespmem:$0x3C80];
	v2 =	vadd.s32 v0, v2  }
0x160: {  	v19 =	vor.u32 $0x52, v1;
	_ =	sdelay $0x3  }
0x161: {  	[tilespmem:v2+s8+$0x0] =	vst.idx.add.f32.msk $0x1ff, v3  }
0x162: {  	v2 =	vld.idx.msk [tilespmem:v19+s2+$0x0], $0xffff;
	_ =	sdelay $0x4  }
0x163: {  	v3 =	vld [tilespmem:$0x3D00];
	v2 =	vadd.s32 v0, v2  }
0x164: {  	v20 =	vor.u32 $0x53, v1;
	_ =	sdelay $0x3  }
0x165: {  	[tilespmem:v2+s8+$0x0] =	vst.idx.add.f32.msk $0x1ff, v3  }
0x166: {  	v2 =	vld.idx.msk [tilespmem:v20+s2+$0x0], $0xffff;
	_ =	sdelay $0x4  }
0x167: {  	v3 =	vld [tilespmem:$0x3D80];
	v2 =	vadd.s32 v0, v2  }
0x168: {  	v21 =	vor.u32 $0x54, v1;
	_ =	sdelay $0x3  }
0x169: {  	[tilespmem:v2+s8+$0x0] =	vst.idx.add.f32.msk $0x1ff, v3  }
0x16a: {  	v2 =	vld.idx.msk [tilespmem:v21+s2+$0x0], $0xffff;
	_ =	sdelay $0x4  }
0x16b: {  	v3 =	vld [tilespmem:$0x3E00];
	v2 =	vadd.s32 v0, v2  }
0x16c: {  	v22 =	vor.u32 $0x55, v1;
	_ =	sdelay $0x3  }
0x16d: {  	[tilespmem:v2+s8+$0x0] =	vst.idx.add.f32.msk $0x1ff, v3  }
0x16e: {  	v2 =	vld.idx.msk [tilespmem:v22+s2+$0x0], $0xffff;
	_ =	sdelay $0x4  }
0x16f: {  	v3 =	vld [tilespmem:$0x3E80];
	v2 =	vadd.s32 v0, v2  }
0x170: {  	v23 =	vor.u32 $0x56, v1;
	_ =	sdelay $0x3  }
0x171: {  	[tilespmem:v2+s8+$0x0] =	vst.idx.add.f32.msk $0x1ff, v3  }
0x172: {  	v2 =	vld.idx.msk [tilespmem:v23+s2+$0x0], $0xffff;
	_ =	sdelay $0x4  }
0x173: {  	v3 =	vld [tilespmem:$0x3F00];
	v2 =	vadd.s32 v0, v2  }
0x174: {  	v24 =	vor.u32 $0x57, v1;
	_ =	sdelay $0x3  }
0x175: {  	[tilespmem:v2+s8+$0x0] =	vst.idx.add.f32.msk $0x1ff, v3  }
0x176: {  	v2 =	vld.idx.msk [tilespmem:v24+s2+$0x0], $0xffff;
	_ =	sdelay $0x4  }
0x177: {  	v3 =	vld [tilespmem:$0x3F80];
	v2 =	vadd.s32 v0, v2  }
0x178: {  	v25 =	vor.u32 $0x58, v1;
	_ =	sdelay $0x3  }
0x179: {  	[tilespmem:v2+s8+$0x0] =	vst.idx.add.f32.msk $0x1ff, v3  }
0x17a: {  	v2 =	vld.idx.msk [tilespmem:v25+s2+$0x0], $0xffff;
	_ =	sdelay $0x4  }
0x17b: {  	v3 =	vld [tilespmem:$0x4000];
	v2 =	vadd.s32 v0, v2  }
0x17c: {  	v26 =	vor.u32 $0x59, v1;
	_ =	sdelay $0x3  }
0x17d: {  	[tilespmem:v2+s8+$0x0] =	vst.idx.add.f32.msk $0x1ff, v3  }
0x17e: {  	v2 =	vld.idx.msk [tilespmem:v26+s2+$0x0], $0xffff;
	_ =	sdelay $0x4  }
0x17f: {  	v3 =	vld [tilespmem:$0x4080];
	v2 =	vadd.s32 v0, v2  }
0x180: {  	v27 =	vor.u32 $0x5A, v1;
	_ =	sdelay $0x3  }
0x181: {  	[tilespmem:v2+s8+$0x0] =	vst.idx.add.f32.msk $0x1ff, v3  }
0x182: {  	v2 =	vld.idx.msk [tilespmem:v27+s2+$0x0], $0xffff;
	_ =	sdelay $0x4  }
0x183: {  	v3 =	vld [tilespmem:$0x4100];
	v2 =	vadd.s32 v0, v2  }
0x184: {  	v28 =	vor.u32 $0x5B, v1;
	_ =	sdelay $0x3  }
0x185: {  	[tilespmem:v2+s8+$0x0] =	vst.idx.add.f32.msk $0x1ff, v3  }
0x186: {  	v2 =	vld.idx.msk [tilespmem:v28+s2+$0x0], $0xffff;
	_ =	sdelay $0x4  }
0x187: {  	v3 =	vld [tilespmem:$0x4180];
	v2 =	vadd.s32 v0, v2  }
0x188: {  	v29 =	vor.u32 $0x5C, v1;
	_ =	sdelay $0x3  }
0x189: {  	[tilespmem:v2+s8+$0x0] =	vst.idx.add.f32.msk $0x1ff, v3  }
0x18a: {  	v2 =	vld.idx.msk [tilespmem:v29+s2+$0x0], $0xffff;
	_ =	sdelay $0x4  }
0x18b: {  	v3 =	vld [tilespmem:$0x4200];
	v2 =	vadd.s32 v0, v2  }
0x18c: {  	v30 =	vor.u32 $0x5D, v1;
	_ =	sdelay $0x3  }
0x18d: {  	[tilespmem:v2+s8+$0x0] =	vst.idx.add.f32.msk $0x1ff, v3  }
0x18e: {  	v2 =	vld.idx.msk [tilespmem:v30+s2+$0x0], $0xffff;
	_ =	sdelay $0x4  }
0x18f: {  	v3 =	vld [tilespmem:$0x4280];
	v2 =	vadd.s32 v0, v2  }
0x190: {  	v31 =	vor.u32 $0x5E, v1;
	_ =	sdelay $0x3  }
0x191: {  	[tilespmem:v2+s8+$0x0] =	vst.idx.add.f32.msk $0x1ff, v3  }
0x192: {  	v2 =	vld.idx.msk [tilespmem:v31+s2+$0x0], $0xffff;
	_ =	sdelay $0x4  }
0x193: {  	v3 =	vld [tilespmem:$0x4300];
	v2 =	vadd.s32 v0, v2  }
0x194: {  	v32 =	vor.u32 $0x5F, v1;
	_ =	sdelay $0x3  }
0x195: {  	[tilespmem:v2+s8+$0x0] =	vst.idx.add.f32.msk $0x1ff, v3  }
0x196: {  	v2 =	vld.idx.msk [tilespmem:v32+s2+$0x0], $0xffff;
	_ =	sdelay $0x4  }
0x197: {  	v3 =	vld [tilespmem:$0x4380];
	v2 =	vadd.s32 v0, v2  }
0x198: {  	v33 =	vor.u32 $0x60, v1;
	_ =	sdelay $0x3  }
0x199: {  	[tilespmem:v2+s8+$0x0] =	vst.idx.add.f32.msk $0x1ff, v3  }
0x19a: {  	v2 =	vld.idx.msk [tilespmem:v33+s2+$0x0], $0xffff;
	_ =	sdelay $0x4  }
0x19b: {  	v3 =	vld [tilespmem:$0x4400];
	v2 =	vadd.s32 v0, v2  }
0x19c: {  	v34 =	vor.u32 $0x61, v1;
	_ =	sdelay $0x3  }
0x19d: {  	[tilespmem:v2+s8+$0x0] =	vst.idx.add.f32.msk $0x1ff, v3  }
0x19e: {  	v2 =	vld.idx.msk [tilespmem:v34+s2+$0x0], $0xffff;
	_ =	sdelay $0x4  }
0x19f: {  	v3 =	vld [tilespmem:$0x4480];
	v2 =	vadd.s32 v0, v2  }
0x1a0: {  	v35 =	vor.u32 $0x62, v1;
	_ =	sdelay $0x3  }
0x1a1: {  	[tilespmem:v2+s8+$0x0] =	vst.idx.add.f32.msk $0x1ff, v3  }
0x1a2: {  	v2 =	vld.idx.msk [tilespmem:v35+s2+$0x0], $0xffff;
	_ =	sdelay $0x4  }
0x1a3: {  	v3 =	vld [tilespmem:$0x4500];
	v2 =	vadd.s32 v0, v2  }
0x1a4: {  	v36 =	vor.u32 $0x63, v1;
	_ =	sdelay $0x3  }
0x1a5: {  	[tilespmem:v2+s8+$0x0] =	vst.idx.add.f32.msk $0x1ff, v3  }
0x1a6: {  	v2 =	vld.idx.msk [tilespmem:v36+s2+$0x0], $0xffff;
	_ =	sdelay $0x4  }
0x1a7: {  	v3 =	vld [tilespmem:$0x4580];
	v2 =	vadd.s32 v0, v2  }
0x1a8: {  	v37 =	vor.u32 $0x64, v1;
	_ =	sdelay $0x3  }
0x1a9: {  	[tilespmem:v2+s8+$0x0] =	vst.idx.add.f32.msk $0x1ff, v3  }
0x1aa: {  	v2 =	vld.idx.msk [tilespmem:v37+s2+$0x0], $0xffff;
	_ =	sdelay $0x4  }
0x1ab: {  	v3 =	vld [tilespmem:$0x4600];
	v2 =	vadd.s32 v0, v2  }
0x1ac: {  	v38 =	vor.u32 $0x65, v1;
	_ =	sdelay $0x3  }
0x1ad: {  	[tilespmem:v2+s8+$0x0] =	vst.idx.add.f32.msk $0x1ff, v3  }
0x1ae: {  	v2 =	vld.idx.msk [tilespmem:v38+s2+$0x0], $0xffff;
	_ =	sdelay $0x4  }
0x1af: {  	v3 =	vld [tilespmem:$0x4680];
	v2 =	vadd.s32 v0, v2  }
0x1b0: {  	v39 =	vor.u32 $0x66, v1;
	_ =	sdelay $0x3  }
0x1b1: {  	[tilespmem:v2+s8+$0x0] =	vst.idx.add.f32.msk $0x1ff, v3  }
0x1b2: {  	v2 =	vld.idx.msk [tilespmem:v39+s2+$0x0], $0xffff;
	_ =	sdelay $0x4  }
0x1b3: {  	v3 =	vld [tilespmem:$0x4700];
	v2 =	vadd.s32 v0, v2  }
0x1b4: {  	v40 =	vor.u32 $0x67, v1;
	_ =	sdelay $0x3  }
0x1b5: {  	[tilespmem:v2+s8+$0x0] =	vst.idx.add.f32.msk $0x1ff, v3  }
0x1b6: {  	v2 =	vld.idx.msk [tilespmem:v40+s2+$0x0], $0xffff;
	_ =	sdelay $0x4  }
0x1b7: {  	v3 =	vld [tilespmem:$0x4780];
	v2 =	vadd.s32 v0, v2  }
0x1b8: {  	v41 =	vor.u32 $0x68, v1;
	_ =	sdelay $0x3  }
0x1b9: {  	[tilespmem:v2+s8+$0x0] =	vst.idx.add.f32.msk $0x1ff, v3  }
0x1ba: {  	v2 =	vld.idx.msk [tilespmem:v41+s2+$0x0], $0xffff;
	_ =	sdelay $0x4  }
0x1bb: {  	v3 =	vld [tilespmem:$0x4800];
	v2 =	vadd.s32 v0, v2  }
0x1bc: {  	v42 =	vor.u32 $0x69, v1;
	_ =	sdelay $0x3  }
0x1bd: {  	[tilespmem:v2+s8+$0x0] =	vst.idx.add.f32.msk $0x1ff, v3  }
0x1be: {  	v2 =	vld.idx.msk [tilespmem:v42+s2+$0x0], $0xffff;
	_ =	sdelay $0x4  }
0x1bf: {  	v3 =	vld [tilespmem:$0x4880];
	v2 =	vadd.s32 v0, v2  }
0x1c0: {  	v43 =	vor.u32 $0x6A, v1;
	_ =	sdelay $0x3  }
0x1c1: {  	[tilespmem:v2+s8+$0x0] =	vst.idx.add.f32.msk $0x1ff, v3  }
0x1c2: {  	v2 =	vld.idx.msk [tilespmem:v43+s2+$0x0], $0xffff;
	_ =	sdelay $0x4  }
0x1c3: {  	v3 =	vld [tilespmem:$0x4900];
	v2 =	vadd.s32 v0, v2  }
0x1c4: {  	v44 =	vor.u32 $0x6B, v1;
	_ =	sdelay $0x3  }
0x1c5: {  	[tilespmem:v2+s8+$0x0] =	vst.idx.add.f32.msk $0x1ff, v3  }
0x1c6: {  	v2 =	vld.idx.msk [tilespmem:v44+s2+$0x0], $0xffff;
	_ =	sdelay $0x4  }
0x1c7: {  	v3 =	vld [tilespmem:$0x4980];
	v2 =	vadd.s32 v0, v2  }
0x1c8: {  	v45 =	vor.u32 $0x6C, v1;
	_ =	sdelay $0x3  }
0x1c9: {  	[tilespmem:v2+s8+$0x0] =	vst.idx.add.f32.msk $0x1ff, v3  }
0x1ca: {  	v2 =	vld.idx.msk [tilespmem:v45+s2+$0x0], $0xffff;
	_ =	sdelay $0x4  }
0x1cb: {  	v3 =	vld [tilespmem:$0x4A00];
	v2 =	vadd.s32 v0, v2  }
0x1cc: {  	v46 =	vor.u32 $0x6D, v1;
	_ =	sdelay $0x3  }
0x1cd: {  	[tilespmem:v2+s8+$0x0] =	vst.idx.add.f32.msk $0x1ff, v3  }
0x1ce: {  	v2 =	vld.idx.msk [tilespmem:v46+s2+$0x0], $0xffff;
	_ =	sdelay $0x4  }
0x1cf: {  	v3 =	vld [tilespmem:$0x4A80];
	v2 =	vadd.s32 v0, v2  }
0x1d0: {  	v47 =	vor.u32 $0x6E, v1;
	_ =	sdelay $0x3  }
0x1d1: {  	[tilespmem:v2+s8+$0x0] =	vst.idx.add.f32.msk $0x1ff, v3  }
0x1d2: {  	v2 =	vld.idx.msk [tilespmem:v47+s2+$0x0], $0xffff;
	_ =	sdelay $0x4  }
0x1d3: {  	v3 =	vld [tilespmem:$0x4B00];
	v2 =	vadd.s32 v0, v2  }
0x1d4: {  	v48 =	vor.u32 $0x6F, v1;
	_ =	sdelay $0x3  }
0x1d5: {  	[tilespmem:v2+s8+$0x0] =	vst.idx.add.f32.msk $0x1ff, v3  }
0x1d6: {  	v2 =	vld.idx.msk [tilespmem:v48+s2+$0x0], $0xffff;
	_ =	sdelay $0x4  }
0x1d7: {  	v3 =	vld [tilespmem:$0x4B80];
	v2 =	vadd.s32 v0, v2  }
0x1d8: {  	v49 =	vor.u32 $0x70, v1;
	_ =	sdelay $0x3  }
0x1d9: {  	[tilespmem:v2+s8+$0x0] =	vst.idx.add.f32.msk $0x1ff, v3  }
0x1da: {  	v2 =	vld.idx.msk [tilespmem:v49+s2+$0x0], $0xffff;
	_ =	sdelay $0x4  }
0x1db: {  	v3 =	vld [tilespmem:$0x4C00];
	v2 =	vadd.s32 v0, v2  }
0x1dc: {  	v50 =	vor.u32 $0x71, v1;
	_ =	sdelay $0x3  }
0x1dd: {  	[tilespmem:v2+s8+$0x0] =	vst.idx.add.f32.msk $0x1ff, v3  }
0x1de: {  	v2 =	vld.idx.msk [tilespmem:v50+s2+$0x0], $0xffff;
	_ =	sdelay $0x4  }
0x1df: {  	v3 =	vld [tilespmem:$0x4C80];
	v2 =	vadd.s32 v0, v2  }
0x1e0: {  	v51 =	vor.u32 $0x72, v1;
	_ =	sdelay $0x3  }
0x1e1: {  	[tilespmem:v2+s8+$0x0] =	vst.idx.add.f32.msk $0x1ff, v3  }
0x1e2: {  	v2 =	vld.idx.msk [tilespmem:v51+s2+$0x0], $0xffff;
	_ =	sdelay $0x4  }
0x1e3: {  	v3 =	vld [tilespmem:$0x4D00];
	v2 =	vadd.s32 v0, v2  }
0x1e4: {  	v52 =	vor.u32 $0x73, v1;
	_ =	sdelay $0x3  }
0x1e5: {  	[tilespmem:v2+s8+$0x0] =	vst.idx.add.f32.msk $0x1ff, v3  }
0x1e6: {  	v2 =	vld.idx.msk [tilespmem:v52+s2+$0x0], $0xffff;
	_ =	sdelay $0x4  }
0x1e7: {  	v3 =	vld [tilespmem:$0x4D80];
	v2 =	vadd.s32 v0, v2  }
0x1e8: {  	v53 =	vor.u32 $0x74, v1;
	_ =	sdelay $0x3  }
0x1e9: {  	[tilespmem:v2+s8+$0x0] =	vst.idx.add.f32.msk $0x1ff, v3  }
0x1ea: {  	v2 =	vld.idx.msk [tilespmem:v53+s2+$0x0], $0xffff;
	_ =	sdelay $0x4  }
0x1eb: {  	v3 =	vld [tilespmem:$0x4E00];
	v2 =	vadd.s32 v0, v2  }
0x1ec: {  	v54 =	vor.u32 $0x75, v1;
	_ =	sdelay $0x3  }
0x1ed: {  	[tilespmem:v2+s8+$0x0] =	vst.idx.add.f32.msk $0x1ff, v3  }
0x1ee: {  	v2 =	vld.idx.msk [tilespmem:v54+s2+$0x0], $0xffff;
	_ =	sdelay $0x4  }
0x1ef: {  	v3 =	vld [tilespmem:$0x4E80];
	v2 =	vadd.s32 v0, v2  }
0x1f0: {  	v55 =	vor.u32 $0x76, v1;
	_ =	sdelay $0x3  }
0x1f1: {  	[tilespmem:v2+s8+$0x0] =	vst.idx.add.f32.msk $0x1ff, v3  }
0x1f2: {  	v2 =	vld.idx.msk [tilespmem:v55+s2+$0x0], $0xffff;
	_ =	sdelay $0x4  }
0x1f3: {  	v3 =	vld [tilespmem:$0x4F00];
	v2 =	vadd.s32 v0, v2  }
0x1f4: {  	v56 =	vor.u32 $0x77, v1;
	_ =	sdelay $0x3  }
0x1f5: {  	[tilespmem:v2+s8+$0x0] =	vst.idx.add.f32.msk $0x1ff, v3  }
0x1f6: {  	v2 =	vld.idx.msk [tilespmem:v56+s2+$0x0], $0xffff;
	_ =	sdelay $0x4  }
0x1f7: {  	v3 =	vld [tilespmem:$0x4F80];
	v2 =	vadd.s32 v0, v2  }
0x1f8: {  	v57 =	vor.u32 $0x78, v1;
	_ =	sdelay $0x3  }
0x1f9: {  	[tilespmem:v2+s8+$0x0] =	vst.idx.add.f32.msk $0x1ff, v3  }
0x1fa: {  	v2 =	vld.idx.msk [tilespmem:v57+s2+$0x0], $0xffff;
	_ =	sdelay $0x4  }
0x1fb: {  	v3 =	vld [tilespmem:$0x5000];
	v2 =	vadd.s32 v0, v2  }
0x1fc: {  	v58 =	vor.u32 $0x79, v1;
	_ =	sdelay $0x3  }
0x1fd: {  	[tilespmem:v2+s8+$0x0] =	vst.idx.add.f32.msk $0x1ff, v3  }
0x1fe: {  	v2 =	vld.idx.msk [tilespmem:v58+s2+$0x0], $0xffff;
	_ =	sdelay $0x4  }
0x1ff: {  	v3 =	vld [tilespmem:$0x5080];
	v2 =	vadd.s32 v0, v2  }
0x200: {  	v59 =	vor.u32 $0x7A, v1;
	_ =	sdelay $0x3  }
0x201: {  	[tilespmem:v2+s8+$0x0] =	vst.idx.add.f32.msk $0x1ff, v3  }
0x202: {  	v2 =	vld.idx.msk [tilespmem:v59+s2+$0x0], $0xffff;
	_ =	sdelay $0x4  }
0x203: {  	v3 =	vld [tilespmem:$0x5100];
	v2 =	vadd.s32 v0, v2  }
0x204: {  	v60 =	vor.u32 $0x7B, v1;
	_ =	sdelay $0x3  }
0x205: {  	[tilespmem:v2+s8+$0x0] =	vst.idx.add.f32.msk $0x1ff, v3  }
0x206: {  	v2 =	vld.idx.msk [tilespmem:v60+s2+$0x0], $0xffff;
	_ =	sdelay $0x4  }
0x207: {  	v3 =	vld [tilespmem:$0x5180];
	v2 =	vadd.s32 v0, v2  }
0x208: {  	v61 =	vor.u32 $0x7C, v1;
	_ =	sdelay $0x3  }
0x209: {  	[tilespmem:v2+s8+$0x0] =	vst.idx.add.f32.msk $0x1ff, v3  }
0x20a: {  	v2 =	vld.idx.msk [tilespmem:v61+s2+$0x0], $0xffff;
	_ =	sdelay $0x4  }
0x20b: {  	v3 =	vld [tilespmem:$0x5200];
	v2 =	vadd.s32 v0, v2  }
0x20c: {  	v62 =	vor.u32 $0x7D, v1;
	_ =	sdelay $0x3  }
0x20d: {  	[tilespmem:v2+s8+$0x0] =	vst.idx.add.f32.msk $0x1ff, v3  }
0x20e: {  	v2 =	vld.idx.msk [tilespmem:v62+s2+$0x0], $0xffff;
	_ =	sdelay $0x4  }
0x20f: {  	v3 =	vld [tilespmem:$0x5280];
	v2 =	vadd.s32 v0, v2  }
0x210: {  	v63 =	vor.u32 $0x7E, v1;
	_ =	sdelay $0x3  }
0x211: {  	[tilespmem:v2+s8+$0x0] =	vst.idx.add.f32.msk $0x1ff, v3  }
0x212: {  	v2 =	vld.idx.msk [tilespmem:v63+s2+$0x0], $0xffff;
	_ =	sdelay $0x4  }
0x213: {  	v3 =	vld [tilespmem:$0x5300];
	v2 =	vadd.s32 v0, v2  }
0x214: {  	v1 =	vor.u32 $0x7F, v1;
	_ =	sdelay $0x3  }
0x215: {  	[tilespmem:v2+s8+$0x0] =	vst.idx.add.f32.msk $0x1ff, v3  }
0x216: {  	v1 =	vld.idx.msk [tilespmem:v1+s2+$0x0], $0xffff;
	_ =	sdelay $0x4  }
0x217: {  	p0 =	sne.s32 s13, $0x27;
	v2 =	vld [tilespmem:$0x5380];
	v1 =	vadd.s32 v0, v1  }
.Ltmp0:
0x218: {  	_ = 	snop;
	(pc) =	sbr.rel @p0 .LBB2_2-.Ltmp0, $2  }
0x219: {  	_ =	sdelay $0x2  }
0x21a: {  	s12 =	sadd.s32 $0x800, s12;
	s13 =	sadd.s32 $0x1, s13;
	[tilespmem:v1+s8+$0x0] =	vst.idx.add.f32.msk $0x1ff, v2  }
0x21b: {  	s11 =	sadd.s32 $0x1, s11  }
0x21c: {  	p0 =	sne.s32 s11, s6  }
.Ltmp1:
0x21d: {  	_ = 	snop;
	(pc) =	sbr.rel @p0 .LBB2_1-.Ltmp1, $4  }
0x21e: {  	[hbm4b:s5+s2] =	stream.linear.scatter [tilespmem:s8], [sflag:$0x1], $0x16000, $0x38;
	[tilespmem:$0x1B400] =	vst v63  }
0x21f: {  	_ =	swait.ge [sflag:s9], $0x16000  }
0x220: {  	[sflag:s9] =	ssyncset.done $0x0  }
0x221: {  	[sflag:s9] =	ssyncadd.s32 $0xFFFEA000  }
0x222: {  	_ =	sfence.sel $0x180000  }
0x223: {  	[bflag:$0x0] =	sbarrier.arrive $0xFFFF  }
0x224: {  	p0 =	sne.s32 s1, $0x0;
	_ =	strace $0x9000004A  }
0x225: {  	s0 =	sadd.s32 @!p0 $0x100000, s0;
	[bflag:$0x2] =	sbarrier.arrive $0xFFFF  }
0x226: {  	[sflag:s0] =	ssyncadd.tile.s32 @!p0 $0x1;
	_ =	shalt  }
.Lfunc_end2:
_tile_overlayer_lowered:
.L_overlay_start_2:
0x227: {  	(tag) =	ssettag $0x2  }
0x228: {  	s0 =	rddreg [dreg:$0x0];
	s2 =	stileid.u32  }
0x229: {  	s1 =	rddreg [dreg:$0x1];
	p0 =	sne.s32 s2, $0x0  }
0x22a: {  	s3 =	rddreg [dreg:$0x2];
	[bflag:$0x3] =	sbarrier.arrive $0xFFFF;
	s2 =	simm.s32 @!p0 $0x1C01  }
0x22b: {  	[timem:s3], [sflag:s2] =	dma.local @!p0 [hbm:s0], s1  }
0x22c: {  	s0 =	simm.s32 @!p0 $0x1  }
0x22d: {  	_ =	swait.ge @!p0 [sflag:s0], s1  }
0x22e: {  	s1 =	ssub.s32 @!p0 $0x0, s1;
	[sflag:s0] =	ssyncset.done @!p0 $0x0  }
0x22f: {  	[sflag:s0] =	ssyncadd.s32 @!p0 s1  }
0x230: {  	[bflag:$0x3] =	sbarrier.arrive $0xFFFF  }
0x231: {  	_ =	shalt  }

// kernel: kernel.16.cloned.1.call-start
scs
__scs_entry_jumppad:
0x0: {  	(pc) =	sbr.rel $0x88, $3  }
0x1: {  	(tag) =	ssettag $0x0;
	lr =	simm.s32 $0x1  }
0x2: {  	[smem:$0x3F89] =	sst lr;
	_ =	strace $0xD0000000  }
0x3: {  	_ = 	snop  }
0x4: {  	_ = 	snop  }
0x5: {  	_ = 	snop  }
0x6: {  	_ = 	snop  }
0x7: {  	_ = 	snop  }
__scs_overlays_trampoline_lowered:
0x8: {  	[smem:$0x3F98] =	sst s0  }
0x9: {  	[smem:$0x3F99] =	sst s1  }
0xa: {  	[smem:$0x3F9A] =	sst s2  }
0xb: {  	[smem:$0x3F9B] =	sst s3  }
0xc: {  	[smem:$0x3F9C] =	sst s4  }
0xd: {  	[smem:$0x3F9D] =	sst s5  }
0xe: {  	[smem:$0x3F9E] =	sst s6  }
0xf: {  	[smem:$0x3F9F] =	sst s7  }
0x10: {  	[smem:$0x3FA0] =	sst s8  }
0x11: {  	[smem:$0x3FA1] =	sst s9;
	s0 =	simm.s32 @!p0 $0x0  }
0x12: {  	s1 =	sld [smem:$0x3F87];
	s0 =	simm.s32 @p0 $0x1  }
0x13: {  	[smem:$0x3FA2] =	sst s0;
	s0 =	simm.s32 @!p1 $0x0  }
0x14: {  	s2 =	sld [smem:$0x3F86];
	s0 =	simm.s32 @p1 $0x1  }
0x15: {  	[smem:$0x3FA3] =	sst s0;
	s0 =	simm.s32 @!p2 $0x0  }
0x16: {  	s3 =	sld [smem:$0x3FDB];
	s0 =	simm.s32 @p2 $0x1  }
0x17: {  	s4 =	simm.s32 $0x1BF5;
	[smem:$0x3FA5] =	sst s0  }
0x18: {  	s0 =	sld [smem:$0x3F88];
	_ =	swait.ge [sflag:s4], $0x0  }
0x19: {  	s7 =	sld [smem:$0x3F89]  }
0x1a: {  	s8 =	sadd.s32 $0xFFFFE003, lr  }
0x1b: {  	s9 =	sadd.s32 $0xFFFFFEF7, lr;
	s5 =	simm.s32 $0xFFFFFFFF;
	p2 =	slt.u32 s8, $0xFFFFF086  }
0x1c: {  	p1 =	slt.u32 s9, $0xF7A;
	s5 =	simm.s32 @!p2 $0x0  }
0x1d: {  	s5 =	simm.s32 @p1 $0x1;
	p0 =	seq.s32 s7, s2  }
0x1e: {  	s7 =	smul.u32 @!p0 $0xF7A, s2;
	p2 =	seq.s32 @!p0 s5, $0x0  }
0x1f: {  	s9 =	smul.u32 $0xF7A, s1;
	s8 =	simm.s32 @!p0 $0x1BF5;
	p2 =	por !p2, p0  }
0x20: {  	[sflag:s8] =	ssyncset.s32 @!p0 $0xFFFFF086;
	s6 =	sadd.s32 @!p0 s3, s7;
	s7 =	simm.s32 @!p0 $0x108  }
0x21: {  	s3 =	sadd.s32 s3, s9;
	s6 =	sadd.s32 @!p0 $0x88, s6;
	s7 =	simm.s32 @p2 $0x1082  }
0x22: {  	[simem:s7], [sflag:s8] =	dma.local @!p0 [hbm:s6], $0xF7A  }
0x23: {  	s9 =	sor.u32 $0xD0000000, s2;
	s6 =	simm.s32 $0x108;
	_ =	swait.ge @!p0 [sflag:s8], $0x0  }
0x24: {  	s3 =	sadd.s32 $0x88, s3;
	s6 =	simm.s32 @!p1 $0x1082;
	[sflag:s4] =	ssyncset.s32 $0xFFFFF086  }
0x25: {  	[simem:s6], [sflag:s4] =	dma.local [hbm:s3], $0xF7A  }
0x26: {  	[smem:$0x3F89] =	sst s1;
	(tag) =	ssettag s2;
	_ =	strace s9  }
0x27: {  	s1 =	sld [smem:$0x3F99]  }
0x28: {  	s2 =	sld [smem:$0x3F9A]  }
0x29: {  	s4 =	sld [smem:$0x3F9C]  }
0x2a: {  	p0 =	seq.s32 s5, $0x0;
	s5 =	sld [smem:$0x3F9D]  }
0x2b: {  	s6 =	sld [smem:$0x3F9E]  }
0x2c: {  	s7 =	sld [smem:$0x3F9F]  }
0x2d: {  	s3 =	simm.s32 $0x108;
	s8 =	sld [smem:$0x3FA0]  }
0x2e: {  	s3 =	simm.s32 @!p0 $0x1082;
	s9 =	sld [smem:$0x3FA1]  }
0x2f: {  	lr =	sadd.s32 s0, s3;
	s0 =	sld [smem:$0x3F98]  }
0x30: {  	s3 =	sld [smem:$0x3F9B]  }
0x31: {  	[smem:$0x3FA4] =	sst s10  }
0x32: {  	s10 =	sld [smem:$0x3FA2];
	_ =	sdelay $0x3  }
0x33: {  	p0 =	seq.s32 s10, $0x1;
	s10 =	sld [smem:$0x3FA4];
	_ =	sdelay $0x3  }
0x34: {  	[smem:$0x3FA4] =	sst s10  }
0x35: {  	s10 =	sld [smem:$0x3FA3];
	_ =	sdelay $0x3  }
0x36: {  	p1 =	seq.s32 s10, $0x1;
	s10 =	sld [smem:$0x3FA4];
	_ =	sdelay $0x3  }
0x37: {  	[smem:$0x3FA4] =	sst s10  }
0x38: {  	s10 =	sld [smem:$0x3FA5]  }
0x39: {  	_ = 	snop;
	(pc) =	sbr.ind lr, $3  }
0x3a: {  	_ = 	snop  }
0x3b: {  	_ = 	snop  }
0x3c: {  	p2 =	seq.s32 s10, $0x1;
	s10 =	sld [smem:$0x3FA4]  }
0x3d: {  	_ =	shalt  }
0x3e: {  	_ =	shalt  }
0x3f: {  	_ =	shalt  }
0x40: {  	_ =	shalt  }
0x41: {  	_ =	shalt  }
0x42: {  	_ =	shalt  }
0x43: {  	_ =	shalt  }
0x44: {  	_ =	shalt  }
0x45: {  	_ =	shalt  }
0x46: {  	_ =	shalt  }
0x47: {  	_ =	shalt  }
0x48: {  	_ =	shalt  }
0x49: {  	_ =	shalt  }
0x4a: {  	_ =	shalt  }
0x4b: {  	_ =	shalt  }
0x4c: {  	_ =	shalt  }
0x4d: {  	_ =	shalt  }
0x4e: {  	_ =	shalt  }
0x4f: {  	_ =	shalt  }
0x50: {  	_ =	shalt  }
0x51: {  	_ =	shalt  }
0x52: {  	_ =	shalt  }
0x53: {  	_ =	shalt  }
0x54: {  	_ =	shalt  }
0x55: {  	_ =	shalt  }
0x56: {  	_ =	shalt  }
0x57: {  	_ =	shalt  }
0x58: {  	_ =	shalt  }
0x59: {  	_ =	shalt  }
0x5a: {  	_ =	shalt  }
0x5b: {  	_ =	shalt  }
0x5c: {  	_ =	shalt  }
0x5d: {  	_ =	shalt  }
0x5e: {  	_ =	shalt  }
0x5f: {  	_ =	shalt  }
0x60: {  	_ =	shalt  }
0x61: {  	_ =	shalt  }
0x62: {  	_ =	shalt  }
0x63: {  	_ =	shalt  }
0x64: {  	_ =	shalt  }
0x65: {  	_ =	shalt  }
0x66: {  	_ =	shalt  }
0x67: {  	_ =	shalt  }
0x68: {  	_ =	shalt  }
0x69: {  	_ =	shalt  }
0x6a: {  	_ =	shalt  }
0x6b: {  	_ =	shalt  }
0x6c: {  	_ =	shalt  }
0x6d: {  	_ =	shalt  }
0x6e: {  	_ =	shalt  }
0x6f: {  	_ =	shalt  }
0x70: {  	_ =	shalt  }
0x71: {  	_ =	shalt  }
0x72: {  	_ =	shalt  }
0x73: {  	_ =	shalt  }
0x74: {  	_ =	shalt  }
0x75: {  	_ =	shalt  }
0x76: {  	_ =	shalt  }
0x77: {  	_ =	shalt  }
0x78: {  	_ =	shalt  }
0x79: {  	_ =	shalt  }
0x7a: {  	_ =	shalt  }
0x7b: {  	_ =	shalt  }
0x7c: {  	_ =	shalt  }
0x7d: {  	_ =	shalt  }
0x7e: {  	_ =	shalt  }
0x7f: {  	_ =	shalt  }
0x80: {  	_ =	shalt  }
0x81: {  	_ =	shalt  }
0x82: {  	_ =	shalt  }
0x83: {  	_ =	shalt  }
0x84: {  	_ =	shalt  }
0x85: {  	_ =	shalt  }
0x86: {  	_ =	shalt  }
0x87: {  	_ =	shalt  }
.Lfunc_end0:
.L_simem_size_0:
called_computation.2_lowered:
.L_overlay_start_0:
0x88: {  	s2 =	sld [smem:$0x3FD9]  }
0x89: {  	s3 =	sld [smem:$0x3FFE];
	_ =	sdelay $0x1  }
0x8a: {  	s1 =	srdreg.scid  }
0x8b: {  	s0 =	sand.u32 $0x1, s1  }
0x8c: {  	s16 =	sshll.u32 s0, $0xA;
	s2 =	sadd.s32 s3, s2  }
0x8d: {  	s2 =	sadd.s32 s2, s16  }
0x8e: {  	[smem:$0x3FB0] =	sst s2  }
0x8f: {  	_ = 	snop  }
0x90: {  	(tm) =	ssettm $0x1  }
0x91: {  	s17 =	sld [smem:$0x3FFB];
	_ =	sdelay $0x3  }
0x92: {  	_ =	strace s17  }
0x93: {  	s2 =	sld [smem:$0x3FFC];
	_ =	sdelay $0x3  }
0x94: {  	_ =	strace s2  }
0x95: {  	s2 =	sld [smem:$0x3FFD];
	_ =	sdelay $0x3  }
0x96: {  	_ =	strace s2  }
0x97: {  	_ =	strace $0x8FFFFFFF  }
0x98: {  	s18 =	sld [smem:$0x3FDB];
	_ =	sdelay $0x1  }
0x99: {  	s19 =	simm.s32 $_scs_section_size  }
0x9a: {  	s4 =	simm.s32 $_size__tile_overlayer_lowered;
	s5 =	simm.s32 $_tile_overlayer_lowered  }
0x9b: {  	s22 =	simm.s32 $0x1BFF;
	s21 =	sshll.u32 s5, $0x1;
	s2 =	sadd.s32 s19, s18  }
0x9c: {  	s6 =	simm.s32 $0x0;
	s20 =	sshll.u32 s4, $0x1;
	s4 =	sadd.s32 s21, s2  }
0x9d: {  	[timem:s6], [sflag:s22] =	dma.local [hbm:s4], s20  }
0x9e: {  	_ =	swait.ge [sflag:s22], s20  }
0x9f: {  	s3 =	ssub.s32 $0x0, s20;
	[sflag:s22] =	ssyncset.done $0x0  }
0xa0: {  	[sflag:s22] =	ssyncadd.s32 s3;
	_ =	sdelay $0x1  }
0xa1: {  	s23 =	simm.s32 $0x1B8B  }
0xa2: {  	_ =	swait.ge [sflag:s23], $0x1  }
0xa3: {  	[sflag:s23] =	ssyncset.done $0x0  }
0xa4: {  	s25 =	simm.s32 $0x1B8E;
	s24 =	sld [smem:$0x3FFE];
	[sflag:s23] =	ssyncadd.s32 $0xFFFFFFFF  }
0xa5: {  	s26 =	simm.s32 $execute0_lowered;
	[smem:$0x3FD2] =	sst s25  }
0xa6: {  	s4 =	sshll.u32 s26, $0x1;
	_ =	strace $0x8000004C;
	[dreg:$0x1] =	wrdreg $0xFFFFFFFF  }
0xa7: {  	s28 =	simm.s32 $_size_execute0_lowered;
	s2 =	sadd.s32 s2, s4;
	[dreg:$0x0] =	wrdreg $0x0  }
0xa8: {  	s4 =	sshll.u32 s28, $0x1;
	[dreg:$0x2] =	wrdreg s2  }
0xa9: {  	[dreg:$0x3] =	wrdreg s4  }
0xaa: {  	[dreg:$0x4] =	wrdreg $0xC0  }
0xab: {  	_ =	task [dreg:s6], $0x5FFFF  }
0xac: {  	[dreg:$0x1] =	wrdreg $0xFFFFFFFF  }
0xad: {  	[dreg:$0x0] =	wrdreg $0x60  }
0xae: {  	[dreg:$0x2] =	wrdreg s24  }
0xaf: {  	[dreg:$0x3] =	wrdreg $0x9  }
0xb0: {  	_ =	task.clear_ibuf [dreg:s6], $0x4FFFF;
	_ =	strace $0x9000004C  }
0xb1: {  	s29 =	simm.s32 $0x9;
	_ =	strace $0x8000004E  }
0xb2: {  	_ =	swait.ge [sflag:s29], $0x1  }
0xb3: {  	[sflag:s29] =	ssyncadd.s32 $0xFFFFFFFF  }
0xb4: {  	_ =	strace $0x9000004E  }
0xb5: {  	_ =	sfence  }
0xb6: {  	s30 =	sld [smem:$0x0];
	_ =	sdelay $0x2  }
0xb7: {  	s31 =	sshll.u32 s1, $0xD;
	s1 =	sshrl.u32 s1, $0x2  }
0xb8: {  	s3 =	sand.u32 $0x4000, s31;
	s1 =	sadd.s32 s1, s30  }
0xb9: {  	s0 =	sor.u32 s3, s0;
	s1 =	sshll.u32 s1, $0x11  }
0xba: {  	s0 =	sor.u32 s1, s0  }
0xbb: {  	s0 =	sadd.s32 $0x8F2B, s0  }
0xbc: {  	[sflag:s0] =	ssyncadd.remote.s32 $0x1  }
0xbd: {  	_ =	sfence.sel $0xFFFF  }
0xbe: {  	[dreg:$0x0] =	wrdreg $0xFFFFFFFF;
	(pc) =	sbr.abs _section_cstart, $3  }
0xbf: {  	[dreg:$0x1] =	wrdreg $0xFFFFFFFF  }
0xc0: {  	_ =	task.clear_ibuf [dreg:s6], $0x2FFFF;
	_ =	strace $0x9FFFFFFF  }
0xc1: {  	(tm) =	ssettm $0x7FFFFFFF  }
tec
execute0_lowered:
.L_overlay_start_1:
0x0: {  	(tag) =	ssettag $0x1  }
0x1: {  	s1 =	srdreg.scid  }
0x2: {  	s0 =	stileid.u32;
	s4 =	rddreg [dreg:$0x0];
	s2 =	simm.s32 $0x0  }
0x3: {  	s11 =	simm.s32 $0x0;
	s5 =	sand.u32 $0x1, s1;
	s1 =	rddreg [dreg:$0x1]  }
0x4: {  	s3 =	sshll.u32 s0, $0x1;
	[smem:$0x7FF] =	sst s2;
	s7 =	smul.u32 $0x28000, s0  }
0x5: {  	s3 =	sor.u32 s5, s3;
	_ =	strace $0x8000004D;
	s10 =	smul.u32 $0x14000, s5  }
0x6: {  	s8 =	ssub.s32 $0x2, s5;
	s6 =	smul.u32 $0x280, s3;
	s3 =	sadd.s32 $0xCC00, s4  }
0x7: {  	s9 =	sshrl.u32 s8, $0x1;
	s30 =	sadd.s32 s7, s4;
	s7 =	simm.s32 $0x2  }
0x8: {  	s31 =	ssub.s32 s8, s9;
	s8 =	simm.s32 $0x80;
	s9 =	simm.s32 $0x1400  }
0x9: {  	s29 =	sadd.s32 s6, s4;
	s5 =	smax.u32 s31, $0x1;
	s6 =	sadd.s32 s10, s30  }
0xa: {  	s10 =	simm.s32 $0x1;
	s4 =	sadd.s32 $0x5000, s29;
	s6 =	sadd.s32 $0x33E00, s6  }
.LBB2_1:
0xb: {  	[tilespmem:s2], [sflag:$0x2] =	stream.linear.gather [hbm4b:s4+s2], $0x1400, $0x38;
	[tilespmem:$0x5400] =	vst v63  }
0xc: {  	_ =	swait.ge [sflag:s7], $0x1400  }
0xd: {  	[sflag:s7] =	ssyncset.done $0x0  }
0xe: {  	s12 =	simm.s32 $0x0;
	[sflag:s7] =	ssyncadd.s32 $0xFFFFEC00  }
0xf: {  	[tilespmem:s9], [sflag:$0x1] =	stream.indirect.gather [hbm4b:s3+s8], $0x80, s12, s8, $0xb8;
	[tilespmem:$0x5400] =	vst v63  }
0x10: {  	_ =	swait.ge [sflag:s10], $0x4000  }
0x11: {  	[sflag:s10] =	ssyncset.done $0x0  }
0x12: {  	[sflag:s10] =	ssyncadd.s32 $0xFFFFC000  }
0x13: {  	[hbm4b:s6+s2] =	stream.linear.scatter [tilespmem:s9], [sflag:$0x2], $0x4000, $0x38;
	[tilespmem:$0x5400] =	vst v63  }
0x14: {  	s13 =	simm.s32 $0x200;
	_ =	swait.ge [sflag:s7], $0x4000  }
0x15: {  	s14 =	simm.s32 $0x400;
	s12 =	sadd.s32 $0x800, s6;
	[sflag:s7] =	ssyncset.done $0x0  }
.LBB2_2:
0x16: {  	s15 =	sshra.s32 s13, $0x2  }
0x17: {  	[sflag:s7] =	ssyncadd.s32 $0xFFFFC000;
	s13 =	smov.u32 s14;
	s16 =	sadd.s32 $0x200, s14  }
0x18: {  	[tilespmem:s9], [sflag:$0x1] =	stream.indirect.gather [hbm4b:s3+s8], $0x80, s15, s8, $0xb8;
	[tilespmem:$0x5400] =	vst v63  }
0x19: {  	p0 =	sne.s32 s14, $0x4E00;
	_ =	swait.ge [sflag:s10], $0x4000  }
.Ltmp0:
0x1a: {  	[sflag:s10] =	ssyncset.done $0x0;
	(pc) =	sbr.rel @p0 .LBB2_2-.Ltmp0, $4  }
0x1b: {  	[sflag:s10] =	ssyncadd.s32 $0xFFFFC000  }
0x1c: {  	[hbm4b:s12+s2] =	stream.linear.scatter [tilespmem:s9], [sflag:$0x2], $0x4000, $0x38;
	[tilespmem:$0x5400] =	vst v63  }
0x1d: {  	_ =	swait.ge [sflag:s7], $0x4000  }
0x1e: {  	s14 =	smov.u32 s16;
	s12 =	sadd.s32 $0x800, s12;
	[sflag:s7] =	ssyncset.done $0x0  }
0x1f: {  	s13 =	sshra.s32 s13, $0x2;
	[sflag:s7] =	ssyncadd.s32 $0xFFFFC000  }
0x20: {  	[tilespmem:s9], [sflag:$0x1] =	stream.indirect.gather [hbm4b:s3+s8], $0x80, s13, s8, $0xb8;
	[tilespmem:$0x5400] =	vst v63  }
0x21: {  	s11 =	sadd.s32 $0x1, s11;
	_ =	swait.ge [sflag:s10], $0x4000  }
0x22: {  	p0 =	sne.s32 s11, s5;
	[sflag:s10] =	ssyncset.done $0x0  }
.Ltmp1:
0x23: {  	[sflag:s10] =	ssyncadd.s32 $0xFFFFC000;
	(pc) =	sbr.rel @p0 .LBB2_1-.Ltmp1, $4  }
0x24: {  	[hbm4b:s12+s2] =	stream.linear.scatter [tilespmem:s9], [sflag:$0x2], $0x4000, $0x38;
	[tilespmem:$0x5400] =	vst v63  }
0x25: {  	_ =	swait.ge [sflag:s7], $0x4000  }
0x26: {  	[sflag:s7] =	ssyncset.done $0x0  }
0x27: {  	[sflag:s7] =	ssyncadd.s32 $0xFFFFC000  }
0x28: {  	_ =	sfence.sel $0x180000  }
0x29: {  	[bflag:$0x0] =	sbarrier.arrive $0xFFFF  }
0x2a: {  	p0 =	sne.s32 s0, $0x0;
	_ =	strace $0x9000004D  }
0x2b: {  	s0 =	sadd.s32 @!p0 $0x100000, s1;
	[bflag:$0x2] =	sbarrier.arrive $0xFFFF  }
0x2c: {  	[sflag:s0] =	ssyncadd.tile.s32 @!p0 $0x1;
	_ =	shalt  }
.Lfunc_end2:
_tile_overlayer_lowered:
.L_overlay_start_2:
0x2d: {  	(tag) =	ssettag $0x2  }
0x2e: {  	s0 =	rddreg [dreg:$0x0];
	s2 =	stileid.u32  }
0x2f: {  	s1 =	rddreg [dreg:$0x1];
	p0 =	sne.s32 s2, $0x0  }
0x30: {  	s3 =	rddreg [dreg:$0x2];
	[bflag:$0x3] =	sbarrier.arrive $0xFFFF;
	s2 =	simm.s32 @!p0 $0x1C02  }
0x31: {  	[timem:s3], [sflag:s2] =	dma.local @!p0 [hbm:s0], s1  }
0x32: {  	s0 =	simm.s32 @!p0 $0x2  }
0x33: {  	_ =	swait.ge @!p0 [sflag:s0], s1  }
0x34: {  	s1 =	ssub.s32 @!p0 $0x0, s1;
	[sflag:s0] =	ssyncset.done @!p0 $0x0  }
0x35: {  	[sflag:s0] =	ssyncadd.s32 @!p0 s1  }
0x36: {  	[bflag:$0x3] =	sbarrier.arrive $0xFFFF  }
0x37: {  	_ =	shalt  }

// kernel: kernel.19.cloned.1.call-start
scs
__scs_entry_jumppad:
0x0: {  	(pc) =	sbr.rel $0x88, $3  }
0x1: {  	(tag) =	ssettag $0x0;
	lr =	simm.s32 $0x1  }
0x2: {  	[smem:$0x3F89] =	sst lr;
	_ =	strace $0xD0000000  }
0x3: {  	_ = 	snop  }
0x4: {  	_ = 	snop  }
0x5: {  	_ = 	snop  }
0x6: {  	_ = 	snop  }
0x7: {  	_ = 	snop  }
__scs_overlays_trampoline_lowered:
0x8: {  	[smem:$0x3F98] =	sst s0  }
0x9: {  	[smem:$0x3F99] =	sst s1  }
0xa: {  	[smem:$0x3F9A] =	sst s2  }
0xb: {  	[smem:$0x3F9B] =	sst s3  }
0xc: {  	[smem:$0x3F9C] =	sst s4  }
0xd: {  	[smem:$0x3F9D] =	sst s5  }
0xe: {  	[smem:$0x3F9E] =	sst s6  }
0xf: {  	[smem:$0x3F9F] =	sst s7  }
0x10: {  	[smem:$0x3FA0] =	sst s8  }
0x11: {  	[smem:$0x3FA1] =	sst s9;
	s0 =	simm.s32 @!p0 $0x0  }
0x12: {  	s1 =	sld [smem:$0x3F87];
	s0 =	simm.s32 @p0 $0x1  }
0x13: {  	[smem:$0x3FA2] =	sst s0;
	s0 =	simm.s32 @!p1 $0x0  }
0x14: {  	s2 =	sld [smem:$0x3F86];
	s0 =	simm.s32 @p1 $0x1  }
0x15: {  	[smem:$0x3FA3] =	sst s0;
	s0 =	simm.s32 @!p2 $0x0  }
0x16: {  	s3 =	sld [smem:$0x3FDB];
	s0 =	simm.s32 @p2 $0x1  }
0x17: {  	s4 =	simm.s32 $0x1BF5;
	[smem:$0x3FA5] =	sst s0  }
0x18: {  	s0 =	sld [smem:$0x3F88];
	_ =	swait.ge [sflag:s4], $0x0  }
0x19: {  	s7 =	sld [smem:$0x3F89]  }
0x1a: {  	s8 =	sadd.s32 $0xFFFFE003, lr  }
0x1b: {  	s9 =	sadd.s32 $0xFFFFFEF7, lr;
	s5 =	simm.s32 $0xFFFFFFFF;
	p2 =	slt.u32 s8, $0xFFFFF086  }
0x1c: {  	p1 =	slt.u32 s9, $0xF7A;
	s5 =	simm.s32 @!p2 $0x0  }
0x1d: {  	s5 =	simm.s32 @p1 $0x1;
	p0 =	seq.s32 s7, s2  }
0x1e: {  	s7 =	smul.u32 @!p0 $0xF7A, s2;
	p2 =	seq.s32 @!p0 s5, $0x0  }
0x1f: {  	s9 =	smul.u32 $0xF7A, s1;
	s8 =	simm.s32 @!p0 $0x1BF5;
	p2 =	por !p2, p0  }
0x20: {  	[sflag:s8] =	ssyncset.s32 @!p0 $0xFFFFF086;
	s6 =	sadd.s32 @!p0 s3, s7;
	s7 =	simm.s32 @!p0 $0x108  }
0x21: {  	s3 =	sadd.s32 s3, s9;
	s6 =	sadd.s32 @!p0 $0x88, s6;
	s7 =	simm.s32 @p2 $0x1082  }
0x22: {  	[simem:s7], [sflag:s8] =	dma.local @!p0 [hbm:s6], $0xF7A  }
0x23: {  	s9 =	sor.u32 $0xD0000000, s2;
	s6 =	simm.s32 $0x108;
	_ =	swait.ge @!p0 [sflag:s8], $0x0  }
0x24: {  	s3 =	sadd.s32 $0x88, s3;
	s6 =	simm.s32 @!p1 $0x1082;
	[sflag:s4] =	ssyncset.s32 $0xFFFFF086  }
0x25: {  	[simem:s6], [sflag:s4] =	dma.local [hbm:s3], $0xF7A  }
0x26: {  	[smem:$0x3F89] =	sst s1;
	(tag) =	ssettag s2;
	_ =	strace s9  }
0x27: {  	s1 =	sld [smem:$0x3F99]  }
0x28: {  	s2 =	sld [smem:$0x3F9A]  }
0x29: {  	s4 =	sld [smem:$0x3F9C]  }
0x2a: {  	p0 =	seq.s32 s5, $0x0;
	s5 =	sld [smem:$0x3F9D]  }
0x2b: {  	s6 =	sld [smem:$0x3F9E]  }
0x2c: {  	s7 =	sld [smem:$0x3F9F]  }
0x2d: {  	s3 =	simm.s32 $0x108;
	s8 =	sld [smem:$0x3FA0]  }
0x2e: {  	s3 =	simm.s32 @!p0 $0x1082;
	s9 =	sld [smem:$0x3FA1]  }
0x2f: {  	lr =	sadd.s32 s0, s3;
	s0 =	sld [smem:$0x3F98]  }
0x30: {  	s3 =	sld [smem:$0x3F9B]  }
0x31: {  	[smem:$0x3FA4] =	sst s10  }
0x32: {  	s10 =	sld [smem:$0x3FA2];
	_ =	sdelay $0x3  }
0x33: {  	p0 =	seq.s32 s10, $0x1;
	s10 =	sld [smem:$0x3FA4];
	_ =	sdelay $0x3  }
0x34: {  	[smem:$0x3FA4] =	sst s10  }
0x35: {  	s10 =	sld [smem:$0x3FA3];
	_ =	sdelay $0x3  }
0x36: {  	p1 =	seq.s32 s10, $0x1;
	s10 =	sld [smem:$0x3FA4];
	_ =	sdelay $0x3  }
0x37: {  	[smem:$0x3FA4] =	sst s10  }
0x38: {  	s10 =	sld [smem:$0x3FA5]  }
0x39: {  	_ = 	snop;
	(pc) =	sbr.ind lr, $3  }
0x3a: {  	_ = 	snop  }
0x3b: {  	_ = 	snop  }
0x3c: {  	p2 =	seq.s32 s10, $0x1;
	s10 =	sld [smem:$0x3FA4]  }
0x3d: {  	_ =	shalt  }
0x3e: {  	_ =	shalt  }
0x3f: {  	_ =	shalt  }
0x40: {  	_ =	shalt  }
0x41: {  	_ =	shalt  }
0x42: {  	_ =	shalt  }
0x43: {  	_ =	shalt  }
0x44: {  	_ =	shalt  }
0x45: {  	_ =	shalt  }
0x46: {  	_ =	shalt  }
0x47: {  	_ =	shalt  }
0x48: {  	_ =	shalt  }
0x49: {  	_ =	shalt  }
0x4a: {  	_ =	shalt  }
0x4b: {  	_ =	shalt  }
0x4c: {  	_ =	shalt  }
0x4d: {  	_ =	shalt  }
0x4e: {  	_ =	shalt  }
0x4f: {  	_ =	shalt  }
0x50: {  	_ =	shalt  }
0x51: {  	_ =	shalt  }
0x52: {  	_ =	shalt  }
0x53: {  	_ =	shalt  }
0x54: {  	_ =	shalt  }
0x55: {  	_ =	shalt  }
0x56: {  	_ =	shalt  }
0x57: {  	_ =	shalt  }
0x58: {  	_ =	shalt  }
0x59: {  	_ =	shalt  }
0x5a: {  	_ =	shalt  }
0x5b: {  	_ =	shalt  }
0x5c: {  	_ =	shalt  }
0x5d: {  	_ =	shalt  }
0x5e: {  	_ =	shalt  }
0x5f: {  	_ =	shalt  }
0x60: {  	_ =	shalt  }
0x61: {  	_ =	shalt  }
0x62: {  	_ =	shalt  }
0x63: {  	_ =	shalt  }
0x64: {  	_ =	shalt  }
0x65: {  	_ =	shalt  }
0x66: {  	_ =	shalt  }
0x67: {  	_ =	shalt  }
0x68: {  	_ =	shalt  }
0x69: {  	_ =	shalt  }
0x6a: {  	_ =	shalt  }
0x6b: {  	_ =	shalt  }
0x6c: {  	_ =	shalt  }
0x6d: {  	_ =	shalt  }
0x6e: {  	_ =	shalt  }
0x6f: {  	_ =	shalt  }
0x70: {  	_ =	shalt  }
0x71: {  	_ =	shalt  }
0x72: {  	_ =	shalt  }
0x73: {  	_ =	shalt  }
0x74: {  	_ =	shalt  }
0x75: {  	_ =	shalt  }
0x76: {  	_ =	shalt  }
0x77: {  	_ =	shalt  }
0x78: {  	_ =	shalt  }
0x79: {  	_ =	shalt  }
0x7a: {  	_ =	shalt  }
0x7b: {  	_ =	shalt  }
0x7c: {  	_ =	shalt  }
0x7d: {  	_ =	shalt  }
0x7e: {  	_ =	shalt  }
0x7f: {  	_ =	shalt  }
0x80: {  	_ =	shalt  }
0x81: {  	_ =	shalt  }
0x82: {  	_ =	shalt  }
0x83: {  	_ =	shalt  }
0x84: {  	_ =	shalt  }
0x85: {  	_ =	shalt  }
0x86: {  	_ =	shalt  }
0x87: {  	_ =	shalt  }
.Lfunc_end0:
.L_simem_size_0:
called_computation.3_lowered:
.L_overlay_start_0:
0x88: {  	s2 =	sld [smem:$0x3FD9]  }
0x89: {  	s3 =	sld [smem:$0x3FFE];
	_ =	sdelay $0x1  }
0x8a: {  	s1 =	srdreg.scid  }
0x8b: {  	s0 =	sand.u32 $0x1, s1  }
0x8c: {  	s16 =	sshll.u32 s0, $0xA;
	s2 =	sadd.s32 s3, s2  }
0x8d: {  	s2 =	sadd.s32 s2, s16  }
0x8e: {  	[smem:$0x3FB0] =	sst s2  }
0x8f: {  	_ = 	snop  }
0x90: {  	(tm) =	ssettm $0x1  }
0x91: {  	s17 =	sld [smem:$0x3FFB];
	_ =	sdelay $0x3  }
0x92: {  	_ =	strace s17  }
0x93: {  	s2 =	sld [smem:$0x3FFC];
	_ =	sdelay $0x3  }
0x94: {  	_ =	strace s2  }
0x95: {  	s2 =	sld [smem:$0x3FFD];
	_ =	sdelay $0x3  }
0x96: {  	_ =	strace s2  }
0x97: {  	_ =	strace $0x8FFFFFFF  }
0x98: {  	s18 =	sld [smem:$0x3FDB];
	_ =	sdelay $0x1  }
0x99: {  	s19 =	simm.s32 $_scs_section_size  }
0x9a: {  	s4 =	simm.s32 $_size__tile_overlayer_lowered;
	s5 =	simm.s32 $_tile_overlayer_lowered  }
0x9b: {  	s22 =	simm.s32 $0x1BFF;
	s21 =	sshll.u32 s5, $0x1;
	s2 =	sadd.s32 s19, s18  }
0x9c: {  	s6 =	simm.s32 $0x0;
	s20 =	sshll.u32 s4, $0x1;
	s4 =	sadd.s32 s21, s2  }
0x9d: {  	[timem:s6], [sflag:s22] =	dma.local [hbm:s4], s20  }
0x9e: {  	_ =	swait.ge [sflag:s22], s20  }
0x9f: {  	s3 =	ssub.s32 $0x0, s20;
	[sflag:s22] =	ssyncset.done $0x0  }
0xa0: {  	[sflag:s22] =	ssyncadd.s32 s3;
	_ =	sdelay $0x1  }
0xa1: {  	s23 =	simm.s32 $0x1B8B  }
0xa2: {  	_ =	swait.ge [sflag:s23], $0x1  }
0xa3: {  	[sflag:s23] =	ssyncset.done $0x0  }
0xa4: {  	s25 =	simm.s32 $0x1B8E;
	s24 =	sld [smem:$0x3FFE];
	[sflag:s23] =	ssyncadd.s32 $0xFFFFFFFF  }
0xa5: {  	s26 =	simm.s32 $execute0_lowered;
	[smem:$0x3FD2] =	sst s25  }
0xa6: {  	s4 =	sshll.u32 s26, $0x1;
	_ =	strace $0x8000004F;
	[dreg:$0x1] =	wrdreg $0xFFFFFFFF  }
0xa7: {  	s28 =	simm.s32 $_size_execute0_lowered;
	s2 =	sadd.s32 s2, s4;
	[dreg:$0x0] =	wrdreg $0x0  }
0xa8: {  	s4 =	sshll.u32 s28, $0x1;
	[dreg:$0x2] =	wrdreg s2  }
0xa9: {  	[dreg:$0x3] =	wrdreg s4  }
0xaa: {  	[dreg:$0x4] =	wrdreg $0xC0  }
0xab: {  	_ =	task [dreg:s6], $0x5FFFF  }
0xac: {  	[dreg:$0x1] =	wrdreg $0xFFFFFFFF  }
0xad: {  	[dreg:$0x0] =	wrdreg $0x60  }
0xae: {  	[dreg:$0x2] =	wrdreg s24  }
0xaf: {  	[dreg:$0x3] =	wrdreg $0x9  }
0xb0: {  	_ =	task.clear_ibuf [dreg:s6], $0x4FFFF;
	_ =	strace $0x9000004F  }
0xb1: {  	s29 =	simm.s32 $0x9;
	_ =	strace $0x80000051  }
0xb2: {  	_ =	swait.ge [sflag:s29], $0x1  }
0xb3: {  	[sflag:s29] =	ssyncadd.s32 $0xFFFFFFFF  }
0xb4: {  	_ =	strace $0x90000051  }
0xb5: {  	_ =	sfence  }
0xb6: {  	s30 =	sld [smem:$0x0];
	_ =	sdelay $0x2  }
0xb7: {  	s31 =	sshll.u32 s1, $0xD;
	s1 =	sshrl.u32 s1, $0x2  }
0xb8: {  	s3 =	sand.u32 $0x4000, s31;
	s1 =	sadd.s32 s1, s30  }
0xb9: {  	s0 =	sor.u32 s3, s0;
	s1 =	sshll.u32 s1, $0x11  }
0xba: {  	s0 =	sor.u32 s1, s0  }
0xbb: {  	s0 =	sadd.s32 $0x8F2B, s0  }
0xbc: {  	[sflag:s0] =	ssyncadd.remote.s32 $0x1  }
0xbd: {  	_ =	sfence.sel $0xFFFF  }
0xbe: {  	[dreg:$0x0] =	wrdreg $0xFFFFFFFF;
	(pc) =	sbr.abs _section_cstart, $3  }
0xbf: {  	[dreg:$0x1] =	wrdreg $0xFFFFFFFF  }
0xc0: {  	_ =	task.clear_ibuf [dreg:s6], $0x2FFFF;
	_ =	strace $0x9FFFFFFF  }
0xc1: {  	(tm) =	ssettm $0x7FFFFFFF  }
tec
execute0_lowered:
.L_overlay_start_1:
0x0: {  	(tag) =	ssettag $0x1  }
0x1: {  	s4 =	rddreg [dreg:$0x0]  }
0x2: {  	s0 =	rddreg [dreg:$0x1];
	s1 =	stileid.u32  }
0x3: {  	s3 =	srdreg.scid;
	s2 =	simm.s32 $0x0;
	s11 =	simm.s32 $0x0  }
0x4: {  	s3 =	sand.u32 $0x1, s3;
	s5 =	sshll.u32 s1, $0x1;
	[smem:$0x7FF] =	sst s2  }
0x5: {  	s6 =	smul.u32 $0x28000, s1;
	s5 =	sor.u32 s3, s5;
	_ =	strace $0x80000050  }
0x6: {  	s8 =	ssub.s32 $0x2, s3;
	s10 =	smul.u32 $0x14000, s3;
	s3 =	sadd.s32 $0xA000, s4  }
0x7: {  	s7 =	smul.u32 $0x280, s5;
	s6 =	sadd.s32 s6, s4;
	s9 =	sshrl.u32 s8, $0x1  }
0x8: {  	s5 =	smul.u32 $0x2C00, s5;
	s8 =	ssub.s32 s8, s9;
	s31 =	sadd.s32 s10, s6  }
0x9: {  	s9 =	simm.s32 $0x1;
	s10 =	simm.s32 $0x1400;
	s7 =	sadd.s32 s7, s4  }
0xa: {  	v0 =	vlaneseq.u32;
	s5 =	sadd.s32 s5, s4;
	s6 =	smax.u32 s8, $0x1;
	s8 =	simm.s32 $0x5400  }
0xb: {  	v0 =	vmul.u32 $0x2710, v0;
	s4 =	sadd.s32 $0x4FB000, s7;
	s5 =	sadd.s32 $0x500000, s5;
	s7 =	sadd.s32 $0x780000, s31  }
.LBB2_1:
0xc: {  	[tilespmem:s8], [sflag:$0x1] =	stream.linear.gather [hbm4b:s3+s2], $0x16000, $0x38;
	[tilespmem:$0x1B400] =	vst v63  }
0xd: {  	_ =	swait.ge [sflag:s9], $0x16000  }
0xe: {  	[sflag:s9] =	ssyncset.done $0x0  }
0xf: {  	[sflag:s9] =	ssyncadd.s32 $0xFFFEA000  }
0x10: {  	[tilespmem:s2], [sflag:$0x1] =	stream.linear.gather [hbm4b:s4+s2], $0x1400, $0x38;
	[tilespmem:$0x1B400] =	vst v63  }
0x11: {  	_ =	swait.ge [sflag:s9], $0x1400  }
0x12: {  	[sflag:s9] =	ssyncset.done $0x0  }
0x13: {  	s12 =	smov.u32 s7;
	s13 =	simm.s32 $0x0;
	[sflag:s9] =	ssyncadd.s32 $0xFFFFEC00  }
.LBB2_2:
0x14: {  	s14 =	sshll.u32 s13, $0x7  }
0x15: {  	v1 =	vmov s14  }
0x16: {  	[tilespmem:s10], [sflag:$0x1] =	stream.linear.gather [hbm4b:s12+s2], $0x4000, $0x38;
	[tilespmem:$0x1B400] =	vst v63  }
0x17: {  	_ =	swait.ge [sflag:s9], $0x4000  }
0x18: {  	[sflag:s9] =	ssyncset.done $0x0  }
0x19: {  	[sflag:s9] =	ssyncadd.s32 $0xFFFFC000  }
0x1a: {  	v2 =	vld.idx.msk [tilespmem:v1+s2+$0x0], $0xffff;
	_ =	sdelay $0x4  }
0x1b: {  	v3 =	vld [tilespmem:$0x1400];
	v2 =	vadd.s32 v0, v2  }
0x1c: {  	v4 =	vor.u32 $0x1, v1;
	_ =	sdelay $0x3  }
0x1d: {  	[tilespmem:v2+s8+$0x0] =	vst.idx.add.f32.msk $0x1ff, v3  }
0x1e: {  	v2 =	vld.idx.msk [tilespmem:v4+s2+$0x0], $0xffff;
	_ =	sdelay $0x4  }
0x1f: {  	v3 =	vld [tilespmem:$0x1480];
	v2 =	vadd.s32 v0, v2  }
0x20: {  	v51 =	vor.u32 $0x2, v1;
	_ =	sdelay $0x3  }
0x21: {  	[tilespmem:v2+s8+$0x0] =	vst.idx.add.f32.msk $0x1ff, v3  }
0x22: {  	v2 =	vld.idx.msk [tilespmem:v51+s2+$0x0], $0xffff;
	_ =	sdelay $0x4  }
0x23: {  	v3 =	vld [tilespmem:$0x1500];
	v2 =	vadd.s32 v0, v2  }
0x24: {  	v52 =	vor.u32 $0x3, v1;
	_ =	sdelay $0x3  }
0x25: {  	[tilespmem:v2+s8+$0x0] =	vst.idx.add.f32.msk $0x1ff, v3  }
0x26: {  	v2 =	vld.idx.msk [tilespmem:v52+s2+$0x0], $0xffff;
	_ =	sdelay $0x4  }
0x27: {  	v3 =	vld [tilespmem:$0x1580];
	v2 =	vadd.s32 v0, v2  }
0x28: {  	v53 =	vor.u32 $0x4, v1;
	_ =	sdelay $0x3  }
0x29: {  	[tilespmem:v2+s8+$0x0] =	vst.idx.add.f32.msk $0x1ff, v3  }
0x2a: {  	v2 =	vld.idx.msk [tilespmem:v53+s2+$0x0], $0xffff;
	_ =	sdelay $0x4  }
0x2b: {  	v3 =	vld [tilespmem:$0x1600];
	v2 =	vadd.s32 v0, v2  }
0x2c: {  	v54 =	vor.u32 $0x5, v1;
	_ =	sdelay $0x3  }
0x2d: {  	[tilespmem:v2+s8+$0x0] =	vst.idx.add.f32.msk $0x1ff, v3  }
0x2e: {  	v2 =	vld.idx.msk [tilespmem:v54+s2+$0x0], $0xffff;
	_ =	sdelay $0x4  }
0x2f: {  	v3 =	vld [tilespmem:$0x1680];
	v2 =	vadd.s32 v0, v2  }
0x30: {  	v55 =	vor.u32 $0x6, v1;
	_ =	sdelay $0x3  }
0x31: {  	[tilespmem:v2+s8+$0x0] =	vst.idx.add.f32.msk $0x1ff, v3  }
0x32: {  	v2 =	vld.idx.msk [tilespmem:v55+s2+$0x0], $0xffff;
	_ =	sdelay $0x4  }
0x33: {  	v3 =	vld [tilespmem:$0x1700];
	v2 =	vadd.s32 v0, v2  }
0x34: {  	v56 =	vor.u32 $0x7, v1;
	_ =	sdelay $0x3  }
0x35: {  	[tilespmem:v2+s8+$0x0] =	vst.idx.add.f32.msk $0x1ff, v3  }
0x36: {  	v2 =	vld.idx.msk [tilespmem:v56+s2+$0x0], $0xffff;
	_ =	sdelay $0x4  }
0x37: {  	v3 =	vld [tilespmem:$0x1780];
	v2 =	vadd.s32 v0, v2  }
0x38: {  	v57 =	vor.u32 $0x8, v1;
	_ =	sdelay $0x3  }
0x39: {  	[tilespmem:v2+s8+$0x0] =	vst.idx.add.f32.msk $0x1ff, v3  }
0x3a: {  	v2 =	vld.idx.msk [tilespmem:v57+s2+$0x0], $0xffff;
	_ =	sdelay $0x4  }
0x3b: {  	v3 =	vld [tilespmem:$0x1800];
	v2 =	vadd.s32 v0, v2  }
0x3c: {  	v58 =	vor.u32 $0x9, v1;
	_ =	sdelay $0x3  }
0x3d: {  	[tilespmem:v2+s8+$0x0] =	vst.idx.add.f32.msk $0x1ff, v3  }
0x3e: {  	v2 =	vld.idx.msk [tilespmem:v58+s2+$0x0], $0xffff;
	_ =	sdelay $0x4  }
0x3f: {  	v3 =	vld [tilespmem:$0x1880];
	v2 =	vadd.s32 v0, v2  }
0x40: {  	v59 =	vor.u32 $0xA, v1;
	_ =	sdelay $0x3  }
0x41: {  	[tilespmem:v2+s8+$0x0] =	vst.idx.add.f32.msk $0x1ff, v3  }
0x42: {  	v2 =	vld.idx.msk [tilespmem:v59+s2+$0x0], $0xffff;
	_ =	sdelay $0x4  }
0x43: {  	v3 =	vld [tilespmem:$0x1900];
	v2 =	vadd.s32 v0, v2  }
0x44: {  	v60 =	vor.u32 $0xB, v1;
	_ =	sdelay $0x3  }
0x45: {  	[tilespmem:v2+s8+$0x0] =	vst.idx.add.f32.msk $0x1ff, v3  }
0x46: {  	v2 =	vld.idx.msk [tilespmem:v60+s2+$0x0], $0xffff;
	_ =	sdelay $0x4  }
0x47: {  	v3 =	vld [tilespmem:$0x1980];
	v2 =	vadd.s32 v0, v2  }
0x48: {  	v61 =	vor.u32 $0xC, v1;
	_ =	sdelay $0x3  }
0x49: {  	[tilespmem:v2+s8+$0x0] =	vst.idx.add.f32.msk $0x1ff, v3  }
0x4a: {  	v2 =	vld.idx.msk [tilespmem:v61+s2+$0x0], $0xffff;
	_ =	sdelay $0x4  }
0x4b: {  	v3 =	vld [tilespmem:$0x1A00];
	v2 =	vadd.s32 v0, v2  }
0x4c: {  	v62 =	vor.u32 $0xD, v1;
	_ =	sdelay $0x3  }
0x4d: {  	[tilespmem:v2+s8+$0x0] =	vst.idx.add.f32.msk $0x1ff, v3  }
0x4e: {  	v2 =	vld.idx.msk [tilespmem:v62+s2+$0x0], $0xffff;
	_ =	sdelay $0x4  }
0x4f: {  	v3 =	vld [tilespmem:$0x1A80];
	v2 =	vadd.s32 v0, v2  }
0x50: {  	v63 =	vor.u32 $0xE, v1;
	_ =	sdelay $0x3  }
0x51: {  	[tilespmem:v2+s8+$0x0] =	vst.idx.add.f32.msk $0x1ff, v3  }
0x52: {  	v2 =	vld.idx.msk [tilespmem:v63+s2+$0x0], $0xffff;
	_ =	sdelay $0x4  }
0x53: {  	v3 =	vld [tilespmem:$0x1B00];
	v2 =	vadd.s32 v0, v2  }
0x54: {  	v8 =	vor.u32 $0xF, v1;
	_ =	sdelay $0x3  }
0x55: {  	[tilespmem:v2+s8+$0x0] =	vst.idx.add.f32.msk $0x1ff, v3  }
0x56: {  	v2 =	vld.idx.msk [tilespmem:v8+s2+$0x0], $0xffff;
	_ =	sdelay $0x4  }
0x57: {  	v3 =	vld [tilespmem:$0x1B80];
	v2 =	vadd.s32 v0, v2  }
0x58: {  	v9 =	vor.u32 $0x10, v1;
	_ =	sdelay $0x3  }
0x59: {  	[tilespmem:v2+s8+$0x0] =	vst.idx.add.f32.msk $0x1ff, v3  }
0x5a: {  	v2 =	vld.idx.msk [tilespmem:v9+s2+$0x0], $0xffff;
	_ =	sdelay $0x4  }
0x5b: {  	v3 =	vld [tilespmem:$0x1C00];
	v2 =	vadd.s32 v0, v2  }
0x5c: {  	v10 =	vor.u32 $0x11, v1;
	_ =	sdelay $0x3  }
0x5d: {  	[tilespmem:v2+s8+$0x0] =	vst.idx.add.f32.msk $0x1ff, v3  }
0x5e: {  	v2 =	vld.idx.msk [tilespmem:v10+s2+$0x0], $0xffff;
	_ =	sdelay $0x4  }
0x5f: {  	v3 =	vld [tilespmem:$0x1C80];
	v2 =	vadd.s32 v0, v2  }
0x60: {  	v11 =	vor.u32 $0x12, v1;
	_ =	sdelay $0x3  }
0x61: {  	[tilespmem:v2+s8+$0x0] =	vst.idx.add.f32.msk $0x1ff, v3  }
0x62: {  	v2 =	vld.idx.msk [tilespmem:v11+s2+$0x0], $0xffff;
	_ =	sdelay $0x4  }
0x63: {  	v3 =	vld [tilespmem:$0x1D00];
	v2 =	vadd.s32 v0, v2  }
0x64: {  	v12 =	vor.u32 $0x13, v1;
	_ =	sdelay $0x3  }
0x65: {  	[tilespmem:v2+s8+$0x0] =	vst.idx.add.f32.msk $0x1ff, v3  }
0x66: {  	v2 =	vld.idx.msk [tilespmem:v12+s2+$0x0], $0xffff;
	_ =	sdelay $0x4  }
0x67: {  	v3 =	vld [tilespmem:$0x1D80];
	v2 =	vadd.s32 v0, v2  }
0x68: {  	v13 =	vor.u32 $0x14, v1;
	_ =	sdelay $0x3  }
0x69: {  	[tilespmem:v2+s8+$0x0] =	vst.idx.add.f32.msk $0x1ff, v3  }
0x6a: {  	v2 =	vld.idx.msk [tilespmem:v13+s2+$0x0], $0xffff;
	_ =	sdelay $0x4  }
0x6b: {  	v3 =	vld [tilespmem:$0x1E00];
	v2 =	vadd.s32 v0, v2  }
0x6c: {  	v14 =	vor.u32 $0x15, v1;
	_ =	sdelay $0x3  }
0x6d: {  	[tilespmem:v2+s8+$0x0] =	vst.idx.add.f32.msk $0x1ff, v3  }
0x6e: {  	v2 =	vld.idx.msk [tilespmem:v14+s2+$0x0], $0xffff;
	_ =	sdelay $0x4  }
0x6f: {  	v3 =	vld [tilespmem:$0x1E80];
	v2 =	vadd.s32 v0, v2  }
0x70: {  	v15 =	vor.u32 $0x16, v1;
	_ =	sdelay $0x3  }
0x71: {  	[tilespmem:v2+s8+$0x0] =	vst.idx.add.f32.msk $0x1ff, v3  }
0x72: {  	v2 =	vld.idx.msk [tilespmem:v15+s2+$0x0], $0xffff;
	_ =	sdelay $0x4  }
0x73: {  	v3 =	vld [tilespmem:$0x1F00];
	v2 =	vadd.s32 v0, v2  }
0x74: {  	v16 =	vor.u32 $0x17, v1;
	_ =	sdelay $0x3  }
0x75: {  	[tilespmem:v2+s8+$0x0] =	vst.idx.add.f32.msk $0x1ff, v3  }
0x76: {  	v2 =	vld.idx.msk [tilespmem:v16+s2+$0x0], $0xffff;
	_ =	sdelay $0x4  }
0x77: {  	v3 =	vld [tilespmem:$0x1F80];
	v2 =	vadd.s32 v0, v2  }
0x78: {  	v17 =	vor.u32 $0x18, v1;
	_ =	sdelay $0x3  }
0x79: {  	[tilespmem:v2+s8+$0x0] =	vst.idx.add.f32.msk $0x1ff, v3  }
0x7a: {  	v2 =	vld.idx.msk [tilespmem:v17+s2+$0x0], $0xffff;
	_ =	sdelay $0x4  }
0x7b: {  	v3 =	vld [tilespmem:$0x2000];
	v2 =	vadd.s32 v0, v2  }
0x7c: {  	v18 =	vor.u32 $0x19, v1;
	_ =	sdelay $0x3  }
0x7d: {  	[tilespmem:v2+s8+$0x0] =	vst.idx.add.f32.msk $0x1ff, v3  }
0x7e: {  	v2 =	vld.idx.msk [tilespmem:v18+s2+$0x0], $0xffff;
	_ =	sdelay $0x4  }
0x7f: {  	v3 =	vld [tilespmem:$0x2080];
	v2 =	vadd.s32 v0, v2  }
0x80: {  	v19 =	vor.u32 $0x1A, v1;
	_ =	sdelay $0x3  }
0x81: {  	[tilespmem:v2+s8+$0x0] =	vst.idx.add.f32.msk $0x1ff, v3  }
0x82: {  	v2 =	vld.idx.msk [tilespmem:v19+s2+$0x0], $0xffff;
	_ =	sdelay $0x4  }
0x83: {  	v3 =	vld [tilespmem:$0x2100];
	v2 =	vadd.s32 v0, v2  }
0x84: {  	v20 =	vor.u32 $0x1B, v1;
	_ =	sdelay $0x3  }
0x85: {  	[tilespmem:v2+s8+$0x0] =	vst.idx.add.f32.msk $0x1ff, v3  }
0x86: {  	v2 =	vld.idx.msk [tilespmem:v20+s2+$0x0], $0xffff;
	_ =	sdelay $0x4  }
0x87: {  	v3 =	vld [tilespmem:$0x2180];
	v2 =	vadd.s32 v0, v2  }
0x88: {  	v21 =	vor.u32 $0x1C, v1;
	_ =	sdelay $0x3  }
0x89: {  	[tilespmem:v2+s8+$0x0] =	vst.idx.add.f32.msk $0x1ff, v3  }
0x8a: {  	v2 =	vld.idx.msk [tilespmem:v21+s2+$0x0], $0xffff;
	_ =	sdelay $0x4  }
0x8b: {  	v3 =	vld [tilespmem:$0x2200];
	v2 =	vadd.s32 v0, v2  }
0x8c: {  	v22 =	vor.u32 $0x1D, v1;
	_ =	sdelay $0x3  }
0x8d: {  	[tilespmem:v2+s8+$0x0] =	vst.idx.add.f32.msk $0x1ff, v3  }
0x8e: {  	v2 =	vld.idx.msk [tilespmem:v22+s2+$0x0], $0xffff;
	_ =	sdelay $0x4  }
0x8f: {  	v3 =	vld [tilespmem:$0x2280];
	v2 =	vadd.s32 v0, v2  }
0x90: {  	v23 =	vor.u32 $0x1E, v1;
	_ =	sdelay $0x3  }
0x91: {  	[tilespmem:v2+s8+$0x0] =	vst.idx.add.f32.msk $0x1ff, v3  }
0x92: {  	v2 =	vld.idx.msk [tilespmem:v23+s2+$0x0], $0xffff;
	_ =	sdelay $0x4  }
0x93: {  	v3 =	vld [tilespmem:$0x2300];
	v2 =	vadd.s32 v0, v2  }
0x94: {  	v24 =	vor.u32 $0x1F, v1;
	_ =	sdelay $0x3  }
0x95: {  	[tilespmem:v2+s8+$0x0] =	vst.idx.add.f32.msk $0x1ff, v3  }
0x96: {  	v2 =	vld.idx.msk [tilespmem:v24+s2+$0x0], $0xffff;
	_ =	sdelay $0x4  }
0x97: {  	v3 =	vld [tilespmem:$0x2380];
	v2 =	vadd.s32 v0, v2  }
0x98: {  	v25 =	vor.u32 $0x20, v1;
	_ =	sdelay $0x3  }
0x99: {  	[tilespmem:v2+s8+$0x0] =	vst.idx.add.f32.msk $0x1ff, v3  }
0x9a: {  	v2 =	vld.idx.msk [tilespmem:v25+s2+$0x0], $0xffff;
	_ =	sdelay $0x4  }
0x9b: {  	v3 =	vld [tilespmem:$0x2400];
	v2 =	vadd.s32 v0, v2  }
0x9c: {  	v26 =	vor.u32 $0x21, v1;
	_ =	sdelay $0x3  }
0x9d: {  	[tilespmem:v2+s8+$0x0] =	vst.idx.add.f32.msk $0x1ff, v3  }
0x9e: {  	v2 =	vld.idx.msk [tilespmem:v26+s2+$0x0], $0xffff;
	_ =	sdelay $0x4  }
0x9f: {  	v3 =	vld [tilespmem:$0x2480];
	v2 =	vadd.s32 v0, v2  }
0xa0: {  	v27 =	vor.u32 $0x22, v1;
	_ =	sdelay $0x3  }
0xa1: {  	[tilespmem:v2+s8+$0x0] =	vst.idx.add.f32.msk $0x1ff, v3  }
0xa2: {  	v2 =	vld.idx.msk [tilespmem:v27+s2+$0x0], $0xffff;
	_ =	sdelay $0x4  }
0xa3: {  	v3 =	vld [tilespmem:$0x2500];
	v2 =	vadd.s32 v0, v2  }
0xa4: {  	v28 =	vor.u32 $0x23, v1;
	_ =	sdelay $0x3  }
0xa5: {  	[tilespmem:v2+s8+$0x0] =	vst.idx.add.f32.msk $0x1ff, v3  }
0xa6: {  	v2 =	vld.idx.msk [tilespmem:v28+s2+$0x0], $0xffff;
	_ =	sdelay $0x4  }
0xa7: {  	v3 =	vld [tilespmem:$0x2580];
	v2 =	vadd.s32 v0, v2  }
0xa8: {  	v29 =	vor.u32 $0x24, v1;
	_ =	sdelay $0x3  }
0xa9: {  	[tilespmem:v2+s8+$0x0] =	vst.idx.add.f32.msk $0x1ff, v3  }
0xaa: {  	v2 =	vld.idx.msk [tilespmem:v29+s2+$0x0], $0xffff;
	_ =	sdelay $0x4  }
0xab: {  	v3 =	vld [tilespmem:$0x2600];
	v2 =	vadd.s32 v0, v2  }
0xac: {  	v30 =	vor.u32 $0x25, v1;
	_ =	sdelay $0x3  }
0xad: {  	[tilespmem:v2+s8+$0x0] =	vst.idx.add.f32.msk $0x1ff, v3  }
0xae: {  	v2 =	vld.idx.msk [tilespmem:v30+s2+$0x0], $0xffff;
	_ =	sdelay $0x4  }
0xaf: {  	v3 =	vld [tilespmem:$0x2680];
	v2 =	vadd.s32 v0, v2  }
0xb0: {  	v31 =	vor.u32 $0x26, v1;
	_ =	sdelay $0x3  }
0xb1: {  	[tilespmem:v2+s8+$0x0] =	vst.idx.add.f32.msk $0x1ff, v3  }
0xb2: {  	v2 =	vld.idx.msk [tilespmem:v31+s2+$0x0], $0xffff;
	_ =	sdelay $0x4  }
0xb3: {  	v3 =	vld [tilespmem:$0x2700];
	v2 =	vadd.s32 v0, v2  }
0xb4: {  	v32 =	vor.u32 $0x27, v1;
	_ =	sdelay $0x3  }
0xb5: {  	[tilespmem:v2+s8+$0x0] =	vst.idx.add.f32.msk $0x1ff, v3  }
0xb6: {  	v2 =	vld.idx.msk [tilespmem:v32+s2+$0x0], $0xffff;
	_ =	sdelay $0x4  }
0xb7: {  	v3 =	vld [tilespmem:$0x2780];
	v2 =	vadd.s32 v0, v2  }
0xb8: {  	v33 =	vor.u32 $0x28, v1;
	_ =	sdelay $0x3  }
0xb9: {  	[tilespmem:v2+s8+$0x0] =	vst.idx.add.f32.msk $0x1ff, v3  }
0xba: {  	v2 =	vld.idx.msk [tilespmem:v33+s2+$0x0], $0xffff;
	_ =	sdelay $0x4  }
0xbb: {  	v3 =	vld [tilespmem:$0x2800];
	v2 =	vadd.s32 v0, v2  }
0xbc: {  	v34 =	vor.u32 $0x29, v1;
	_ =	sdelay $0x3  }
0xbd: {  	[tilespmem:v2+s8+$0x0] =	vst.idx.add.f32.msk $0x1ff, v3  }
0xbe: {  	v2 =	vld.idx.msk [tilespmem:v34+s2+$0x0], $0xffff;
	_ =	sdelay $0x4  }
0xbf: {  	v3 =	vld [tilespmem:$0x2880];
	v2 =	vadd.s32 v0, v2  }
0xc0: {  	v35 =	vor.u32 $0x2A, v1;
	_ =	sdelay $0x3  }
0xc1: {  	[tilespmem:v2+s8+$0x0] =	vst.idx.add.f32.msk $0x1ff, v3  }
0xc2: {  	v2 =	vld.idx.msk [tilespmem:v35+s2+$0x0], $0xffff;
	_ =	sdelay $0x4  }
0xc3: {  	v3 =	vld [tilespmem:$0x2900];
	v2 =	vadd.s32 v0, v2  }
0xc4: {  	v36 =	vor.u32 $0x2B, v1;
	_ =	sdelay $0x3  }
0xc5: {  	[tilespmem:v2+s8+$0x0] =	vst.idx.add.f32.msk $0x1ff, v3  }
0xc6: {  	v2 =	vld.idx.msk [tilespmem:v36+s2+$0x0], $0xffff;
	_ =	sdelay $0x4  }
0xc7: {  	v3 =	vld [tilespmem:$0x2980];
	v2 =	vadd.s32 v0, v2  }
0xc8: {  	v37 =	vor.u32 $0x2C, v1;
	_ =	sdelay $0x3  }
0xc9: {  	[tilespmem:v2+s8+$0x0] =	vst.idx.add.f32.msk $0x1ff, v3  }
0xca: {  	v2 =	vld.idx.msk [tilespmem:v37+s2+$0x0], $0xffff;
	_ =	sdelay $0x4  }
0xcb: {  	v3 =	vld [tilespmem:$0x2A00];
	v2 =	vadd.s32 v0, v2  }
0xcc: {  	v38 =	vor.u32 $0x2D, v1;
	_ =	sdelay $0x3  }
0xcd: {  	[tilespmem:v2+s8+$0x0] =	vst.idx.add.f32.msk $0x1ff, v3  }
0xce: {  	v2 =	vld.idx.msk [tilespmem:v38+s2+$0x0], $0xffff;
	_ =	sdelay $0x4  }
0xcf: {  	v3 =	vld [tilespmem:$0x2A80];
	v2 =	vadd.s32 v0, v2  }
0xd0: {  	v39 =	vor.u32 $0x2E, v1;
	_ =	sdelay $0x3  }
0xd1: {  	[tilespmem:v2+s8+$0x0] =	vst.idx.add.f32.msk $0x1ff, v3  }
0xd2: {  	v2 =	vld.idx.msk [tilespmem:v39+s2+$0x0], $0xffff;
	_ =	sdelay $0x4  }
0xd3: {  	v3 =	vld [tilespmem:$0x2B00];
	v2 =	vadd.s32 v0, v2  }
0xd4: {  	v40 =	vor.u32 $0x2F, v1;
	_ =	sdelay $0x3  }
0xd5: {  	[tilespmem:v2+s8+$0x0] =	vst.idx.add.f32.msk $0x1ff, v3  }
0xd6: {  	v2 =	vld.idx.msk [tilespmem:v40+s2+$0x0], $0xffff;
	_ =	sdelay $0x4  }
0xd7: {  	v3 =	vld [tilespmem:$0x2B80];
	v2 =	vadd.s32 v0, v2  }
0xd8: {  	v41 =	vor.u32 $0x30, v1;
	_ =	sdelay $0x3  }
0xd9: {  	[tilespmem:v2+s8+$0x0] =	vst.idx.add.f32.msk $0x1ff, v3  }
0xda: {  	v2 =	vld.idx.msk [tilespmem:v41+s2+$0x0], $0xffff;
	_ =	sdelay $0x4  }
0xdb: {  	v3 =	vld [tilespmem:$0x2C00];
	v2 =	vadd.s32 v0, v2  }
0xdc: {  	v42 =	vor.u32 $0x31, v1;
	_ =	sdelay $0x3  }
0xdd: {  	[tilespmem:v2+s8+$0x0] =	vst.idx.add.f32.msk $0x1ff, v3  }
0xde: {  	v2 =	vld.idx.msk [tilespmem:v42+s2+$0x0], $0xffff;
	_ =	sdelay $0x4  }
0xdf: {  	v3 =	vld [tilespmem:$0x2C80];
	v2 =	vadd.s32 v0, v2  }
0xe0: {  	v43 =	vor.u32 $0x32, v1;
	_ =	sdelay $0x3  }
0xe1: {  	[tilespmem:v2+s8+$0x0] =	vst.idx.add.f32.msk $0x1ff, v3  }
0xe2: {  	v2 =	vld.idx.msk [tilespmem:v43+s2+$0x0], $0xffff;
	_ =	sdelay $0x4  }
0xe3: {  	v3 =	vld [tilespmem:$0x2D00];
	v2 =	vadd.s32 v0, v2  }
0xe4: {  	v44 =	vor.u32 $0x33, v1;
	_ =	sdelay $0x3  }
0xe5: {  	[tilespmem:v2+s8+$0x0] =	vst.idx.add.f32.msk $0x1ff, v3  }
0xe6: {  	v2 =	vld.idx.msk [tilespmem:v44+s2+$0x0], $0xffff;
	_ =	sdelay $0x4  }
0xe7: {  	v3 =	vld [tilespmem:$0x2D80];
	v2 =	vadd.s32 v0, v2  }
0xe8: {  	v45 =	vor.u32 $0x34, v1;
	_ =	sdelay $0x3  }
0xe9: {  	[tilespmem:v2+s8+$0x0] =	vst.idx.add.f32.msk $0x1ff, v3  }
0xea: {  	v2 =	vld.idx.msk [tilespmem:v45+s2+$0x0], $0xffff;
	_ =	sdelay $0x4  }
0xeb: {  	v3 =	vld [tilespmem:$0x2E00];
	v2 =	vadd.s32 v0, v2  }
0xec: {  	v46 =	vor.u32 $0x35, v1;
	_ =	sdelay $0x3  }
0xed: {  	[tilespmem:v2+s8+$0x0] =	vst.idx.add.f32.msk $0x1ff, v3  }
0xee: {  	v2 =	vld.idx.msk [tilespmem:v46+s2+$0x0], $0xffff;
	_ =	sdelay $0x4  }
0xef: {  	v3 =	vld [tilespmem:$0x2E80];
	v2 =	vadd.s32 v0, v2  }
0xf0: {  	v47 =	vor.u32 $0x36, v1;
	_ =	sdelay $0x3  }
0xf1: {  	[tilespmem:v2+s8+$0x0] =	vst.idx.add.f32.msk $0x1ff, v3  }
0xf2: {  	v2 =	vld.idx.msk [tilespmem:v47+s2+$0x0], $0xffff;
	_ =	sdelay $0x4  }
0xf3: {  	v3 =	vld [tilespmem:$0x2F00];
	v2 =	vadd.s32 v0, v2  }
0xf4: {  	v48 =	vor.u32 $0x37, v1;
	_ =	sdelay $0x3  }
0xf5: {  	[tilespmem:v2+s8+$0x0] =	vst.idx.add.f32.msk $0x1ff, v3  }
0xf6: {  	v2 =	vld.idx.msk [tilespmem:v48+s2+$0x0], $0xffff;
	_ =	sdelay $0x4  }
0xf7: {  	v3 =	vld [tilespmem:$0x2F80];
	v2 =	vadd.s32 v0, v2  }
0xf8: {  	v49 =	vor.u32 $0x38, v1;
	_ =	sdelay $0x3  }
0xf9: {  	[tilespmem:v2+s8+$0x0] =	vst.idx.add.f32.msk $0x1ff, v3  }
0xfa: {  	v2 =	vld.idx.msk [tilespmem:v49+s2+$0x0], $0xffff;
	_ =	sdelay $0x4  }
0xfb: {  	v3 =	vld [tilespmem:$0x3000];
	v2 =	vadd.s32 v0, v2  }
0xfc: {  	v50 =	vor.u32 $0x39, v1;
	_ =	sdelay $0x3  }
0xfd: {  	[tilespmem:v2+s8+$0x0] =	vst.idx.add.f32.msk $0x1ff, v3  }
0xfe: {  	v2 =	vld.idx.msk [tilespmem:v50+s2+$0x0], $0xffff;
	_ =	sdelay $0x4  }
0xff: {  	v3 =	vld [tilespmem:$0x3080];
	v2 =	vadd.s32 v0, v2  }
0x100: {  	v51 =	vor.u32 $0x3A, v1;
	_ =	sdelay $0x3  }
0x101: {  	[tilespmem:v2+s8+$0x0] =	vst.idx.add.f32.msk $0x1ff, v3  }
0x102: {  	v2 =	vld.idx.msk [tilespmem:v51+s2+$0x0], $0xffff;
	_ =	sdelay $0x4  }
0x103: {  	v3 =	vld [tilespmem:$0x3100];
	v2 =	vadd.s32 v0, v2  }
0x104: {  	v52 =	vor.u32 $0x3B, v1;
	_ =	sdelay $0x3  }
0x105: {  	[tilespmem:v2+s8+$0x0] =	vst.idx.add.f32.msk $0x1ff, v3  }
0x106: {  	v2 =	vld.idx.msk [tilespmem:v52+s2+$0x0], $0xffff;
	_ =	sdelay $0x4  }
0x107: {  	v3 =	vld [tilespmem:$0x3180];
	v2 =	vadd.s32 v0, v2  }
0x108: {  	v53 =	vor.u32 $0x3C, v1;
	_ =	sdelay $0x3  }
0x109: {  	[tilespmem:v2+s8+$0x0] =	vst.idx.add.f32.msk $0x1ff, v3  }
0x10a: {  	v2 =	vld.idx.msk [tilespmem:v53+s2+$0x0], $0xffff;
	_ =	sdelay $0x4  }
0x10b: {  	v3 =	vld [tilespmem:$0x3200];
	v2 =	vadd.s32 v0, v2  }
0x10c: {  	v54 =	vor.u32 $0x3D, v1;
	_ =	sdelay $0x3  }
0x10d: {  	[tilespmem:v2+s8+$0x0] =	vst.idx.add.f32.msk $0x1ff, v3  }
0x10e: {  	v2 =	vld.idx.msk [tilespmem:v54+s2+$0x0], $0xffff;
	_ =	sdelay $0x4  }
0x10f: {  	v3 =	vld [tilespmem:$0x3280];
	v2 =	vadd.s32 v0, v2  }
0x110: {  	v55 =	vor.u32 $0x3E, v1;
	_ =	sdelay $0x3  }
0x111: {  	[tilespmem:v2+s8+$0x0] =	vst.idx.add.f32.msk $0x1ff, v3  }
0x112: {  	v2 =	vld.idx.msk [tilespmem:v55+s2+$0x0], $0xffff;
	_ =	sdelay $0x4  }
0x113: {  	v3 =	vld [tilespmem:$0x3300];
	v2 =	vadd.s32 v0, v2  }
0x114: {  	v56 =	vor.u32 $0x3F, v1;
	_ =	sdelay $0x3  }
0x115: {  	[tilespmem:v2+s8+$0x0] =	vst.idx.add.f32.msk $0x1ff, v3  }
0x116: {  	v2 =	vld.idx.msk [tilespmem:v56+s2+$0x0], $0xffff;
	_ =	sdelay $0x4  }
0x117: {  	v3 =	vld [tilespmem:$0x3380];
	v2 =	vadd.s32 v0, v2  }
0x118: {  	v57 =	vor.u32 $0x40, v1;
	_ =	sdelay $0x3  }
0x119: {  	[tilespmem:v2+s8+$0x0] =	vst.idx.add.f32.msk $0x1ff, v3  }
0x11a: {  	v2 =	vld.idx.msk [tilespmem:v57+s2+$0x0], $0xffff;
	_ =	sdelay $0x4  }
0x11b: {  	v3 =	vld [tilespmem:$0x3400];
	v2 =	vadd.s32 v0, v2  }
0x11c: {  	v58 =	vor.u32 $0x41, v1;
	_ =	sdelay $0x3  }
0x11d: {  	[tilespmem:v2+s8+$0x0] =	vst.idx.add.f32.msk $0x1ff, v3  }
0x11e: {  	v2 =	vld.idx.msk [tilespmem:v58+s2+$0x0], $0xffff;
	_ =	sdelay $0x4  }
0x11f: {  	v3 =	vld [tilespmem:$0x3480];
	v2 =	vadd.s32 v0, v2  }
0x120: {  	v59 =	vor.u32 $0x42, v1;
	_ =	sdelay $0x3  }
0x121: {  	[tilespmem:v2+s8+$0x0] =	vst.idx.add.f32.msk $0x1ff, v3  }
0x122: {  	v2 =	vld.idx.msk [tilespmem:v59+s2+$0x0], $0xffff;
	_ =	sdelay $0x4  }
0x123: {  	v3 =	vld [tilespmem:$0x3500];
	v2 =	vadd.s32 v0, v2  }
0x124: {  	v60 =	vor.u32 $0x43, v1;
	_ =	sdelay $0x3  }
0x125: {  	[tilespmem:v2+s8+$0x0] =	vst.idx.add.f32.msk $0x1ff, v3  }
0x126: {  	v2 =	vld.idx.msk [tilespmem:v60+s2+$0x0], $0xffff;
	_ =	sdelay $0x4  }
0x127: {  	v3 =	vld [tilespmem:$0x3580];
	v2 =	vadd.s32 v0, v2  }
0x128: {  	v61 =	vor.u32 $0x44, v1;
	_ =	sdelay $0x3  }
0x129: {  	[tilespmem:v2+s8+$0x0] =	vst.idx.add.f32.msk $0x1ff, v3  }
0x12a: {  	v2 =	vld.idx.msk [tilespmem:v61+s2+$0x0], $0xffff;
	_ =	sdelay $0x4  }
0x12b: {  	v3 =	vld [tilespmem:$0x3600];
	v2 =	vadd.s32 v0, v2  }
0x12c: {  	v62 =	vor.u32 $0x45, v1;
	_ =	sdelay $0x3  }
0x12d: {  	[tilespmem:v2+s8+$0x0] =	vst.idx.add.f32.msk $0x1ff, v3  }
0x12e: {  	v2 =	vld.idx.msk [tilespmem:v62+s2+$0x0], $0xffff;
	_ =	sdelay $0x4  }
0x12f: {  	v3 =	vld [tilespmem:$0x3680];
	v2 =	vadd.s32 v0, v2  }
0x130: {  	v63 =	vor.u32 $0x46, v1;
	_ =	sdelay $0x3  }
0x131: {  	[tilespmem:v2+s8+$0x0] =	vst.idx.add.f32.msk $0x1ff, v3  }
0x132: {  	v2 =	vld.idx.msk [tilespmem:v63+s2+$0x0], $0xffff;
	_ =	sdelay $0x4  }
0x133: {  	v3 =	vld [tilespmem:$0x3700];
	v2 =	vadd.s32 v0, v2  }
0x134: {  	v8 =	vor.u32 $0x47, v1;
	_ =	sdelay $0x3  }
0x135: {  	[tilespmem:v2+s8+$0x0] =	vst.idx.add.f32.msk $0x1ff, v3  }
0x136: {  	v2 =	vld.idx.msk [tilespmem:v8+s2+$0x0], $0xffff;
	_ =	sdelay $0x4  }
0x137: {  	v3 =	vld [tilespmem:$0x3780];
	v2 =	vadd.s32 v0, v2  }
0x138: {  	v9 =	vor.u32 $0x48, v1;
	_ =	sdelay $0x3  }
0x139: {  	[tilespmem:v2+s8+$0x0] =	vst.idx.add.f32.msk $0x1ff, v3  }
0x13a: {  	v2 =	vld.idx.msk [tilespmem:v9+s2+$0x0], $0xffff;
	_ =	sdelay $0x4  }
0x13b: {  	v3 =	vld [tilespmem:$0x3800];
	v2 =	vadd.s32 v0, v2  }
0x13c: {  	v10 =	vor.u32 $0x49, v1;
	_ =	sdelay $0x3  }
0x13d: {  	[tilespmem:v2+s8+$0x0] =	vst.idx.add.f32.msk $0x1ff, v3  }
0x13e: {  	v2 =	vld.idx.msk [tilespmem:v10+s2+$0x0], $0xffff;
	_ =	sdelay $0x4  }
0x13f: {  	v3 =	vld [tilespmem:$0x3880];
	v2 =	vadd.s32 v0, v2  }
0x140: {  	v11 =	vor.u32 $0x4A, v1;
	_ =	sdelay $0x3  }
0x141: {  	[tilespmem:v2+s8+$0x0] =	vst.idx.add.f32.msk $0x1ff, v3  }
0x142: {  	v2 =	vld.idx.msk [tilespmem:v11+s2+$0x0], $0xffff;
	_ =	sdelay $0x4  }
0x143: {  	v3 =	vld [tilespmem:$0x3900];
	v2 =	vadd.s32 v0, v2  }
0x144: {  	v12 =	vor.u32 $0x4B, v1;
	_ =	sdelay $0x3  }
0x145: {  	[tilespmem:v2+s8+$0x0] =	vst.idx.add.f32.msk $0x1ff, v3  }
0x146: {  	v2 =	vld.idx.msk [tilespmem:v12+s2+$0x0], $0xffff;
	_ =	sdelay $0x4  }
0x147: {  	v3 =	vld [tilespmem:$0x3980];
	v2 =	vadd.s32 v0, v2  }
0x148: {  	v13 =	vor.u32 $0x4C, v1;
	_ =	sdelay $0x3  }
0x149: {  	[tilespmem:v2+s8+$0x0] =	vst.idx.add.f32.msk $0x1ff, v3  }
0x14a: {  	v2 =	vld.idx.msk [tilespmem:v13+s2+$0x0], $0xffff;
	_ =	sdelay $0x4  }
0x14b: {  	v3 =	vld [tilespmem:$0x3A00];
	v2 =	vadd.s32 v0, v2  }
0x14c: {  	v14 =	vor.u32 $0x4D, v1;
	_ =	sdelay $0x3  }
0x14d: {  	[tilespmem:v2+s8+$0x0] =	vst.idx.add.f32.msk $0x1ff, v3  }
0x14e: {  	v2 =	vld.idx.msk [tilespmem:v14+s2+$0x0], $0xffff;
	_ =	sdelay $0x4  }
0x14f: {  	v3 =	vld [tilespmem:$0x3A80];
	v2 =	vadd.s32 v0, v2  }
0x150: {  	v15 =	vor.u32 $0x4E, v1;
	_ =	sdelay $0x3  }
0x151: {  	[tilespmem:v2+s8+$0x0] =	vst.idx.add.f32.msk $0x1ff, v3  }
0x152: {  	v2 =	vld.idx.msk [tilespmem:v15+s2+$0x0], $0xffff;
	_ =	sdelay $0x4  }
0x153: {  	v3 =	vld [tilespmem:$0x3B00];
	v2 =	vadd.s32 v0, v2  }
0x154: {  	v16 =	vor.u32 $0x4F, v1;
	_ =	sdelay $0x3  }
0x155: {  	[tilespmem:v2+s8+$0x0] =	vst.idx.add.f32.msk $0x1ff, v3  }
0x156: {  	v2 =	vld.idx.msk [tilespmem:v16+s2+$0x0], $0xffff;
	_ =	sdelay $0x4  }
0x157: {  	v3 =	vld [tilespmem:$0x3B80];
	v2 =	vadd.s32 v0, v2  }
0x158: {  	v17 =	vor.u32 $0x50, v1;
	_ =	sdelay $0x3  }
0x159: {  	[tilespmem:v2+s8+$0x0] =	vst.idx.add.f32.msk $0x1ff, v3  }
0x15a: {  	v2 =	vld.idx.msk [tilespmem:v17+s2+$0x0], $0xffff;
	_ =	sdelay $0x4  }
0x15b: {  	v3 =	vld [tilespmem:$0x3C00];
	v2 =	vadd.s32 v0, v2  }
0x15c: {  	v18 =	vor.u32 $0x51, v1;
	_ =	sdelay $0x3  }
0x15d: {  	[tilespmem:v2+s8+$0x0] =	vst.idx.add.f32.msk $0x1ff, v3  }
0x15e: {  	v2 =	vld.idx.msk [tilespmem:v18+s2+$0x0], $0xffff;
	_ =	sdelay $0x4  }
0x15f: {  	v3 =	vld [tilespmem:$0x3C80];
	v2 =	vadd.s32 v0, v2  }
0x160: {  	v19 =	vor.u32 $0x52, v1;
	_ =	sdelay $0x3  }
0x161: {  	[tilespmem:v2+s8+$0x0] =	vst.idx.add.f32.msk $0x1ff, v3  }
0x162: {  	v2 =	vld.idx.msk [tilespmem:v19+s2+$0x0], $0xffff;
	_ =	sdelay $0x4  }
0x163: {  	v3 =	vld [tilespmem:$0x3D00];
	v2 =	vadd.s32 v0, v2  }
0x164: {  	v20 =	vor.u32 $0x53, v1;
	_ =	sdelay $0x3  }
0x165: {  	[tilespmem:v2+s8+$0x0] =	vst.idx.add.f32.msk $0x1ff, v3  }
0x166: {  	v2 =	vld.idx.msk [tilespmem:v20+s2+$0x0], $0xffff;
	_ =	sdelay $0x4  }
0x167: {  	v3 =	vld [tilespmem:$0x3D80];
	v2 =	vadd.s32 v0, v2  }
0x168: {  	v21 =	vor.u32 $0x54, v1;
	_ =	sdelay $0x3  }
0x169: {  	[tilespmem:v2+s8+$0x0] =	vst.idx.add.f32.msk $0x1ff, v3  }
0x16a: {  	v2 =	vld.idx.msk [tilespmem:v21+s2+$0x0], $0xffff;
	_ =	sdelay $0x4  }
0x16b: {  	v3 =	vld [tilespmem:$0x3E00];
	v2 =	vadd.s32 v0, v2  }
0x16c: {  	v22 =	vor.u32 $0x55, v1;
	_ =	sdelay $0x3  }
0x16d: {  	[tilespmem:v2+s8+$0x0] =	vst.idx.add.f32.msk $0x1ff, v3  }
0x16e: {  	v2 =	vld.idx.msk [tilespmem:v22+s2+$0x0], $0xffff;
	_ =	sdelay $0x4  }
0x16f: {  	v3 =	vld [tilespmem:$0x3E80];
	v2 =	vadd.s32 v0, v2  }
0x170: {  	v23 =	vor.u32 $0x56, v1;
	_ =	sdelay $0x3  }
0x171: {  	[tilespmem:v2+s8+$0x0] =	vst.idx.add.f32.msk $0x1ff, v3  }
0x172: {  	v2 =	vld.idx.msk [tilespmem:v23+s2+$0x0], $0xffff;
	_ =	sdelay $0x4  }
0x173: {  	v3 =	vld [tilespmem:$0x3F00];
	v2 =	vadd.s32 v0, v2  }
0x174: {  	v24 =	vor.u32 $0x57, v1;
	_ =	sdelay $0x3  }
0x175: {  	[tilespmem:v2+s8+$0x0] =	vst.idx.add.f32.msk $0x1ff, v3  }
0x176: {  	v2 =	vld.idx.msk [tilespmem:v24+s2+$0x0], $0xffff;
	_ =	sdelay $0x4  }
0x177: {  	v3 =	vld [tilespmem:$0x3F80];
	v2 =	vadd.s32 v0, v2  }
0x178: {  	v25 =	vor.u32 $0x58, v1;
	_ =	sdelay $0x3  }
0x179: {  	[tilespmem:v2+s8+$0x0] =	vst.idx.add.f32.msk $0x1ff, v3  }
0x17a: {  	v2 =	vld.idx.msk [tilespmem:v25+s2+$0x0], $0xffff;
	_ =	sdelay $0x4  }
0x17b: {  	v3 =	vld [tilespmem:$0x4000];
	v2 =	vadd.s32 v0, v2  }
0x17c: {  	v26 =	vor.u32 $0x59, v1;
	_ =	sdelay $0x3  }
0x17d: {  	[tilespmem:v2+s8+$0x0] =	vst.idx.add.f32.msk $0x1ff, v3  }
0x17e: {  	v2 =	vld.idx.msk [tilespmem:v26+s2+$0x0], $0xffff;
	_ =	sdelay $0x4  }
0x17f: {  	v3 =	vld [tilespmem:$0x4080];
	v2 =	vadd.s32 v0, v2  }
0x180: {  	v27 =	vor.u32 $0x5A, v1;
	_ =	sdelay $0x3  }
0x181: {  	[tilespmem:v2+s8+$0x0] =	vst.idx.add.f32.msk $0x1ff, v3  }
0x182: {  	v2 =	vld.idx.msk [tilespmem:v27+s2+$0x0], $0xffff;
	_ =	sdelay $0x4  }
0x183: {  	v3 =	vld [tilespmem:$0x4100];
	v2 =	vadd.s32 v0, v2  }
0x184: {  	v28 =	vor.u32 $0x5B, v1;
	_ =	sdelay $0x3  }
0x185: {  	[tilespmem:v2+s8+$0x0] =	vst.idx.add.f32.msk $0x1ff, v3  }
0x186: {  	v2 =	vld.idx.msk [tilespmem:v28+s2+$0x0], $0xffff;
	_ =	sdelay $0x4  }
0x187: {  	v3 =	vld [tilespmem:$0x4180];
	v2 =	vadd.s32 v0, v2  }
0x188: {  	v29 =	vor.u32 $0x5C, v1;
	_ =	sdelay $0x3  }
0x189: {  	[tilespmem:v2+s8+$0x0] =	vst.idx.add.f32.msk $0x1ff, v3  }
0x18a: {  	v2 =	vld.idx.msk [tilespmem:v29+s2+$0x0], $0xffff;
	_ =	sdelay $0x4  }
0x18b: {  	v3 =	vld [tilespmem:$0x4200];
	v2 =	vadd.s32 v0, v2  }
0x18c: {  	v30 =	vor.u32 $0x5D, v1;
	_ =	sdelay $0x3  }
0x18d: {  	[tilespmem:v2+s8+$0x0] =	vst.idx.add.f32.msk $0x1ff, v3  }
0x18e: {  	v2 =	vld.idx.msk [tilespmem:v30+s2+$0x0], $0xffff;
	_ =	sdelay $0x4  }
0x18f: {  	v3 =	vld [tilespmem:$0x4280];
	v2 =	vadd.s32 v0, v2  }
0x190: {  	v31 =	vor.u32 $0x5E, v1;
	_ =	sdelay $0x3  }
0x191: {  	[tilespmem:v2+s8+$0x0] =	vst.idx.add.f32.msk $0x1ff, v3  }
0x192: {  	v2 =	vld.idx.msk [tilespmem:v31+s2+$0x0], $0xffff;
	_ =	sdelay $0x4  }
0x193: {  	v3 =	vld [tilespmem:$0x4300];
	v2 =	vadd.s32 v0, v2  }
0x194: {  	v32 =	vor.u32 $0x5F, v1;
	_ =	sdelay $0x3  }
0x195: {  	[tilespmem:v2+s8+$0x0] =	vst.idx.add.f32.msk $0x1ff, v3  }
0x196: {  	v2 =	vld.idx.msk [tilespmem:v32+s2+$0x0], $0xffff;
	_ =	sdelay $0x4  }
0x197: {  	v3 =	vld [tilespmem:$0x4380];
	v2 =	vadd.s32 v0, v2  }
0x198: {  	v33 =	vor.u32 $0x60, v1;
	_ =	sdelay $0x3  }
0x199: {  	[tilespmem:v2+s8+$0x0] =	vst.idx.add.f32.msk $0x1ff, v3  }
0x19a: {  	v2 =	vld.idx.msk [tilespmem:v33+s2+$0x0], $0xffff;
	_ =	sdelay $0x4  }
0x19b: {  	v3 =	vld [tilespmem:$0x4400];
	v2 =	vadd.s32 v0, v2  }
0x19c: {  	v34 =	vor.u32 $0x61, v1;
	_ =	sdelay $0x3  }
0x19d: {  	[tilespmem:v2+s8+$0x0] =	vst.idx.add.f32.msk $0x1ff, v3  }
0x19e: {  	v2 =	vld.idx.msk [tilespmem:v34+s2+$0x0], $0xffff;
	_ =	sdelay $0x4  }
0x19f: {  	v3 =	vld [tilespmem:$0x4480];
	v2 =	vadd.s32 v0, v2  }
0x1a0: {  	v35 =	vor.u32 $0x62, v1;
	_ =	sdelay $0x3  }
0x1a1: {  	[tilespmem:v2+s8+$0x0] =	vst.idx.add.f32.msk $0x1ff, v3  }
0x1a2: {  	v2 =	vld.idx.msk [tilespmem:v35+s2+$0x0], $0xffff;
	_ =	sdelay $0x4  }
0x1a3: {  	v3 =	vld [tilespmem:$0x4500];
	v2 =	vadd.s32 v0, v2  }
0x1a4: {  	v36 =	vor.u32 $0x63, v1;
	_ =	sdelay $0x3  }
0x1a5: {  	[tilespmem:v2+s8+$0x0] =	vst.idx.add.f32.msk $0x1ff, v3  }
0x1a6: {  	v2 =	vld.idx.msk [tilespmem:v36+s2+$0x0], $0xffff;
	_ =	sdelay $0x4  }
0x1a7: {  	v3 =	vld [tilespmem:$0x4580];
	v2 =	vadd.s32 v0, v2  }
0x1a8: {  	v37 =	vor.u32 $0x64, v1;
	_ =	sdelay $0x3  }
0x1a9: {  	[tilespmem:v2+s8+$0x0] =	vst.idx.add.f32.msk $0x1ff, v3  }
0x1aa: {  	v2 =	vld.idx.msk [tilespmem:v37+s2+$0x0], $0xffff;
	_ =	sdelay $0x4  }
0x1ab: {  	v3 =	vld [tilespmem:$0x4600];
	v2 =	vadd.s32 v0, v2  }
0x1ac: {  	v38 =	vor.u32 $0x65, v1;
	_ =	sdelay $0x3  }
0x1ad: {  	[tilespmem:v2+s8+$0x0] =	vst.idx.add.f32.msk $0x1ff, v3  }
0x1ae: {  	v2 =	vld.idx.msk [tilespmem:v38+s2+$0x0], $0xffff;
	_ =	sdelay $0x4  }
0x1af: {  	v3 =	vld [tilespmem:$0x4680];
	v2 =	vadd.s32 v0, v2  }
0x1b0: {  	v39 =	vor.u32 $0x66, v1;
	_ =	sdelay $0x3  }
0x1b1: {  	[tilespmem:v2+s8+$0x0] =	vst.idx.add.f32.msk $0x1ff, v3  }
0x1b2: {  	v2 =	vld.idx.msk [tilespmem:v39+s2+$0x0], $0xffff;
	_ =	sdelay $0x4  }
0x1b3: {  	v3 =	vld [tilespmem:$0x4700];
	v2 =	vadd.s32 v0, v2  }
0x1b4: {  	v40 =	vor.u32 $0x67, v1;
	_ =	sdelay $0x3  }
0x1b5: {  	[tilespmem:v2+s8+$0x0] =	vst.idx.add.f32.msk $0x1ff, v3  }
0x1b6: {  	v2 =	vld.idx.msk [tilespmem:v40+s2+$0x0], $0xffff;
	_ =	sdelay $0x4  }
0x1b7: {  	v3 =	vld [tilespmem:$0x4780];
	v2 =	vadd.s32 v0, v2  }
0x1b8: {  	v41 =	vor.u32 $0x68, v1;
	_ =	sdelay $0x3  }
0x1b9: {  	[tilespmem:v2+s8+$0x0] =	vst.idx.add.f32.msk $0x1ff, v3  }
0x1ba: {  	v2 =	vld.idx.msk [tilespmem:v41+s2+$0x0], $0xffff;
	_ =	sdelay $0x4  }
0x1bb: {  	v3 =	vld [tilespmem:$0x4800];
	v2 =	vadd.s32 v0, v2  }
0x1bc: {  	v42 =	vor.u32 $0x69, v1;
	_ =	sdelay $0x3  }
0x1bd: {  	[tilespmem:v2+s8+$0x0] =	vst.idx.add.f32.msk $0x1ff, v3  }
0x1be: {  	v2 =	vld.idx.msk [tilespmem:v42+s2+$0x0], $0xffff;
	_ =	sdelay $0x4  }
0x1bf: {  	v3 =	vld [tilespmem:$0x4880];
	v2 =	vadd.s32 v0, v2  }
0x1c0: {  	v43 =	vor.u32 $0x6A, v1;
	_ =	sdelay $0x3  }
0x1c1: {  	[tilespmem:v2+s8+$0x0] =	vst.idx.add.f32.msk $0x1ff, v3  }
0x1c2: {  	v2 =	vld.idx.msk [tilespmem:v43+s2+$0x0], $0xffff;
	_ =	sdelay $0x4  }
0x1c3: {  	v3 =	vld [tilespmem:$0x4900];
	v2 =	vadd.s32 v0, v2  }
0x1c4: {  	v44 =	vor.u32 $0x6B, v1;
	_ =	sdelay $0x3  }
0x1c5: {  	[tilespmem:v2+s8+$0x0] =	vst.idx.add.f32.msk $0x1ff, v3  }
0x1c6: {  	v2 =	vld.idx.msk [tilespmem:v44+s2+$0x0], $0xffff;
	_ =	sdelay $0x4  }
0x1c7: {  	v3 =	vld [tilespmem:$0x4980];
	v2 =	vadd.s32 v0, v2  }
0x1c8: {  	v45 =	vor.u32 $0x6C, v1;
	_ =	sdelay $0x3  }
0x1c9: {  	[tilespmem:v2+s8+$0x0] =	vst.idx.add.f32.msk $0x1ff, v3  }
0x1ca: {  	v2 =	vld.idx.msk [tilespmem:v45+s2+$0x0], $0xffff;
	_ =	sdelay $0x4  }
0x1cb: {  	v3 =	vld [tilespmem:$0x4A00];
	v2 =	vadd.s32 v0, v2  }
0x1cc: {  	v46 =	vor.u32 $0x6D, v1;
	_ =	sdelay $0x3  }
0x1cd: {  	[tilespmem:v2+s8+$0x0] =	vst.idx.add.f32.msk $0x1ff, v3  }
0x1ce: {  	v2 =	vld.idx.msk [tilespmem:v46+s2+$0x0], $0xffff;
	_ =	sdelay $0x4  }
0x1cf: {  	v3 =	vld [tilespmem:$0x4A80];
	v2 =	vadd.s32 v0, v2  }
0x1d0: {  	v47 =	vor.u32 $0x6E, v1;
	_ =	sdelay $0x3  }
0x1d1: {  	[tilespmem:v2+s8+$0x0] =	vst.idx.add.f32.msk $0x1ff, v3  }
0x1d2: {  	v2 =	vld.idx.msk [tilespmem:v47+s2+$0x0], $0xffff;
	_ =	sdelay $0x4  }
0x1d3: {  	v3 =	vld [tilespmem:$0x4B00];
	v2 =	vadd.s32 v0, v2  }
0x1d4: {  	v48 =	vor.u32 $0x6F, v1;
	_ =	sdelay $0x3  }
0x1d5: {  	[tilespmem:v2+s8+$0x0] =	vst.idx.add.f32.msk $0x1ff, v3  }
0x1d6: {  	v2 =	vld.idx.msk [tilespmem:v48+s2+$0x0], $0xffff;
	_ =	sdelay $0x4  }
0x1d7: {  	v3 =	vld [tilespmem:$0x4B80];
	v2 =	vadd.s32 v0, v2  }
0x1d8: {  	v49 =	vor.u32 $0x70, v1;
	_ =	sdelay $0x3  }
0x1d9: {  	[tilespmem:v2+s8+$0x0] =	vst.idx.add.f32.msk $0x1ff, v3  }
0x1da: {  	v2 =	vld.idx.msk [tilespmem:v49+s2+$0x0], $0xffff;
	_ =	sdelay $0x4  }
0x1db: {  	v3 =	vld [tilespmem:$0x4C00];
	v2 =	vadd.s32 v0, v2  }
0x1dc: {  	v50 =	vor.u32 $0x71, v1;
	_ =	sdelay $0x3  }
0x1dd: {  	[tilespmem:v2+s8+$0x0] =	vst.idx.add.f32.msk $0x1ff, v3  }
0x1de: {  	v2 =	vld.idx.msk [tilespmem:v50+s2+$0x0], $0xffff;
	_ =	sdelay $0x4  }
0x1df: {  	v3 =	vld [tilespmem:$0x4C80];
	v2 =	vadd.s32 v0, v2  }
0x1e0: {  	v51 =	vor.u32 $0x72, v1;
	_ =	sdelay $0x3  }
0x1e1: {  	[tilespmem:v2+s8+$0x0] =	vst.idx.add.f32.msk $0x1ff, v3  }
0x1e2: {  	v2 =	vld.idx.msk [tilespmem:v51+s2+$0x0], $0xffff;
	_ =	sdelay $0x4  }
0x1e3: {  	v3 =	vld [tilespmem:$0x4D00];
	v2 =	vadd.s32 v0, v2  }
0x1e4: {  	v52 =	vor.u32 $0x73, v1;
	_ =	sdelay $0x3  }
0x1e5: {  	[tilespmem:v2+s8+$0x0] =	vst.idx.add.f32.msk $0x1ff, v3  }
0x1e6: {  	v2 =	vld.idx.msk [tilespmem:v52+s2+$0x0], $0xffff;
	_ =	sdelay $0x4  }
0x1e7: {  	v3 =	vld [tilespmem:$0x4D80];
	v2 =	vadd.s32 v0, v2  }
0x1e8: {  	v53 =	vor.u32 $0x74, v1;
	_ =	sdelay $0x3  }
0x1e9: {  	[tilespmem:v2+s8+$0x0] =	vst.idx.add.f32.msk $0x1ff, v3  }
0x1ea: {  	v2 =	vld.idx.msk [tilespmem:v53+s2+$0x0], $0xffff;
	_ =	sdelay $0x4  }
0x1eb: {  	v3 =	vld [tilespmem:$0x4E00];
	v2 =	vadd.s32 v0, v2  }
0x1ec: {  	v54 =	vor.u32 $0x75, v1;
	_ =	sdelay $0x3  }
0x1ed: {  	[tilespmem:v2+s8+$0x0] =	vst.idx.add.f32.msk $0x1ff, v3  }
0x1ee: {  	v2 =	vld.idx.msk [tilespmem:v54+s2+$0x0], $0xffff;
	_ =	sdelay $0x4  }
0x1ef: {  	v3 =	vld [tilespmem:$0x4E80];
	v2 =	vadd.s32 v0, v2  }
0x1f0: {  	v55 =	vor.u32 $0x76, v1;
	_ =	sdelay $0x3  }
0x1f1: {  	[tilespmem:v2+s8+$0x0] =	vst.idx.add.f32.msk $0x1ff, v3  }
0x1f2: {  	v2 =	vld.idx.msk [tilespmem:v55+s2+$0x0], $0xffff;
	_ =	sdelay $0x4  }
0x1f3: {  	v3 =	vld [tilespmem:$0x4F00];
	v2 =	vadd.s32 v0, v2  }
0x1f4: {  	v56 =	vor.u32 $0x77, v1;
	_ =	sdelay $0x3  }
0x1f5: {  	[tilespmem:v2+s8+$0x0] =	vst.idx.add.f32.msk $0x1ff, v3  }
0x1f6: {  	v2 =	vld.idx.msk [tilespmem:v56+s2+$0x0], $0xffff;
	_ =	sdelay $0x4  }
0x1f7: {  	v3 =	vld [tilespmem:$0x4F80];
	v2 =	vadd.s32 v0, v2  }
0x1f8: {  	v57 =	vor.u32 $0x78, v1;
	_ =	sdelay $0x3  }
0x1f9: {  	[tilespmem:v2+s8+$0x0] =	vst.idx.add.f32.msk $0x1ff, v3  }
0x1fa: {  	v2 =	vld.idx.msk [tilespmem:v57+s2+$0x0], $0xffff;
	_ =	sdelay $0x4  }
0x1fb: {  	v3 =	vld [tilespmem:$0x5000];
	v2 =	vadd.s32 v0, v2  }
0x1fc: {  	v58 =	vor.u32 $0x79, v1;
	_ =	sdelay $0x3  }
0x1fd: {  	[tilespmem:v2+s8+$0x0] =	vst.idx.add.f32.msk $0x1ff, v3  }
0x1fe: {  	v2 =	vld.idx.msk [tilespmem:v58+s2+$0x0], $0xffff;
	_ =	sdelay $0x4  }
0x1ff: {  	v3 =	vld [tilespmem:$0x5080];
	v2 =	vadd.s32 v0, v2  }
0x200: {  	v59 =	vor.u32 $0x7A, v1;
	_ =	sdelay $0x3  }
0x201: {  	[tilespmem:v2+s8+$0x0] =	vst.idx.add.f32.msk $0x1ff, v3  }
0x202: {  	v2 =	vld.idx.msk [tilespmem:v59+s2+$0x0], $0xffff;
	_ =	sdelay $0x4  }
0x203: {  	v3 =	vld [tilespmem:$0x5100];
	v2 =	vadd.s32 v0, v2  }
0x204: {  	v60 =	vor.u32 $0x7B, v1;
	_ =	sdelay $0x3  }
0x205: {  	[tilespmem:v2+s8+$0x0] =	vst.idx.add.f32.msk $0x1ff, v3  }
0x206: {  	v2 =	vld.idx.msk [tilespmem:v60+s2+$0x0], $0xffff;
	_ =	sdelay $0x4  }
0x207: {  	v3 =	vld [tilespmem:$0x5180];
	v2 =	vadd.s32 v0, v2  }
0x208: {  	v61 =	vor.u32 $0x7C, v1;
	_ =	sdelay $0x3  }
0x209: {  	[tilespmem:v2+s8+$0x0] =	vst.idx.add.f32.msk $0x1ff, v3  }
0x20a: {  	v2 =	vld.idx.msk [tilespmem:v61+s2+$0x0], $0xffff;
	_ =	sdelay $0x4  }
0x20b: {  	v3 =	vld [tilespmem:$0x5200];
	v2 =	vadd.s32 v0, v2  }
0x20c: {  	v62 =	vor.u32 $0x7D, v1;
	_ =	sdelay $0x3  }
0x20d: {  	[tilespmem:v2+s8+$0x0] =	vst.idx.add.f32.msk $0x1ff, v3  }
0x20e: {  	v2 =	vld.idx.msk [tilespmem:v62+s2+$0x0], $0xffff;
	_ =	sdelay $0x4  }
0x20f: {  	v3 =	vld [tilespmem:$0x5280];
	v2 =	vadd.s32 v0, v2  }
0x210: {  	v63 =	vor.u32 $0x7E, v1;
	_ =	sdelay $0x3  }
0x211: {  	[tilespmem:v2+s8+$0x0] =	vst.idx.add.f32.msk $0x1ff, v3  }
0x212: {  	v2 =	vld.idx.msk [tilespmem:v63+s2+$0x0], $0xffff;
	_ =	sdelay $0x4  }
0x213: {  	v3 =	vld [tilespmem:$0x5300];
	v2 =	vadd.s32 v0, v2  }
0x214: {  	v1 =	vor.u32 $0x7F, v1;
	_ =	sdelay $0x3  }
0x215: {  	[tilespmem:v2+s8+$0x0] =	vst.idx.add.f32.msk $0x1ff, v3  }
0x216: {  	v1 =	vld.idx.msk [tilespmem:v1+s2+$0x0], $0xffff;
	_ =	sdelay $0x4  }
0x217: {  	p0 =	sne.s32 s13, $0x27;
	v2 =	vld [tilespmem:$0x5380];
	v1 =	vadd.s32 v0, v1  }
.Ltmp0:
0x218: {  	_ = 	snop;
	(pc) =	sbr.rel @p0 .LBB2_2-.Ltmp0, $2  }
0x219: {  	_ =	sdelay $0x2  }
0x21a: {  	s12 =	sadd.s32 $0x800, s12;
	s13 =	sadd.s32 $0x1, s13;
	[tilespmem:v1+s8+$0x0] =	vst.idx.add.f32.msk $0x1ff, v2  }
0x21b: {  	s11 =	sadd.s32 $0x1, s11  }
0x21c: {  	p0 =	sne.s32 s11, s6  }
.Ltmp1:
0x21d: {  	_ = 	snop;
	(pc) =	sbr.rel @p0 .LBB2_1-.Ltmp1, $4  }
0x21e: {  	[hbm4b:s5+s2] =	stream.linear.scatter [tilespmem:s8], [sflag:$0x1], $0x16000, $0x38;
	[tilespmem:$0x1B400] =	vst v63  }
0x21f: {  	_ =	swait.ge [sflag:s9], $0x16000  }
0x220: {  	[sflag:s9] =	ssyncset.done $0x0  }
0x221: {  	[sflag:s9] =	ssyncadd.s32 $0xFFFEA000  }
0x222: {  	_ =	sfence.sel $0x180000  }
0x223: {  	[bflag:$0x0] =	sbarrier.arrive $0xFFFF  }
0x224: {  	p0 =	sne.s32 s1, $0x0;
	_ =	strace $0x90000050  }
0x225: {  	s0 =	sadd.s32 @!p0 $0x100000, s0;
	[bflag:$0x2] =	sbarrier.arrive $0xFFFF  }
0x226: {  	[sflag:s0] =	ssyncadd.tile.s32 @!p0 $0x1;
	_ =	shalt  }
.Lfunc_end2:
_tile_overlayer_lowered:
.L_overlay_start_2:
0x227: {  	(tag) =	ssettag $0x2  }
0x228: {  	s0 =	rddreg [dreg:$0x0];
	s2 =	stileid.u32  }
0x229: {  	s1 =	rddreg [dreg:$0x1];
	p0 =	sne.s32 s2, $0x0  }
0x22a: {  	s3 =	rddreg [dreg:$0x2];
	[bflag:$0x3] =	sbarrier.arrive $0xFFFF;
	s2 =	simm.s32 @!p0 $0x1C01  }
0x22b: {  	[timem:s3], [sflag:s2] =	dma.local @!p0 [hbm:s0], s1  }
0x22c: {  	s0 =	simm.s32 @!p0 $0x1  }
0x22d: {  	_ =	swait.ge @!p0 [sflag:s0], s1  }
0x22e: {  	s1 =	ssub.s32 @!p0 $0x0, s1;
	[sflag:s0] =	ssyncset.done @!p0 $0x0  }
0x22f: {  	[sflag:s0] =	ssyncadd.s32 @!p0 s1  }
0x230: {  	[bflag:$0x3] =	sbarrier.arrive $0xFFFF  }
0x231: {  	_ =	shalt  }

</sc_bundles>
